<compile_context>
chip_gen: v7x
topology: tpu7x:2x2x1
jax: 0.10.2.dev20260603
libtpu: 0.0.44.dev20260713+nightly
codegen_flags: <defaults>
</compile_context>

<pallas_src>
import functools

import jax
import jax.numpy as jnp
from jax import lax
from jax.experimental import pallas as pl
from jax.experimental.pallas import tpu as pltpu
from jax.experimental.pallas import tpu_sc as plsc

_N = 16384
_F = 39
_D = 13
_S = 26
_V = 100000
_EMB = 16
_EPS = 1e-5

_NC = 2
_NS = 16
_NW = _NC * _NS
_CHUNK = _N // _NW
_B = 64
_NB = _CHUNK // _B
_ROWS = _B * _S
_IDXW = 128
_NDMA = _ROWS // _IDXW


def _fold_body(wd1, bd1, g1, be1, wd2, bd2, g2, be2, weff, cvec):
    s = (1.0 + _EPS) ** -0.5
    s2 = 1.0 / (1.0 + _EPS)
    u = jnp.dot(g2[...], wd2[...], preferred_element_type=jnp.float32)
    v = g1[...] * u
    w1 = jnp.dot(v, wd1[...], preferred_element_type=jnp.float32)
    weff[...] = s2 * w1
    c = (s2 * jnp.sum(v * bd1[...]) + s * jnp.sum(u * be1[...])
         + s * jnp.sum(g2[...] * bd2[...]) + jnp.sum(be2[...]))
    cvec[...] = jnp.full((1, 16), c, jnp.float32)


def _fold(Wd1, bd1, g1, be1, Wd2, bd2, g2, be2):
    weff, cvec = pl.pallas_call(
        _fold_body,
        out_shape=[
            jax.ShapeDtypeStruct((1, _F * _EMB), jnp.float32),
            jax.ShapeDtypeStruct((1, 16), jnp.float32),
        ],
    )(Wd1, bd1.reshape(1, -1), g1.reshape(1, -1), be1.reshape(1, -1),
      Wd2, bd2.reshape(1, -1), g2.reshape(1, -1), be2.reshape(1, -1))
    return weff.reshape(_F, _EMB), cvec.reshape(16)


def _e1sum_body(et, out):
    out[...] = jnp.sum(et[...], axis=1)


def _e1sum(E1t):
    vb = 512
    grid = (_V + vb - 1) // vb
    r = pl.pallas_call(
        _e1sum_body,
        grid=(grid,),
        in_specs=[pl.BlockSpec((_S, _EMB, vb), lambda j: (0, 0, j))],
        out_specs=pl.BlockSpec((_S, vb), lambda j: (0, j)),
        out_shape=jax.ShapeDtypeStruct((_S, _V), jnp.float32),
    )(E1t)
    return r.reshape(_S * _V)


_DNUMS = lax.GatherDimensionNumbers(
    offset_dims=(), collapsed_slice_dims=(0,), start_index_map=(0,))


def _permgather(v, perm):
    return lax.gather(v, perm[:, None], _DNUMS, (1,),
                      mode=lax.GatherScatterMode.PROMISE_IN_BOUNDS)


def _lanesum(v, lane):
    for sh in (8, 4, 2, 1):
        v = v + _permgather(v, jnp.bitwise_xor(lane, sh))
    return v


_HS = _S // 2
_HROWS = _B * _HS
_HIDXW = 64
_HNDMA = _HROWS // _HIDXW


def _sc_body(idx_h, idxa_h, idxb_h, xd_h, xv_h, xvs_h, w1_h, b1_h, w2_h,
             b2_h, weff_h, c_h, e1s_h, e2a_h, e2b_h, out_h,
             w1_v, b1_v, w2_v, b2_v, weff_v, c_v,
             idx_v, idxa_v, idxb_v, e1s_v, e2a_v, e2b_v, xv_v, xvs_v, xd_v,
             tot_v, sem1, sem2):
    wid = lax.axis_index("s") * _NC + lax.axis_index("c")
    base = wid * _CHUNK
    pltpu.sync_copy(w1_h, w1_v)
    pltpu.sync_copy(b1_h, b1_v)
    pltpu.sync_copy(w2_h, w2_v)
    pltpu.sync_copy(b2_h, b2_v)
    pltpu.sync_copy(weff_h, weff_v)
    pltpu.sync_copy(c_h, c_v)

    lane = lax.iota(jnp.int32, 16)
    zero16 = jnp.zeros((16,), jnp.float32)
    for j in range(2):
        e1s_v[pl.ds(_ROWS + 16 * j, 16)] = zero16

    def blk_body(blk, carry):
        row0 = wid * (_CHUNK * _S) + blk * _ROWS
        ex0 = base + blk * _B
        pltpu.sync_copy(idx_h.at[pl.ds(row0, _ROWS)], idx_v)
        hrow0 = wid * (_CHUNK * _HS) + blk * _HROWS
        pltpu.sync_copy(idxa_h.at[pl.ds(hrow0, _HROWS)], idxa_v)
        pltpu.sync_copy(idxb_h.at[pl.ds(hrow0, _HROWS)], idxb_v)
        copies = []
        for j in range(_NDMA):
            sl = pl.ds(j * _IDXW, _IDXW)
            copies.append(pltpu.async_copy(
                e1s_h.at[idx_v.at[sl]], e1s_v.at[sl], sem1))
        for j in range(_HNDMA):
            sl = pl.ds(j * _HIDXW, _HIDXW)
            copies.append(pltpu.async_copy(
                e2a_h.at[idxa_v.at[sl]], e2a_v.at[sl], sem2))
            copies.append(pltpu.async_copy(
                e2b_h.at[idxb_v.at[sl]], e2b_v.at[sl], sem2))
        pltpu.sync_copy(xv_h.at[pl.ds(ex0, _B), :], xv_v)
        pltpu.sync_copy(xvs_h.at[pl.ds(ex0, _B), :], xvs_v)
        pltpu.sync_copy(xd_h.at[pl.ds(ex0, _B), :], xd_v)
        for cp in copies:
            cp.wait()

        cv = c_v[...]

        def grp_body(g, carry2):
            def ex_body(k, totvec):
                i = g * 16 + k
                rb = i * _S
                xw0 = xv_v[i, pl.ds(0, 16)]
                xw1 = xv_v[i, pl.ds(16, 16)]
                xw2 = xv_v[i, pl.ds(32, 16)]
                xws = (xw0, xw1, xw2)
                xdv = xd_v[i, pl.ds(0, 16)]
                u0 = e1s_v[pl.ds(rb, 16)]
                u1 = e1s_v[pl.ds(rb + 16, 16)]
                xs0 = xvs_v[i, pl.ds(0, 16)]
                xs1 = xvs_v[i, pl.ds(16, 16)]
                acc_f = u0 * xs0 + u1 * xs1
                acc_s = jnp.zeros((16,), jnp.float32)
                acc_q = jnp.zeros((16,), jnp.float32)
                acc_d = jnp.zeros((16,), jnp.float32)
                for d in range(_D):
                    x = xdv[d]
                    xw = xws[d // 16][d % 16]
                    r1 = w1_v[d, :] * x + b1_v[d, :]
                    acc_f = acc_f + r1 * xw
                    a = (w2_v[d, :] * x + b2_v[d, :]) * xw
                    acc_s = acc_s + a
                    acc_q = acc_q + a * a
                    acc_d = acc_d + a * weff_v[d, :]
                hb = i * _HS
                for sf in range(_S):
                    f = _D + sf
                    xw = xws[f // 16][f % 16]
                    if sf < _HS:
                        row = e2a_v[hb + sf, :]
                    else:
                        row = e2b_v[hb + sf - _HS, :]
                    a = row * xw
                    acc_s = acc_s + a
                    acc_q = acc_q + a * a
                    acc_d = acc_d + a * weff_v[f, :]
                tot = acc_f + acc_d + 0.5 * (acc_s * acc_s - acc_q)
                t = _lanesum(tot, lane)
                return jnp.where(lane == k, t, totvec)

            totvec = lax.fori_loop(0, 16, ex_body, jnp.zeros((16,), jnp.float32))
            sig = 1.0 / (1.0 + jnp.exp(-(totvec + cv)))
            tot_v[pl.ds(g * 16, 16)] = sig
            return carry2

        lax.fori_loop(0, _B // 16, grp_body, 0)
        pltpu.sync_copy(tot_v, out_h.at[pl.ds(ex0, _B)])
        return carry

    lax.fori_loop(0, _NB, blk_body, 0)


_sc_kernel = functools.partial(
    pl.kernel,
    out_type=jax.ShapeDtypeStruct((_N,), jnp.float32),
    mesh=plsc.VectorSubcoreMesh(core_axis_name="c", subcore_axis_name="s",
                                num_cores=_NC, num_subcores=_NS),
    compiler_params=pltpu.CompilerParams(use_tc_tiling_on_sc=False),
    scratch_types=[
        pltpu.VMEM((_D, _EMB), jnp.float32),
        pltpu.VMEM((_D, _EMB), jnp.float32),
        pltpu.VMEM((_D, _EMB), jnp.float32),
        pltpu.VMEM((_D, _EMB), jnp.float32),
        pltpu.VMEM((_F, _EMB), jnp.float32),
        pltpu.VMEM((16,), jnp.float32),
        pltpu.VMEM((_ROWS,), jnp.int32),
        pltpu.VMEM((_HROWS,), jnp.int32),
        pltpu.VMEM((_HROWS,), jnp.int32),
        pltpu.VMEM((_ROWS + 32,), jnp.float32),
        pltpu.VMEM((_HROWS, _EMB), jnp.float32),
        pltpu.VMEM((_HROWS, _EMB), jnp.float32),
        pltpu.VMEM((_B, 48), jnp.float32),
        pltpu.VMEM((_B, 32), jnp.float32),
        pltpu.VMEM((_B, 16), jnp.float32),
        pltpu.VMEM((_B,), jnp.float32),
        pltpu.SemaphoreType.DMA,
        pltpu.SemaphoreType.DMA,
    ],
)(_sc_body)


def kernel(Xi, Xv, W1d, b1d, E1, W2d, b2d, E2,
           Wd1, bd1, g1, be1, Wd2, bd2, g2, be2):
    idx = Xi[:, _D:, 0].astype(jnp.int32)
    flat2 = idx + (jnp.arange(_S, dtype=jnp.int32) * _V)[None, :]
    flat_idx = flat2.reshape(_N * _S)
    xd = jnp.pad(Xi[:, :_D, 0].astype(jnp.float32), ((0, 0), (0, 16 - _D)))
    xvp = jnp.pad(Xv, ((0, 0), (0, 48 - _F)))
    xvs = jnp.pad(Xv[:, _D:], ((0, 0), (0, 32 - _S)))
    weff, cvec = _fold(Wd1, bd1, g1, be1, Wd2, bd2, g2, be2)
    e1s = _e1sum(jnp.transpose(E1, (0, 2, 1)))
    offs_h = (jnp.arange(_HS, dtype=jnp.int32) * _V)[None, :]
    idxa = (idx[:, :_HS] + offs_h).reshape(_N * _HS)
    idxb = (idx[:, _HS:] + offs_h).reshape(_N * _HS)
    out = _sc_kernel(flat_idx, idxa, idxb, xd, xvp, xvs, W1d, b1d, W2d, b2d,
                     weff, cvec, e1s,
                     E2[:_HS].reshape(_HS * _V, _EMB),
                     E2[_HS:].reshape(_HS * _V, _EMB))
    return out

# --- scband reference (transcript-rebuilt; emitter-appended) ---
"""Pipeline reference for scband-deep-fm-87265145520764 (READ-ONLY COPY).

The authoritative reference and input builder live on the scoring server;
editing this copy changes nothing except your own understanding.
"""

import jax, jax.numpy as jnp
import numpy as np

N = 16384
F = 39
D = 13
S = 26
V = 100000
EMB = 16
H1 = 400
H2 = 400


def setup_inputs(seed: int = 0) -> dict:
    key = jax.random.key(seed)
    ks = jax.random.split(key, 16)
    Xi = jax.random.randint(ks[0], (N, F, 1), 0, V)
    Xv = jax.random.uniform(ks[1], (N, F), dtype=jnp.float32)
    # first-order params: 13 Linear(1, EMB) stacked + 26 Embedding(V, EMB) stacked
    W1d = jax.random.normal(ks[2], (D, EMB), dtype=jnp.float32) * 0.02
    b1d = jnp.zeros((D, EMB), dtype=jnp.float32)
    E1 = jax.random.normal(ks[3], (S, V, EMB), dtype=jnp.float32) * 0.02
    # second-order params
    W2d = jax.random.normal(ks[4], (D, EMB), dtype=jnp.float32) * 0.02
    b2d = jnp.zeros((D, EMB), dtype=jnp.float32)
    E2 = jax.random.normal(ks[5], (S, V, EMB), dtype=jnp.float32) * 0.02
    # deep MLP params
    Wd1 = jax.random.normal(ks[6], (H1, F * EMB), dtype=jnp.float32) * 0.02
    bd1 = jnp.zeros((H1,), dtype=jnp.float32)
    g1 = jnp.ones((H1,), dtype=jnp.float32)
    be1 = jnp.zeros((H1,), dtype=jnp.float32)
    Wd2 = jax.random.normal(ks[7], (H2, H1), dtype=jnp.float32) * 0.02
    bd2 = jnp.zeros((H2,), dtype=jnp.float32)
    g2 = jnp.ones((H2,), dtype=jnp.float32)
    be2 = jnp.zeros((H2,), dtype=jnp.float32)
    return {"Xi": Xi, "Xv": Xv, "W1d": W1d, "b1d": b1d, "E1": E1,
            "W2d": W2d, "b2d": b2d, "E2": E2,
            "Wd1": Wd1, "bd1": bd1, "g1": g1, "be1": be1,
            "Wd2": Wd2, "bd2": bd2, "g2": g2, "be2": be2}


def reference(Xi, Xv, W1d, b1d, E1, W2d, b2d, E2, Wd1, bd1, g1, be1, Wd2, bd2, g2, be2):
    eps = 1e-5
    Xi_dense = Xi[:, :D, 0].astype(jnp.float32)          # (N, 13)
    idx = Xi[:, D:, 0]                                    # (N, 26) int
    offsets = (jnp.arange(S) * V)[None, :]
    flat_idx = idx + offsets                              # (N, 26)

    def field_embs(Wd, bd, E):
        # dense fields: Linear(1, EMB) per field, summed over the singleton dim
        emb_d = Xi_dense[:, :, None] * Wd[None, :, :] + bd[None, :, :]   # (N, 13, EMB)
        # sparse fields: embedding gather (SparseCore-friendly)
        emb_s = jnp.take(E.reshape(S * V, EMB), flat_idx, axis=0)        # (N, 26, EMB)
        emb = jnp.concatenate([emb_d, emb_s], axis=1)                    # (N, 39, EMB)
        return emb * Xv[:, :, None]

    arr1 = field_embs(W1d, b1d, E1)
    arr2 = field_embs(W2d, b2d, E2)

    fm_first_order = arr1.reshape(N, F * EMB)
    sum_emb = arr2.sum(axis=1)                                           # (N, EMB)
    fm_second_order = 0.5 * (sum_emb * sum_emb - (arr2 * arr2).sum(axis=1))

    deep = arr2.reshape(N, F * EMB)
    h = deep @ Wd1.T + bd1
    h = h / jnp.sqrt(1.0 + eps) * g1 + be1   # BatchNorm eval (running mean 0, var 1)
    h = h @ Wd2.T + bd2
    h = h / jnp.sqrt(1.0 + eps) * g2 + be2

    total = fm_first_order.sum(axis=1) + fm_second_order.sum(axis=1) + h.sum(axis=1)
    return jax.nn.sigmoid(total)

if __name__ == "__main__":
    import jax
    _d = setup_inputs()
    print(jax.jit(kernel)(*tuple(_d.values())))

</pallas_src>

<mosaic_0001>
#map = affine_map<(d0, d1) -> (0)>
#map1 = affine_map<(d0, d1) -> (0, 0)>
module attributes {stable_mosaic.version = 14 : i64} {
  func.func @_sc_body(%arg0: i32, %arg1: i32, %arg2: memref<425984xi32, #tpu.memory_space<hbm>>, %arg3: memref<212992xi32, #tpu.memory_space<hbm>>, %arg4: memref<212992xi32, #tpu.memory_space<hbm>>, %arg5: memref<16384x16xf32, #tpu.memory_space<hbm>>, %arg6: memref<16384x48xf32, #tpu.memory_space<hbm>>, %arg7: memref<16384x32xf32, #tpu.memory_space<hbm>>, %arg8: memref<13x16xf32, #tpu.memory_space<hbm>>, %arg9: memref<13x16xf32, #tpu.memory_space<hbm>>, %arg10: memref<13x16xf32, #tpu.memory_space<hbm>>, %arg11: memref<13x16xf32, #tpu.memory_space<hbm>>, %arg12: memref<39x16xf32, #tpu.memory_space<hbm>>, %arg13: memref<16xf32, #tpu.memory_space<hbm>>, %arg14: memref<2600000xf32, #tpu.memory_space<hbm>>, %arg15: memref<1300000x16xf32, #tpu.memory_space<hbm>>, %arg16: memref<1300000x16xf32, #tpu.memory_space<hbm>>, %arg17: memref<16384xf32, #tpu.memory_space<hbm>>, %arg18: memref<13x16xf32, #tpu.memory_space<vmem>>, %arg19: memref<13x16xf32, #tpu.memory_space<vmem>>, %arg20: memref<13x16xf32, #tpu.memory_space<vmem>>, %arg21: memref<13x16xf32, #tpu.memory_space<vmem>>, %arg22: memref<39x16xf32, #tpu.memory_space<vmem>>, %arg23: memref<16xf32, #tpu.memory_space<vmem>>, %arg24: memref<1664xi32, #tpu.memory_space<vmem>>, %arg25: memref<832xi32, #tpu.memory_space<vmem>>, %arg26: memref<832xi32, #tpu.memory_space<vmem>>, %arg27: memref<1696xf32, #tpu.memory_space<vmem>>, %arg28: memref<832x16xf32, #tpu.memory_space<vmem>>, %arg29: memref<832x16xf32, #tpu.memory_space<vmem>>, %arg30: memref<64x48xf32, #tpu.memory_space<vmem>>, %arg31: memref<64x32xf32, #tpu.memory_space<vmem>>, %arg32: memref<64x16xf32, #tpu.memory_space<vmem>>, %arg33: memref<64xf32, #tpu.memory_space<vmem>>, %arg34: memref<!tpu.dma_semaphore, #tpu.memory_space<semaphore_mem>>, %arg35: memref<!tpu.dma_semaphore, #tpu.memory_space<semaphore_mem>>) attributes {dimension_semantics = [#tpu.dimension_semantics<core_parallel>, #tpu.dimension_semantics<subcore_parallel>], iteration_bounds = array<i64: 2, 16>, scalar_prefetch = 0 : i64, scratch_operands = 18 : i64, tpu.core_type = #tpu.core_type<sc_vector_subcore>, window_params = [{transform_indices = #map}, {transform_indices = #map}, {transform_indices = #map}, {transform_indices = #map1}, {transform_indices = #map1}, {transform_indices = #map1}, {transform_indices = #map1}, {transform_indices = #map1}, {transform_indices = #map1}, {transform_indices = #map1}, {transform_indices = #map1}, {transform_indices = #map}, {transform_indices = #map}, {transform_indices = #map1}, {transform_indices = #map1}, {transform_indices = #map}]} {
    %mul3A = arith.constant 2 : i32
    %mul3A_0 = arith.muli %arg1, %mul3A : i32
    %add3A = arith.addi %mul3A_0, %arg0 : i32
    %mul3A_1 = arith.constant 512 : i32
    %mul3A_2 = arith.muli %add3A, %mul3A_1 : i32
    "tpu.region"() ({
      %run_scoped3A = tpu.sem_alloc : memref<!tpu.dma_semaphore, #tpu.memory_space<semaphore_mem>>
      tpu.enqueue_dma source(%arg8 : memref<13x16xf32, #tpu.memory_space<hbm>>) target(%arg18 : memref<13x16xf32, #tpu.memory_space<vmem>>) target_semaphore(%run_scoped3A : memref<!tpu.dma_semaphore, #tpu.memory_space<semaphore_mem>>)
      tpu.wait_dma2 semaphore(%run_scoped3A : memref<!tpu.dma_semaphore, #tpu.memory_space<semaphore_mem>>) src(%arg8 : memref<13x16xf32, #tpu.memory_space<hbm>>) dst(%arg18 : memref<13x16xf32, #tpu.memory_space<vmem>>)
      tpu.yield
    }) : () -> ()
    "tpu.region"() ({
      %run_scoped3A = tpu.sem_alloc : memref<!tpu.dma_semaphore, #tpu.memory_space<semaphore_mem>>
      tpu.enqueue_dma source(%arg9 : memref<13x16xf32, #tpu.memory_space<hbm>>) target(%arg19 : memref<13x16xf32, #tpu.memory_space<vmem>>) target_semaphore(%run_scoped3A : memref<!tpu.dma_semaphore, #tpu.memory_space<semaphore_mem>>)
      tpu.wait_dma2 semaphore(%run_scoped3A : memref<!tpu.dma_semaphore, #tpu.memory_space<semaphore_mem>>) src(%arg9 : memref<13x16xf32, #tpu.memory_space<hbm>>) dst(%arg19 : memref<13x16xf32, #tpu.memory_space<vmem>>)
      tpu.yield
    }) : () -> ()
    "tpu.region"() ({
      %run_scoped3A = tpu.sem_alloc : memref<!tpu.dma_semaphore, #tpu.memory_space<semaphore_mem>>
      tpu.enqueue_dma source(%arg10 : memref<13x16xf32, #tpu.memory_space<hbm>>) target(%arg20 : memref<13x16xf32, #tpu.memory_space<vmem>>) target_semaphore(%run_scoped3A : memref<!tpu.dma_semaphore, #tpu.memory_space<semaphore_mem>>)
      tpu.wait_dma2 semaphore(%run_scoped3A : memref<!tpu.dma_semaphore, #tpu.memory_space<semaphore_mem>>) src(%arg10 : memref<13x16xf32, #tpu.memory_space<hbm>>) dst(%arg20 : memref<13x16xf32, #tpu.memory_space<vmem>>)
      tpu.yield
    }) : () -> ()
    "tpu.region"() ({
      %run_scoped3A = tpu.sem_alloc : memref<!tpu.dma_semaphore, #tpu.memory_space<semaphore_mem>>
      tpu.enqueue_dma source(%arg11 : memref<13x16xf32, #tpu.memory_space<hbm>>) target(%arg21 : memref<13x16xf32, #tpu.memory_space<vmem>>) target_semaphore(%run_scoped3A : memref<!tpu.dma_semaphore, #tpu.memory_space<semaphore_mem>>)
      tpu.wait_dma2 semaphore(%run_scoped3A : memref<!tpu.dma_semaphore, #tpu.memory_space<semaphore_mem>>) src(%arg11 : memref<13x16xf32, #tpu.memory_space<hbm>>) dst(%arg21 : memref<13x16xf32, #tpu.memory_space<vmem>>)
      tpu.yield
    }) : () -> ()
    "tpu.region"() ({
      %run_scoped3A = tpu.sem_alloc : memref<!tpu.dma_semaphore, #tpu.memory_space<semaphore_mem>>
      tpu.enqueue_dma source(%arg12 : memref<39x16xf32, #tpu.memory_space<hbm>>) target(%arg22 : memref<39x16xf32, #tpu.memory_space<vmem>>) target_semaphore(%run_scoped3A : memref<!tpu.dma_semaphore, #tpu.memory_space<semaphore_mem>>)
      tpu.wait_dma2 semaphore(%run_scoped3A : memref<!tpu.dma_semaphore, #tpu.memory_space<semaphore_mem>>) src(%arg12 : memref<39x16xf32, #tpu.memory_space<hbm>>) dst(%arg22 : memref<39x16xf32, #tpu.memory_space<vmem>>)
      tpu.yield
    }) : () -> ()
    "tpu.region"() ({
      %run_scoped3A = tpu.sem_alloc : memref<!tpu.dma_semaphore, #tpu.memory_space<semaphore_mem>>
      tpu.enqueue_dma source(%arg13 : memref<16xf32, #tpu.memory_space<hbm>>) target(%arg23 : memref<16xf32, #tpu.memory_space<vmem>>) target_semaphore(%run_scoped3A : memref<!tpu.dma_semaphore, #tpu.memory_space<semaphore_mem>>)
      tpu.wait_dma2 semaphore(%run_scoped3A : memref<!tpu.dma_semaphore, #tpu.memory_space<semaphore_mem>>) src(%arg13 : memref<16xf32, #tpu.memory_space<hbm>>) dst(%arg23 : memref<16xf32, #tpu.memory_space<vmem>>)
      tpu.yield
    }) : () -> ()
    %iota3A = tpu.iota {dimensions = array<i32: 0>} : vector<16xi32>
    %broadcast_in_dim3A = arith.constant 0.000000e+00 : f32
    %broadcast_in_dim3A_3 = vector.broadcast %broadcast_in_dim3A : f32 to vector<16xf32>
    %swap3A = arith.constant 1664 : index
    %swap3A_4 = tpu.vector_load %arg27[%swap3A] {strides = array<i32>} : memref<1696xf32, #tpu.memory_space<vmem>>, vector<16xf32>,
    %swap3A_5 = vector.shape_cast %swap3A_4 : vector<16xf32> to vector<16xf32>
    %swap3A_6 = vector.shape_cast %broadcast_in_dim3A_3 : vector<16xf32> to vector<16xf32>
    tpu.vector_store %arg27[%swap3A], %swap3A_6 {strides = array<i32>} : memref<1696xf32, #tpu.memory_space<vmem>>, vector<16xf32>,
    %swap3A_7 = arith.constant 1680 : index
    %swap3A_8 = tpu.vector_load %arg27[%swap3A_7] {strides = array<i32>} : memref<1696xf32, #tpu.memory_space<vmem>>, vector<16xf32>,
    %swap3A_9 = vector.shape_cast %swap3A_8 : vector<16xf32> to vector<16xf32>
    %swap3A_10 = vector.shape_cast %broadcast_in_dim3A_3 : vector<16xf32> to vector<16xf32>
    tpu.vector_store %arg27[%swap3A_7], %swap3A_10 {strides = array<i32>} : memref<1696xf32, #tpu.memory_space<vmem>>, vector<16xf32>,
    %scan3A = arith.constant 0 : i32
    %scan3A_11 = arith.constant 0 : i32
    %scan3A_12 = arith.constant 8 : i32
    %scan3A_13 = arith.addi %scan3A_11, %scan3A_12 : i32
    %scan3A_14 = arith.constant 1 : i32
    scf.for %scan3A_16 = %scan3A_11 to %scan3A_13 step %scan3A_14  : i32 {
      %mul3A_17 = arith.constant 13312 : i32
      %mul3A_18 = arith.muli %add3A, %mul3A_17 : i32
      %mul3A_19 = arith.constant 1664 : i32
      %mul3A_20 = arith.muli %scan3A_16, %mul3A_19 : i32
      %add3A_21 = arith.addi %mul3A_18, %mul3A_20 : i32
      %mul3A_22 = arith.constant 64 : i32
      %mul3A_23 = arith.muli %scan3A_16, %mul3A_22 : i32
      %add3A_24 = arith.addi %mul3A_2, %mul3A_23 : i32
      "tpu.region"() ({
        %run_scoped3A = tpu.sem_alloc : memref<!tpu.dma_semaphore, #tpu.memory_space<semaphore_mem>>
        %dma_start3A_608 = tpu.memref_slice %arg2[%add3A_21] : memref<425984xi32, #tpu.memory_space<hbm>> -> memref<1664xi32, #tpu.memory_space<hbm>>
        %dma_start3A_609 = tpu.memref_slice %arg2[%add3A_21] : memref<425984xi32, #tpu.memory_space<hbm>> -> memref<1664xi32, #tpu.memory_space<hbm>>
        tpu.enqueue_dma source(%dma_start3A_609 : memref<1664xi32, #tpu.memory_space<hbm>>) target(%arg24 : memref<1664xi32, #tpu.memory_space<vmem>>) target_semaphore(%run_scoped3A : memref<!tpu.dma_semaphore, #tpu.memory_space<semaphore_mem>>)
        %dma_wait3A_610 = tpu.memref_slice %arg2[%add3A_21] : memref<425984xi32, #tpu.memory_space<hbm>> -> memref<1664xi32, #tpu.memory_space<hbm>>
        %dma_wait3A_611 = tpu.memref_slice %arg2[%add3A_21] : memref<425984xi32, #tpu.memory_space<hbm>> -> memref<1664xi32, #tpu.memory_space<hbm>>
        tpu.wait_dma2 semaphore(%run_scoped3A : memref<!tpu.dma_semaphore, #tpu.memory_space<semaphore_mem>>) src(%dma_wait3A_611 : memref<1664xi32, #tpu.memory_space<hbm>>) dst(%arg24 : memref<1664xi32, #tpu.memory_space<vmem>>)
        tpu.yield
      }) : () -> ()
      %mul3A_25 = arith.constant 6656 : i32
      %mul3A_26 = arith.muli %add3A, %mul3A_25 : i32
      %mul3A_27 = arith.constant 832 : i32
      %mul3A_28 = arith.muli %scan3A_16, %mul3A_27 : i32
      %add3A_29 = arith.addi %mul3A_26, %mul3A_28 : i32
      "tpu.region"() ({
        %run_scoped3A = tpu.sem_alloc : memref<!tpu.dma_semaphore, #tpu.memory_space<semaphore_mem>>
        %dma_start3A_608 = tpu.memref_slice %arg3[%add3A_29] : memref<212992xi32, #tpu.memory_space<hbm>> -> memref<832xi32, #tpu.memory_space<hbm>>
        %dma_start3A_609 = tpu.memref_slice %arg3[%add3A_29] : memref<212992xi32, #tpu.memory_space<hbm>> -> memref<832xi32, #tpu.memory_space<hbm>>
        tpu.enqueue_dma source(%dma_start3A_609 : memref<832xi32, #tpu.memory_space<hbm>>) target(%arg25 : memref<832xi32, #tpu.memory_space<vmem>>) target_semaphore(%run_scoped3A : memref<!tpu.dma_semaphore, #tpu.memory_space<semaphore_mem>>)
        %dma_wait3A_610 = tpu.memref_slice %arg3[%add3A_29] : memref<212992xi32, #tpu.memory_space<hbm>> -> memref<832xi32, #tpu.memory_space<hbm>>
        %dma_wait3A_611 = tpu.memref_slice %arg3[%add3A_29] : memref<212992xi32, #tpu.memory_space<hbm>> -> memref<832xi32, #tpu.memory_space<hbm>>
        tpu.wait_dma2 semaphore(%run_scoped3A : memref<!tpu.dma_semaphore, #tpu.memory_space<semaphore_mem>>) src(%dma_wait3A_611 : memref<832xi32, #tpu.memory_space<hbm>>) dst(%arg25 : memref<832xi32, #tpu.memory_space<vmem>>)
        tpu.yield
      }) : () -> ()
      "tpu.region"() ({
        %run_scoped3A = tpu.sem_alloc : memref<!tpu.dma_semaphore, #tpu.memory_space<semaphore_mem>>
        %dma_start3A_608 = tpu.memref_slice %arg4[%add3A_29] : memref<212992xi32, #tpu.memory_space<hbm>> -> memref<832xi32, #tpu.memory_space<hbm>>
        %dma_start3A_609 = tpu.memref_slice %arg4[%add3A_29] : memref<212992xi32, #tpu.memory_space<hbm>> -> memref<832xi32, #tpu.memory_space<hbm>>
        tpu.enqueue_dma source(%dma_start3A_609 : memref<832xi32, #tpu.memory_space<hbm>>) target(%arg26 : memref<832xi32, #tpu.memory_space<vmem>>) target_semaphore(%run_scoped3A : memref<!tpu.dma_semaphore, #tpu.memory_space<semaphore_mem>>)
        %dma_wait3A_610 = tpu.memref_slice %arg4[%add3A_29] : memref<212992xi32, #tpu.memory_space<hbm>> -> memref<832xi32, #tpu.memory_space<hbm>>
        %dma_wait3A_611 = tpu.memref_slice %arg4[%add3A_29] : memref<212992xi32, #tpu.memory_space<hbm>> -> memref<832xi32, #tpu.memory_space<hbm>>
        tpu.wait_dma2 semaphore(%run_scoped3A : memref<!tpu.dma_semaphore, #tpu.memory_space<semaphore_mem>>) src(%dma_wait3A_611 : memref<832xi32, #tpu.memory_space<hbm>>) dst(%arg26 : memref<832xi32, #tpu.memory_space<vmem>>)
        tpu.yield
      }) : () -> ()
      %dma_start3A = arith.constant 0 : i32
      %dma_start3A_30 = tpu.memref_slice %arg27[%dma_start3A] : memref<1696xf32, #tpu.memory_space<vmem>> -> memref<128xf32, #tpu.memory_space<vmem>>
      %dma_start3A_31 = arith.constant 0 : i32
      %dma_start3A_32 = tpu.memref_slice %arg24[%dma_start3A_31] : memref<1664xi32, #tpu.memory_space<vmem>> -> memref<128xi32, #tpu.memory_space<vmem>>
      %dma_start3A_33 = arith.constant 0 : i32
      %dma_start3A_34 = tpu.memref_slice %arg14[%dma_start3A_33] : memref<2600000xf32, #tpu.memory_space<hbm>> -> memref<2600000xf32, #tpu.memory_space<hbm>>
      tpu.enqueue_indirect_dma source(%dma_start3A_34 : memref<2600000xf32, #tpu.memory_space<hbm>>) target(%dma_start3A_30 : memref<128xf32, #tpu.memory_space<vmem>>) offsets(%dma_start3A_32 : memref<128xi32, #tpu.memory_space<vmem>>) semaphore(%arg34 : memref<!tpu.dma_semaphore, #tpu.memory_space<semaphore_mem>>)
      %dma_start3A_35 = arith.constant 128 : i32
      %dma_start3A_36 = tpu.memref_slice %arg27[%dma_start3A_35] : memref<1696xf32, #tpu.memory_space<vmem>> -> memref<128xf32, #tpu.memory_space<vmem>>
      %dma_start3A_37 = arith.constant 128 : i32
      %dma_start3A_38 = tpu.memref_slice %arg24[%dma_start3A_37] : memref<1664xi32, #tpu.memory_space<vmem>> -> memref<128xi32, #tpu.memory_space<vmem>>
      %dma_start3A_39 = arith.constant 0 : i32
      %dma_start3A_40 = tpu.memref_slice %arg14[%dma_start3A_39] : memref<2600000xf32, #tpu.memory_space<hbm>> -> memref<2600000xf32, #tpu.memory_space<hbm>>
      tpu.enqueue_indirect_dma source(%dma_start3A_40 : memref<2600000xf32, #tpu.memory_space<hbm>>) target(%dma_start3A_36 : memref<128xf32, #tpu.memory_space<vmem>>) offsets(%dma_start3A_38 : memref<128xi32, #tpu.memory_space<vmem>>) semaphore(%arg34 : memref<!tpu.dma_semaphore, #tpu.memory_space<semaphore_mem>>)
      %dma_start3A_41 = arith.constant 256 : i32
      %dma_start3A_42 = tpu.memref_slice %arg27[%dma_start3A_41] : memref<1696xf32, #tpu.memory_space<vmem>> -> memref<128xf32, #tpu.memory_space<vmem>>
      %dma_start3A_43 = arith.constant 256 : i32
      %dma_start3A_44 = tpu.memref_slice %arg24[%dma_start3A_43] : memref<1664xi32, #tpu.memory_space<vmem>> -> memref<128xi32, #tpu.memory_space<vmem>>
      %dma_start3A_45 = arith.constant 0 : i32
      %dma_start3A_46 = tpu.memref_slice %arg14[%dma_start3A_45] : memref<2600000xf32, #tpu.memory_space<hbm>> -> memref<2600000xf32, #tpu.memory_space<hbm>>
      tpu.enqueue_indirect_dma source(%dma_start3A_46 : memref<2600000xf32, #tpu.memory_space<hbm>>) target(%dma_start3A_42 : memref<128xf32, #tpu.memory_space<vmem>>) offsets(%dma_start3A_44 : memref<128xi32, #tpu.memory_space<vmem>>) semaphore(%arg34 : memref<!tpu.dma_semaphore, #tpu.memory_space<semaphore_mem>>)
      %dma_start3A_47 = arith.constant 384 : i32
      %dma_start3A_48 = tpu.memref_slice %arg27[%dma_start3A_47] : memref<1696xf32, #tpu.memory_space<vmem>> -> memref<128xf32, #tpu.memory_space<vmem>>
      %dma_start3A_49 = arith.constant 384 : i32
      %dma_start3A_50 = tpu.memref_slice %arg24[%dma_start3A_49] : memref<1664xi32, #tpu.memory_space<vmem>> -> memref<128xi32, #tpu.memory_space<vmem>>
      %dma_start3A_51 = arith.constant 0 : i32
      %dma_start3A_52 = tpu.memref_slice %arg14[%dma_start3A_51] : memref<2600000xf32, #tpu.memory_space<hbm>> -> memref<2600000xf32, #tpu.memory_space<hbm>>
      tpu.enqueue_indirect_dma source(%dma_start3A_52 : memref<2600000xf32, #tpu.memory_space<hbm>>) target(%dma_start3A_48 : memref<128xf32, #tpu.memory_space<vmem>>) offsets(%dma_start3A_50 : memref<128xi32, #tpu.memory_space<vmem>>) semaphore(%arg34 : memref<!tpu.dma_semaphore, #tpu.memory_space<semaphore_mem>>)
      %dma_start3A_53 = arith.constant 512 : i32
      %dma_start3A_54 = tpu.memref_slice %arg27[%dma_start3A_53] : memref<1696xf32, #tpu.memory_space<vmem>> -> memref<128xf32, #tpu.memory_space<vmem>>
      %dma_start3A_55 = arith.constant 512 : i32
      %dma_start3A_56 = tpu.memref_slice %arg24[%dma_start3A_55] : memref<1664xi32, #tpu.memory_space<vmem>> -> memref<128xi32, #tpu.memory_space<vmem>>
      %dma_start3A_57 = arith.constant 0 : i32
      %dma_start3A_58 = tpu.memref_slice %arg14[%dma_start3A_57] : memref<2600000xf32, #tpu.memory_space<hbm>> -> memref<2600000xf32, #tpu.memory_space<hbm>>
      tpu.enqueue_indirect_dma source(%dma_start3A_58 : memref<2600000xf32, #tpu.memory_space<hbm>>) target(%dma_start3A_54 : memref<128xf32, #tpu.memory_space<vmem>>) offsets(%dma_start3A_56 : memref<128xi32, #tpu.memory_space<vmem>>) semaphore(%arg34 : memref<!tpu.dma_semaphore, #tpu.memory_space<semaphore_mem>>)
      %dma_start3A_59 = arith.constant 640 : i32
      %dma_start3A_60 = tpu.memref_slice %arg27[%dma_start3A_59] : memref<1696xf32, #tpu.memory_space<vmem>> -> memref<128xf32, #tpu.memory_space<vmem>>
      %dma_start3A_61 = arith.constant 640 : i32
      %dma_start3A_62 = tpu.memref_slice %arg24[%dma_start3A_61] : memref<1664xi32, #tpu.memory_space<vmem>> -> memref<128xi32, #tpu.memory_space<vmem>>
      %dma_start3A_63 = arith.constant 0 : i32
      %dma_start3A_64 = tpu.memref_slice %arg14[%dma_start3A_63] : memref<2600000xf32, #tpu.memory_space<hbm>> -> memref<2600000xf32, #tpu.memory_space<hbm>>
      tpu.enqueue_indirect_dma source(%dma_start3A_64 : memref<2600000xf32, #tpu.memory_space<hbm>>) target(%dma_start3A_60 : memref<128xf32, #tpu.memory_space<vmem>>) offsets(%dma_start3A_62 : memref<128xi32, #tpu.memory_space<vmem>>) semaphore(%arg34 : memref<!tpu.dma_semaphore, #tpu.memory_space<semaphore_mem>>)
      %dma_start3A_65 = arith.constant 768 : i32
      %dma_start3A_66 = tpu.memref_slice %arg27[%dma_start3A_65] : memref<1696xf32, #tpu.memory_space<vmem>> -> memref<128xf32, #tpu.memory_space<vmem>>
      %dma_start3A_67 = arith.constant 768 : i32
      %dma_start3A_68 = tpu.memref_slice %arg24[%dma_start3A_67] : memref<1664xi32, #tpu.memory_space<vmem>> -> memref<128xi32, #tpu.memory_space<vmem>>
      %dma_start3A_69 = arith.constant 0 : i32
      %dma_start3A_70 = tpu.memref_slice %arg14[%dma_start3A_69] : memref<2600000xf32, #tpu.memory_space<hbm>> -> memref<2600000xf32, #tpu.memory_space<hbm>>
      tpu.enqueue_indirect_dma source(%dma_start3A_70 : memref<2600000xf32, #tpu.memory_space<hbm>>) target(%dma_start3A_66 : memref<128xf32, #tpu.memory_space<vmem>>) offsets(%dma_start3A_68 : memref<128xi32, #tpu.memory_space<vmem>>) semaphore(%arg34 : memref<!tpu.dma_semaphore, #tpu.memory_space<semaphore_mem>>)
      %dma_start3A_71 = arith.constant 896 : i32
      %dma_start3A_72 = tpu.memref_slice %arg27[%dma_start3A_71] : memref<1696xf32, #tpu.memory_space<vmem>> -> memref<128xf32, #tpu.memory_space<vmem>>
      %dma_start3A_73 = arith.constant 896 : i32
      %dma_start3A_74 = tpu.memref_slice %arg24[%dma_start3A_73] : memref<1664xi32, #tpu.memory_space<vmem>> -> memref<128xi32, #tpu.memory_space<vmem>>
      %dma_start3A_75 = arith.constant 0 : i32
      %dma_start3A_76 = tpu.memref_slice %arg14[%dma_start3A_75] : memref<2600000xf32, #tpu.memory_space<hbm>> -> memref<2600000xf32, #tpu.memory_space<hbm>>
      tpu.enqueue_indirect_dma source(%dma_start3A_76 : memref<2600000xf32, #tpu.memory_space<hbm>>) target(%dma_start3A_72 : memref<128xf32, #tpu.memory_space<vmem>>) offsets(%dma_start3A_74 : memref<128xi32, #tpu.memory_space<vmem>>) semaphore(%arg34 : memref<!tpu.dma_semaphore, #tpu.memory_space<semaphore_mem>>)
      %dma_start3A_77 = arith.constant 1024 : i32
      %dma_start3A_78 = tpu.memref_slice %arg27[%dma_start3A_77] : memref<1696xf32, #tpu.memory_space<vmem>> -> memref<128xf32, #tpu.memory_space<vmem>>
      %dma_start3A_79 = arith.constant 1024 : i32
      %dma_start3A_80 = tpu.memref_slice %arg24[%dma_start3A_79] : memref<1664xi32, #tpu.memory_space<vmem>> -> memref<128xi32, #tpu.memory_space<vmem>>
      %dma_start3A_81 = arith.constant 0 : i32
      %dma_start3A_82 = tpu.memref_slice %arg14[%dma_start3A_81] : memref<2600000xf32, #tpu.memory_space<hbm>> -> memref<2600000xf32, #tpu.memory_space<hbm>>
      tpu.enqueue_indirect_dma source(%dma_start3A_82 : memref<2600000xf32, #tpu.memory_space<hbm>>) target(%dma_start3A_78 : memref<128xf32, #tpu.memory_space<vmem>>) offsets(%dma_start3A_80 : memref<128xi32, #tpu.memory_space<vmem>>) semaphore(%arg34 : memref<!tpu.dma_semaphore, #tpu.memory_space<semaphore_mem>>)
      %dma_start3A_83 = arith.constant 1152 : i32
      %dma_start3A_84 = tpu.memref_slice %arg27[%dma_start3A_83] : memref<1696xf32, #tpu.memory_space<vmem>> -> memref<128xf32, #tpu.memory_space<vmem>>
      %dma_start3A_85 = arith.constant 1152 : i32
      %dma_start3A_86 = tpu.memref_slice %arg24[%dma_start3A_85] : memref<1664xi32, #tpu.memory_space<vmem>> -> memref<128xi32, #tpu.memory_space<vmem>>
      %dma_start3A_87 = arith.constant 0 : i32
      %dma_start3A_88 = tpu.memref_slice %arg14[%dma_start3A_87] : memref<2600000xf32, #tpu.memory_space<hbm>> -> memref<2600000xf32, #tpu.memory_space<hbm>>
      tpu.enqueue_indirect_dma source(%dma_start3A_88 : memref<2600000xf32, #tpu.memory_space<hbm>>) target(%dma_start3A_84 : memref<128xf32, #tpu.memory_space<vmem>>) offsets(%dma_start3A_86 : memref<128xi32, #tpu.memory_space<vmem>>) semaphore(%arg34 : memref<!tpu.dma_semaphore, #tpu.memory_space<semaphore_mem>>)
      %dma_start3A_89 = arith.constant 1280 : i32
      %dma_start3A_90 = tpu.memref_slice %arg27[%dma_start3A_89] : memref<1696xf32, #tpu.memory_space<vmem>> -> memref<128xf32, #tpu.memory_space<vmem>>
      %dma_start3A_91 = arith.constant 1280 : i32
      %dma_start3A_92 = tpu.memref_slice %arg24[%dma_start3A_91] : memref<1664xi32, #tpu.memory_space<vmem>> -> memref<128xi32, #tpu.memory_space<vmem>>
      %dma_start3A_93 = arith.constant 0 : i32
      %dma_start3A_94 = tpu.memref_slice %arg14[%dma_start3A_93] : memref<2600000xf32, #tpu.memory_space<hbm>> -> memref<2600000xf32, #tpu.memory_space<hbm>>
      tpu.enqueue_indirect_dma source(%dma_start3A_94 : memref<2600000xf32, #tpu.memory_space<hbm>>) target(%dma_start3A_90 : memref<128xf32, #tpu.memory_space<vmem>>) offsets(%dma_start3A_92 : memref<128xi32, #tpu.memory_space<vmem>>) semaphore(%arg34 : memref<!tpu.dma_semaphore, #tpu.memory_space<semaphore_mem>>)
      %dma_start3A_95 = arith.constant 1408 : i32
      %dma_start3A_96 = tpu.memref_slice %arg27[%dma_start3A_95] : memref<1696xf32, #tpu.memory_space<vmem>> -> memref<128xf32, #tpu.memory_space<vmem>>
      %dma_start3A_97 = arith.constant 1408 : i32
      %dma_start3A_98 = tpu.memref_slice %arg24[%dma_start3A_97] : memref<1664xi32, #tpu.memory_space<vmem>> -> memref<128xi32, #tpu.memory_space<vmem>>
      %dma_start3A_99 = arith.constant 0 : i32
      %dma_start3A_100 = tpu.memref_slice %arg14[%dma_start3A_99] : memref<2600000xf32, #tpu.memory_space<hbm>> -> memref<2600000xf32, #tpu.memory_space<hbm>>
      tpu.enqueue_indirect_dma source(%dma_start3A_100 : memref<2600000xf32, #tpu.memory_space<hbm>>) target(%dma_start3A_96 : memref<128xf32, #tpu.memory_space<vmem>>) offsets(%dma_start3A_98 : memref<128xi32, #tpu.memory_space<vmem>>) semaphore(%arg34 : memref<!tpu.dma_semaphore, #tpu.memory_space<semaphore_mem>>)
      %dma_start3A_101 = arith.constant 1536 : i32
      %dma_start3A_102 = tpu.memref_slice %arg27[%dma_start3A_101] : memref<1696xf32, #tpu.memory_space<vmem>> -> memref<128xf32, #tpu.memory_space<vmem>>
      %dma_start3A_103 = arith.constant 1536 : i32
      %dma_start3A_104 = tpu.memref_slice %arg24[%dma_start3A_103] : memref<1664xi32, #tpu.memory_space<vmem>> -> memref<128xi32, #tpu.memory_space<vmem>>
      %dma_start3A_105 = arith.constant 0 : i32
      %dma_start3A_106 = tpu.memref_slice %arg14[%dma_start3A_105] : memref<2600000xf32, #tpu.memory_space<hbm>> -> memref<2600000xf32, #tpu.memory_space<hbm>>
      tpu.enqueue_indirect_dma source(%dma_start3A_106 : memref<2600000xf32, #tpu.memory_space<hbm>>) target(%dma_start3A_102 : memref<128xf32, #tpu.memory_space<vmem>>) offsets(%dma_start3A_104 : memref<128xi32, #tpu.memory_space<vmem>>) semaphore(%arg34 : memref<!tpu.dma_semaphore, #tpu.memory_space<semaphore_mem>>)
      %dma_start3A_107 = arith.constant 0 : i32
      %dma_start3A_108 = arith.constant 0 : i32
      %dma_start3A_109 = tpu.memref_slice %arg28[%dma_start3A_107, %dma_start3A_108] : memref<832x16xf32, #tpu.memory_space<vmem>> -> memref<64x16xf32, #tpu.memory_space<vmem>>
      %dma_start3A_110 = arith.constant 0 : i32
      %dma_start3A_111 = tpu.memref_slice %arg25[%dma_start3A_110] : memref<832xi32, #tpu.memory_space<vmem>> -> memref<64xi32, #tpu.memory_space<vmem>>
      %dma_start3A_112 = arith.constant 0 : i32
      %dma_start3A_113 = arith.constant 0 : i32
      %dma_start3A_114 = tpu.memref_slice %arg15[%dma_start3A_112, %dma_start3A_113] : memref<1300000x16xf32, #tpu.memory_space<hbm>> -> memref<1300000x16xf32, #tpu.memory_space<hbm>>
      tpu.enqueue_indirect_dma source(%dma_start3A_114 : memref<1300000x16xf32, #tpu.memory_space<hbm>>) target(%dma_start3A_109 : memref<64x16xf32, #tpu.memory_space<vmem>>) offsets(%dma_start3A_111 : memref<64xi32, #tpu.memory_space<vmem>>) semaphore(%arg35 : memref<!tpu.dma_semaphore, #tpu.memory_space<semaphore_mem>>)
      %dma_start3A_115 = arith.constant 0 : i32
      %dma_start3A_116 = arith.constant 0 : i32
      %dma_start3A_117 = tpu.memref_slice %arg29[%dma_start3A_115, %dma_start3A_116] : memref<832x16xf32, #tpu.memory_space<vmem>> -> memref<64x16xf32, #tpu.memory_space<vmem>>
      %dma_start3A_118 = arith.constant 0 : i32
      %dma_start3A_119 = tpu.memref_slice %arg26[%dma_start3A_118] : memref<832xi32, #tpu.memory_space<vmem>> -> memref<64xi32, #tpu.memory_space<vmem>>
      %dma_start3A_120 = arith.constant 0 : i32
      %dma_start3A_121 = arith.constant 0 : i32
      %dma_start3A_122 = tpu.memref_slice %arg16[%dma_start3A_120, %dma_start3A_121] : memref<1300000x16xf32, #tpu.memory_space<hbm>> -> memref<1300000x16xf32, #tpu.memory_space<hbm>>
      tpu.enqueue_indirect_dma source(%dma_start3A_122 : memref<1300000x16xf32, #tpu.memory_space<hbm>>) target(%dma_start3A_117 : memref<64x16xf32, #tpu.memory_space<vmem>>) offsets(%dma_start3A_119 : memref<64xi32, #tpu.memory_space<vmem>>) semaphore(%arg35 : memref<!tpu.dma_semaphore, #tpu.memory_space<semaphore_mem>>)
      %dma_start3A_123 = arith.constant 64 : i32
      %dma_start3A_124 = arith.constant 0 : i32
      %dma_start3A_125 = tpu.memref_slice %arg28[%dma_start3A_123, %dma_start3A_124] : memref<832x16xf32, #tpu.memory_space<vmem>> -> memref<64x16xf32, #tpu.memory_space<vmem>>
      %dma_start3A_126 = arith.constant 64 : i32
      %dma_start3A_127 = tpu.memref_slice %arg25[%dma_start3A_126] : memref<832xi32, #tpu.memory_space<vmem>> -> memref<64xi32, #tpu.memory_space<vmem>>
      %dma_start3A_128 = arith.constant 0 : i32
      %dma_start3A_129 = arith.constant 0 : i32
      %dma_start3A_130 = tpu.memref_slice %arg15[%dma_start3A_128, %dma_start3A_129] : memref<1300000x16xf32, #tpu.memory_space<hbm>> -> memref<1300000x16xf32, #tpu.memory_space<hbm>>
      tpu.enqueue_indirect_dma source(%dma_start3A_130 : memref<1300000x16xf32, #tpu.memory_space<hbm>>) target(%dma_start3A_125 : memref<64x16xf32, #tpu.memory_space<vmem>>) offsets(%dma_start3A_127 : memref<64xi32, #tpu.memory_space<vmem>>) semaphore(%arg35 : memref<!tpu.dma_semaphore, #tpu.memory_space<semaphore_mem>>)
      %dma_start3A_131 = arith.constant 64 : i32
      %dma_start3A_132 = arith.constant 0 : i32
      %dma_start3A_133 = tpu.memref_slice %arg29[%dma_start3A_131, %dma_start3A_132] : memref<832x16xf32, #tpu.memory_space<vmem>> -> memref<64x16xf32, #tpu.memory_space<vmem>>
      %dma_start3A_134 = arith.constant 64 : i32
      %dma_start3A_135 = tpu.memref_slice %arg26[%dma_start3A_134] : memref<832xi32, #tpu.memory_space<vmem>> -> memref<64xi32, #tpu.memory_space<vmem>>
      %dma_start3A_136 = arith.constant 0 : i32
      %dma_start3A_137 = arith.constant 0 : i32
      %dma_start3A_138 = tpu.memref_slice %arg16[%dma_start3A_136, %dma_start3A_137] : memref<1300000x16xf32, #tpu.memory_space<hbm>> -> memref<1300000x16xf32, #tpu.memory_space<hbm>>
      tpu.enqueue_indirect_dma source(%dma_start3A_138 : memref<1300000x16xf32, #tpu.memory_space<hbm>>) target(%dma_start3A_133 : memref<64x16xf32, #tpu.memory_space<vmem>>) offsets(%dma_start3A_135 : memref<64xi32, #tpu.memory_space<vmem>>) semaphore(%arg35 : memref<!tpu.dma_semaphore, #tpu.memory_space<semaphore_mem>>)
      %dma_start3A_139 = arith.constant 128 : i32
      %dma_start3A_140 = arith.constant 0 : i32
      %dma_start3A_141 = tpu.memref_slice %arg28[%dma_start3A_139, %dma_start3A_140] : memref<832x16xf32, #tpu.memory_space<vmem>> -> memref<64x16xf32, #tpu.memory_space<vmem>>
      %dma_start3A_142 = arith.constant 128 : i32
      %dma_start3A_143 = tpu.memref_slice %arg25[%dma_start3A_142] : memref<832xi32, #tpu.memory_space<vmem>> -> memref<64xi32, #tpu.memory_space<vmem>>
      %dma_start3A_144 = arith.constant 0 : i32
      %dma_start3A_145 = arith.constant 0 : i32
      %dma_start3A_146 = tpu.memref_slice %arg15[%dma_start3A_144, %dma_start3A_145] : memref<1300000x16xf32, #tpu.memory_space<hbm>> -> memref<1300000x16xf32, #tpu.memory_space<hbm>>
      tpu.enqueue_indirect_dma source(%dma_start3A_146 : memref<1300000x16xf32, #tpu.memory_space<hbm>>) target(%dma_start3A_141 : memref<64x16xf32, #tpu.memory_space<vmem>>) offsets(%dma_start3A_143 : memref<64xi32, #tpu.memory_space<vmem>>) semaphore(%arg35 : memref<!tpu.dma_semaphore, #tpu.memory_space<semaphore_mem>>)
      %dma_start3A_147 = arith.constant 128 : i32
      %dma_start3A_148 = arith.constant 0 : i32
      %dma_start3A_149 = tpu.memref_slice %arg29[%dma_start3A_147, %dma_start3A_148] : memref<832x16xf32, #tpu.memory_space<vmem>> -> memref<64x16xf32, #tpu.memory_space<vmem>>
      %dma_start3A_150 = arith.constant 128 : i32
      %dma_start3A_151 = tpu.memref_slice %arg26[%dma_start3A_150] : memref<832xi32, #tpu.memory_space<vmem>> -> memref<64xi32, #tpu.memory_space<vmem>>
      %dma_start3A_152 = arith.constant 0 : i32
      %dma_start3A_153 = arith.constant 0 : i32
      %dma_start3A_154 = tpu.memref_slice %arg16[%dma_start3A_152, %dma_start3A_153] : memref<1300000x16xf32, #tpu.memory_space<hbm>> -> memref<1300000x16xf32, #tpu.memory_space<hbm>>
      tpu.enqueue_indirect_dma source(%dma_start3A_154 : memref<1300000x16xf32, #tpu.memory_space<hbm>>) target(%dma_start3A_149 : memref<64x16xf32, #tpu.memory_space<vmem>>) offsets(%dma_start3A_151 : memref<64xi32, #tpu.memory_space<vmem>>) semaphore(%arg35 : memref<!tpu.dma_semaphore, #tpu.memory_space<semaphore_mem>>)
      %dma_start3A_155 = arith.constant 192 : i32
      %dma_start3A_156 = arith.constant 0 : i32
      %dma_start3A_157 = tpu.memref_slice %arg28[%dma_start3A_155, %dma_start3A_156] : memref<832x16xf32, #tpu.memory_space<vmem>> -> memref<64x16xf32, #tpu.memory_space<vmem>>
      %dma_start3A_158 = arith.constant 192 : i32
      %dma_start3A_159 = tpu.memref_slice %arg25[%dma_start3A_158] : memref<832xi32, #tpu.memory_space<vmem>> -> memref<64xi32, #tpu.memory_space<vmem>>
      %dma_start3A_160 = arith.constant 0 : i32
      %dma_start3A_161 = arith.constant 0 : i32
      %dma_start3A_162 = tpu.memref_slice %arg15[%dma_start3A_160, %dma_start3A_161] : memref<1300000x16xf32, #tpu.memory_space<hbm>> -> memref<1300000x16xf32, #tpu.memory_space<hbm>>
      tpu.enqueue_indirect_dma source(%dma_start3A_162 : memref<1300000x16xf32, #tpu.memory_space<hbm>>) target(%dma_start3A_157 : memref<64x16xf32, #tpu.memory_space<vmem>>) offsets(%dma_start3A_159 : memref<64xi32, #tpu.memory_space<vmem>>) semaphore(%arg35 : memref<!tpu.dma_semaphore, #tpu.memory_space<semaphore_mem>>)
      %dma_start3A_163 = arith.constant 192 : i32
      %dma_start3A_164 = arith.constant 0 : i32
      %dma_start3A_165 = tpu.memref_slice %arg29[%dma_start3A_163, %dma_start3A_164] : memref<832x16xf32, #tpu.memory_space<vmem>> -> memref<64x16xf32, #tpu.memory_space<vmem>>
      %dma_start3A_166 = arith.constant 192 : i32
      %dma_start3A_167 = tpu.memref_slice %arg26[%dma_start3A_166] : memref<832xi32, #tpu.memory_space<vmem>> -> memref<64xi32, #tpu.memory_space<vmem>>
      %dma_start3A_168 = arith.constant 0 : i32
      %dma_start3A_169 = arith.constant 0 : i32
      %dma_start3A_170 = tpu.memref_slice %arg16[%dma_start3A_168, %dma_start3A_169] : memref<1300000x16xf32, #tpu.memory_space<hbm>> -> memref<1300000x16xf32, #tpu.memory_space<hbm>>
      tpu.enqueue_indirect_dma source(%dma_start3A_170 : memref<1300000x16xf32, #tpu.memory_space<hbm>>) target(%dma_start3A_165 : memref<64x16xf32, #tpu.memory_space<vmem>>) offsets(%dma_start3A_167 : memref<64xi32, #tpu.memory_space<vmem>>) semaphore(%arg35 : memref<!tpu.dma_semaphore, #tpu.memory_space<semaphore_mem>>)
      %dma_start3A_171 = arith.constant 256 : i32
      %dma_start3A_172 = arith.constant 0 : i32
      %dma_start3A_173 = tpu.memref_slice %arg28[%dma_start3A_171, %dma_start3A_172] : memref<832x16xf32, #tpu.memory_space<vmem>> -> memref<64x16xf32, #tpu.memory_space<vmem>>
      %dma_start3A_174 = arith.constant 256 : i32
      %dma_start3A_175 = tpu.memref_slice %arg25[%dma_start3A_174] : memref<832xi32, #tpu.memory_space<vmem>> -> memref<64xi32, #tpu.memory_space<vmem>>
      %dma_start3A_176 = arith.constant 0 : i32
      %dma_start3A_177 = arith.constant 0 : i32
      %dma_start3A_178 = tpu.memref_slice %arg15[%dma_start3A_176, %dma_start3A_177] : memref<1300000x16xf32, #tpu.memory_space<hbm>> -> memref<1300000x16xf32, #tpu.memory_space<hbm>>
      tpu.enqueue_indirect_dma source(%dma_start3A_178 : memref<1300000x16xf32, #tpu.memory_space<hbm>>) target(%dma_start3A_173 : memref<64x16xf32, #tpu.memory_space<vmem>>) offsets(%dma_start3A_175 : memref<64xi32, #tpu.memory_space<vmem>>) semaphore(%arg35 : memref<!tpu.dma_semaphore, #tpu.memory_space<semaphore_mem>>)
      %dma_start3A_179 = arith.constant 256 : i32
      %dma_start3A_180 = arith.constant 0 : i32
      %dma_start3A_181 = tpu.memref_slice %arg29[%dma_start3A_179, %dma_start3A_180] : memref<832x16xf32, #tpu.memory_space<vmem>> -> memref<64x16xf32, #tpu.memory_space<vmem>>
      %dma_start3A_182 = arith.constant 256 : i32
      %dma_start3A_183 = tpu.memref_slice %arg26[%dma_start3A_182] : memref<832xi32, #tpu.memory_space<vmem>> -> memref<64xi32, #tpu.memory_space<vmem>>
      %dma_start3A_184 = arith.constant 0 : i32
      %dma_start3A_185 = arith.constant 0 : i32
      %dma_start3A_186 = tpu.memref_slice %arg16[%dma_start3A_184, %dma_start3A_185] : memref<1300000x16xf32, #tpu.memory_space<hbm>> -> memref<1300000x16xf32, #tpu.memory_space<hbm>>
      tpu.enqueue_indirect_dma source(%dma_start3A_186 : memref<1300000x16xf32, #tpu.memory_space<hbm>>) target(%dma_start3A_181 : memref<64x16xf32, #tpu.memory_space<vmem>>) offsets(%dma_start3A_183 : memref<64xi32, #tpu.memory_space<vmem>>) semaphore(%arg35 : memref<!tpu.dma_semaphore, #tpu.memory_space<semaphore_mem>>)
      %dma_start3A_187 = arith.constant 320 : i32
      %dma_start3A_188 = arith.constant 0 : i32
      %dma_start3A_189 = tpu.memref_slice %arg28[%dma_start3A_187, %dma_start3A_188] : memref<832x16xf32, #tpu.memory_space<vmem>> -> memref<64x16xf32, #tpu.memory_space<vmem>>
      %dma_start3A_190 = arith.constant 320 : i32
      %dma_start3A_191 = tpu.memref_slice %arg25[%dma_start3A_190] : memref<832xi32, #tpu.memory_space<vmem>> -> memref<64xi32, #tpu.memory_space<vmem>>
      %dma_start3A_192 = arith.constant 0 : i32
      %dma_start3A_193 = arith.constant 0 : i32
      %dma_start3A_194 = tpu.memref_slice %arg15[%dma_start3A_192, %dma_start3A_193] : memref<1300000x16xf32, #tpu.memory_space<hbm>> -> memref<1300000x16xf32, #tpu.memory_space<hbm>>
      tpu.enqueue_indirect_dma source(%dma_start3A_194 : memref<1300000x16xf32, #tpu.memory_space<hbm>>) target(%dma_start3A_189 : memref<64x16xf32, #tpu.memory_space<vmem>>) offsets(%dma_start3A_191 : memref<64xi32, #tpu.memory_space<vmem>>) semaphore(%arg35 : memref<!tpu.dma_semaphore, #tpu.memory_space<semaphore_mem>>)
      %dma_start3A_195 = arith.constant 320 : i32
      %dma_start3A_196 = arith.constant 0 : i32
      %dma_start3A_197 = tpu.memref_slice %arg29[%dma_start3A_195, %dma_start3A_196] : memref<832x16xf32, #tpu.memory_space<vmem>> -> memref<64x16xf32, #tpu.memory_space<vmem>>
      %dma_start3A_198 = arith.constant 320 : i32
      %dma_start3A_199 = tpu.memref_slice %arg26[%dma_start3A_198] : memref<832xi32, #tpu.memory_space<vmem>> -> memref<64xi32, #tpu.memory_space<vmem>>
      %dma_start3A_200 = arith.constant 0 : i32
      %dma_start3A_201 = arith.constant 0 : i32
      %dma_start3A_202 = tpu.memref_slice %arg16[%dma_start3A_200, %dma_start3A_201] : memref<1300000x16xf32, #tpu.memory_space<hbm>> -> memref<1300000x16xf32, #tpu.memory_space<hbm>>
      tpu.enqueue_indirect_dma source(%dma_start3A_202 : memref<1300000x16xf32, #tpu.memory_space<hbm>>) target(%dma_start3A_197 : memref<64x16xf32, #tpu.memory_space<vmem>>) offsets(%dma_start3A_199 : memref<64xi32, #tpu.memory_space<vmem>>) semaphore(%arg35 : memref<!tpu.dma_semaphore, #tpu.memory_space<semaphore_mem>>)
      %dma_start3A_203 = arith.constant 384 : i32
      %dma_start3A_204 = arith.constant 0 : i32
      %dma_start3A_205 = tpu.memref_slice %arg28[%dma_start3A_203, %dma_start3A_204] : memref<832x16xf32, #tpu.memory_space<vmem>> -> memref<64x16xf32, #tpu.memory_space<vmem>>
      %dma_start3A_206 = arith.constant 384 : i32
      %dma_start3A_207 = tpu.memref_slice %arg25[%dma_start3A_206] : memref<832xi32, #tpu.memory_space<vmem>> -> memref<64xi32, #tpu.memory_space<vmem>>
      %dma_start3A_208 = arith.constant 0 : i32
      %dma_start3A_209 = arith.constant 0 : i32
      %dma_start3A_210 = tpu.memref_slice %arg15[%dma_start3A_208, %dma_start3A_209] : memref<1300000x16xf32, #tpu.memory_space<hbm>> -> memref<1300000x16xf32, #tpu.memory_space<hbm>>
      tpu.enqueue_indirect_dma source(%dma_start3A_210 : memref<1300000x16xf32, #tpu.memory_space<hbm>>) target(%dma_start3A_205 : memref<64x16xf32, #tpu.memory_space<vmem>>) offsets(%dma_start3A_207 : memref<64xi32, #tpu.memory_space<vmem>>) semaphore(%arg35 : memref<!tpu.dma_semaphore, #tpu.memory_space<semaphore_mem>>)
      %dma_start3A_211 = arith.constant 384 : i32
      %dma_start3A_212 = arith.constant 0 : i32
      %dma_start3A_213 = tpu.memref_slice %arg29[%dma_start3A_211, %dma_start3A_212] : memref<832x16xf32, #tpu.memory_space<vmem>> -> memref<64x16xf32, #tpu.memory_space<vmem>>
      %dma_start3A_214 = arith.constant 384 : i32
      %dma_start3A_215 = tpu.memref_slice %arg26[%dma_start3A_214] : memref<832xi32, #tpu.memory_space<vmem>> -> memref<64xi32, #tpu.memory_space<vmem>>
      %dma_start3A_216 = arith.constant 0 : i32
      %dma_start3A_217 = arith.constant 0 : i32
      %dma_start3A_218 = tpu.memref_slice %arg16[%dma_start3A_216, %dma_start3A_217] : memref<1300000x16xf32, #tpu.memory_space<hbm>> -> memref<1300000x16xf32, #tpu.memory_space<hbm>>
      tpu.enqueue_indirect_dma source(%dma_start3A_218 : memref<1300000x16xf32, #tpu.memory_space<hbm>>) target(%dma_start3A_213 : memref<64x16xf32, #tpu.memory_space<vmem>>) offsets(%dma_start3A_215 : memref<64xi32, #tpu.memory_space<vmem>>) semaphore(%arg35 : memref<!tpu.dma_semaphore, #tpu.memory_space<semaphore_mem>>)
      %dma_start3A_219 = arith.constant 448 : i32
      %dma_start3A_220 = arith.constant 0 : i32
      %dma_start3A_221 = tpu.memref_slice %arg28[%dma_start3A_219, %dma_start3A_220] : memref<832x16xf32, #tpu.memory_space<vmem>> -> memref<64x16xf32, #tpu.memory_space<vmem>>
      %dma_start3A_222 = arith.constant 448 : i32
      %dma_start3A_223 = tpu.memref_slice %arg25[%dma_start3A_222] : memref<832xi32, #tpu.memory_space<vmem>> -> memref<64xi32, #tpu.memory_space<vmem>>
      %dma_start3A_224 = arith.constant 0 : i32
      %dma_start3A_225 = arith.constant 0 : i32
      %dma_start3A_226 = tpu.memref_slice %arg15[%dma_start3A_224, %dma_start3A_225] : memref<1300000x16xf32, #tpu.memory_space<hbm>> -> memref<1300000x16xf32, #tpu.memory_space<hbm>>
      tpu.enqueue_indirect_dma source(%dma_start3A_226 : memref<1300000x16xf32, #tpu.memory_space<hbm>>) target(%dma_start3A_221 : memref<64x16xf32, #tpu.memory_space<vmem>>) offsets(%dma_start3A_223 : memref<64xi32, #tpu.memory_space<vmem>>) semaphore(%arg35 : memref<!tpu.dma_semaphore, #tpu.memory_space<semaphore_mem>>)
      %dma_start3A_227 = arith.constant 448 : i32
      %dma_start3A_228 = arith.constant 0 : i32
      %dma_start3A_229 = tpu.memref_slice %arg29[%dma_start3A_227, %dma_start3A_228] : memref<832x16xf32, #tpu.memory_space<vmem>> -> memref<64x16xf32, #tpu.memory_space<vmem>>
      %dma_start3A_230 = arith.constant 448 : i32
      %dma_start3A_231 = tpu.memref_slice %arg26[%dma_start3A_230] : memref<832xi32, #tpu.memory_space<vmem>> -> memref<64xi32, #tpu.memory_space<vmem>>
      %dma_start3A_232 = arith.constant 0 : i32
      %dma_start3A_233 = arith.constant 0 : i32
      %dma_start3A_234 = tpu.memref_slice %arg16[%dma_start3A_232, %dma_start3A_233] : memref<1300000x16xf32, #tpu.memory_space<hbm>> -> memref<1300000x16xf32, #tpu.memory_space<hbm>>
      tpu.enqueue_indirect_dma source(%dma_start3A_234 : memref<1300000x16xf32, #tpu.memory_space<hbm>>) target(%dma_start3A_229 : memref<64x16xf32, #tpu.memory_space<vmem>>) offsets(%dma_start3A_231 : memref<64xi32, #tpu.memory_space<vmem>>) semaphore(%arg35 : memref<!tpu.dma_semaphore, #tpu.memory_space<semaphore_mem>>)
      %dma_start3A_235 = arith.constant 512 : i32
      %dma_start3A_236 = arith.constant 0 : i32
      %dma_start3A_237 = tpu.memref_slice %arg28[%dma_start3A_235, %dma_start3A_236] : memref<832x16xf32, #tpu.memory_space<vmem>> -> memref<64x16xf32, #tpu.memory_space<vmem>>
      %dma_start3A_238 = arith.constant 512 : i32
      %dma_start3A_239 = tpu.memref_slice %arg25[%dma_start3A_238] : memref<832xi32, #tpu.memory_space<vmem>> -> memref<64xi32, #tpu.memory_space<vmem>>
      %dma_start3A_240 = arith.constant 0 : i32
      %dma_start3A_241 = arith.constant 0 : i32
      %dma_start3A_242 = tpu.memref_slice %arg15[%dma_start3A_240, %dma_start3A_241] : memref<1300000x16xf32, #tpu.memory_space<hbm>> -> memref<1300000x16xf32, #tpu.memory_space<hbm>>
      tpu.enqueue_indirect_dma source(%dma_start3A_242 : memref<1300000x16xf32, #tpu.memory_space<hbm>>) target(%dma_start3A_237 : memref<64x16xf32, #tpu.memory_space<vmem>>) offsets(%dma_start3A_239 : memref<64xi32, #tpu.memory_space<vmem>>) semaphore(%arg35 : memref<!tpu.dma_semaphore, #tpu.memory_space<semaphore_mem>>)
      %dma_start3A_243 = arith.constant 512 : i32
      %dma_start3A_244 = arith.constant 0 : i32
      %dma_start3A_245 = tpu.memref_slice %arg29[%dma_start3A_243, %dma_start3A_244] : memref<832x16xf32, #tpu.memory_space<vmem>> -> memref<64x16xf32, #tpu.memory_space<vmem>>
      %dma_start3A_246 = arith.constant 512 : i32
      %dma_start3A_247 = tpu.memref_slice %arg26[%dma_start3A_246] : memref<832xi32, #tpu.memory_space<vmem>> -> memref<64xi32, #tpu.memory_space<vmem>>
      %dma_start3A_248 = arith.constant 0 : i32
      %dma_start3A_249 = arith.constant 0 : i32
      %dma_start3A_250 = tpu.memref_slice %arg16[%dma_start3A_248, %dma_start3A_249] : memref<1300000x16xf32, #tpu.memory_space<hbm>> -> memref<1300000x16xf32, #tpu.memory_space<hbm>>
      tpu.enqueue_indirect_dma source(%dma_start3A_250 : memref<1300000x16xf32, #tpu.memory_space<hbm>>) target(%dma_start3A_245 : memref<64x16xf32, #tpu.memory_space<vmem>>) offsets(%dma_start3A_247 : memref<64xi32, #tpu.memory_space<vmem>>) semaphore(%arg35 : memref<!tpu.dma_semaphore, #tpu.memory_space<semaphore_mem>>)
      %dma_start3A_251 = arith.constant 576 : i32
      %dma_start3A_252 = arith.constant 0 : i32
      %dma_start3A_253 = tpu.memref_slice %arg28[%dma_start3A_251, %dma_start3A_252] : memref<832x16xf32, #tpu.memory_space<vmem>> -> memref<64x16xf32, #tpu.memory_space<vmem>>
      %dma_start3A_254 = arith.constant 576 : i32
      %dma_start3A_255 = tpu.memref_slice %arg25[%dma_start3A_254] : memref<832xi32, #tpu.memory_space<vmem>> -> memref<64xi32, #tpu.memory_space<vmem>>
      %dma_start3A_256 = arith.constant 0 : i32
      %dma_start3A_257 = arith.constant 0 : i32
      %dma_start3A_258 = tpu.memref_slice %arg15[%dma_start3A_256, %dma_start3A_257] : memref<1300000x16xf32, #tpu.memory_space<hbm>> -> memref<1300000x16xf32, #tpu.memory_space<hbm>>
      tpu.enqueue_indirect_dma source(%dma_start3A_258 : memref<1300000x16xf32, #tpu.memory_space<hbm>>) target(%dma_start3A_253 : memref<64x16xf32, #tpu.memory_space<vmem>>) offsets(%dma_start3A_255 : memref<64xi32, #tpu.memory_space<vmem>>) semaphore(%arg35 : memref<!tpu.dma_semaphore, #tpu.memory_space<semaphore_mem>>)
      %dma_start3A_259 = arith.constant 576 : i32
      %dma_start3A_260 = arith.constant 0 : i32
      %dma_start3A_261 = tpu.memref_slice %arg29[%dma_start3A_259, %dma_start3A_260] : memref<832x16xf32, #tpu.memory_space<vmem>> -> memref<64x16xf32, #tpu.memory_space<vmem>>
      %dma_start3A_262 = arith.constant 576 : i32
      %dma_start3A_263 = tpu.memref_slice %arg26[%dma_start3A_262] : memref<832xi32, #tpu.memory_space<vmem>> -> memref<64xi32, #tpu.memory_space<vmem>>
      %dma_start3A_264 = arith.constant 0 : i32
      %dma_start3A_265 = arith.constant 0 : i32
      %dma_start3A_266 = tpu.memref_slice %arg16[%dma_start3A_264, %dma_start3A_265] : memref<1300000x16xf32, #tpu.memory_space<hbm>> -> memref<1300000x16xf32, #tpu.memory_space<hbm>>
      tpu.enqueue_indirect_dma source(%dma_start3A_266 : memref<1300000x16xf32, #tpu.memory_space<hbm>>) target(%dma_start3A_261 : memref<64x16xf32, #tpu.memory_space<vmem>>) offsets(%dma_start3A_263 : memref<64xi32, #tpu.memory_space<vmem>>) semaphore(%arg35 : memref<!tpu.dma_semaphore, #tpu.memory_space<semaphore_mem>>)
      %dma_start3A_267 = arith.constant 640 : i32
      %dma_start3A_268 = arith.constant 0 : i32
      %dma_start3A_269 = tpu.memref_slice %arg28[%dma_start3A_267, %dma_start3A_268] : memref<832x16xf32, #tpu.memory_space<vmem>> -> memref<64x16xf32, #tpu.memory_space<vmem>>
      %dma_start3A_270 = arith.constant 640 : i32
      %dma_start3A_271 = tpu.memref_slice %arg25[%dma_start3A_270] : memref<832xi32, #tpu.memory_space<vmem>> -> memref<64xi32, #tpu.memory_space<vmem>>
      %dma_start3A_272 = arith.constant 0 : i32
      %dma_start3A_273 = arith.constant 0 : i32
      %dma_start3A_274 = tpu.memref_slice %arg15[%dma_start3A_272, %dma_start3A_273] : memref<1300000x16xf32, #tpu.memory_space<hbm>> -> memref<1300000x16xf32, #tpu.memory_space<hbm>>
      tpu.enqueue_indirect_dma source(%dma_start3A_274 : memref<1300000x16xf32, #tpu.memory_space<hbm>>) target(%dma_start3A_269 : memref<64x16xf32, #tpu.memory_space<vmem>>) offsets(%dma_start3A_271 : memref<64xi32, #tpu.memory_space<vmem>>) semaphore(%arg35 : memref<!tpu.dma_semaphore, #tpu.memory_space<semaphore_mem>>)
      %dma_start3A_275 = arith.constant 640 : i32
      %dma_start3A_276 = arith.constant 0 : i32
      %dma_start3A_277 = tpu.memref_slice %arg29[%dma_start3A_275, %dma_start3A_276] : memref<832x16xf32, #tpu.memory_space<vmem>> -> memref<64x16xf32, #tpu.memory_space<vmem>>
      %dma_start3A_278 = arith.constant 640 : i32
      %dma_start3A_279 = tpu.memref_slice %arg26[%dma_start3A_278] : memref<832xi32, #tpu.memory_space<vmem>> -> memref<64xi32, #tpu.memory_space<vmem>>
      %dma_start3A_280 = arith.constant 0 : i32
      %dma_start3A_281 = arith.constant 0 : i32
      %dma_start3A_282 = tpu.memref_slice %arg16[%dma_start3A_280, %dma_start3A_281] : memref<1300000x16xf32, #tpu.memory_space<hbm>> -> memref<1300000x16xf32, #tpu.memory_space<hbm>>
      tpu.enqueue_indirect_dma source(%dma_start3A_282 : memref<1300000x16xf32, #tpu.memory_space<hbm>>) target(%dma_start3A_277 : memref<64x16xf32, #tpu.memory_space<vmem>>) offsets(%dma_start3A_279 : memref<64xi32, #tpu.memory_space<vmem>>) semaphore(%arg35 : memref<!tpu.dma_semaphore, #tpu.memory_space<semaphore_mem>>)
      %dma_start3A_283 = arith.constant 704 : i32
      %dma_start3A_284 = arith.constant 0 : i32
      %dma_start3A_285 = tpu.memref_slice %arg28[%dma_start3A_283, %dma_start3A_284] : memref<832x16xf32, #tpu.memory_space<vmem>> -> memref<64x16xf32, #tpu.memory_space<vmem>>
      %dma_start3A_286 = arith.constant 704 : i32
      %dma_start3A_287 = tpu.memref_slice %arg25[%dma_start3A_286] : memref<832xi32, #tpu.memory_space<vmem>> -> memref<64xi32, #tpu.memory_space<vmem>>
      %dma_start3A_288 = arith.constant 0 : i32
      %dma_start3A_289 = arith.constant 0 : i32
      %dma_start3A_290 = tpu.memref_slice %arg15[%dma_start3A_288, %dma_start3A_289] : memref<1300000x16xf32, #tpu.memory_space<hbm>> -> memref<1300000x16xf32, #tpu.memory_space<hbm>>
      tpu.enqueue_indirect_dma source(%dma_start3A_290 : memref<1300000x16xf32, #tpu.memory_space<hbm>>) target(%dma_start3A_285 : memref<64x16xf32, #tpu.memory_space<vmem>>) offsets(%dma_start3A_287 : memref<64xi32, #tpu.memory_space<vmem>>) semaphore(%arg35 : memref<!tpu.dma_semaphore, #tpu.memory_space<semaphore_mem>>)
      %dma_start3A_291 = arith.constant 704 : i32
      %dma_start3A_292 = arith.constant 0 : i32
      %dma_start3A_293 = tpu.memref_slice %arg29[%dma_start3A_291, %dma_start3A_292] : memref<832x16xf32, #tpu.memory_space<vmem>> -> memref<64x16xf32, #tpu.memory_space<vmem>>
      %dma_start3A_294 = arith.constant 704 : i32
      %dma_start3A_295 = tpu.memref_slice %arg26[%dma_start3A_294] : memref<832xi32, #tpu.memory_space<vmem>> -> memref<64xi32, #tpu.memory_space<vmem>>
      %dma_start3A_296 = arith.constant 0 : i32
      %dma_start3A_297 = arith.constant 0 : i32
      %dma_start3A_298 = tpu.memref_slice %arg16[%dma_start3A_296, %dma_start3A_297] : memref<1300000x16xf32, #tpu.memory_space<hbm>> -> memref<1300000x16xf32, #tpu.memory_space<hbm>>
      tpu.enqueue_indirect_dma source(%dma_start3A_298 : memref<1300000x16xf32, #tpu.memory_space<hbm>>) target(%dma_start3A_293 : memref<64x16xf32, #tpu.memory_space<vmem>>) offsets(%dma_start3A_295 : memref<64xi32, #tpu.memory_space<vmem>>) semaphore(%arg35 : memref<!tpu.dma_semaphore, #tpu.memory_space<semaphore_mem>>)
      %dma_start3A_299 = arith.constant 768 : i32
      %dma_start3A_300 = arith.constant 0 : i32
      %dma_start3A_301 = tpu.memref_slice %arg28[%dma_start3A_299, %dma_start3A_300] : memref<832x16xf32, #tpu.memory_space<vmem>> -> memref<64x16xf32, #tpu.memory_space<vmem>>
      %dma_start3A_302 = arith.constant 768 : i32
      %dma_start3A_303 = tpu.memref_slice %arg25[%dma_start3A_302] : memref<832xi32, #tpu.memory_space<vmem>> -> memref<64xi32, #tpu.memory_space<vmem>>
      %dma_start3A_304 = arith.constant 0 : i32
      %dma_start3A_305 = arith.constant 0 : i32
      %dma_start3A_306 = tpu.memref_slice %arg15[%dma_start3A_304, %dma_start3A_305] : memref<1300000x16xf32, #tpu.memory_space<hbm>> -> memref<1300000x16xf32, #tpu.memory_space<hbm>>
      tpu.enqueue_indirect_dma source(%dma_start3A_306 : memref<1300000x16xf32, #tpu.memory_space<hbm>>) target(%dma_start3A_301 : memref<64x16xf32, #tpu.memory_space<vmem>>) offsets(%dma_start3A_303 : memref<64xi32, #tpu.memory_space<vmem>>) semaphore(%arg35 : memref<!tpu.dma_semaphore, #tpu.memory_space<semaphore_mem>>)
      %dma_start3A_307 = arith.constant 768 : i32
      %dma_start3A_308 = arith.constant 0 : i32
      %dma_start3A_309 = tpu.memref_slice %arg29[%dma_start3A_307, %dma_start3A_308] : memref<832x16xf32, #tpu.memory_space<vmem>> -> memref<64x16xf32, #tpu.memory_space<vmem>>
      %dma_start3A_310 = arith.constant 768 : i32
      %dma_start3A_311 = tpu.memref_slice %arg26[%dma_start3A_310] : memref<832xi32, #tpu.memory_space<vmem>> -> memref<64xi32, #tpu.memory_space<vmem>>
      %dma_start3A_312 = arith.constant 0 : i32
      %dma_start3A_313 = arith.constant 0 : i32
      %dma_start3A_314 = tpu.memref_slice %arg16[%dma_start3A_312, %dma_start3A_313] : memref<1300000x16xf32, #tpu.memory_space<hbm>> -> memref<1300000x16xf32, #tpu.memory_space<hbm>>
      tpu.enqueue_indirect_dma source(%dma_start3A_314 : memref<1300000x16xf32, #tpu.memory_space<hbm>>) target(%dma_start3A_309 : memref<64x16xf32, #tpu.memory_space<vmem>>) offsets(%dma_start3A_311 : memref<64xi32, #tpu.memory_space<vmem>>) semaphore(%arg35 : memref<!tpu.dma_semaphore, #tpu.memory_space<semaphore_mem>>)
      "tpu.region"() ({
        %run_scoped3A = tpu.sem_alloc : memref<!tpu.dma_semaphore, #tpu.memory_space<semaphore_mem>>
        %dma_start3A_608 = arith.constant 0 : i32
        %dma_start3A_609 = tpu.memref_slice %arg6[%add3A_24, %dma_start3A_608] : memref<16384x48xf32, #tpu.memory_space<hbm>> -> memref<64x48xf32, #tpu.memory_space<hbm>>
        %dma_start3A_610 = arith.constant 0 : i32
        %dma_start3A_611 = tpu.memref_slice %arg6[%add3A_24, %dma_start3A_610] : memref<16384x48xf32, #tpu.memory_space<hbm>> -> memref<64x48xf32, #tpu.memory_space<hbm>>
        tpu.enqueue_dma source(%dma_start3A_611 : memref<64x48xf32, #tpu.memory_space<hbm>>) target(%arg30 : memref<64x48xf32, #tpu.memory_space<vmem>>) target_semaphore(%run_scoped3A : memref<!tpu.dma_semaphore, #tpu.memory_space<semaphore_mem>>)
        %dma_wait3A_612 = arith.constant 0 : i32
        %dma_wait3A_613 = tpu.memref_slice %arg6[%add3A_24, %dma_wait3A_612] : memref<16384x48xf32, #tpu.memory_space<hbm>> -> memref<64x48xf32, #tpu.memory_space<hbm>>
        %dma_wait3A_614 = arith.constant 0 : i32
        %dma_wait3A_615 = tpu.memref_slice %arg6[%add3A_24, %dma_wait3A_614] : memref<16384x48xf32, #tpu.memory_space<hbm>> -> memref<64x48xf32, #tpu.memory_space<hbm>>
        tpu.wait_dma2 semaphore(%run_scoped3A : memref<!tpu.dma_semaphore, #tpu.memory_space<semaphore_mem>>) src(%dma_wait3A_615 : memref<64x48xf32, #tpu.memory_space<hbm>>) dst(%arg30 : memref<64x48xf32, #tpu.memory_space<vmem>>)
        tpu.yield
      }) : () -> ()
      "tpu.region"() ({
        %run_scoped3A = tpu.sem_alloc : memref<!tpu.dma_semaphore, #tpu.memory_space<semaphore_mem>>
        %dma_start3A_608 = arith.constant 0 : i32
        %dma_start3A_609 = tpu.memref_slice %arg7[%add3A_24, %dma_start3A_608] : memref<16384x32xf32, #tpu.memory_space<hbm>> -> memref<64x32xf32, #tpu.memory_space<hbm>>
        %dma_start3A_610 = arith.constant 0 : i32
        %dma_start3A_611 = tpu.memref_slice %arg7[%add3A_24, %dma_start3A_610] : memref<16384x32xf32, #tpu.memory_space<hbm>> -> memref<64x32xf32, #tpu.memory_space<hbm>>
        tpu.enqueue_dma source(%dma_start3A_611 : memref<64x32xf32, #tpu.memory_space<hbm>>) target(%arg31 : memref<64x32xf32, #tpu.memory_space<vmem>>) target_semaphore(%run_scoped3A : memref<!tpu.dma_semaphore, #tpu.memory_space<semaphore_mem>>)
        %dma_wait3A_612 = arith.constant 0 : i32
        %dma_wait3A_613 = tpu.memref_slice %arg7[%add3A_24, %dma_wait3A_612] : memref<16384x32xf32, #tpu.memory_space<hbm>> -> memref<64x32xf32, #tpu.memory_space<hbm>>
        %dma_wait3A_614 = arith.constant 0 : i32
        %dma_wait3A_615 = tpu.memref_slice %arg7[%add3A_24, %dma_wait3A_614] : memref<16384x32xf32, #tpu.memory_space<hbm>> -> memref<64x32xf32, #tpu.memory_space<hbm>>
        tpu.wait_dma2 semaphore(%run_scoped3A : memref<!tpu.dma_semaphore, #tpu.memory_space<semaphore_mem>>) src(%dma_wait3A_615 : memref<64x32xf32, #tpu.memory_space<hbm>>) dst(%arg31 : memref<64x32xf32, #tpu.memory_space<vmem>>)
        tpu.yield
      }) : () -> ()
      "tpu.region"() ({
        %run_scoped3A = tpu.sem_alloc : memref<!tpu.dma_semaphore, #tpu.memory_space<semaphore_mem>>
        %dma_start3A_608 = arith.constant 0 : i32
        %dma_start3A_609 = tpu.memref_slice %arg5[%add3A_24, %dma_start3A_608] : memref<16384x16xf32, #tpu.memory_space<hbm>> -> memref<64x16xf32, #tpu.memory_space<hbm>>
        %dma_start3A_610 = arith.constant 0 : i32
        %dma_start3A_611 = tpu.memref_slice %arg5[%add3A_24, %dma_start3A_610] : memref<16384x16xf32, #tpu.memory_space<hbm>> -> memref<64x16xf32, #tpu.memory_space<hbm>>
        tpu.enqueue_dma source(%dma_start3A_611 : memref<64x16xf32, #tpu.memory_space<hbm>>) target(%arg32 : memref<64x16xf32, #tpu.memory_space<vmem>>) target_semaphore(%run_scoped3A : memref<!tpu.dma_semaphore, #tpu.memory_space<semaphore_mem>>)
        %dma_wait3A_612 = arith.constant 0 : i32
        %dma_wait3A_613 = tpu.memref_slice %arg5[%add3A_24, %dma_wait3A_612] : memref<16384x16xf32, #tpu.memory_space<hbm>> -> memref<64x16xf32, #tpu.memory_space<hbm>>
        %dma_wait3A_614 = arith.constant 0 : i32
        %dma_wait3A_615 = tpu.memref_slice %arg5[%add3A_24, %dma_wait3A_614] : memref<16384x16xf32, #tpu.memory_space<hbm>> -> memref<64x16xf32, #tpu.memory_space<hbm>>
        tpu.wait_dma2 semaphore(%run_scoped3A : memref<!tpu.dma_semaphore, #tpu.memory_space<semaphore_mem>>) src(%dma_wait3A_615 : memref<64x16xf32, #tpu.memory_space<hbm>>) dst(%arg32 : memref<64x16xf32, #tpu.memory_space<vmem>>)
        tpu.yield
      }) : () -> ()
      %dma_wait3A = arith.constant 0 : i32
      %dma_wait3A_315 = tpu.memref_slice %arg27[%dma_wait3A] : memref<1696xf32, #tpu.memory_space<vmem>> -> memref<128xf32, #tpu.memory_space<vmem>>
      %dma_wait3A_316 = arith.constant 0 : i32
      %dma_wait3A_317 = tpu.memref_slice %arg24[%dma_wait3A_316] : memref<1664xi32, #tpu.memory_space<vmem>> -> memref<128xi32, #tpu.memory_space<vmem>>
      %dma_wait3A_318 = arith.constant 0 : i32
      %dma_wait3A_319 = tpu.memref_slice %arg14[%dma_wait3A_318] : memref<2600000xf32, #tpu.memory_space<hbm>> -> memref<2600000xf32, #tpu.memory_space<hbm>>
      tpu.wait_indirect_dma semaphore(%arg34 : memref<!tpu.dma_semaphore, #tpu.memory_space<semaphore_mem>>) src(%dma_wait3A_319 : memref<2600000xf32, #tpu.memory_space<hbm>>) dst(%dma_wait3A_315 : memref<128xf32, #tpu.memory_space<vmem>>)
      %dma_wait3A_320 = arith.constant 128 : i32
      %dma_wait3A_321 = tpu.memref_slice %arg27[%dma_wait3A_320] : memref<1696xf32, #tpu.memory_space<vmem>> -> memref<128xf32, #tpu.memory_space<vmem>>
      %dma_wait3A_322 = arith.constant 128 : i32
      %dma_wait3A_323 = tpu.memref_slice %arg24[%dma_wait3A_322] : memref<1664xi32, #tpu.memory_space<vmem>> -> memref<128xi32, #tpu.memory_space<vmem>>
      %dma_wait3A_324 = arith.constant 0 : i32
      %dma_wait3A_325 = tpu.memref_slice %arg14[%dma_wait3A_324] : memref<2600000xf32, #tpu.memory_space<hbm>> -> memref<2600000xf32, #tpu.memory_space<hbm>>
      tpu.wait_indirect_dma semaphore(%arg34 : memref<!tpu.dma_semaphore, #tpu.memory_space<semaphore_mem>>) src(%dma_wait3A_325 : memref<2600000xf32, #tpu.memory_space<hbm>>) dst(%dma_wait3A_321 : memref<128xf32, #tpu.memory_space<vmem>>)
      %dma_wait3A_326 = arith.constant 256 : i32
      %dma_wait3A_327 = tpu.memref_slice %arg27[%dma_wait3A_326] : memref<1696xf32, #tpu.memory_space<vmem>> -> memref<128xf32, #tpu.memory_space<vmem>>
      %dma_wait3A_328 = arith.constant 256 : i32
      %dma_wait3A_329 = tpu.memref_slice %arg24[%dma_wait3A_328] : memref<1664xi32, #tpu.memory_space<vmem>> -> memref<128xi32, #tpu.memory_space<vmem>>
      %dma_wait3A_330 = arith.constant 0 : i32
      %dma_wait3A_331 = tpu.memref_slice %arg14[%dma_wait3A_330] : memref<2600000xf32, #tpu.memory_space<hbm>> -> memref<2600000xf32, #tpu.memory_space<hbm>>
      tpu.wait_indirect_dma semaphore(%arg34 : memref<!tpu.dma_semaphore, #tpu.memory_space<semaphore_mem>>) src(%dma_wait3A_331 : memref<2600000xf32, #tpu.memory_space<hbm>>) dst(%dma_wait3A_327 : memref<128xf32, #tpu.memory_space<vmem>>)
      %dma_wait3A_332 = arith.constant 384 : i32
      %dma_wait3A_333 = tpu.memref_slice %arg27[%dma_wait3A_332] : memref<1696xf32, #tpu.memory_space<vmem>> -> memref<128xf32, #tpu.memory_space<vmem>>
      %dma_wait3A_334 = arith.constant 384 : i32
      %dma_wait3A_335 = tpu.memref_slice %arg24[%dma_wait3A_334] : memref<1664xi32, #tpu.memory_space<vmem>> -> memref<128xi32, #tpu.memory_space<vmem>>
      %dma_wait3A_336 = arith.constant 0 : i32
      %dma_wait3A_337 = tpu.memref_slice %arg14[%dma_wait3A_336] : memref<2600000xf32, #tpu.memory_space<hbm>> -> memref<2600000xf32, #tpu.memory_space<hbm>>
      tpu.wait_indirect_dma semaphore(%arg34 : memref<!tpu.dma_semaphore, #tpu.memory_space<semaphore_mem>>) src(%dma_wait3A_337 : memref<2600000xf32, #tpu.memory_space<hbm>>) dst(%dma_wait3A_333 : memref<128xf32, #tpu.memory_space<vmem>>)
      %dma_wait3A_338 = arith.constant 512 : i32
      %dma_wait3A_339 = tpu.memref_slice %arg27[%dma_wait3A_338] : memref<1696xf32, #tpu.memory_space<vmem>> -> memref<128xf32, #tpu.memory_space<vmem>>
      %dma_wait3A_340 = arith.constant 512 : i32
      %dma_wait3A_341 = tpu.memref_slice %arg24[%dma_wait3A_340] : memref<1664xi32, #tpu.memory_space<vmem>> -> memref<128xi32, #tpu.memory_space<vmem>>
      %dma_wait3A_342 = arith.constant 0 : i32
      %dma_wait3A_343 = tpu.memref_slice %arg14[%dma_wait3A_342] : memref<2600000xf32, #tpu.memory_space<hbm>> -> memref<2600000xf32, #tpu.memory_space<hbm>>
      tpu.wait_indirect_dma semaphore(%arg34 : memref<!tpu.dma_semaphore, #tpu.memory_space<semaphore_mem>>) src(%dma_wait3A_343 : memref<2600000xf32, #tpu.memory_space<hbm>>) dst(%dma_wait3A_339 : memref<128xf32, #tpu.memory_space<vmem>>)
      %dma_wait3A_344 = arith.constant 640 : i32
      %dma_wait3A_345 = tpu.memref_slice %arg27[%dma_wait3A_344] : memref<1696xf32, #tpu.memory_space<vmem>> -> memref<128xf32, #tpu.memory_space<vmem>>
      %dma_wait3A_346 = arith.constant 640 : i32
      %dma_wait3A_347 = tpu.memref_slice %arg24[%dma_wait3A_346] : memref<1664xi32, #tpu.memory_space<vmem>> -> memref<128xi32, #tpu.memory_space<vmem>>
      %dma_wait3A_348 = arith.constant 0 : i32
      %dma_wait3A_349 = tpu.memref_slice %arg14[%dma_wait3A_348] : memref<2600000xf32, #tpu.memory_space<hbm>> -> memref<2600000xf32, #tpu.memory_space<hbm>>
      tpu.wait_indirect_dma semaphore(%arg34 : memref<!tpu.dma_semaphore, #tpu.memory_space<semaphore_mem>>) src(%dma_wait3A_349 : memref<2600000xf32, #tpu.memory_space<hbm>>) dst(%dma_wait3A_345 : memref<128xf32, #tpu.memory_space<vmem>>)
      %dma_wait3A_350 = arith.constant 768 : i32
      %dma_wait3A_351 = tpu.memref_slice %arg27[%dma_wait3A_350] : memref<1696xf32, #tpu.memory_space<vmem>> -> memref<128xf32, #tpu.memory_space<vmem>>
      %dma_wait3A_352 = arith.constant 768 : i32
      %dma_wait3A_353 = tpu.memref_slice %arg24[%dma_wait3A_352] : memref<1664xi32, #tpu.memory_space<vmem>> -> memref<128xi32, #tpu.memory_space<vmem>>
      %dma_wait3A_354 = arith.constant 0 : i32
      %dma_wait3A_355 = tpu.memref_slice %arg14[%dma_wait3A_354] : memref<2600000xf32, #tpu.memory_space<hbm>> -> memref<2600000xf32, #tpu.memory_space<hbm>>
      tpu.wait_indirect_dma semaphore(%arg34 : memref<!tpu.dma_semaphore, #tpu.memory_space<semaphore_mem>>) src(%dma_wait3A_355 : memref<2600000xf32, #tpu.memory_space<hbm>>) dst(%dma_wait3A_351 : memref<128xf32, #tpu.memory_space<vmem>>)
      %dma_wait3A_356 = arith.constant 896 : i32
      %dma_wait3A_357 = tpu.memref_slice %arg27[%dma_wait3A_356] : memref<1696xf32, #tpu.memory_space<vmem>> -> memref<128xf32, #tpu.memory_space<vmem>>
      %dma_wait3A_358 = arith.constant 896 : i32
      %dma_wait3A_359 = tpu.memref_slice %arg24[%dma_wait3A_358] : memref<1664xi32, #tpu.memory_space<vmem>> -> memref<128xi32, #tpu.memory_space<vmem>>
      %dma_wait3A_360 = arith.constant 0 : i32
      %dma_wait3A_361 = tpu.memref_slice %arg14[%dma_wait3A_360] : memref<2600000xf32, #tpu.memory_space<hbm>> -> memref<2600000xf32, #tpu.memory_space<hbm>>
      tpu.wait_indirect_dma semaphore(%arg34 : memref<!tpu.dma_semaphore, #tpu.memory_space<semaphore_mem>>) src(%dma_wait3A_361 : memref<2600000xf32, #tpu.memory_space<hbm>>) dst(%dma_wait3A_357 : memref<128xf32, #tpu.memory_space<vmem>>)
      %dma_wait3A_362 = arith.constant 1024 : i32
      %dma_wait3A_363 = tpu.memref_slice %arg27[%dma_wait3A_362] : memref<1696xf32, #tpu.memory_space<vmem>> -> memref<128xf32, #tpu.memory_space<vmem>>
      %dma_wait3A_364 = arith.constant 1024 : i32
      %dma_wait3A_365 = tpu.memref_slice %arg24[%dma_wait3A_364] : memref<1664xi32, #tpu.memory_space<vmem>> -> memref<128xi32, #tpu.memory_space<vmem>>
      %dma_wait3A_366 = arith.constant 0 : i32
      %dma_wait3A_367 = tpu.memref_slice %arg14[%dma_wait3A_366] : memref<2600000xf32, #tpu.memory_space<hbm>> -> memref<2600000xf32, #tpu.memory_space<hbm>>
      tpu.wait_indirect_dma semaphore(%arg34 : memref<!tpu.dma_semaphore, #tpu.memory_space<semaphore_mem>>) src(%dma_wait3A_367 : memref<2600000xf32, #tpu.memory_space<hbm>>) dst(%dma_wait3A_363 : memref<128xf32, #tpu.memory_space<vmem>>)
      %dma_wait3A_368 = arith.constant 1152 : i32
      %dma_wait3A_369 = tpu.memref_slice %arg27[%dma_wait3A_368] : memref<1696xf32, #tpu.memory_space<vmem>> -> memref<128xf32, #tpu.memory_space<vmem>>
      %dma_wait3A_370 = arith.constant 1152 : i32
      %dma_wait3A_371 = tpu.memref_slice %arg24[%dma_wait3A_370] : memref<1664xi32, #tpu.memory_space<vmem>> -> memref<128xi32, #tpu.memory_space<vmem>>
      %dma_wait3A_372 = arith.constant 0 : i32
      %dma_wait3A_373 = tpu.memref_slice %arg14[%dma_wait3A_372] : memref<2600000xf32, #tpu.memory_space<hbm>> -> memref<2600000xf32, #tpu.memory_space<hbm>>
      tpu.wait_indirect_dma semaphore(%arg34 : memref<!tpu.dma_semaphore, #tpu.memory_space<semaphore_mem>>) src(%dma_wait3A_373 : memref<2600000xf32, #tpu.memory_space<hbm>>) dst(%dma_wait3A_369 : memref<128xf32, #tpu.memory_space<vmem>>)
      %dma_wait3A_374 = arith.constant 1280 : i32
      %dma_wait3A_375 = tpu.memref_slice %arg27[%dma_wait3A_374] : memref<1696xf32, #tpu.memory_space<vmem>> -> memref<128xf32, #tpu.memory_space<vmem>>
      %dma_wait3A_376 = arith.constant 1280 : i32
      %dma_wait3A_377 = tpu.memref_slice %arg24[%dma_wait3A_376] : memref<1664xi32, #tpu.memory_space<vmem>> -> memref<128xi32, #tpu.memory_space<vmem>>
      %dma_wait3A_378 = arith.constant 0 : i32
      %dma_wait3A_379 = tpu.memref_slice %arg14[%dma_wait3A_378] : memref<2600000xf32, #tpu.memory_space<hbm>> -> memref<2600000xf32, #tpu.memory_space<hbm>>
      tpu.wait_indirect_dma semaphore(%arg34 : memref<!tpu.dma_semaphore, #tpu.memory_space<semaphore_mem>>) src(%dma_wait3A_379 : memref<2600000xf32, #tpu.memory_space<hbm>>) dst(%dma_wait3A_375 : memref<128xf32, #tpu.memory_space<vmem>>)
      %dma_wait3A_380 = arith.constant 1408 : i32
      %dma_wait3A_381 = tpu.memref_slice %arg27[%dma_wait3A_380] : memref<1696xf32, #tpu.memory_space<vmem>> -> memref<128xf32, #tpu.memory_space<vmem>>
      %dma_wait3A_382 = arith.constant 1408 : i32
      %dma_wait3A_383 = tpu.memref_slice %arg24[%dma_wait3A_382] : memref<1664xi32, #tpu.memory_space<vmem>> -> memref<128xi32, #tpu.memory_space<vmem>>
      %dma_wait3A_384 = arith.constant 0 : i32
      %dma_wait3A_385 = tpu.memref_slice %arg14[%dma_wait3A_384] : memref<2600000xf32, #tpu.memory_space<hbm>> -> memref<2600000xf32, #tpu.memory_space<hbm>>
      tpu.wait_indirect_dma semaphore(%arg34 : memref<!tpu.dma_semaphore, #tpu.memory_space<semaphore_mem>>) src(%dma_wait3A_385 : memref<2600000xf32, #tpu.memory_space<hbm>>) dst(%dma_wait3A_381 : memref<128xf32, #tpu.memory_space<vmem>>)
      %dma_wait3A_386 = arith.constant 1536 : i32
      %dma_wait3A_387 = tpu.memref_slice %arg27[%dma_wait3A_386] : memref<1696xf32, #tpu.memory_space<vmem>> -> memref<128xf32, #tpu.memory_space<vmem>>
      %dma_wait3A_388 = arith.constant 1536 : i32
      %dma_wait3A_389 = tpu.memref_slice %arg24[%dma_wait3A_388] : memref<1664xi32, #tpu.memory_space<vmem>> -> memref<128xi32, #tpu.memory_space<vmem>>
      %dma_wait3A_390 = arith.constant 0 : i32
      %dma_wait3A_391 = tpu.memref_slice %arg14[%dma_wait3A_390] : memref<2600000xf32, #tpu.memory_space<hbm>> -> memref<2600000xf32, #tpu.memory_space<hbm>>
      tpu.wait_indirect_dma semaphore(%arg34 : memref<!tpu.dma_semaphore, #tpu.memory_space<semaphore_mem>>) src(%dma_wait3A_391 : memref<2600000xf32, #tpu.memory_space<hbm>>) dst(%dma_wait3A_387 : memref<128xf32, #tpu.memory_space<vmem>>)
      %dma_wait3A_392 = arith.constant 0 : i32
      %dma_wait3A_393 = arith.constant 0 : i32
      %dma_wait3A_394 = tpu.memref_slice %arg28[%dma_wait3A_392, %dma_wait3A_393] : memref<832x16xf32, #tpu.memory_space<vmem>> -> memref<64x16xf32, #tpu.memory_space<vmem>>
      %dma_wait3A_395 = arith.constant 0 : i32
      %dma_wait3A_396 = tpu.memref_slice %arg25[%dma_wait3A_395] : memref<832xi32, #tpu.memory_space<vmem>> -> memref<64xi32, #tpu.memory_space<vmem>>
      %dma_wait3A_397 = arith.constant 0 : i32
      %dma_wait3A_398 = arith.constant 0 : i32
      %dma_wait3A_399 = tpu.memref_slice %arg15[%dma_wait3A_397, %dma_wait3A_398] : memref<1300000x16xf32, #tpu.memory_space<hbm>> -> memref<1300000x16xf32, #tpu.memory_space<hbm>>
      tpu.wait_indirect_dma semaphore(%arg35 : memref<!tpu.dma_semaphore, #tpu.memory_space<semaphore_mem>>) src(%dma_wait3A_399 : memref<1300000x16xf32, #tpu.memory_space<hbm>>) dst(%dma_wait3A_394 : memref<64x16xf32, #tpu.memory_space<vmem>>)
      %dma_wait3A_400 = arith.constant 0 : i32
      %dma_wait3A_401 = arith.constant 0 : i32
      %dma_wait3A_402 = tpu.memref_slice %arg29[%dma_wait3A_400, %dma_wait3A_401] : memref<832x16xf32, #tpu.memory_space<vmem>> -> memref<64x16xf32, #tpu.memory_space<vmem>>
      %dma_wait3A_403 = arith.constant 0 : i32
      %dma_wait3A_404 = tpu.memref_slice %arg26[%dma_wait3A_403] : memref<832xi32, #tpu.memory_space<vmem>> -> memref<64xi32, #tpu.memory_space<vmem>>
      %dma_wait3A_405 = arith.constant 0 : i32
      %dma_wait3A_406 = arith.constant 0 : i32
      %dma_wait3A_407 = tpu.memref_slice %arg16[%dma_wait3A_405, %dma_wait3A_406] : memref<1300000x16xf32, #tpu.memory_space<hbm>> -> memref<1300000x16xf32, #tpu.memory_space<hbm>>
      tpu.wait_indirect_dma semaphore(%arg35 : memref<!tpu.dma_semaphore, #tpu.memory_space<semaphore_mem>>) src(%dma_wait3A_407 : memref<1300000x16xf32, #tpu.memory_space<hbm>>) dst(%dma_wait3A_402 : memref<64x16xf32, #tpu.memory_space<vmem>>)
      %dma_wait3A_408 = arith.constant 64 : i32
      %dma_wait3A_409 = arith.constant 0 : i32
      %dma_wait3A_410 = tpu.memref_slice %arg28[%dma_wait3A_408, %dma_wait3A_409] : memref<832x16xf32, #tpu.memory_space<vmem>> -> memref<64x16xf32, #tpu.memory_space<vmem>>
      %dma_wait3A_411 = arith.constant 64 : i32
      %dma_wait3A_412 = tpu.memref_slice %arg25[%dma_wait3A_411] : memref<832xi32, #tpu.memory_space<vmem>> -> memref<64xi32, #tpu.memory_space<vmem>>
      %dma_wait3A_413 = arith.constant 0 : i32
      %dma_wait3A_414 = arith.constant 0 : i32
      %dma_wait3A_415 = tpu.memref_slice %arg15[%dma_wait3A_413, %dma_wait3A_414] : memref<1300000x16xf32, #tpu.memory_space<hbm>> -> memref<1300000x16xf32, #tpu.memory_space<hbm>>
      tpu.wait_indirect_dma semaphore(%arg35 : memref<!tpu.dma_semaphore, #tpu.memory_space<semaphore_mem>>) src(%dma_wait3A_415 : memref<1300000x16xf32, #tpu.memory_space<hbm>>) dst(%dma_wait3A_410 : memref<64x16xf32, #tpu.memory_space<vmem>>)
      %dma_wait3A_416 = arith.constant 64 : i32
      %dma_wait3A_417 = arith.constant 0 : i32
      %dma_wait3A_418 = tpu.memref_slice %arg29[%dma_wait3A_416, %dma_wait3A_417] : memref<832x16xf32, #tpu.memory_space<vmem>> -> memref<64x16xf32, #tpu.memory_space<vmem>>
      %dma_wait3A_419 = arith.constant 64 : i32
      %dma_wait3A_420 = tpu.memref_slice %arg26[%dma_wait3A_419] : memref<832xi32, #tpu.memory_space<vmem>> -> memref<64xi32, #tpu.memory_space<vmem>>
      %dma_wait3A_421 = arith.constant 0 : i32
      %dma_wait3A_422 = arith.constant 0 : i32
      %dma_wait3A_423 = tpu.memref_slice %arg16[%dma_wait3A_421, %dma_wait3A_422] : memref<1300000x16xf32, #tpu.memory_space<hbm>> -> memref<1300000x16xf32, #tpu.memory_space<hbm>>
      tpu.wait_indirect_dma semaphore(%arg35 : memref<!tpu.dma_semaphore, #tpu.memory_space<semaphore_mem>>) src(%dma_wait3A_423 : memref<1300000x16xf32, #tpu.memory_space<hbm>>) dst(%dma_wait3A_418 : memref<64x16xf32, #tpu.memory_space<vmem>>)
      %dma_wait3A_424 = arith.constant 128 : i32
      %dma_wait3A_425 = arith.constant 0 : i32
      %dma_wait3A_426 = tpu.memref_slice %arg28[%dma_wait3A_424, %dma_wait3A_425] : memref<832x16xf32, #tpu.memory_space<vmem>> -> memref<64x16xf32, #tpu.memory_space<vmem>>
      %dma_wait3A_427 = arith.constant 128 : i32
      %dma_wait3A_428 = tpu.memref_slice %arg25[%dma_wait3A_427] : memref<832xi32, #tpu.memory_space<vmem>> -> memref<64xi32, #tpu.memory_space<vmem>>
      %dma_wait3A_429 = arith.constant 0 : i32
      %dma_wait3A_430 = arith.constant 0 : i32
      %dma_wait3A_431 = tpu.memref_slice %arg15[%dma_wait3A_429, %dma_wait3A_430] : memref<1300000x16xf32, #tpu.memory_space<hbm>> -> memref<1300000x16xf32, #tpu.memory_space<hbm>>
      tpu.wait_indirect_dma semaphore(%arg35 : memref<!tpu.dma_semaphore, #tpu.memory_space<semaphore_mem>>) src(%dma_wait3A_431 : memref<1300000x16xf32, #tpu.memory_space<hbm>>) dst(%dma_wait3A_426 : memref<64x16xf32, #tpu.memory_space<vmem>>)
      %dma_wait3A_432 = arith.constant 128 : i32
      %dma_wait3A_433 = arith.constant 0 : i32
      %dma_wait3A_434 = tpu.memref_slice %arg29[%dma_wait3A_432, %dma_wait3A_433] : memref<832x16xf32, #tpu.memory_space<vmem>> -> memref<64x16xf32, #tpu.memory_space<vmem>>
      %dma_wait3A_435 = arith.constant 128 : i32
      %dma_wait3A_436 = tpu.memref_slice %arg26[%dma_wait3A_435] : memref<832xi32, #tpu.memory_space<vmem>> -> memref<64xi32, #tpu.memory_space<vmem>>
      %dma_wait3A_437 = arith.constant 0 : i32
      %dma_wait3A_438 = arith.constant 0 : i32
      %dma_wait3A_439 = tpu.memref_slice %arg16[%dma_wait3A_437, %dma_wait3A_438] : memref<1300000x16xf32, #tpu.memory_space<hbm>> -> memref<1300000x16xf32, #tpu.memory_space<hbm>>
      tpu.wait_indirect_dma semaphore(%arg35 : memref<!tpu.dma_semaphore, #tpu.memory_space<semaphore_mem>>) src(%dma_wait3A_439 : memref<1300000x16xf32, #tpu.memory_space<hbm>>) dst(%dma_wait3A_434 : memref<64x16xf32, #tpu.memory_space<vmem>>)
      %dma_wait3A_440 = arith.constant 192 : i32
      %dma_wait3A_441 = arith.constant 0 : i32
      %dma_wait3A_442 = tpu.memref_slice %arg28[%dma_wait3A_440, %dma_wait3A_441] : memref<832x16xf32, #tpu.memory_space<vmem>> -> memref<64x16xf32, #tpu.memory_space<vmem>>
      %dma_wait3A_443 = arith.constant 192 : i32
      %dma_wait3A_444 = tpu.memref_slice %arg25[%dma_wait3A_443] : memref<832xi32, #tpu.memory_space<vmem>> -> memref<64xi32, #tpu.memory_space<vmem>>
      %dma_wait3A_445 = arith.constant 0 : i32
      %dma_wait3A_446 = arith.constant 0 : i32
      %dma_wait3A_447 = tpu.memref_slice %arg15[%dma_wait3A_445, %dma_wait3A_446] : memref<1300000x16xf32, #tpu.memory_space<hbm>> -> memref<1300000x16xf32, #tpu.memory_space<hbm>>
      tpu.wait_indirect_dma semaphore(%arg35 : memref<!tpu.dma_semaphore, #tpu.memory_space<semaphore_mem>>) src(%dma_wait3A_447 : memref<1300000x16xf32, #tpu.memory_space<hbm>>) dst(%dma_wait3A_442 : memref<64x16xf32, #tpu.memory_space<vmem>>)
      %dma_wait3A_448 = arith.constant 192 : i32
      %dma_wait3A_449 = arith.constant 0 : i32
      %dma_wait3A_450 = tpu.memref_slice %arg29[%dma_wait3A_448, %dma_wait3A_449] : memref<832x16xf32, #tpu.memory_space<vmem>> -> memref<64x16xf32, #tpu.memory_space<vmem>>
      %dma_wait3A_451 = arith.constant 192 : i32
      %dma_wait3A_452 = tpu.memref_slice %arg26[%dma_wait3A_451] : memref<832xi32, #tpu.memory_space<vmem>> -> memref<64xi32, #tpu.memory_space<vmem>>
      %dma_wait3A_453 = arith.constant 0 : i32
      %dma_wait3A_454 = arith.constant 0 : i32
      %dma_wait3A_455 = tpu.memref_slice %arg16[%dma_wait3A_453, %dma_wait3A_454] : memref<1300000x16xf32, #tpu.memory_space<hbm>> -> memref<1300000x16xf32, #tpu.memory_space<hbm>>
      tpu.wait_indirect_dma semaphore(%arg35 : memref<!tpu.dma_semaphore, #tpu.memory_space<semaphore_mem>>) src(%dma_wait3A_455 : memref<1300000x16xf32, #tpu.memory_space<hbm>>) dst(%dma_wait3A_450 : memref<64x16xf32, #tpu.memory_space<vmem>>)
      %dma_wait3A_456 = arith.constant 256 : i32
      %dma_wait3A_457 = arith.constant 0 : i32
      %dma_wait3A_458 = tpu.memref_slice %arg28[%dma_wait3A_456, %dma_wait3A_457] : memref<832x16xf32, #tpu.memory_space<vmem>> -> memref<64x16xf32, #tpu.memory_space<vmem>>
      %dma_wait3A_459 = arith.constant 256 : i32
      %dma_wait3A_460 = tpu.memref_slice %arg25[%dma_wait3A_459] : memref<832xi32, #tpu.memory_space<vmem>> -> memref<64xi32, #tpu.memory_space<vmem>>
      %dma_wait3A_461 = arith.constant 0 : i32
      %dma_wait3A_462 = arith.constant 0 : i32
      %dma_wait3A_463 = tpu.memref_slice %arg15[%dma_wait3A_461, %dma_wait3A_462] : memref<1300000x16xf32, #tpu.memory_space<hbm>> -> memref<1300000x16xf32, #tpu.memory_space<hbm>>
      tpu.wait_indirect_dma semaphore(%arg35 : memref<!tpu.dma_semaphore, #tpu.memory_space<semaphore_mem>>) src(%dma_wait3A_463 : memref<1300000x16xf32, #tpu.memory_space<hbm>>) dst(%dma_wait3A_458 : memref<64x16xf32, #tpu.memory_space<vmem>>)
      %dma_wait3A_464 = arith.constant 256 : i32
      %dma_wait3A_465 = arith.constant 0 : i32
      %dma_wait3A_466 = tpu.memref_slice %arg29[%dma_wait3A_464, %dma_wait3A_465] : memref<832x16xf32, #tpu.memory_space<vmem>> -> memref<64x16xf32, #tpu.memory_space<vmem>>
      %dma_wait3A_467 = arith.constant 256 : i32
      %dma_wait3A_468 = tpu.memref_slice %arg26[%dma_wait3A_467] : memref<832xi32, #tpu.memory_space<vmem>> -> memref<64xi32, #tpu.memory_space<vmem>>
      %dma_wait3A_469 = arith.constant 0 : i32
      %dma_wait3A_470 = arith.constant 0 : i32
      %dma_wait3A_471 = tpu.memref_slice %arg16[%dma_wait3A_469, %dma_wait3A_470] : memref<1300000x16xf32, #tpu.memory_space<hbm>> -> memref<1300000x16xf32, #tpu.memory_space<hbm>>
      tpu.wait_indirect_dma semaphore(%arg35 : memref<!tpu.dma_semaphore, #tpu.memory_space<semaphore_mem>>) src(%dma_wait3A_471 : memref<1300000x16xf32, #tpu.memory_space<hbm>>) dst(%dma_wait3A_466 : memref<64x16xf32, #tpu.memory_space<vmem>>)
      %dma_wait3A_472 = arith.constant 320 : i32
      %dma_wait3A_473 = arith.constant 0 : i32
      %dma_wait3A_474 = tpu.memref_slice %arg28[%dma_wait3A_472, %dma_wait3A_473] : memref<832x16xf32, #tpu.memory_space<vmem>> -> memref<64x16xf32, #tpu.memory_space<vmem>>
      %dma_wait3A_475 = arith.constant 320 : i32
      %dma_wait3A_476 = tpu.memref_slice %arg25[%dma_wait3A_475] : memref<832xi32, #tpu.memory_space<vmem>> -> memref<64xi32, #tpu.memory_space<vmem>>
      %dma_wait3A_477 = arith.constant 0 : i32
      %dma_wait3A_478 = arith.constant 0 : i32
      %dma_wait3A_479 = tpu.memref_slice %arg15[%dma_wait3A_477, %dma_wait3A_478] : memref<1300000x16xf32, #tpu.memory_space<hbm>> -> memref<1300000x16xf32, #tpu.memory_space<hbm>>
      tpu.wait_indirect_dma semaphore(%arg35 : memref<!tpu.dma_semaphore, #tpu.memory_space<semaphore_mem>>) src(%dma_wait3A_479 : memref<1300000x16xf32, #tpu.memory_space<hbm>>) dst(%dma_wait3A_474 : memref<64x16xf32, #tpu.memory_space<vmem>>)
      %dma_wait3A_480 = arith.constant 320 : i32
      %dma_wait3A_481 = arith.constant 0 : i32
      %dma_wait3A_482 = tpu.memref_slice %arg29[%dma_wait3A_480, %dma_wait3A_481] : memref<832x16xf32, #tpu.memory_space<vmem>> -> memref<64x16xf32, #tpu.memory_space<vmem>>
      %dma_wait3A_483 = arith.constant 320 : i32
      %dma_wait3A_484 = tpu.memref_slice %arg26[%dma_wait3A_483] : memref<832xi32, #tpu.memory_space<vmem>> -> memref<64xi32, #tpu.memory_space<vmem>>
      %dma_wait3A_485 = arith.constant 0 : i32
      %dma_wait3A_486 = arith.constant 0 : i32
      %dma_wait3A_487 = tpu.memref_slice %arg16[%dma_wait3A_485, %dma_wait3A_486] : memref<1300000x16xf32, #tpu.memory_space<hbm>> -> memref<1300000x16xf32, #tpu.memory_space<hbm>>
      tpu.wait_indirect_dma semaphore(%arg35 : memref<!tpu.dma_semaphore, #tpu.memory_space<semaphore_mem>>) src(%dma_wait3A_487 : memref<1300000x16xf32, #tpu.memory_space<hbm>>) dst(%dma_wait3A_482 : memref<64x16xf32, #tpu.memory_space<vmem>>)
      %dma_wait3A_488 = arith.constant 384 : i32
      %dma_wait3A_489 = arith.constant 0 : i32
      %dma_wait3A_490 = tpu.memref_slice %arg28[%dma_wait3A_488, %dma_wait3A_489] : memref<832x16xf32, #tpu.memory_space<vmem>> -> memref<64x16xf32, #tpu.memory_space<vmem>>
      %dma_wait3A_491 = arith.constant 384 : i32
      %dma_wait3A_492 = tpu.memref_slice %arg25[%dma_wait3A_491] : memref<832xi32, #tpu.memory_space<vmem>> -> memref<64xi32, #tpu.memory_space<vmem>>
      %dma_wait3A_493 = arith.constant 0 : i32
      %dma_wait3A_494 = arith.constant 0 : i32
      %dma_wait3A_495 = tpu.memref_slice %arg15[%dma_wait3A_493, %dma_wait3A_494] : memref<1300000x16xf32, #tpu.memory_space<hbm>> -> memref<1300000x16xf32, #tpu.memory_space<hbm>>
      tpu.wait_indirect_dma semaphore(%arg35 : memref<!tpu.dma_semaphore, #tpu.memory_space<semaphore_mem>>) src(%dma_wait3A_495 : memref<1300000x16xf32, #tpu.memory_space<hbm>>) dst(%dma_wait3A_490 : memref<64x16xf32, #tpu.memory_space<vmem>>)
      %dma_wait3A_496 = arith.constant 384 : i32
      %dma_wait3A_497 = arith.constant 0 : i32
      %dma_wait3A_498 = tpu.memref_slice %arg29[%dma_wait3A_496, %dma_wait3A_497] : memref<832x16xf32, #tpu.memory_space<vmem>> -> memref<64x16xf32, #tpu.memory_space<vmem>>
      %dma_wait3A_499 = arith.constant 384 : i32
      %dma_wait3A_500 = tpu.memref_slice %arg26[%dma_wait3A_499] : memref<832xi32, #tpu.memory_space<vmem>> -> memref<64xi32, #tpu.memory_space<vmem>>
      %dma_wait3A_501 = arith.constant 0 : i32
      %dma_wait3A_502 = arith.constant 0 : i32
      %dma_wait3A_503 = tpu.memref_slice %arg16[%dma_wait3A_501, %dma_wait3A_502] : memref<1300000x16xf32, #tpu.memory_space<hbm>> -> memref<1300000x16xf32, #tpu.memory_space<hbm>>
      tpu.wait_indirect_dma semaphore(%arg35 : memref<!tpu.dma_semaphore, #tpu.memory_space<semaphore_mem>>) src(%dma_wait3A_503 : memref<1300000x16xf32, #tpu.memory_space<hbm>>) dst(%dma_wait3A_498 : memref<64x16xf32, #tpu.memory_space<vmem>>)
      %dma_wait3A_504 = arith.constant 448 : i32
      %dma_wait3A_505 = arith.constant 0 : i32
      %dma_wait3A_506 = tpu.memref_slice %arg28[%dma_wait3A_504, %dma_wait3A_505] : memref<832x16xf32, #tpu.memory_space<vmem>> -> memref<64x16xf32, #tpu.memory_space<vmem>>
      %dma_wait3A_507 = arith.constant 448 : i32
      %dma_wait3A_508 = tpu.memref_slice %arg25[%dma_wait3A_507] : memref<832xi32, #tpu.memory_space<vmem>> -> memref<64xi32, #tpu.memory_space<vmem>>
      %dma_wait3A_509 = arith.constant 0 : i32
      %dma_wait3A_510 = arith.constant 0 : i32
      %dma_wait3A_511 = tpu.memref_slice %arg15[%dma_wait3A_509, %dma_wait3A_510] : memref<1300000x16xf32, #tpu.memory_space<hbm>> -> memref<1300000x16xf32, #tpu.memory_space<hbm>>
      tpu.wait_indirect_dma semaphore(%arg35 : memref<!tpu.dma_semaphore, #tpu.memory_space<semaphore_mem>>) src(%dma_wait3A_511 : memref<1300000x16xf32, #tpu.memory_space<hbm>>) dst(%dma_wait3A_506 : memref<64x16xf32, #tpu.memory_space<vmem>>)
      %dma_wait3A_512 = arith.constant 448 : i32
      %dma_wait3A_513 = arith.constant 0 : i32
      %dma_wait3A_514 = tpu.memref_slice %arg29[%dma_wait3A_512, %dma_wait3A_513] : memref<832x16xf32, #tpu.memory_space<vmem>> -> memref<64x16xf32, #tpu.memory_space<vmem>>
      %dma_wait3A_515 = arith.constant 448 : i32
      %dma_wait3A_516 = tpu.memref_slice %arg26[%dma_wait3A_515] : memref<832xi32, #tpu.memory_space<vmem>> -> memref<64xi32, #tpu.memory_space<vmem>>
      %dma_wait3A_517 = arith.constant 0 : i32
      %dma_wait3A_518 = arith.constant 0 : i32
      %dma_wait3A_519 = tpu.memref_slice %arg16[%dma_wait3A_517, %dma_wait3A_518] : memref<1300000x16xf32, #tpu.memory_space<hbm>> -> memref<1300000x16xf32, #tpu.memory_space<hbm>>
      tpu.wait_indirect_dma semaphore(%arg35 : memref<!tpu.dma_semaphore, #tpu.memory_space<semaphore_mem>>) src(%dma_wait3A_519 : memref<1300000x16xf32, #tpu.memory_space<hbm>>) dst(%dma_wait3A_514 : memref<64x16xf32, #tpu.memory_space<vmem>>)
      %dma_wait3A_520 = arith.constant 512 : i32
      %dma_wait3A_521 = arith.constant 0 : i32
      %dma_wait3A_522 = tpu.memref_slice %arg28[%dma_wait3A_520, %dma_wait3A_521] : memref<832x16xf32, #tpu.memory_space<vmem>> -> memref<64x16xf32, #tpu.memory_space<vmem>>
      %dma_wait3A_523 = arith.constant 512 : i32
      %dma_wait3A_524 = tpu.memref_slice %arg25[%dma_wait3A_523] : memref<832xi32, #tpu.memory_space<vmem>> -> memref<64xi32, #tpu.memory_space<vmem>>
      %dma_wait3A_525 = arith.constant 0 : i32
      %dma_wait3A_526 = arith.constant 0 : i32
      %dma_wait3A_527 = tpu.memref_slice %arg15[%dma_wait3A_525, %dma_wait3A_526] : memref<1300000x16xf32, #tpu.memory_space<hbm>> -> memref<1300000x16xf32, #tpu.memory_space<hbm>>
      tpu.wait_indirect_dma semaphore(%arg35 : memref<!tpu.dma_semaphore, #tpu.memory_space<semaphore_mem>>) src(%dma_wait3A_527 : memref<1300000x16xf32, #tpu.memory_space<hbm>>) dst(%dma_wait3A_522 : memref<64x16xf32, #tpu.memory_space<vmem>>)
      %dma_wait3A_528 = arith.constant 512 : i32
      %dma_wait3A_529 = arith.constant 0 : i32
      %dma_wait3A_530 = tpu.memref_slice %arg29[%dma_wait3A_528, %dma_wait3A_529] : memref<832x16xf32, #tpu.memory_space<vmem>> -> memref<64x16xf32, #tpu.memory_space<vmem>>
      %dma_wait3A_531 = arith.constant 512 : i32
      %dma_wait3A_532 = tpu.memref_slice %arg26[%dma_wait3A_531] : memref<832xi32, #tpu.memory_space<vmem>> -> memref<64xi32, #tpu.memory_space<vmem>>
      %dma_wait3A_533 = arith.constant 0 : i32
      %dma_wait3A_534 = arith.constant 0 : i32
      %dma_wait3A_535 = tpu.memref_slice %arg16[%dma_wait3A_533, %dma_wait3A_534] : memref<1300000x16xf32, #tpu.memory_space<hbm>> -> memref<1300000x16xf32, #tpu.memory_space<hbm>>
      tpu.wait_indirect_dma semaphore(%arg35 : memref<!tpu.dma_semaphore, #tpu.memory_space<semaphore_mem>>) src(%dma_wait3A_535 : memref<1300000x16xf32, #tpu.memory_space<hbm>>) dst(%dma_wait3A_530 : memref<64x16xf32, #tpu.memory_space<vmem>>)
      %dma_wait3A_536 = arith.constant 576 : i32
      %dma_wait3A_537 = arith.constant 0 : i32
      %dma_wait3A_538 = tpu.memref_slice %arg28[%dma_wait3A_536, %dma_wait3A_537] : memref<832x16xf32, #tpu.memory_space<vmem>> -> memref<64x16xf32, #tpu.memory_space<vmem>>
      %dma_wait3A_539 = arith.constant 576 : i32
      %dma_wait3A_540 = tpu.memref_slice %arg25[%dma_wait3A_539] : memref<832xi32, #tpu.memory_space<vmem>> -> memref<64xi32, #tpu.memory_space<vmem>>
      %dma_wait3A_541 = arith.constant 0 : i32
      %dma_wait3A_542 = arith.constant 0 : i32
      %dma_wait3A_543 = tpu.memref_slice %arg15[%dma_wait3A_541, %dma_wait3A_542] : memref<1300000x16xf32, #tpu.memory_space<hbm>> -> memref<1300000x16xf32, #tpu.memory_space<hbm>>
      tpu.wait_indirect_dma semaphore(%arg35 : memref<!tpu.dma_semaphore, #tpu.memory_space<semaphore_mem>>) src(%dma_wait3A_543 : memref<1300000x16xf32, #tpu.memory_space<hbm>>) dst(%dma_wait3A_538 : memref<64x16xf32, #tpu.memory_space<vmem>>)
      %dma_wait3A_544 = arith.constant 576 : i32
      %dma_wait3A_545 = arith.constant 0 : i32
      %dma_wait3A_546 = tpu.memref_slice %arg29[%dma_wait3A_544, %dma_wait3A_545] : memref<832x16xf32, #tpu.memory_space<vmem>> -> memref<64x16xf32, #tpu.memory_space<vmem>>
      %dma_wait3A_547 = arith.constant 576 : i32
      %dma_wait3A_548 = tpu.memref_slice %arg26[%dma_wait3A_547] : memref<832xi32, #tpu.memory_space<vmem>> -> memref<64xi32, #tpu.memory_space<vmem>>
      %dma_wait3A_549 = arith.constant 0 : i32
      %dma_wait3A_550 = arith.constant 0 : i32
      %dma_wait3A_551 = tpu.memref_slice %arg16[%dma_wait3A_549, %dma_wait3A_550] : memref<1300000x16xf32, #tpu.memory_space<hbm>> -> memref<1300000x16xf32, #tpu.memory_space<hbm>>
      tpu.wait_indirect_dma semaphore(%arg35 : memref<!tpu.dma_semaphore, #tpu.memory_space<semaphore_mem>>) src(%dma_wait3A_551 : memref<1300000x16xf32, #tpu.memory_space<hbm>>) dst(%dma_wait3A_546 : memref<64x16xf32, #tpu.memory_space<vmem>>)
      %dma_wait3A_552 = arith.constant 640 : i32
      %dma_wait3A_553 = arith.constant 0 : i32
      %dma_wait3A_554 = tpu.memref_slice %arg28[%dma_wait3A_552, %dma_wait3A_553] : memref<832x16xf32, #tpu.memory_space<vmem>> -> memref<64x16xf32, #tpu.memory_space<vmem>>
      %dma_wait3A_555 = arith.constant 640 : i32
      %dma_wait3A_556 = tpu.memref_slice %arg25[%dma_wait3A_555] : memref<832xi32, #tpu.memory_space<vmem>> -> memref<64xi32, #tpu.memory_space<vmem>>
      %dma_wait3A_557 = arith.constant 0 : i32
      %dma_wait3A_558 = arith.constant 0 : i32
      %dma_wait3A_559 = tpu.memref_slice %arg15[%dma_wait3A_557, %dma_wait3A_558] : memref<1300000x16xf32, #tpu.memory_space<hbm>> -> memref<1300000x16xf32, #tpu.memory_space<hbm>>
      tpu.wait_indirect_dma semaphore(%arg35 : memref<!tpu.dma_semaphore, #tpu.memory_space<semaphore_mem>>) src(%dma_wait3A_559 : memref<1300000x16xf32, #tpu.memory_space<hbm>>) dst(%dma_wait3A_554 : memref<64x16xf32, #tpu.memory_space<vmem>>)
      %dma_wait3A_560 = arith.constant 640 : i32
      %dma_wait3A_561 = arith.constant 0 : i32
      %dma_wait3A_562 = tpu.memref_slice %arg29[%dma_wait3A_560, %dma_wait3A_561] : memref<832x16xf32, #tpu.memory_space<vmem>> -> memref<64x16xf32, #tpu.memory_space<vmem>>
      %dma_wait3A_563 = arith.constant 640 : i32
      %dma_wait3A_564 = tpu.memref_slice %arg26[%dma_wait3A_563] : memref<832xi32, #tpu.memory_space<vmem>> -> memref<64xi32, #tpu.memory_space<vmem>>
      %dma_wait3A_565 = arith.constant 0 : i32
      %dma_wait3A_566 = arith.constant 0 : i32
      %dma_wait3A_567 = tpu.memref_slice %arg16[%dma_wait3A_565, %dma_wait3A_566] : memref<1300000x16xf32, #tpu.memory_space<hbm>> -> memref<1300000x16xf32, #tpu.memory_space<hbm>>
      tpu.wait_indirect_dma semaphore(%arg35 : memref<!tpu.dma_semaphore, #tpu.memory_space<semaphore_mem>>) src(%dma_wait3A_567 : memref<1300000x16xf32, #tpu.memory_space<hbm>>) dst(%dma_wait3A_562 : memref<64x16xf32, #tpu.memory_space<vmem>>)
      %dma_wait3A_568 = arith.constant 704 : i32
      %dma_wait3A_569 = arith.constant 0 : i32
      %dma_wait3A_570 = tpu.memref_slice %arg28[%dma_wait3A_568, %dma_wait3A_569] : memref<832x16xf32, #tpu.memory_space<vmem>> -> memref<64x16xf32, #tpu.memory_space<vmem>>
      %dma_wait3A_571 = arith.constant 704 : i32
      %dma_wait3A_572 = tpu.memref_slice %arg25[%dma_wait3A_571] : memref<832xi32, #tpu.memory_space<vmem>> -> memref<64xi32, #tpu.memory_space<vmem>>
      %dma_wait3A_573 = arith.constant 0 : i32
      %dma_wait3A_574 = arith.constant 0 : i32
      %dma_wait3A_575 = tpu.memref_slice %arg15[%dma_wait3A_573, %dma_wait3A_574] : memref<1300000x16xf32, #tpu.memory_space<hbm>> -> memref<1300000x16xf32, #tpu.memory_space<hbm>>
      tpu.wait_indirect_dma semaphore(%arg35 : memref<!tpu.dma_semaphore, #tpu.memory_space<semaphore_mem>>) src(%dma_wait3A_575 : memref<1300000x16xf32, #tpu.memory_space<hbm>>) dst(%dma_wait3A_570 : memref<64x16xf32, #tpu.memory_space<vmem>>)
      %dma_wait3A_576 = arith.constant 704 : i32
      %dma_wait3A_577 = arith.constant 0 : i32
      %dma_wait3A_578 = tpu.memref_slice %arg29[%dma_wait3A_576, %dma_wait3A_577] : memref<832x16xf32, #tpu.memory_space<vmem>> -> memref<64x16xf32, #tpu.memory_space<vmem>>
      %dma_wait3A_579 = arith.constant 704 : i32
      %dma_wait3A_580 = tpu.memref_slice %arg26[%dma_wait3A_579] : memref<832xi32, #tpu.memory_space<vmem>> -> memref<64xi32, #tpu.memory_space<vmem>>
      %dma_wait3A_581 = arith.constant 0 : i32
      %dma_wait3A_582 = arith.constant 0 : i32
      %dma_wait3A_583 = tpu.memref_slice %arg16[%dma_wait3A_581, %dma_wait3A_582] : memref<1300000x16xf32, #tpu.memory_space<hbm>> -> memref<1300000x16xf32, #tpu.memory_space<hbm>>
      tpu.wait_indirect_dma semaphore(%arg35 : memref<!tpu.dma_semaphore, #tpu.memory_space<semaphore_mem>>) src(%dma_wait3A_583 : memref<1300000x16xf32, #tpu.memory_space<hbm>>) dst(%dma_wait3A_578 : memref<64x16xf32, #tpu.memory_space<vmem>>)
      %dma_wait3A_584 = arith.constant 768 : i32
      %dma_wait3A_585 = arith.constant 0 : i32
      %dma_wait3A_586 = tpu.memref_slice %arg28[%dma_wait3A_584, %dma_wait3A_585] : memref<832x16xf32, #tpu.memory_space<vmem>> -> memref<64x16xf32, #tpu.memory_space<vmem>>
      %dma_wait3A_587 = arith.constant 768 : i32
      %dma_wait3A_588 = tpu.memref_slice %arg25[%dma_wait3A_587] : memref<832xi32, #tpu.memory_space<vmem>> -> memref<64xi32, #tpu.memory_space<vmem>>
      %dma_wait3A_589 = arith.constant 0 : i32
      %dma_wait3A_590 = arith.constant 0 : i32
      %dma_wait3A_591 = tpu.memref_slice %arg15[%dma_wait3A_589, %dma_wait3A_590] : memref<1300000x16xf32, #tpu.memory_space<hbm>> -> memref<1300000x16xf32, #tpu.memory_space<hbm>>
      tpu.wait_indirect_dma semaphore(%arg35 : memref<!tpu.dma_semaphore, #tpu.memory_space<semaphore_mem>>) src(%dma_wait3A_591 : memref<1300000x16xf32, #tpu.memory_space<hbm>>) dst(%dma_wait3A_586 : memref<64x16xf32, #tpu.memory_space<vmem>>)
      %dma_wait3A_592 = arith.constant 768 : i32
      %dma_wait3A_593 = arith.constant 0 : i32
      %dma_wait3A_594 = tpu.memref_slice %arg29[%dma_wait3A_592, %dma_wait3A_593] : memref<832x16xf32, #tpu.memory_space<vmem>> -> memref<64x16xf32, #tpu.memory_space<vmem>>
      %dma_wait3A_595 = arith.constant 768 : i32
      %dma_wait3A_596 = tpu.memref_slice %arg26[%dma_wait3A_595] : memref<832xi32, #tpu.memory_space<vmem>> -> memref<64xi32, #tpu.memory_space<vmem>>
      %dma_wait3A_597 = arith.constant 0 : i32
      %dma_wait3A_598 = arith.constant 0 : i32
      %dma_wait3A_599 = tpu.memref_slice %arg16[%dma_wait3A_597, %dma_wait3A_598] : memref<1300000x16xf32, #tpu.memory_space<hbm>> -> memref<1300000x16xf32, #tpu.memory_space<hbm>>
      tpu.wait_indirect_dma semaphore(%arg35 : memref<!tpu.dma_semaphore, #tpu.memory_space<semaphore_mem>>) src(%dma_wait3A_599 : memref<1300000x16xf32, #tpu.memory_space<hbm>>) dst(%dma_wait3A_594 : memref<64x16xf32, #tpu.memory_space<vmem>>)
      %get3A = arith.constant 0 : index
      %get3A_600 = tpu.vector_load %arg23[%get3A] {strides = array<i32>} : memref<16xf32, #tpu.memory_space<vmem>>, vector<16xf32>,
      %get3A_601 = vector.shape_cast %get3A_600 : vector<16xf32> to vector<16xf32>
      %scan3A_602 = arith.constant 0 : i32
      %scan3A_603 = arith.constant 0 : i32
      %scan3A_604 = arith.constant 4 : i32
      %scan3A_605 = arith.addi %scan3A_603, %scan3A_604 : i32
      %scan3A_606 = arith.constant 1 : i32
      scf.for %scan3A_608 = %scan3A_603 to %scan3A_605 step %scan3A_606  : i32 {
        %broadcast_in_dim3A_609 = arith.constant 0.000000e+00 : f32
        %broadcast_in_dim3A_610 = vector.broadcast %broadcast_in_dim3A_609 : f32 to vector<16xf32>
        %scan3A_611 = arith.constant 0 : i32
        %scan3A_612 = arith.constant 16 : i32
        %scan3A_613 = arith.addi %scan3A_611, %scan3A_612 : i32
        %scan3A_614 = arith.constant 1 : i32
        %scan3A_615 = scf.for %scan3A_631 = %scan3A_611 to %scan3A_613 step %scan3A_614 iter_args(%scan3A_632 = %broadcast_in_dim3A_610) -> (vector<16xf32>)  : i32 {
          %mul3A_633 = arith.constant 16 : i32
          %mul3A_634 = arith.muli %scan3A_608, %mul3A_633 : i32
          %add3A_635 = arith.addi %mul3A_634, %scan3A_631 : i32
          %mul3A_636 = arith.constant 26 : i32
          %mul3A_637 = arith.muli %add3A_635, %mul3A_636 : i32
          %get3A_638 = arith.index_cast %add3A_635 : i32 to index
          %get3A_639 = arith.constant 0 : index
          %get3A_640 = tpu.vector_load %arg30[%get3A_638, %get3A_639] {strides = array<i32>} : memref<64x48xf32, #tpu.memory_space<vmem>>, vector<1x16xf32>,
          %get3A_641 = vector.shape_cast %get3A_640 : vector<1x16xf32> to vector<16xf32>
          %get3A_642 = arith.index_cast %add3A_635 : i32 to index
          %get3A_643 = arith.constant 16 : index
          %get3A_644 = tpu.vector_load %arg30[%get3A_642, %get3A_643] {strides = array<i32>} : memref<64x48xf32, #tpu.memory_space<vmem>>, vector<1x16xf32>,
          %get3A_645 = vector.shape_cast %get3A_644 : vector<1x16xf32> to vector<16xf32>
          %get3A_646 = arith.index_cast %add3A_635 : i32 to index
          %get3A_647 = arith.constant 32 : index
          %get3A_648 = tpu.vector_load %arg30[%get3A_646, %get3A_647] {strides = array<i32>} : memref<64x48xf32, #tpu.memory_space<vmem>>, vector<1x16xf32>,
          %get3A_649 = vector.shape_cast %get3A_648 : vector<1x16xf32> to vector<16xf32>
          %get3A_650 = arith.index_cast %add3A_635 : i32 to index
          %get3A_651 = arith.constant 0 : index
          %get3A_652 = tpu.vector_load %arg32[%get3A_650, %get3A_651] {strides = array<i32>} : memref<64x16xf32, #tpu.memory_space<vmem>>, vector<1x16xf32>,
          %get3A_653 = vector.shape_cast %get3A_652 : vector<1x16xf32> to vector<16xf32>
          %get3A_654 = arith.index_cast %mul3A_637 : i32 to index
          %get3A_655 = tpu.vector_load %arg27[%get3A_654] {strides = array<i32>} : memref<1696xf32, #tpu.memory_space<vmem>>, vector<16xf32>,
          %get3A_656 = vector.shape_cast %get3A_655 : vector<16xf32> to vector<16xf32>
          %add3A_657 = arith.constant 16 : i32
          %add3A_658 = arith.addi %mul3A_637, %add3A_657 : i32
          %get3A_659 = arith.index_cast %add3A_658 : i32 to index
          %get3A_660 = tpu.vector_load %arg27[%get3A_659] {strides = array<i32>} : memref<1696xf32, #tpu.memory_space<vmem>>, vector<16xf32>,
          %get3A_661 = vector.shape_cast %get3A_660 : vector<16xf32> to vector<16xf32>
          %get3A_662 = arith.index_cast %add3A_635 : i32 to index
          %get3A_663 = arith.constant 0 : index
          %get3A_664 = tpu.vector_load %arg31[%get3A_662, %get3A_663] {strides = array<i32>} : memref<64x32xf32, #tpu.memory_space<vmem>>, vector<1x16xf32>,
          %get3A_665 = vector.shape_cast %get3A_664 : vector<1x16xf32> to vector<16xf32>
          %get3A_666 = arith.index_cast %add3A_635 : i32 to index
          %get3A_667 = arith.constant 16 : index
          %get3A_668 = tpu.vector_load %arg31[%get3A_666, %get3A_667] {strides = array<i32>} : memref<64x32xf32, #tpu.memory_space<vmem>>, vector<1x16xf32>,
          %get3A_669 = vector.shape_cast %get3A_668 : vector<1x16xf32> to vector<16xf32>
          %mul3A_670 = arith.mulf %get3A_656, %get3A_665 : vector<16xf32>
          %mul3A_671 = arith.mulf %get3A_661, %get3A_669 : vector<16xf32>
          %add3A_672 = arith.addf %mul3A_670, %mul3A_671 : vector<16xf32>
          %broadcast_in_dim3A_673 = arith.constant 0.000000e+00 : f32
          %broadcast_in_dim3A_674 = vector.broadcast %broadcast_in_dim3A_673 : f32 to vector<16xf32>
          %broadcast_in_dim3A_675 = arith.constant 0.000000e+00 : f32
          %broadcast_in_dim3A_676 = vector.broadcast %broadcast_in_dim3A_675 : f32 to vector<16xf32>
          %broadcast_in_dim3A_677 = arith.constant 0.000000e+00 : f32
          %broadcast_in_dim3A_678 = vector.broadcast %broadcast_in_dim3A_677 : f32 to vector<16xf32>
          %slice3A = vector.extract_strided_slice %get3A_653 {offsets = [0], sizes = [1], strides = [1]} : vector<16xf32> to vector<1xf32>
          %squeeze3A = vector.extract %slice3A[0] : f32 from vector<1xf32>
          %slice3A_679 = vector.extract_strided_slice %get3A_641 {offsets = [0], sizes = [1], strides = [1]} : vector<16xf32> to vector<1xf32>
          %squeeze3A_680 = vector.extract %slice3A_679[0] : f32 from vector<1xf32>
          %get3A_681 = arith.constant 0 : i32
          %get3A_682 = arith.index_cast %get3A_681 : i32 to index
          %get3A_683 = arith.constant 0 : index
          %get3A_684 = tpu.vector_load %arg18[%get3A_682, %get3A_683] {strides = array<i32>} : memref<13x16xf32, #tpu.memory_space<vmem>>, vector<1x16xf32>,
          %get3A_685 = vector.shape_cast %get3A_684 : vector<1x16xf32> to vector<16xf32>
          %mul3A_686 = vector.broadcast %squeeze3A : f32 to vector<16xf32>
          %mul3A_687 = arith.mulf %get3A_685, %mul3A_686 : vector<16xf32>
          %get3A_688 = arith.constant 0 : i32
          %get3A_689 = arith.index_cast %get3A_688 : i32 to index
          %get3A_690 = arith.constant 0 : index
          %get3A_691 = tpu.vector_load %arg19[%get3A_689, %get3A_690] {strides = array<i32>} : memref<13x16xf32, #tpu.memory_space<vmem>>, vector<1x16xf32>,
          %get3A_692 = vector.shape_cast %get3A_691 : vector<1x16xf32> to vector<16xf32>
          %add3A_693 = arith.addf %mul3A_687, %get3A_692 : vector<16xf32>
          %mul3A_694 = vector.broadcast %squeeze3A_680 : f32 to vector<16xf32>
          %mul3A_695 = arith.mulf %add3A_693, %mul3A_694 : vector<16xf32>
          %add3A_696 = arith.addf %add3A_672, %mul3A_695 : vector<16xf32>
          %get3A_697 = arith.constant 0 : i32
          %get3A_698 = arith.index_cast %get3A_697 : i32 to index
          %get3A_699 = arith.constant 0 : index
          %get3A_700 = tpu.vector_load %arg20[%get3A_698, %get3A_699] {strides = array<i32>} : memref<13x16xf32, #tpu.memory_space<vmem>>, vector<1x16xf32>,
          %get3A_701 = vector.shape_cast %get3A_700 : vector<1x16xf32> to vector<16xf32>
          %mul3A_702 = vector.broadcast %squeeze3A : f32 to vector<16xf32>
          %mul3A_703 = arith.mulf %get3A_701, %mul3A_702 : vector<16xf32>
          %get3A_704 = arith.constant 0 : i32
          %get3A_705 = arith.index_cast %get3A_704 : i32 to index
          %get3A_706 = arith.constant 0 : index
          %get3A_707 = tpu.vector_load %arg21[%get3A_705, %get3A_706] {strides = array<i32>} : memref<13x16xf32, #tpu.memory_space<vmem>>, vector<1x16xf32>,
          %get3A_708 = vector.shape_cast %get3A_707 : vector<1x16xf32> to vector<16xf32>
          %add3A_709 = arith.addf %mul3A_703, %get3A_708 : vector<16xf32>
          %mul3A_710 = vector.broadcast %squeeze3A_680 : f32 to vector<16xf32>
          %mul3A_711 = arith.mulf %add3A_709, %mul3A_710 : vector<16xf32>
          %add3A_712 = arith.addf %broadcast_in_dim3A_674, %mul3A_711 : vector<16xf32>
          %mul3A_713 = arith.mulf %mul3A_711, %mul3A_711 : vector<16xf32>
          %add3A_714 = arith.addf %broadcast_in_dim3A_676, %mul3A_713 : vector<16xf32>
          %get3A_715 = arith.constant 0 : i32
          %get3A_716 = arith.index_cast %get3A_715 : i32 to index
          %get3A_717 = arith.constant 0 : index
          %get3A_718 = tpu.vector_load %arg22[%get3A_716, %get3A_717] {strides = array<i32>} : memref<39x16xf32, #tpu.memory_space<vmem>>, vector<1x16xf32>,
          %get3A_719 = vector.shape_cast %get3A_718 : vector<1x16xf32> to vector<16xf32>
          %mul3A_720 = arith.mulf %mul3A_711, %get3A_719 : vector<16xf32>
          %add3A_721 = arith.addf %broadcast_in_dim3A_678, %mul3A_720 : vector<16xf32>
          %slice3A_722 = vector.extract_strided_slice %get3A_653 {offsets = [1], sizes = [1], strides = [1]} : vector<16xf32> to vector<1xf32>
          %squeeze3A_723 = vector.extract %slice3A_722[0] : f32 from vector<1xf32>
          %slice3A_724 = vector.extract_strided_slice %get3A_641 {offsets = [1], sizes = [1], strides = [1]} : vector<16xf32> to vector<1xf32>
          %squeeze3A_725 = vector.extract %slice3A_724[0] : f32 from vector<1xf32>
          %get3A_726 = arith.constant 1 : i32
          %get3A_727 = arith.index_cast %get3A_726 : i32 to index
          %get3A_728 = arith.constant 0 : index
          %get3A_729 = tpu.vector_load %arg18[%get3A_727, %get3A_728] {strides = array<i32>} : memref<13x16xf32, #tpu.memory_space<vmem>>, vector<1x16xf32>,
          %get3A_730 = vector.shape_cast %get3A_729 : vector<1x16xf32> to vector<16xf32>
          %mul3A_731 = vector.broadcast %squeeze3A_723 : f32 to vector<16xf32>
          %mul3A_732 = arith.mulf %get3A_730, %mul3A_731 : vector<16xf32>
          %get3A_733 = arith.constant 1 : i32
          %get3A_734 = arith.index_cast %get3A_733 : i32 to index
          %get3A_735 = arith.constant 0 : index
          %get3A_736 = tpu.vector_load %arg19[%get3A_734, %get3A_735] {strides = array<i32>} : memref<13x16xf32, #tpu.memory_space<vmem>>, vector<1x16xf32>,
          %get3A_737 = vector.shape_cast %get3A_736 : vector<1x16xf32> to vector<16xf32>
          %add3A_738 = arith.addf %mul3A_732, %get3A_737 : vector<16xf32>
          %mul3A_739 = vector.broadcast %squeeze3A_725 : f32 to vector<16xf32>
          %mul3A_740 = arith.mulf %add3A_738, %mul3A_739 : vector<16xf32>
          %add3A_741 = arith.addf %add3A_696, %mul3A_740 : vector<16xf32>
          %get3A_742 = arith.constant 1 : i32
          %get3A_743 = arith.index_cast %get3A_742 : i32 to index
          %get3A_744 = arith.constant 0 : index
          %get3A_745 = tpu.vector_load %arg20[%get3A_743, %get3A_744] {strides = array<i32>} : memref<13x16xf32, #tpu.memory_space<vmem>>, vector<1x16xf32>,
          %get3A_746 = vector.shape_cast %get3A_745 : vector<1x16xf32> to vector<16xf32>
          %mul3A_747 = vector.broadcast %squeeze3A_723 : f32 to vector<16xf32>
          %mul3A_748 = arith.mulf %get3A_746, %mul3A_747 : vector<16xf32>
          %get3A_749 = arith.constant 1 : i32
          %get3A_750 = arith.index_cast %get3A_749 : i32 to index
          %get3A_751 = arith.constant 0 : index
          %get3A_752 = tpu.vector_load %arg21[%get3A_750, %get3A_751] {strides = array<i32>} : memref<13x16xf32, #tpu.memory_space<vmem>>, vector<1x16xf32>,
          %get3A_753 = vector.shape_cast %get3A_752 : vector<1x16xf32> to vector<16xf32>
          %add3A_754 = arith.addf %mul3A_748, %get3A_753 : vector<16xf32>
          %mul3A_755 = vector.broadcast %squeeze3A_725 : f32 to vector<16xf32>
          %mul3A_756 = arith.mulf %add3A_754, %mul3A_755 : vector<16xf32>
          %add3A_757 = arith.addf %add3A_712, %mul3A_756 : vector<16xf32>
          %mul3A_758 = arith.mulf %mul3A_756, %mul3A_756 : vector<16xf32>
          %add3A_759 = arith.addf %add3A_714, %mul3A_758 : vector<16xf32>
          %get3A_760 = arith.constant 1 : i32
          %get3A_761 = arith.index_cast %get3A_760 : i32 to index
          %get3A_762 = arith.constant 0 : index
          %get3A_763 = tpu.vector_load %arg22[%get3A_761, %get3A_762] {strides = array<i32>} : memref<39x16xf32, #tpu.memory_space<vmem>>, vector<1x16xf32>,
          %get3A_764 = vector.shape_cast %get3A_763 : vector<1x16xf32> to vector<16xf32>
          %mul3A_765 = arith.mulf %mul3A_756, %get3A_764 : vector<16xf32>
          %add3A_766 = arith.addf %add3A_721, %mul3A_765 : vector<16xf32>
          %slice3A_767 = vector.extract_strided_slice %get3A_653 {offsets = [2], sizes = [1], strides = [1]} : vector<16xf32> to vector<1xf32>
          %squeeze3A_768 = vector.extract %slice3A_767[0] : f32 from vector<1xf32>
          %slice3A_769 = vector.extract_strided_slice %get3A_641 {offsets = [2], sizes = [1], strides = [1]} : vector<16xf32> to vector<1xf32>
          %squeeze3A_770 = vector.extract %slice3A_769[0] : f32 from vector<1xf32>
          %get3A_771 = arith.constant 2 : i32
          %get3A_772 = arith.index_cast %get3A_771 : i32 to index
          %get3A_773 = arith.constant 0 : index
          %get3A_774 = tpu.vector_load %arg18[%get3A_772, %get3A_773] {strides = array<i32>} : memref<13x16xf32, #tpu.memory_space<vmem>>, vector<1x16xf32>,
          %get3A_775 = vector.shape_cast %get3A_774 : vector<1x16xf32> to vector<16xf32>
          %mul3A_776 = vector.broadcast %squeeze3A_768 : f32 to vector<16xf32>
          %mul3A_777 = arith.mulf %get3A_775, %mul3A_776 : vector<16xf32>
          %get3A_778 = arith.constant 2 : i32
          %get3A_779 = arith.index_cast %get3A_778 : i32 to index
          %get3A_780 = arith.constant 0 : index
          %get3A_781 = tpu.vector_load %arg19[%get3A_779, %get3A_780] {strides = array<i32>} : memref<13x16xf32, #tpu.memory_space<vmem>>, vector<1x16xf32>,
          %get3A_782 = vector.shape_cast %get3A_781 : vector<1x16xf32> to vector<16xf32>
          %add3A_783 = arith.addf %mul3A_777, %get3A_782 : vector<16xf32>
          %mul3A_784 = vector.broadcast %squeeze3A_770 : f32 to vector<16xf32>
          %mul3A_785 = arith.mulf %add3A_783, %mul3A_784 : vector<16xf32>
          %add3A_786 = arith.addf %add3A_741, %mul3A_785 : vector<16xf32>
          %get3A_787 = arith.constant 2 : i32
          %get3A_788 = arith.index_cast %get3A_787 : i32 to index
          %get3A_789 = arith.constant 0 : index
          %get3A_790 = tpu.vector_load %arg20[%get3A_788, %get3A_789] {strides = array<i32>} : memref<13x16xf32, #tpu.memory_space<vmem>>, vector<1x16xf32>,
          %get3A_791 = vector.shape_cast %get3A_790 : vector<1x16xf32> to vector<16xf32>
          %mul3A_792 = vector.broadcast %squeeze3A_768 : f32 to vector<16xf32>
          %mul3A_793 = arith.mulf %get3A_791, %mul3A_792 : vector<16xf32>
          %get3A_794 = arith.constant 2 : i32
          %get3A_795 = arith.index_cast %get3A_794 : i32 to index
          %get3A_796 = arith.constant 0 : index
          %get3A_797 = tpu.vector_load %arg21[%get3A_795, %get3A_796] {strides = array<i32>} : memref<13x16xf32, #tpu.memory_space<vmem>>, vector<1x16xf32>,
          %get3A_798 = vector.shape_cast %get3A_797 : vector<1x16xf32> to vector<16xf32>
          %add3A_799 = arith.addf %mul3A_793, %get3A_798 : vector<16xf32>
          %mul3A_800 = vector.broadcast %squeeze3A_770 : f32 to vector<16xf32>
          %mul3A_801 = arith.mulf %add3A_799, %mul3A_800 : vector<16xf32>
          %add3A_802 = arith.addf %add3A_757, %mul3A_801 : vector<16xf32>
          %mul3A_803 = arith.mulf %mul3A_801, %mul3A_801 : vector<16xf32>
          %add3A_804 = arith.addf %add3A_759, %mul3A_803 : vector<16xf32>
          %get3A_805 = arith.constant 2 : i32
          %get3A_806 = arith.index_cast %get3A_805 : i32 to index
          %get3A_807 = arith.constant 0 : index
          %get3A_808 = tpu.vector_load %arg22[%get3A_806, %get3A_807] {strides = array<i32>} : memref<39x16xf32, #tpu.memory_space<vmem>>, vector<1x16xf32>,
          %get3A_809 = vector.shape_cast %get3A_808 : vector<1x16xf32> to vector<16xf32>
          %mul3A_810 = arith.mulf %mul3A_801, %get3A_809 : vector<16xf32>
          %add3A_811 = arith.addf %add3A_766, %mul3A_810 : vector<16xf32>
          %slice3A_812 = vector.extract_strided_slice %get3A_653 {offsets = [3], sizes = [1], strides = [1]} : vector<16xf32> to vector<1xf32>
          %squeeze3A_813 = vector.extract %slice3A_812[0] : f32 from vector<1xf32>
          %slice3A_814 = vector.extract_strided_slice %get3A_641 {offsets = [3], sizes = [1], strides = [1]} : vector<16xf32> to vector<1xf32>
          %squeeze3A_815 = vector.extract %slice3A_814[0] : f32 from vector<1xf32>
          %get3A_816 = arith.constant 3 : i32
          %get3A_817 = arith.index_cast %get3A_816 : i32 to index
          %get3A_818 = arith.constant 0 : index
          %get3A_819 = tpu.vector_load %arg18[%get3A_817, %get3A_818] {strides = array<i32>} : memref<13x16xf32, #tpu.memory_space<vmem>>, vector<1x16xf32>,
          %get3A_820 = vector.shape_cast %get3A_819 : vector<1x16xf32> to vector<16xf32>
          %mul3A_821 = vector.broadcast %squeeze3A_813 : f32 to vector<16xf32>
          %mul3A_822 = arith.mulf %get3A_820, %mul3A_821 : vector<16xf32>
          %get3A_823 = arith.constant 3 : i32
          %get3A_824 = arith.index_cast %get3A_823 : i32 to index
          %get3A_825 = arith.constant 0 : index
          %get3A_826 = tpu.vector_load %arg19[%get3A_824, %get3A_825] {strides = array<i32>} : memref<13x16xf32, #tpu.memory_space<vmem>>, vector<1x16xf32>,
          %get3A_827 = vector.shape_cast %get3A_826 : vector<1x16xf32> to vector<16xf32>
          %add3A_828 = arith.addf %mul3A_822, %get3A_827 : vector<16xf32>
          %mul3A_829 = vector.broadcast %squeeze3A_815 : f32 to vector<16xf32>
          %mul3A_830 = arith.mulf %add3A_828, %mul3A_829 : vector<16xf32>
          %add3A_831 = arith.addf %add3A_786, %mul3A_830 : vector<16xf32>
          %get3A_832 = arith.constant 3 : i32
          %get3A_833 = arith.index_cast %get3A_832 : i32 to index
          %get3A_834 = arith.constant 0 : index
          %get3A_835 = tpu.vector_load %arg20[%get3A_833, %get3A_834] {strides = array<i32>} : memref<13x16xf32, #tpu.memory_space<vmem>>, vector<1x16xf32>,
          %get3A_836 = vector.shape_cast %get3A_835 : vector<1x16xf32> to vector<16xf32>
          %mul3A_837 = vector.broadcast %squeeze3A_813 : f32 to vector<16xf32>
          %mul3A_838 = arith.mulf %get3A_836, %mul3A_837 : vector<16xf32>
          %get3A_839 = arith.constant 3 : i32
          %get3A_840 = arith.index_cast %get3A_839 : i32 to index
          %get3A_841 = arith.constant 0 : index
          %get3A_842 = tpu.vector_load %arg21[%get3A_840, %get3A_841] {strides = array<i32>} : memref<13x16xf32, #tpu.memory_space<vmem>>, vector<1x16xf32>,
          %get3A_843 = vector.shape_cast %get3A_842 : vector<1x16xf32> to vector<16xf32>
          %add3A_844 = arith.addf %mul3A_838, %get3A_843 : vector<16xf32>
          %mul3A_845 = vector.broadcast %squeeze3A_815 : f32 to vector<16xf32>
          %mul3A_846 = arith.mulf %add3A_844, %mul3A_845 : vector<16xf32>
          %add3A_847 = arith.addf %add3A_802, %mul3A_846 : vector<16xf32>
          %mul3A_848 = arith.mulf %mul3A_846, %mul3A_846 : vector<16xf32>
          %add3A_849 = arith.addf %add3A_804, %mul3A_848 : vector<16xf32>
          %get3A_850 = arith.constant 3 : i32
          %get3A_851 = arith.index_cast %get3A_850 : i32 to index
          %get3A_852 = arith.constant 0 : index
          %get3A_853 = tpu.vector_load %arg22[%get3A_851, %get3A_852] {strides = array<i32>} : memref<39x16xf32, #tpu.memory_space<vmem>>, vector<1x16xf32>,
          %get3A_854 = vector.shape_cast %get3A_853 : vector<1x16xf32> to vector<16xf32>
          %mul3A_855 = arith.mulf %mul3A_846, %get3A_854 : vector<16xf32>
          %add3A_856 = arith.addf %add3A_811, %mul3A_855 : vector<16xf32>
          %slice3A_857 = vector.extract_strided_slice %get3A_653 {offsets = [4], sizes = [1], strides = [1]} : vector<16xf32> to vector<1xf32>
          %squeeze3A_858 = vector.extract %slice3A_857[0] : f32 from vector<1xf32>
          %slice3A_859 = vector.extract_strided_slice %get3A_641 {offsets = [4], sizes = [1], strides = [1]} : vector<16xf32> to vector<1xf32>
          %squeeze3A_860 = vector.extract %slice3A_859[0] : f32 from vector<1xf32>
          %get3A_861 = arith.constant 4 : i32
          %get3A_862 = arith.index_cast %get3A_861 : i32 to index
          %get3A_863 = arith.constant 0 : index
          %get3A_864 = tpu.vector_load %arg18[%get3A_862, %get3A_863] {strides = array<i32>} : memref<13x16xf32, #tpu.memory_space<vmem>>, vector<1x16xf32>,
          %get3A_865 = vector.shape_cast %get3A_864 : vector<1x16xf32> to vector<16xf32>
          %mul3A_866 = vector.broadcast %squeeze3A_858 : f32 to vector<16xf32>
          %mul3A_867 = arith.mulf %get3A_865, %mul3A_866 : vector<16xf32>
          %get3A_868 = arith.constant 4 : i32
          %get3A_869 = arith.index_cast %get3A_868 : i32 to index
          %get3A_870 = arith.constant 0 : index
          %get3A_871 = tpu.vector_load %arg19[%get3A_869, %get3A_870] {strides = array<i32>} : memref<13x16xf32, #tpu.memory_space<vmem>>, vector<1x16xf32>,
          %get3A_872 = vector.shape_cast %get3A_871 : vector<1x16xf32> to vector<16xf32>
          %add3A_873 = arith.addf %mul3A_867, %get3A_872 : vector<16xf32>
          %mul3A_874 = vector.broadcast %squeeze3A_860 : f32 to vector<16xf32>
          %mul3A_875 = arith.mulf %add3A_873, %mul3A_874 : vector<16xf32>
          %add3A_876 = arith.addf %add3A_831, %mul3A_875 : vector<16xf32>
          %get3A_877 = arith.constant 4 : i32
          %get3A_878 = arith.index_cast %get3A_877 : i32 to index
          %get3A_879 = arith.constant 0 : index
          %get3A_880 = tpu.vector_load %arg20[%get3A_878, %get3A_879] {strides = array<i32>} : memref<13x16xf32, #tpu.memory_space<vmem>>, vector<1x16xf32>,
          %get3A_881 = vector.shape_cast %get3A_880 : vector<1x16xf32> to vector<16xf32>
          %mul3A_882 = vector.broadcast %squeeze3A_858 : f32 to vector<16xf32>
          %mul3A_883 = arith.mulf %get3A_881, %mul3A_882 : vector<16xf32>
          %get3A_884 = arith.constant 4 : i32
          %get3A_885 = arith.index_cast %get3A_884 : i32 to index
          %get3A_886 = arith.constant 0 : index
          %get3A_887 = tpu.vector_load %arg21[%get3A_885, %get3A_886] {strides = array<i32>} : memref<13x16xf32, #tpu.memory_space<vmem>>, vector<1x16xf32>,
          %get3A_888 = vector.shape_cast %get3A_887 : vector<1x16xf32> to vector<16xf32>
          %add3A_889 = arith.addf %mul3A_883, %get3A_888 : vector<16xf32>
          %mul3A_890 = vector.broadcast %squeeze3A_860 : f32 to vector<16xf32>
          %mul3A_891 = arith.mulf %add3A_889, %mul3A_890 : vector<16xf32>
          %add3A_892 = arith.addf %add3A_847, %mul3A_891 : vector<16xf32>
          %mul3A_893 = arith.mulf %mul3A_891, %mul3A_891 : vector<16xf32>
          %add3A_894 = arith.addf %add3A_849, %mul3A_893 : vector<16xf32>
          %get3A_895 = arith.constant 4 : i32
          %get3A_896 = arith.index_cast %get3A_895 : i32 to index
          %get3A_897 = arith.constant 0 : index
          %get3A_898 = tpu.vector_load %arg22[%get3A_896, %get3A_897] {strides = array<i32>} : memref<39x16xf32, #tpu.memory_space<vmem>>, vector<1x16xf32>,
          %get3A_899 = vector.shape_cast %get3A_898 : vector<1x16xf32> to vector<16xf32>
          %mul3A_900 = arith.mulf %mul3A_891, %get3A_899 : vector<16xf32>
          %add3A_901 = arith.addf %add3A_856, %mul3A_900 : vector<16xf32>
          %slice3A_902 = vector.extract_strided_slice %get3A_653 {offsets = [5], sizes = [1], strides = [1]} : vector<16xf32> to vector<1xf32>
          %squeeze3A_903 = vector.extract %slice3A_902[0] : f32 from vector<1xf32>
          %slice3A_904 = vector.extract_strided_slice %get3A_641 {offsets = [5], sizes = [1], strides = [1]} : vector<16xf32> to vector<1xf32>
          %squeeze3A_905 = vector.extract %slice3A_904[0] : f32 from vector<1xf32>
          %get3A_906 = arith.constant 5 : i32
          %get3A_907 = arith.index_cast %get3A_906 : i32 to index
          %get3A_908 = arith.constant 0 : index
          %get3A_909 = tpu.vector_load %arg18[%get3A_907, %get3A_908] {strides = array<i32>} : memref<13x16xf32, #tpu.memory_space<vmem>>, vector<1x16xf32>,
          %get3A_910 = vector.shape_cast %get3A_909 : vector<1x16xf32> to vector<16xf32>
          %mul3A_911 = vector.broadcast %squeeze3A_903 : f32 to vector<16xf32>
          %mul3A_912 = arith.mulf %get3A_910, %mul3A_911 : vector<16xf32>
          %get3A_913 = arith.constant 5 : i32
          %get3A_914 = arith.index_cast %get3A_913 : i32 to index
          %get3A_915 = arith.constant 0 : index
          %get3A_916 = tpu.vector_load %arg19[%get3A_914, %get3A_915] {strides = array<i32>} : memref<13x16xf32, #tpu.memory_space<vmem>>, vector<1x16xf32>,
          %get3A_917 = vector.shape_cast %get3A_916 : vector<1x16xf32> to vector<16xf32>
          %add3A_918 = arith.addf %mul3A_912, %get3A_917 : vector<16xf32>
          %mul3A_919 = vector.broadcast %squeeze3A_905 : f32 to vector<16xf32>
          %mul3A_920 = arith.mulf %add3A_918, %mul3A_919 : vector<16xf32>
          %add3A_921 = arith.addf %add3A_876, %mul3A_920 : vector<16xf32>
          %get3A_922 = arith.constant 5 : i32
          %get3A_923 = arith.index_cast %get3A_922 : i32 to index
          %get3A_924 = arith.constant 0 : index
          %get3A_925 = tpu.vector_load %arg20[%get3A_923, %get3A_924] {strides = array<i32>} : memref<13x16xf32, #tpu.memory_space<vmem>>, vector<1x16xf32>,
          %get3A_926 = vector.shape_cast %get3A_925 : vector<1x16xf32> to vector<16xf32>
          %mul3A_927 = vector.broadcast %squeeze3A_903 : f32 to vector<16xf32>
          %mul3A_928 = arith.mulf %get3A_926, %mul3A_927 : vector<16xf32>
          %get3A_929 = arith.constant 5 : i32
          %get3A_930 = arith.index_cast %get3A_929 : i32 to index
          %get3A_931 = arith.constant 0 : index
          %get3A_932 = tpu.vector_load %arg21[%get3A_930, %get3A_931] {strides = array<i32>} : memref<13x16xf32, #tpu.memory_space<vmem>>, vector<1x16xf32>,
          %get3A_933 = vector.shape_cast %get3A_932 : vector<1x16xf32> to vector<16xf32>
          %add3A_934 = arith.addf %mul3A_928, %get3A_933 : vector<16xf32>
          %mul3A_935 = vector.broadcast %squeeze3A_905 : f32 to vector<16xf32>
          %mul3A_936 = arith.mulf %add3A_934, %mul3A_935 : vector<16xf32>
          %add3A_937 = arith.addf %add3A_892, %mul3A_936 : vector<16xf32>
          %mul3A_938 = arith.mulf %mul3A_936, %mul3A_936 : vector<16xf32>
          %add3A_939 = arith.addf %add3A_894, %mul3A_938 : vector<16xf32>
          %get3A_940 = arith.constant 5 : i32
          %get3A_941 = arith.index_cast %get3A_940 : i32 to index
          %get3A_942 = arith.constant 0 : index
          %get3A_943 = tpu.vector_load %arg22[%get3A_941, %get3A_942] {strides = array<i32>} : memref<39x16xf32, #tpu.memory_space<vmem>>, vector<1x16xf32>,
          %get3A_944 = vector.shape_cast %get3A_943 : vector<1x16xf32> to vector<16xf32>
          %mul3A_945 = arith.mulf %mul3A_936, %get3A_944 : vector<16xf32>
          %add3A_946 = arith.addf %add3A_901, %mul3A_945 : vector<16xf32>
          %slice3A_947 = vector.extract_strided_slice %get3A_653 {offsets = [6], sizes = [1], strides = [1]} : vector<16xf32> to vector<1xf32>
          %squeeze3A_948 = vector.extract %slice3A_947[0] : f32 from vector<1xf32>
          %slice3A_949 = vector.extract_strided_slice %get3A_641 {offsets = [6], sizes = [1], strides = [1]} : vector<16xf32> to vector<1xf32>
          %squeeze3A_950 = vector.extract %slice3A_949[0] : f32 from vector<1xf32>
          %get3A_951 = arith.constant 6 : i32
          %get3A_952 = arith.index_cast %get3A_951 : i32 to index
          %get3A_953 = arith.constant 0 : index
          %get3A_954 = tpu.vector_load %arg18[%get3A_952, %get3A_953] {strides = array<i32>} : memref<13x16xf32, #tpu.memory_space<vmem>>, vector<1x16xf32>,
          %get3A_955 = vector.shape_cast %get3A_954 : vector<1x16xf32> to vector<16xf32>
          %mul3A_956 = vector.broadcast %squeeze3A_948 : f32 to vector<16xf32>
          %mul3A_957 = arith.mulf %get3A_955, %mul3A_956 : vector<16xf32>
          %get3A_958 = arith.constant 6 : i32
          %get3A_959 = arith.index_cast %get3A_958 : i32 to index
          %get3A_960 = arith.constant 0 : index
          %get3A_961 = tpu.vector_load %arg19[%get3A_959, %get3A_960] {strides = array<i32>} : memref<13x16xf32, #tpu.memory_space<vmem>>, vector<1x16xf32>,
          %get3A_962 = vector.shape_cast %get3A_961 : vector<1x16xf32> to vector<16xf32>
          %add3A_963 = arith.addf %mul3A_957, %get3A_962 : vector<16xf32>
          %mul3A_964 = vector.broadcast %squeeze3A_950 : f32 to vector<16xf32>
          %mul3A_965 = arith.mulf %add3A_963, %mul3A_964 : vector<16xf32>
          %add3A_966 = arith.addf %add3A_921, %mul3A_965 : vector<16xf32>
          %get3A_967 = arith.constant 6 : i32
          %get3A_968 = arith.index_cast %get3A_967 : i32 to index
          %get3A_969 = arith.constant 0 : index
          %get3A_970 = tpu.vector_load %arg20[%get3A_968, %get3A_969] {strides = array<i32>} : memref<13x16xf32, #tpu.memory_space<vmem>>, vector<1x16xf32>,
          %get3A_971 = vector.shape_cast %get3A_970 : vector<1x16xf32> to vector<16xf32>
          %mul3A_972 = vector.broadcast %squeeze3A_948 : f32 to vector<16xf32>
          %mul3A_973 = arith.mulf %get3A_971, %mul3A_972 : vector<16xf32>
          %get3A_974 = arith.constant 6 : i32
          %get3A_975 = arith.index_cast %get3A_974 : i32 to index
          %get3A_976 = arith.constant 0 : index
          %get3A_977 = tpu.vector_load %arg21[%get3A_975, %get3A_976] {strides = array<i32>} : memref<13x16xf32, #tpu.memory_space<vmem>>, vector<1x16xf32>,
          %get3A_978 = vector.shape_cast %get3A_977 : vector<1x16xf32> to vector<16xf32>
          %add3A_979 = arith.addf %mul3A_973, %get3A_978 : vector<16xf32>
          %mul3A_980 = vector.broadcast %squeeze3A_950 : f32 to vector<16xf32>
          %mul3A_981 = arith.mulf %add3A_979, %mul3A_980 : vector<16xf32>
          %add3A_982 = arith.addf %add3A_937, %mul3A_981 : vector<16xf32>
          %mul3A_983 = arith.mulf %mul3A_981, %mul3A_981 : vector<16xf32>
          %add3A_984 = arith.addf %add3A_939, %mul3A_983 : vector<16xf32>
          %get3A_985 = arith.constant 6 : i32
          %get3A_986 = arith.index_cast %get3A_985 : i32 to index
          %get3A_987 = arith.constant 0 : index
          %get3A_988 = tpu.vector_load %arg22[%get3A_986, %get3A_987] {strides = array<i32>} : memref<39x16xf32, #tpu.memory_space<vmem>>, vector<1x16xf32>,
          %get3A_989 = vector.shape_cast %get3A_988 : vector<1x16xf32> to vector<16xf32>
          %mul3A_990 = arith.mulf %mul3A_981, %get3A_989 : vector<16xf32>
          %add3A_991 = arith.addf %add3A_946, %mul3A_990 : vector<16xf32>
          %slice3A_992 = vector.extract_strided_slice %get3A_653 {offsets = [7], sizes = [1], strides = [1]} : vector<16xf32> to vector<1xf32>
          %squeeze3A_993 = vector.extract %slice3A_992[0] : f32 from vector<1xf32>
          %slice3A_994 = vector.extract_strided_slice %get3A_641 {offsets = [7], sizes = [1], strides = [1]} : vector<16xf32> to vector<1xf32>
          %squeeze3A_995 = vector.extract %slice3A_994[0] : f32 from vector<1xf32>
          %get3A_996 = arith.constant 7 : i32
          %get3A_997 = arith.index_cast %get3A_996 : i32 to index
          %get3A_998 = arith.constant 0 : index
          %get3A_999 = tpu.vector_load %arg18[%get3A_997, %get3A_998] {strides = array<i32>} : memref<13x16xf32, #tpu.memory_space<vmem>>, vector<1x16xf32>,
          %get3A_1000 = vector.shape_cast %get3A_999 : vector<1x16xf32> to vector<16xf32>
          %mul3A_1001 = vector.broadcast %squeeze3A_993 : f32 to vector<16xf32>
          %mul3A_1002 = arith.mulf %get3A_1000, %mul3A_1001 : vector<16xf32>
          %get3A_1003 = arith.constant 7 : i32
          %get3A_1004 = arith.index_cast %get3A_1003 : i32 to index
          %get3A_1005 = arith.constant 0 : index
          %get3A_1006 = tpu.vector_load %arg19[%get3A_1004, %get3A_1005] {strides = array<i32>} : memref<13x16xf32, #tpu.memory_space<vmem>>, vector<1x16xf32>,
          %get3A_1007 = vector.shape_cast %get3A_1006 : vector<1x16xf32> to vector<16xf32>
          %add3A_1008 = arith.addf %mul3A_1002, %get3A_1007 : vector<16xf32>
          %mul3A_1009 = vector.broadcast %squeeze3A_995 : f32 to vector<16xf32>
          %mul3A_1010 = arith.mulf %add3A_1008, %mul3A_1009 : vector<16xf32>
          %add3A_1011 = arith.addf %add3A_966, %mul3A_1010 : vector<16xf32>
          %get3A_1012 = arith.constant 7 : i32
          %get3A_1013 = arith.index_cast %get3A_1012 : i32 to index
          %get3A_1014 = arith.constant 0 : index
          %get3A_1015 = tpu.vector_load %arg20[%get3A_1013, %get3A_1014] {strides = array<i32>} : memref<13x16xf32, #tpu.memory_space<vmem>>, vector<1x16xf32>,
          %get3A_1016 = vector.shape_cast %get3A_1015 : vector<1x16xf32> to vector<16xf32>
          %mul3A_1017 = vector.broadcast %squeeze3A_993 : f32 to vector<16xf32>
          %mul3A_1018 = arith.mulf %get3A_1016, %mul3A_1017 : vector<16xf32>
          %get3A_1019 = arith.constant 7 : i32
          %get3A_1020 = arith.index_cast %get3A_1019 : i32 to index
          %get3A_1021 = arith.constant 0 : index
          %get3A_1022 = tpu.vector_load %arg21[%get3A_1020, %get3A_1021] {strides = array<i32>} : memref<13x16xf32, #tpu.memory_space<vmem>>, vector<1x16xf32>,
          %get3A_1023 = vector.shape_cast %get3A_1022 : vector<1x16xf32> to vector<16xf32>
          %add3A_1024 = arith.addf %mul3A_1018, %get3A_1023 : vector<16xf32>
          %mul3A_1025 = vector.broadcast %squeeze3A_995 : f32 to vector<16xf32>
          %mul3A_1026 = arith.mulf %add3A_1024, %mul3A_1025 : vector<16xf32>
          %add3A_1027 = arith.addf %add3A_982, %mul3A_1026 : vector<16xf32>
          %mul3A_1028 = arith.mulf %mul3A_1026, %mul3A_1026 : vector<16xf32>
          %add3A_1029 = arith.addf %add3A_984, %mul3A_1028 : vector<16xf32>
          %get3A_1030 = arith.constant 7 : i32
          %get3A_1031 = arith.index_cast %get3A_1030 : i32 to index
          %get3A_1032 = arith.constant 0 : index
          %get3A_1033 = tpu.vector_load %arg22[%get3A_1031, %get3A_1032] {strides = array<i32>} : memref<39x16xf32, #tpu.memory_space<vmem>>, vector<1x16xf32>,
          %get3A_1034 = vector.shape_cast %get3A_1033 : vector<1x16xf32> to vector<16xf32>
          %mul3A_1035 = arith.mulf %mul3A_1026, %get3A_1034 : vector<16xf32>
          %add3A_1036 = arith.addf %add3A_991, %mul3A_1035 : vector<16xf32>
          %slice3A_1037 = vector.extract_strided_slice %get3A_653 {offsets = [8], sizes = [1], strides = [1]} : vector<16xf32> to vector<1xf32>
          %squeeze3A_1038 = vector.extract %slice3A_1037[0] : f32 from vector<1xf32>
          %slice3A_1039 = vector.extract_strided_slice %get3A_641 {offsets = [8], sizes = [1], strides = [1]} : vector<16xf32> to vector<1xf32>
          %squeeze3A_1040 = vector.extract %slice3A_1039[0] : f32 from vector<1xf32>
          %get3A_1041 = arith.constant 8 : i32
          %get3A_1042 = arith.index_cast %get3A_1041 : i32 to index
          %get3A_1043 = arith.constant 0 : index
          %get3A_1044 = tpu.vector_load %arg18[%get3A_1042, %get3A_1043] {strides = array<i32>} : memref<13x16xf32, #tpu.memory_space<vmem>>, vector<1x16xf32>,
          %get3A_1045 = vector.shape_cast %get3A_1044 : vector<1x16xf32> to vector<16xf32>
          %mul3A_1046 = vector.broadcast %squeeze3A_1038 : f32 to vector<16xf32>
          %mul3A_1047 = arith.mulf %get3A_1045, %mul3A_1046 : vector<16xf32>
          %get3A_1048 = arith.constant 8 : i32
          %get3A_1049 = arith.index_cast %get3A_1048 : i32 to index
          %get3A_1050 = arith.constant 0 : index
          %get3A_1051 = tpu.vector_load %arg19[%get3A_1049, %get3A_1050] {strides = array<i32>} : memref<13x16xf32, #tpu.memory_space<vmem>>, vector<1x16xf32>,
          %get3A_1052 = vector.shape_cast %get3A_1051 : vector<1x16xf32> to vector<16xf32>
          %add3A_1053 = arith.addf %mul3A_1047, %get3A_1052 : vector<16xf32>
          %mul3A_1054 = vector.broadcast %squeeze3A_1040 : f32 to vector<16xf32>
          %mul3A_1055 = arith.mulf %add3A_1053, %mul3A_1054 : vector<16xf32>
          %add3A_1056 = arith.addf %add3A_1011, %mul3A_1055 : vector<16xf32>
          %get3A_1057 = arith.constant 8 : i32
          %get3A_1058 = arith.index_cast %get3A_1057 : i32 to index
          %get3A_1059 = arith.constant 0 : index
          %get3A_1060 = tpu.vector_load %arg20[%get3A_1058, %get3A_1059] {strides = array<i32>} : memref<13x16xf32, #tpu.memory_space<vmem>>, vector<1x16xf32>,
          %get3A_1061 = vector.shape_cast %get3A_1060 : vector<1x16xf32> to vector<16xf32>
          %mul3A_1062 = vector.broadcast %squeeze3A_1038 : f32 to vector<16xf32>
          %mul3A_1063 = arith.mulf %get3A_1061, %mul3A_1062 : vector<16xf32>
          %get3A_1064 = arith.constant 8 : i32
          %get3A_1065 = arith.index_cast %get3A_1064 : i32 to index
          %get3A_1066 = arith.constant 0 : index
          %get3A_1067 = tpu.vector_load %arg21[%get3A_1065, %get3A_1066] {strides = array<i32>} : memref<13x16xf32, #tpu.memory_space<vmem>>, vector<1x16xf32>,
          %get3A_1068 = vector.shape_cast %get3A_1067 : vector<1x16xf32> to vector<16xf32>
          %add3A_1069 = arith.addf %mul3A_1063, %get3A_1068 : vector<16xf32>
          %mul3A_1070 = vector.broadcast %squeeze3A_1040 : f32 to vector<16xf32>
          %mul3A_1071 = arith.mulf %add3A_1069, %mul3A_1070 : vector<16xf32>
          %add3A_1072 = arith.addf %add3A_1027, %mul3A_1071 : vector<16xf32>
          %mul3A_1073 = arith.mulf %mul3A_1071, %mul3A_1071 : vector<16xf32>
          %add3A_1074 = arith.addf %add3A_1029, %mul3A_1073 : vector<16xf32>
          %get3A_1075 = arith.constant 8 : i32
          %get3A_1076 = arith.index_cast %get3A_1075 : i32 to index
          %get3A_1077 = arith.constant 0 : index
          %get3A_1078 = tpu.vector_load %arg22[%get3A_1076, %get3A_1077] {strides = array<i32>} : memref<39x16xf32, #tpu.memory_space<vmem>>, vector<1x16xf32>,
          %get3A_1079 = vector.shape_cast %get3A_1078 : vector<1x16xf32> to vector<16xf32>
          %mul3A_1080 = arith.mulf %mul3A_1071, %get3A_1079 : vector<16xf32>
          %add3A_1081 = arith.addf %add3A_1036, %mul3A_1080 : vector<16xf32>
          %slice3A_1082 = vector.extract_strided_slice %get3A_653 {offsets = [9], sizes = [1], strides = [1]} : vector<16xf32> to vector<1xf32>
          %squeeze3A_1083 = vector.extract %slice3A_1082[0] : f32 from vector<1xf32>
          %slice3A_1084 = vector.extract_strided_slice %get3A_641 {offsets = [9], sizes = [1], strides = [1]} : vector<16xf32> to vector<1xf32>
          %squeeze3A_1085 = vector.extract %slice3A_1084[0] : f32 from vector<1xf32>
          %get3A_1086 = arith.constant 9 : i32
          %get3A_1087 = arith.index_cast %get3A_1086 : i32 to index
          %get3A_1088 = arith.constant 0 : index
          %get3A_1089 = tpu.vector_load %arg18[%get3A_1087, %get3A_1088] {strides = array<i32>} : memref<13x16xf32, #tpu.memory_space<vmem>>, vector<1x16xf32>,
          %get3A_1090 = vector.shape_cast %get3A_1089 : vector<1x16xf32> to vector<16xf32>
          %mul3A_1091 = vector.broadcast %squeeze3A_1083 : f32 to vector<16xf32>
          %mul3A_1092 = arith.mulf %get3A_1090, %mul3A_1091 : vector<16xf32>
          %get3A_1093 = arith.constant 9 : i32
          %get3A_1094 = arith.index_cast %get3A_1093 : i32 to index
          %get3A_1095 = arith.constant 0 : index
          %get3A_1096 = tpu.vector_load %arg19[%get3A_1094, %get3A_1095] {strides = array<i32>} : memref<13x16xf32, #tpu.memory_space<vmem>>, vector<1x16xf32>,
          %get3A_1097 = vector.shape_cast %get3A_1096 : vector<1x16xf32> to vector<16xf32>
          %add3A_1098 = arith.addf %mul3A_1092, %get3A_1097 : vector<16xf32>
          %mul3A_1099 = vector.broadcast %squeeze3A_1085 : f32 to vector<16xf32>
          %mul3A_1100 = arith.mulf %add3A_1098, %mul3A_1099 : vector<16xf32>
          %add3A_1101 = arith.addf %add3A_1056, %mul3A_1100 : vector<16xf32>
          %get3A_1102 = arith.constant 9 : i32
          %get3A_1103 = arith.index_cast %get3A_1102 : i32 to index
          %get3A_1104 = arith.constant 0 : index
          %get3A_1105 = tpu.vector_load %arg20[%get3A_1103, %get3A_1104] {strides = array<i32>} : memref<13x16xf32, #tpu.memory_space<vmem>>, vector<1x16xf32>,
          %get3A_1106 = vector.shape_cast %get3A_1105 : vector<1x16xf32> to vector<16xf32>
          %mul3A_1107 = vector.broadcast %squeeze3A_1083 : f32 to vector<16xf32>
          %mul3A_1108 = arith.mulf %get3A_1106, %mul3A_1107 : vector<16xf32>
          %get3A_1109 = arith.constant 9 : i32
          %get3A_1110 = arith.index_cast %get3A_1109 : i32 to index
          %get3A_1111 = arith.constant 0 : index
          %get3A_1112 = tpu.vector_load %arg21[%get3A_1110, %get3A_1111] {strides = array<i32>} : memref<13x16xf32, #tpu.memory_space<vmem>>, vector<1x16xf32>,
          %get3A_1113 = vector.shape_cast %get3A_1112 : vector<1x16xf32> to vector<16xf32>
          %add3A_1114 = arith.addf %mul3A_1108, %get3A_1113 : vector<16xf32>
          %mul3A_1115 = vector.broadcast %squeeze3A_1085 : f32 to vector<16xf32>
          %mul3A_1116 = arith.mulf %add3A_1114, %mul3A_1115 : vector<16xf32>
          %add3A_1117 = arith.addf %add3A_1072, %mul3A_1116 : vector<16xf32>
          %mul3A_1118 = arith.mulf %mul3A_1116, %mul3A_1116 : vector<16xf32>
          %add3A_1119 = arith.addf %add3A_1074, %mul3A_1118 : vector<16xf32>
          %get3A_1120 = arith.constant 9 : i32
          %get3A_1121 = arith.index_cast %get3A_1120 : i32 to index
          %get3A_1122 = arith.constant 0 : index
          %get3A_1123 = tpu.vector_load %arg22[%get3A_1121, %get3A_1122] {strides = array<i32>} : memref<39x16xf32, #tpu.memory_space<vmem>>, vector<1x16xf32>,
          %get3A_1124 = vector.shape_cast %get3A_1123 : vector<1x16xf32> to vector<16xf32>
          %mul3A_1125 = arith.mulf %mul3A_1116, %get3A_1124 : vector<16xf32>
          %add3A_1126 = arith.addf %add3A_1081, %mul3A_1125 : vector<16xf32>
          %slice3A_1127 = vector.extract_strided_slice %get3A_653 {offsets = [10], sizes = [1], strides = [1]} : vector<16xf32> to vector<1xf32>
          %squeeze3A_1128 = vector.extract %slice3A_1127[0] : f32 from vector<1xf32>
          %slice3A_1129 = vector.extract_strided_slice %get3A_641 {offsets = [10], sizes = [1], strides = [1]} : vector<16xf32> to vector<1xf32>
          %squeeze3A_1130 = vector.extract %slice3A_1129[0] : f32 from vector<1xf32>
          %get3A_1131 = arith.constant 10 : i32
          %get3A_1132 = arith.index_cast %get3A_1131 : i32 to index
          %get3A_1133 = arith.constant 0 : index
          %get3A_1134 = tpu.vector_load %arg18[%get3A_1132, %get3A_1133] {strides = array<i32>} : memref<13x16xf32, #tpu.memory_space<vmem>>, vector<1x16xf32>,
          %get3A_1135 = vector.shape_cast %get3A_1134 : vector<1x16xf32> to vector<16xf32>
          %mul3A_1136 = vector.broadcast %squeeze3A_1128 : f32 to vector<16xf32>
          %mul3A_1137 = arith.mulf %get3A_1135, %mul3A_1136 : vector<16xf32>
          %get3A_1138 = arith.constant 10 : i32
          %get3A_1139 = arith.index_cast %get3A_1138 : i32 to index
          %get3A_1140 = arith.constant 0 : index
          %get3A_1141 = tpu.vector_load %arg19[%get3A_1139, %get3A_1140] {strides = array<i32>} : memref<13x16xf32, #tpu.memory_space<vmem>>, vector<1x16xf32>,
          %get3A_1142 = vector.shape_cast %get3A_1141 : vector<1x16xf32> to vector<16xf32>
          %add3A_1143 = arith.addf %mul3A_1137, %get3A_1142 : vector<16xf32>
          %mul3A_1144 = vector.broadcast %squeeze3A_1130 : f32 to vector<16xf32>
          %mul3A_1145 = arith.mulf %add3A_1143, %mul3A_1144 : vector<16xf32>
          %add3A_1146 = arith.addf %add3A_1101, %mul3A_1145 : vector<16xf32>
          %get3A_1147 = arith.constant 10 : i32
          %get3A_1148 = arith.index_cast %get3A_1147 : i32 to index
          %get3A_1149 = arith.constant 0 : index
          %get3A_1150 = tpu.vector_load %arg20[%get3A_1148, %get3A_1149] {strides = array<i32>} : memref<13x16xf32, #tpu.memory_space<vmem>>, vector<1x16xf32>,
          %get3A_1151 = vector.shape_cast %get3A_1150 : vector<1x16xf32> to vector<16xf32>
          %mul3A_1152 = vector.broadcast %squeeze3A_1128 : f32 to vector<16xf32>
          %mul3A_1153 = arith.mulf %get3A_1151, %mul3A_1152 : vector<16xf32>
          %get3A_1154 = arith.constant 10 : i32
          %get3A_1155 = arith.index_cast %get3A_1154 : i32 to index
          %get3A_1156 = arith.constant 0 : index
          %get3A_1157 = tpu.vector_load %arg21[%get3A_1155, %get3A_1156] {strides = array<i32>} : memref<13x16xf32, #tpu.memory_space<vmem>>, vector<1x16xf32>,
          %get3A_1158 = vector.shape_cast %get3A_1157 : vector<1x16xf32> to vector<16xf32>
          %add3A_1159 = arith.addf %mul3A_1153, %get3A_1158 : vector<16xf32>
          %mul3A_1160 = vector.broadcast %squeeze3A_1130 : f32 to vector<16xf32>
          %mul3A_1161 = arith.mulf %add3A_1159, %mul3A_1160 : vector<16xf32>
          %add3A_1162 = arith.addf %add3A_1117, %mul3A_1161 : vector<16xf32>
          %mul3A_1163 = arith.mulf %mul3A_1161, %mul3A_1161 : vector<16xf32>
          %add3A_1164 = arith.addf %add3A_1119, %mul3A_1163 : vector<16xf32>
          %get3A_1165 = arith.constant 10 : i32
          %get3A_1166 = arith.index_cast %get3A_1165 : i32 to index
          %get3A_1167 = arith.constant 0 : index
          %get3A_1168 = tpu.vector_load %arg22[%get3A_1166, %get3A_1167] {strides = array<i32>} : memref<39x16xf32, #tpu.memory_space<vmem>>, vector<1x16xf32>,
          %get3A_1169 = vector.shape_cast %get3A_1168 : vector<1x16xf32> to vector<16xf32>
          %mul3A_1170 = arith.mulf %mul3A_1161, %get3A_1169 : vector<16xf32>
          %add3A_1171 = arith.addf %add3A_1126, %mul3A_1170 : vector<16xf32>
          %slice3A_1172 = vector.extract_strided_slice %get3A_653 {offsets = [11], sizes = [1], strides = [1]} : vector<16xf32> to vector<1xf32>
          %squeeze3A_1173 = vector.extract %slice3A_1172[0] : f32 from vector<1xf32>
          %slice3A_1174 = vector.extract_strided_slice %get3A_641 {offsets = [11], sizes = [1], strides = [1]} : vector<16xf32> to vector<1xf32>
          %squeeze3A_1175 = vector.extract %slice3A_1174[0] : f32 from vector<1xf32>
          %get3A_1176 = arith.constant 11 : i32
          %get3A_1177 = arith.index_cast %get3A_1176 : i32 to index
          %get3A_1178 = arith.constant 0 : index
          %get3A_1179 = tpu.vector_load %arg18[%get3A_1177, %get3A_1178] {strides = array<i32>} : memref<13x16xf32, #tpu.memory_space<vmem>>, vector<1x16xf32>,
          %get3A_1180 = vector.shape_cast %get3A_1179 : vector<1x16xf32> to vector<16xf32>
          %mul3A_1181 = vector.broadcast %squeeze3A_1173 : f32 to vector<16xf32>
          %mul3A_1182 = arith.mulf %get3A_1180, %mul3A_1181 : vector<16xf32>
          %get3A_1183 = arith.constant 11 : i32
          %get3A_1184 = arith.index_cast %get3A_1183 : i32 to index
          %get3A_1185 = arith.constant 0 : index
          %get3A_1186 = tpu.vector_load %arg19[%get3A_1184, %get3A_1185] {strides = array<i32>} : memref<13x16xf32, #tpu.memory_space<vmem>>, vector<1x16xf32>,
          %get3A_1187 = vector.shape_cast %get3A_1186 : vector<1x16xf32> to vector<16xf32>
          %add3A_1188 = arith.addf %mul3A_1182, %get3A_1187 : vector<16xf32>
          %mul3A_1189 = vector.broadcast %squeeze3A_1175 : f32 to vector<16xf32>
          %mul3A_1190 = arith.mulf %add3A_1188, %mul3A_1189 : vector<16xf32>
          %add3A_1191 = arith.addf %add3A_1146, %mul3A_1190 : vector<16xf32>
          %get3A_1192 = arith.constant 11 : i32
          %get3A_1193 = arith.index_cast %get3A_1192 : i32 to index
          %get3A_1194 = arith.constant 0 : index
          %get3A_1195 = tpu.vector_load %arg20[%get3A_1193, %get3A_1194] {strides = array<i32>} : memref<13x16xf32, #tpu.memory_space<vmem>>, vector<1x16xf32>,
          %get3A_1196 = vector.shape_cast %get3A_1195 : vector<1x16xf32> to vector<16xf32>
          %mul3A_1197 = vector.broadcast %squeeze3A_1173 : f32 to vector<16xf32>
          %mul3A_1198 = arith.mulf %get3A_1196, %mul3A_1197 : vector<16xf32>
          %get3A_1199 = arith.constant 11 : i32
          %get3A_1200 = arith.index_cast %get3A_1199 : i32 to index
          %get3A_1201 = arith.constant 0 : index
          %get3A_1202 = tpu.vector_load %arg21[%get3A_1200, %get3A_1201] {strides = array<i32>} : memref<13x16xf32, #tpu.memory_space<vmem>>, vector<1x16xf32>,
          %get3A_1203 = vector.shape_cast %get3A_1202 : vector<1x16xf32> to vector<16xf32>
          %add3A_1204 = arith.addf %mul3A_1198, %get3A_1203 : vector<16xf32>
          %mul3A_1205 = vector.broadcast %squeeze3A_1175 : f32 to vector<16xf32>
          %mul3A_1206 = arith.mulf %add3A_1204, %mul3A_1205 : vector<16xf32>
          %add3A_1207 = arith.addf %add3A_1162, %mul3A_1206 : vector<16xf32>
          %mul3A_1208 = arith.mulf %mul3A_1206, %mul3A_1206 : vector<16xf32>
          %add3A_1209 = arith.addf %add3A_1164, %mul3A_1208 : vector<16xf32>
          %get3A_1210 = arith.constant 11 : i32
          %get3A_1211 = arith.index_cast %get3A_1210 : i32 to index
          %get3A_1212 = arith.constant 0 : index
          %get3A_1213 = tpu.vector_load %arg22[%get3A_1211, %get3A_1212] {strides = array<i32>} : memref<39x16xf32, #tpu.memory_space<vmem>>, vector<1x16xf32>,
          %get3A_1214 = vector.shape_cast %get3A_1213 : vector<1x16xf32> to vector<16xf32>
          %mul3A_1215 = arith.mulf %mul3A_1206, %get3A_1214 : vector<16xf32>
          %add3A_1216 = arith.addf %add3A_1171, %mul3A_1215 : vector<16xf32>
          %slice3A_1217 = vector.extract_strided_slice %get3A_653 {offsets = [12], sizes = [1], strides = [1]} : vector<16xf32> to vector<1xf32>
          %squeeze3A_1218 = vector.extract %slice3A_1217[0] : f32 from vector<1xf32>
          %slice3A_1219 = vector.extract_strided_slice %get3A_641 {offsets = [12], sizes = [1], strides = [1]} : vector<16xf32> to vector<1xf32>
          %squeeze3A_1220 = vector.extract %slice3A_1219[0] : f32 from vector<1xf32>
          %get3A_1221 = arith.constant 12 : i32
          %get3A_1222 = arith.index_cast %get3A_1221 : i32 to index
          %get3A_1223 = arith.constant 0 : index
          %get3A_1224 = tpu.vector_load %arg18[%get3A_1222, %get3A_1223] {strides = array<i32>} : memref<13x16xf32, #tpu.memory_space<vmem>>, vector<1x16xf32>,
          %get3A_1225 = vector.shape_cast %get3A_1224 : vector<1x16xf32> to vector<16xf32>
          %mul3A_1226 = vector.broadcast %squeeze3A_1218 : f32 to vector<16xf32>
          %mul3A_1227 = arith.mulf %get3A_1225, %mul3A_1226 : vector<16xf32>
          %get3A_1228 = arith.constant 12 : i32
          %get3A_1229 = arith.index_cast %get3A_1228 : i32 to index
          %get3A_1230 = arith.constant 0 : index
          %get3A_1231 = tpu.vector_load %arg19[%get3A_1229, %get3A_1230] {strides = array<i32>} : memref<13x16xf32, #tpu.memory_space<vmem>>, vector<1x16xf32>,
          %get3A_1232 = vector.shape_cast %get3A_1231 : vector<1x16xf32> to vector<16xf32>
          %add3A_1233 = arith.addf %mul3A_1227, %get3A_1232 : vector<16xf32>
          %mul3A_1234 = vector.broadcast %squeeze3A_1220 : f32 to vector<16xf32>
          %mul3A_1235 = arith.mulf %add3A_1233, %mul3A_1234 : vector<16xf32>
          %add3A_1236 = arith.addf %add3A_1191, %mul3A_1235 : vector<16xf32>
          %get3A_1237 = arith.constant 12 : i32
          %get3A_1238 = arith.index_cast %get3A_1237 : i32 to index
          %get3A_1239 = arith.constant 0 : index
          %get3A_1240 = tpu.vector_load %arg20[%get3A_1238, %get3A_1239] {strides = array<i32>} : memref<13x16xf32, #tpu.memory_space<vmem>>, vector<1x16xf32>,
          %get3A_1241 = vector.shape_cast %get3A_1240 : vector<1x16xf32> to vector<16xf32>
          %mul3A_1242 = vector.broadcast %squeeze3A_1218 : f32 to vector<16xf32>
          %mul3A_1243 = arith.mulf %get3A_1241, %mul3A_1242 : vector<16xf32>
          %get3A_1244 = arith.constant 12 : i32
          %get3A_1245 = arith.index_cast %get3A_1244 : i32 to index
          %get3A_1246 = arith.constant 0 : index
          %get3A_1247 = tpu.vector_load %arg21[%get3A_1245, %get3A_1246] {strides = array<i32>} : memref<13x16xf32, #tpu.memory_space<vmem>>, vector<1x16xf32>,
          %get3A_1248 = vector.shape_cast %get3A_1247 : vector<1x16xf32> to vector<16xf32>
          %add3A_1249 = arith.addf %mul3A_1243, %get3A_1248 : vector<16xf32>
          %mul3A_1250 = vector.broadcast %squeeze3A_1220 : f32 to vector<16xf32>
          %mul3A_1251 = arith.mulf %add3A_1249, %mul3A_1250 : vector<16xf32>
          %add3A_1252 = arith.addf %add3A_1207, %mul3A_1251 : vector<16xf32>
          %mul3A_1253 = arith.mulf %mul3A_1251, %mul3A_1251 : vector<16xf32>
          %add3A_1254 = arith.addf %add3A_1209, %mul3A_1253 : vector<16xf32>
          %get3A_1255 = arith.constant 12 : i32
          %get3A_1256 = arith.index_cast %get3A_1255 : i32 to index
          %get3A_1257 = arith.constant 0 : index
          %get3A_1258 = tpu.vector_load %arg22[%get3A_1256, %get3A_1257] {strides = array<i32>} : memref<39x16xf32, #tpu.memory_space<vmem>>, vector<1x16xf32>,
          %get3A_1259 = vector.shape_cast %get3A_1258 : vector<1x16xf32> to vector<16xf32>
          %mul3A_1260 = arith.mulf %mul3A_1251, %get3A_1259 : vector<16xf32>
          %add3A_1261 = arith.addf %add3A_1216, %mul3A_1260 : vector<16xf32>
          %mul3A_1262 = arith.constant 13 : i32
          %mul3A_1263 = arith.muli %add3A_635, %mul3A_1262 : i32
          %slice3A_1264 = vector.extract_strided_slice %get3A_641 {offsets = [13], sizes = [1], strides = [1]} : vector<16xf32> to vector<1xf32>
          %squeeze3A_1265 = vector.extract %slice3A_1264[0] : f32 from vector<1xf32>
          %add3A_1266 = arith.constant 0 : i32
          %add3A_1267 = arith.addi %mul3A_1263, %add3A_1266 : i32
          %get3A_1268 = arith.index_cast %add3A_1267 : i32 to index
          %get3A_1269 = arith.constant 0 : index
          %get3A_1270 = tpu.vector_load %arg28[%get3A_1268, %get3A_1269] {strides = array<i32>} : memref<832x16xf32, #tpu.memory_space<vmem>>, vector<1x16xf32>,
          %get3A_1271 = vector.shape_cast %get3A_1270 : vector<1x16xf32> to vector<16xf32>
          %mul3A_1272 = vector.broadcast %squeeze3A_1265 : f32 to vector<16xf32>
          %mul3A_1273 = arith.mulf %get3A_1271, %mul3A_1272 : vector<16xf32>
          %add3A_1274 = arith.addf %add3A_1252, %mul3A_1273 : vector<16xf32>
          %mul3A_1275 = arith.mulf %mul3A_1273, %mul3A_1273 : vector<16xf32>
          %add3A_1276 = arith.addf %add3A_1254, %mul3A_1275 : vector<16xf32>
          %get3A_1277 = arith.constant 13 : i32
          %get3A_1278 = arith.index_cast %get3A_1277 : i32 to index
          %get3A_1279 = arith.constant 0 : index
          %get3A_1280 = tpu.vector_load %arg22[%get3A_1278, %get3A_1279] {strides = array<i32>} : memref<39x16xf32, #tpu.memory_space<vmem>>, vector<1x16xf32>,
          %get3A_1281 = vector.shape_cast %get3A_1280 : vector<1x16xf32> to vector<16xf32>
          %mul3A_1282 = arith.mulf %mul3A_1273, %get3A_1281 : vector<16xf32>
          %add3A_1283 = arith.addf %add3A_1261, %mul3A_1282 : vector<16xf32>
          %slice3A_1284 = vector.extract_strided_slice %get3A_641 {offsets = [14], sizes = [1], strides = [1]} : vector<16xf32> to vector<1xf32>
          %squeeze3A_1285 = vector.extract %slice3A_1284[0] : f32 from vector<1xf32>
          %add3A_1286 = arith.constant 1 : i32
          %add3A_1287 = arith.addi %mul3A_1263, %add3A_1286 : i32
          %get3A_1288 = arith.index_cast %add3A_1287 : i32 to index
          %get3A_1289 = arith.constant 0 : index
          %get3A_1290 = tpu.vector_load %arg28[%get3A_1288, %get3A_1289] {strides = array<i32>} : memref<832x16xf32, #tpu.memory_space<vmem>>, vector<1x16xf32>,
          %get3A_1291 = vector.shape_cast %get3A_1290 : vector<1x16xf32> to vector<16xf32>
          %mul3A_1292 = vector.broadcast %squeeze3A_1285 : f32 to vector<16xf32>
          %mul3A_1293 = arith.mulf %get3A_1291, %mul3A_1292 : vector<16xf32>
          %add3A_1294 = arith.addf %add3A_1274, %mul3A_1293 : vector<16xf32>
          %mul3A_1295 = arith.mulf %mul3A_1293, %mul3A_1293 : vector<16xf32>
          %add3A_1296 = arith.addf %add3A_1276, %mul3A_1295 : vector<16xf32>
          %get3A_1297 = arith.constant 14 : i32
          %get3A_1298 = arith.index_cast %get3A_1297 : i32 to index
          %get3A_1299 = arith.constant 0 : index
          %get3A_1300 = tpu.vector_load %arg22[%get3A_1298, %get3A_1299] {strides = array<i32>} : memref<39x16xf32, #tpu.memory_space<vmem>>, vector<1x16xf32>,
          %get3A_1301 = vector.shape_cast %get3A_1300 : vector<1x16xf32> to vector<16xf32>
          %mul3A_1302 = arith.mulf %mul3A_1293, %get3A_1301 : vector<16xf32>
          %add3A_1303 = arith.addf %add3A_1283, %mul3A_1302 : vector<16xf32>
          %slice3A_1304 = vector.extract_strided_slice %get3A_641 {offsets = [15], sizes = [1], strides = [1]} : vector<16xf32> to vector<1xf32>
          %squeeze3A_1305 = vector.extract %slice3A_1304[0] : f32 from vector<1xf32>
          %add3A_1306 = arith.constant 2 : i32
          %add3A_1307 = arith.addi %mul3A_1263, %add3A_1306 : i32
          %get3A_1308 = arith.index_cast %add3A_1307 : i32 to index
          %get3A_1309 = arith.constant 0 : index
          %get3A_1310 = tpu.vector_load %arg28[%get3A_1308, %get3A_1309] {strides = array<i32>} : memref<832x16xf32, #tpu.memory_space<vmem>>, vector<1x16xf32>,
          %get3A_1311 = vector.shape_cast %get3A_1310 : vector<1x16xf32> to vector<16xf32>
          %mul3A_1312 = vector.broadcast %squeeze3A_1305 : f32 to vector<16xf32>
          %mul3A_1313 = arith.mulf %get3A_1311, %mul3A_1312 : vector<16xf32>
          %add3A_1314 = arith.addf %add3A_1294, %mul3A_1313 : vector<16xf32>
          %mul3A_1315 = arith.mulf %mul3A_1313, %mul3A_1313 : vector<16xf32>
          %add3A_1316 = arith.addf %add3A_1296, %mul3A_1315 : vector<16xf32>
          %get3A_1317 = arith.constant 15 : i32
          %get3A_1318 = arith.index_cast %get3A_1317 : i32 to index
          %get3A_1319 = arith.constant 0 : index
          %get3A_1320 = tpu.vector_load %arg22[%get3A_1318, %get3A_1319] {strides = array<i32>} : memref<39x16xf32, #tpu.memory_space<vmem>>, vector<1x16xf32>,
          %get3A_1321 = vector.shape_cast %get3A_1320 : vector<1x16xf32> to vector<16xf32>
          %mul3A_1322 = arith.mulf %mul3A_1313, %get3A_1321 : vector<16xf32>
          %add3A_1323 = arith.addf %add3A_1303, %mul3A_1322 : vector<16xf32>
          %slice3A_1324 = vector.extract_strided_slice %get3A_645 {offsets = [0], sizes = [1], strides = [1]} : vector<16xf32> to vector<1xf32>
          %squeeze3A_1325 = vector.extract %slice3A_1324[0] : f32 from vector<1xf32>
          %add3A_1326 = arith.constant 3 : i32
          %add3A_1327 = arith.addi %mul3A_1263, %add3A_1326 : i32
          %get3A_1328 = arith.index_cast %add3A_1327 : i32 to index
          %get3A_1329 = arith.constant 0 : index
          %get3A_1330 = tpu.vector_load %arg28[%get3A_1328, %get3A_1329] {strides = array<i32>} : memref<832x16xf32, #tpu.memory_space<vmem>>, vector<1x16xf32>,
          %get3A_1331 = vector.shape_cast %get3A_1330 : vector<1x16xf32> to vector<16xf32>
          %mul3A_1332 = vector.broadcast %squeeze3A_1325 : f32 to vector<16xf32>
          %mul3A_1333 = arith.mulf %get3A_1331, %mul3A_1332 : vector<16xf32>
          %add3A_1334 = arith.addf %add3A_1314, %mul3A_1333 : vector<16xf32>
          %mul3A_1335 = arith.mulf %mul3A_1333, %mul3A_1333 : vector<16xf32>
          %add3A_1336 = arith.addf %add3A_1316, %mul3A_1335 : vector<16xf32>
          %get3A_1337 = arith.constant 16 : i32
          %get3A_1338 = arith.index_cast %get3A_1337 : i32 to index
          %get3A_1339 = arith.constant 0 : index
          %get3A_1340 = tpu.vector_load %arg22[%get3A_1338, %get3A_1339] {strides = array<i32>} : memref<39x16xf32, #tpu.memory_space<vmem>>, vector<1x16xf32>,
          %get3A_1341 = vector.shape_cast %get3A_1340 : vector<1x16xf32> to vector<16xf32>
          %mul3A_1342 = arith.mulf %mul3A_1333, %get3A_1341 : vector<16xf32>
          %add3A_1343 = arith.addf %add3A_1323, %mul3A_1342 : vector<16xf32>
          %slice3A_1344 = vector.extract_strided_slice %get3A_645 {offsets = [1], sizes = [1], strides = [1]} : vector<16xf32> to vector<1xf32>
          %squeeze3A_1345 = vector.extract %slice3A_1344[0] : f32 from vector<1xf32>
          %add3A_1346 = arith.constant 4 : i32
          %add3A_1347 = arith.addi %mul3A_1263, %add3A_1346 : i32
          %get3A_1348 = arith.index_cast %add3A_1347 : i32 to index
          %get3A_1349 = arith.constant 0 : index
          %get3A_1350 = tpu.vector_load %arg28[%get3A_1348, %get3A_1349] {strides = array<i32>} : memref<832x16xf32, #tpu.memory_space<vmem>>, vector<1x16xf32>,
          %get3A_1351 = vector.shape_cast %get3A_1350 : vector<1x16xf32> to vector<16xf32>
          %mul3A_1352 = vector.broadcast %squeeze3A_1345 : f32 to vector<16xf32>
          %mul3A_1353 = arith.mulf %get3A_1351, %mul3A_1352 : vector<16xf32>
          %add3A_1354 = arith.addf %add3A_1334, %mul3A_1353 : vector<16xf32>
          %mul3A_1355 = arith.mulf %mul3A_1353, %mul3A_1353 : vector<16xf32>
          %add3A_1356 = arith.addf %add3A_1336, %mul3A_1355 : vector<16xf32>
          %get3A_1357 = arith.constant 17 : i32
          %get3A_1358 = arith.index_cast %get3A_1357 : i32 to index
          %get3A_1359 = arith.constant 0 : index
          %get3A_1360 = tpu.vector_load %arg22[%get3A_1358, %get3A_1359] {strides = array<i32>} : memref<39x16xf32, #tpu.memory_space<vmem>>, vector<1x16xf32>,
          %get3A_1361 = vector.shape_cast %get3A_1360 : vector<1x16xf32> to vector<16xf32>
          %mul3A_1362 = arith.mulf %mul3A_1353, %get3A_1361 : vector<16xf32>
          %add3A_1363 = arith.addf %add3A_1343, %mul3A_1362 : vector<16xf32>
          %slice3A_1364 = vector.extract_strided_slice %get3A_645 {offsets = [2], sizes = [1], strides = [1]} : vector<16xf32> to vector<1xf32>
          %squeeze3A_1365 = vector.extract %slice3A_1364[0] : f32 from vector<1xf32>
          %add3A_1366 = arith.constant 5 : i32
          %add3A_1367 = arith.addi %mul3A_1263, %add3A_1366 : i32
          %get3A_1368 = arith.index_cast %add3A_1367 : i32 to index
          %get3A_1369 = arith.constant 0 : index
          %get3A_1370 = tpu.vector_load %arg28[%get3A_1368, %get3A_1369] {strides = array<i32>} : memref<832x16xf32, #tpu.memory_space<vmem>>, vector<1x16xf32>,
          %get3A_1371 = vector.shape_cast %get3A_1370 : vector<1x16xf32> to vector<16xf32>
          %mul3A_1372 = vector.broadcast %squeeze3A_1365 : f32 to vector<16xf32>
          %mul3A_1373 = arith.mulf %get3A_1371, %mul3A_1372 : vector<16xf32>
          %add3A_1374 = arith.addf %add3A_1354, %mul3A_1373 : vector<16xf32>
          %mul3A_1375 = arith.mulf %mul3A_1373, %mul3A_1373 : vector<16xf32>
          %add3A_1376 = arith.addf %add3A_1356, %mul3A_1375 : vector<16xf32>
          %get3A_1377 = arith.constant 18 : i32
          %get3A_1378 = arith.index_cast %get3A_1377 : i32 to index
          %get3A_1379 = arith.constant 0 : index
          %get3A_1380 = tpu.vector_load %arg22[%get3A_1378, %get3A_1379] {strides = array<i32>} : memref<39x16xf32, #tpu.memory_space<vmem>>, vector<1x16xf32>,
          %get3A_1381 = vector.shape_cast %get3A_1380 : vector<1x16xf32> to vector<16xf32>
          %mul3A_1382 = arith.mulf %mul3A_1373, %get3A_1381 : vector<16xf32>
          %add3A_1383 = arith.addf %add3A_1363, %mul3A_1382 : vector<16xf32>
          %slice3A_1384 = vector.extract_strided_slice %get3A_645 {offsets = [3], sizes = [1], strides = [1]} : vector<16xf32> to vector<1xf32>
          %squeeze3A_1385 = vector.extract %slice3A_1384[0] : f32 from vector<1xf32>
          %add3A_1386 = arith.constant 6 : i32
          %add3A_1387 = arith.addi %mul3A_1263, %add3A_1386 : i32
          %get3A_1388 = arith.index_cast %add3A_1387 : i32 to index
          %get3A_1389 = arith.constant 0 : index
          %get3A_1390 = tpu.vector_load %arg28[%get3A_1388, %get3A_1389] {strides = array<i32>} : memref<832x16xf32, #tpu.memory_space<vmem>>, vector<1x16xf32>,
          %get3A_1391 = vector.shape_cast %get3A_1390 : vector<1x16xf32> to vector<16xf32>
          %mul3A_1392 = vector.broadcast %squeeze3A_1385 : f32 to vector<16xf32>
          %mul3A_1393 = arith.mulf %get3A_1391, %mul3A_1392 : vector<16xf32>
          %add3A_1394 = arith.addf %add3A_1374, %mul3A_1393 : vector<16xf32>
          %mul3A_1395 = arith.mulf %mul3A_1393, %mul3A_1393 : vector<16xf32>
          %add3A_1396 = arith.addf %add3A_1376, %mul3A_1395 : vector<16xf32>
          %get3A_1397 = arith.constant 19 : i32
          %get3A_1398 = arith.index_cast %get3A_1397 : i32 to index
          %get3A_1399 = arith.constant 0 : index
          %get3A_1400 = tpu.vector_load %arg22[%get3A_1398, %get3A_1399] {strides = array<i32>} : memref<39x16xf32, #tpu.memory_space<vmem>>, vector<1x16xf32>,
          %get3A_1401 = vector.shape_cast %get3A_1400 : vector<1x16xf32> to vector<16xf32>
          %mul3A_1402 = arith.mulf %mul3A_1393, %get3A_1401 : vector<16xf32>
          %add3A_1403 = arith.addf %add3A_1383, %mul3A_1402 : vector<16xf32>
          %slice3A_1404 = vector.extract_strided_slice %get3A_645 {offsets = [4], sizes = [1], strides = [1]} : vector<16xf32> to vector<1xf32>
          %squeeze3A_1405 = vector.extract %slice3A_1404[0] : f32 from vector<1xf32>
          %add3A_1406 = arith.constant 7 : i32
          %add3A_1407 = arith.addi %mul3A_1263, %add3A_1406 : i32
          %get3A_1408 = arith.index_cast %add3A_1407 : i32 to index
          %get3A_1409 = arith.constant 0 : index
          %get3A_1410 = tpu.vector_load %arg28[%get3A_1408, %get3A_1409] {strides = array<i32>} : memref<832x16xf32, #tpu.memory_space<vmem>>, vector<1x16xf32>,
          %get3A_1411 = vector.shape_cast %get3A_1410 : vector<1x16xf32> to vector<16xf32>
          %mul3A_1412 = vector.broadcast %squeeze3A_1405 : f32 to vector<16xf32>
          %mul3A_1413 = arith.mulf %get3A_1411, %mul3A_1412 : vector<16xf32>
          %add3A_1414 = arith.addf %add3A_1394, %mul3A_1413 : vector<16xf32>
          %mul3A_1415 = arith.mulf %mul3A_1413, %mul3A_1413 : vector<16xf32>
          %add3A_1416 = arith.addf %add3A_1396, %mul3A_1415 : vector<16xf32>
          %get3A_1417 = arith.constant 20 : i32
          %get3A_1418 = arith.index_cast %get3A_1417 : i32 to index
          %get3A_1419 = arith.constant 0 : index
          %get3A_1420 = tpu.vector_load %arg22[%get3A_1418, %get3A_1419] {strides = array<i32>} : memref<39x16xf32, #tpu.memory_space<vmem>>, vector<1x16xf32>,
          %get3A_1421 = vector.shape_cast %get3A_1420 : vector<1x16xf32> to vector<16xf32>
          %mul3A_1422 = arith.mulf %mul3A_1413, %get3A_1421 : vector<16xf32>
          %add3A_1423 = arith.addf %add3A_1403, %mul3A_1422 : vector<16xf32>
          %slice3A_1424 = vector.extract_strided_slice %get3A_645 {offsets = [5], sizes = [1], strides = [1]} : vector<16xf32> to vector<1xf32>
          %squeeze3A_1425 = vector.extract %slice3A_1424[0] : f32 from vector<1xf32>
          %add3A_1426 = arith.constant 8 : i32
          %add3A_1427 = arith.addi %mul3A_1263, %add3A_1426 : i32
          %get3A_1428 = arith.index_cast %add3A_1427 : i32 to index
          %get3A_1429 = arith.constant 0 : index
          %get3A_1430 = tpu.vector_load %arg28[%get3A_1428, %get3A_1429] {strides = array<i32>} : memref<832x16xf32, #tpu.memory_space<vmem>>, vector<1x16xf32>,
          %get3A_1431 = vector.shape_cast %get3A_1430 : vector<1x16xf32> to vector<16xf32>
          %mul3A_1432 = vector.broadcast %squeeze3A_1425 : f32 to vector<16xf32>
          %mul3A_1433 = arith.mulf %get3A_1431, %mul3A_1432 : vector<16xf32>
          %add3A_1434 = arith.addf %add3A_1414, %mul3A_1433 : vector<16xf32>
          %mul3A_1435 = arith.mulf %mul3A_1433, %mul3A_1433 : vector<16xf32>
          %add3A_1436 = arith.addf %add3A_1416, %mul3A_1435 : vector<16xf32>
          %get3A_1437 = arith.constant 21 : i32
          %get3A_1438 = arith.index_cast %get3A_1437 : i32 to index
          %get3A_1439 = arith.constant 0 : index
          %get3A_1440 = tpu.vector_load %arg22[%get3A_1438, %get3A_1439] {strides = array<i32>} : memref<39x16xf32, #tpu.memory_space<vmem>>, vector<1x16xf32>,
          %get3A_1441 = vector.shape_cast %get3A_1440 : vector<1x16xf32> to vector<16xf32>
          %mul3A_1442 = arith.mulf %mul3A_1433, %get3A_1441 : vector<16xf32>
          %add3A_1443 = arith.addf %add3A_1423, %mul3A_1442 : vector<16xf32>
          %slice3A_1444 = vector.extract_strided_slice %get3A_645 {offsets = [6], sizes = [1], strides = [1]} : vector<16xf32> to vector<1xf32>
          %squeeze3A_1445 = vector.extract %slice3A_1444[0] : f32 from vector<1xf32>
          %add3A_1446 = arith.constant 9 : i32
          %add3A_1447 = arith.addi %mul3A_1263, %add3A_1446 : i32
          %get3A_1448 = arith.index_cast %add3A_1447 : i32 to index
          %get3A_1449 = arith.constant 0 : index
          %get3A_1450 = tpu.vector_load %arg28[%get3A_1448, %get3A_1449] {strides = array<i32>} : memref<832x16xf32, #tpu.memory_space<vmem>>, vector<1x16xf32>,
          %get3A_1451 = vector.shape_cast %get3A_1450 : vector<1x16xf32> to vector<16xf32>
          %mul3A_1452 = vector.broadcast %squeeze3A_1445 : f32 to vector<16xf32>
          %mul3A_1453 = arith.mulf %get3A_1451, %mul3A_1452 : vector<16xf32>
          %add3A_1454 = arith.addf %add3A_1434, %mul3A_1453 : vector<16xf32>
          %mul3A_1455 = arith.mulf %mul3A_1453, %mul3A_1453 : vector<16xf32>
          %add3A_1456 = arith.addf %add3A_1436, %mul3A_1455 : vector<16xf32>
          %get3A_1457 = arith.constant 22 : i32
          %get3A_1458 = arith.index_cast %get3A_1457 : i32 to index
          %get3A_1459 = arith.constant 0 : index
          %get3A_1460 = tpu.vector_load %arg22[%get3A_1458, %get3A_1459] {strides = array<i32>} : memref<39x16xf32, #tpu.memory_space<vmem>>, vector<1x16xf32>,
          %get3A_1461 = vector.shape_cast %get3A_1460 : vector<1x16xf32> to vector<16xf32>
          %mul3A_1462 = arith.mulf %mul3A_1453, %get3A_1461 : vector<16xf32>
          %add3A_1463 = arith.addf %add3A_1443, %mul3A_1462 : vector<16xf32>
          %slice3A_1464 = vector.extract_strided_slice %get3A_645 {offsets = [7], sizes = [1], strides = [1]} : vector<16xf32> to vector<1xf32>
          %squeeze3A_1465 = vector.extract %slice3A_1464[0] : f32 from vector<1xf32>
          %add3A_1466 = arith.constant 10 : i32
          %add3A_1467 = arith.addi %mul3A_1263, %add3A_1466 : i32
          %get3A_1468 = arith.index_cast %add3A_1467 : i32 to index
          %get3A_1469 = arith.constant 0 : index
          %get3A_1470 = tpu.vector_load %arg28[%get3A_1468, %get3A_1469] {strides = array<i32>} : memref<832x16xf32, #tpu.memory_space<vmem>>, vector<1x16xf32>,
          %get3A_1471 = vector.shape_cast %get3A_1470 : vector<1x16xf32> to vector<16xf32>
          %mul3A_1472 = vector.broadcast %squeeze3A_1465 : f32 to vector<16xf32>
          %mul3A_1473 = arith.mulf %get3A_1471, %mul3A_1472 : vector<16xf32>
          %add3A_1474 = arith.addf %add3A_1454, %mul3A_1473 : vector<16xf32>
          %mul3A_1475 = arith.mulf %mul3A_1473, %mul3A_1473 : vector<16xf32>
          %add3A_1476 = arith.addf %add3A_1456, %mul3A_1475 : vector<16xf32>
          %get3A_1477 = arith.constant 23 : i32
          %get3A_1478 = arith.index_cast %get3A_1477 : i32 to index
          %get3A_1479 = arith.constant 0 : index
          %get3A_1480 = tpu.vector_load %arg22[%get3A_1478, %get3A_1479] {strides = array<i32>} : memref<39x16xf32, #tpu.memory_space<vmem>>, vector<1x16xf32>,
          %get3A_1481 = vector.shape_cast %get3A_1480 : vector<1x16xf32> to vector<16xf32>
          %mul3A_1482 = arith.mulf %mul3A_1473, %get3A_1481 : vector<16xf32>
          %add3A_1483 = arith.addf %add3A_1463, %mul3A_1482 : vector<16xf32>
          %slice3A_1484 = vector.extract_strided_slice %get3A_645 {offsets = [8], sizes = [1], strides = [1]} : vector<16xf32> to vector<1xf32>
          %squeeze3A_1485 = vector.extract %slice3A_1484[0] : f32 from vector<1xf32>
          %add3A_1486 = arith.constant 11 : i32
          %add3A_1487 = arith.addi %mul3A_1263, %add3A_1486 : i32
          %get3A_1488 = arith.index_cast %add3A_1487 : i32 to index
          %get3A_1489 = arith.constant 0 : index
          %get3A_1490 = tpu.vector_load %arg28[%get3A_1488, %get3A_1489] {strides = array<i32>} : memref<832x16xf32, #tpu.memory_space<vmem>>, vector<1x16xf32>,
          %get3A_1491 = vector.shape_cast %get3A_1490 : vector<1x16xf32> to vector<16xf32>
          %mul3A_1492 = vector.broadcast %squeeze3A_1485 : f32 to vector<16xf32>
          %mul3A_1493 = arith.mulf %get3A_1491, %mul3A_1492 : vector<16xf32>
          %add3A_1494 = arith.addf %add3A_1474, %mul3A_1493 : vector<16xf32>
          %mul3A_1495 = arith.mulf %mul3A_1493, %mul3A_1493 : vector<16xf32>
          %add3A_1496 = arith.addf %add3A_1476, %mul3A_1495 : vector<16xf32>
          %get3A_1497 = arith.constant 24 : i32
          %get3A_1498 = arith.index_cast %get3A_1497 : i32 to index
          %get3A_1499 = arith.constant 0 : index
          %get3A_1500 = tpu.vector_load %arg22[%get3A_1498, %get3A_1499] {strides = array<i32>} : memref<39x16xf32, #tpu.memory_space<vmem>>, vector<1x16xf32>,
          %get3A_1501 = vector.shape_cast %get3A_1500 : vector<1x16xf32> to vector<16xf32>
          %mul3A_1502 = arith.mulf %mul3A_1493, %get3A_1501 : vector<16xf32>
          %add3A_1503 = arith.addf %add3A_1483, %mul3A_1502 : vector<16xf32>
          %slice3A_1504 = vector.extract_strided_slice %get3A_645 {offsets = [9], sizes = [1], strides = [1]} : vector<16xf32> to vector<1xf32>
          %squeeze3A_1505 = vector.extract %slice3A_1504[0] : f32 from vector<1xf32>
          %add3A_1506 = arith.constant 12 : i32
          %add3A_1507 = arith.addi %mul3A_1263, %add3A_1506 : i32
          %get3A_1508 = arith.index_cast %add3A_1507 : i32 to index
          %get3A_1509 = arith.constant 0 : index
          %get3A_1510 = tpu.vector_load %arg28[%get3A_1508, %get3A_1509] {strides = array<i32>} : memref<832x16xf32, #tpu.memory_space<vmem>>, vector<1x16xf32>,
          %get3A_1511 = vector.shape_cast %get3A_1510 : vector<1x16xf32> to vector<16xf32>
          %mul3A_1512 = vector.broadcast %squeeze3A_1505 : f32 to vector<16xf32>
          %mul3A_1513 = arith.mulf %get3A_1511, %mul3A_1512 : vector<16xf32>
          %add3A_1514 = arith.addf %add3A_1494, %mul3A_1513 : vector<16xf32>
          %mul3A_1515 = arith.mulf %mul3A_1513, %mul3A_1513 : vector<16xf32>
          %add3A_1516 = arith.addf %add3A_1496, %mul3A_1515 : vector<16xf32>
          %get3A_1517 = arith.constant 25 : i32
          %get3A_1518 = arith.index_cast %get3A_1517 : i32 to index
          %get3A_1519 = arith.constant 0 : index
          %get3A_1520 = tpu.vector_load %arg22[%get3A_1518, %get3A_1519] {strides = array<i32>} : memref<39x16xf32, #tpu.memory_space<vmem>>, vector<1x16xf32>,
          %get3A_1521 = vector.shape_cast %get3A_1520 : vector<1x16xf32> to vector<16xf32>
          %mul3A_1522 = arith.mulf %mul3A_1513, %get3A_1521 : vector<16xf32>
          %add3A_1523 = arith.addf %add3A_1503, %mul3A_1522 : vector<16xf32>
          %slice3A_1524 = vector.extract_strided_slice %get3A_645 {offsets = [10], sizes = [1], strides = [1]} : vector<16xf32> to vector<1xf32>
          %squeeze3A_1525 = vector.extract %slice3A_1524[0] : f32 from vector<1xf32>
          %add3A_1526 = arith.constant 13 : i32
          %add3A_1527 = arith.addi %mul3A_1263, %add3A_1526 : i32
          %sub3A = arith.constant 13 : i32
          %sub3A_1528 = arith.subi %add3A_1527, %sub3A : i32
          %get3A_1529 = arith.index_cast %sub3A_1528 : i32 to index
          %get3A_1530 = arith.constant 0 : index
          %get3A_1531 = tpu.vector_load %arg29[%get3A_1529, %get3A_1530] {strides = array<i32>} : memref<832x16xf32, #tpu.memory_space<vmem>>, vector<1x16xf32>,
          %get3A_1532 = vector.shape_cast %get3A_1531 : vector<1x16xf32> to vector<16xf32>
          %mul3A_1533 = vector.broadcast %squeeze3A_1525 : f32 to vector<16xf32>
          %mul3A_1534 = arith.mulf %get3A_1532, %mul3A_1533 : vector<16xf32>
          %add3A_1535 = arith.addf %add3A_1514, %mul3A_1534 : vector<16xf32>
          %mul3A_1536 = arith.mulf %mul3A_1534, %mul3A_1534 : vector<16xf32>
          %add3A_1537 = arith.addf %add3A_1516, %mul3A_1536 : vector<16xf32>
          %get3A_1538 = arith.constant 26 : i32
          %get3A_1539 = arith.index_cast %get3A_1538 : i32 to index
          %get3A_1540 = arith.constant 0 : index
          %get3A_1541 = tpu.vector_load %arg22[%get3A_1539, %get3A_1540] {strides = array<i32>} : memref<39x16xf32, #tpu.memory_space<vmem>>, vector<1x16xf32>,
          %get3A_1542 = vector.shape_cast %get3A_1541 : vector<1x16xf32> to vector<16xf32>
          %mul3A_1543 = arith.mulf %mul3A_1534, %get3A_1542 : vector<16xf32>
          %add3A_1544 = arith.addf %add3A_1523, %mul3A_1543 : vector<16xf32>
          %slice3A_1545 = vector.extract_strided_slice %get3A_645 {offsets = [11], sizes = [1], strides = [1]} : vector<16xf32> to vector<1xf32>
          %squeeze3A_1546 = vector.extract %slice3A_1545[0] : f32 from vector<1xf32>
          %add3A_1547 = arith.constant 14 : i32
          %add3A_1548 = arith.addi %mul3A_1263, %add3A_1547 : i32
          %sub3A_1549 = arith.constant 13 : i32
          %sub3A_1550 = arith.subi %add3A_1548, %sub3A_1549 : i32
          %get3A_1551 = arith.index_cast %sub3A_1550 : i32 to index
          %get3A_1552 = arith.constant 0 : index
          %get3A_1553 = tpu.vector_load %arg29[%get3A_1551, %get3A_1552] {strides = array<i32>} : memref<832x16xf32, #tpu.memory_space<vmem>>, vector<1x16xf32>,
          %get3A_1554 = vector.shape_cast %get3A_1553 : vector<1x16xf32> to vector<16xf32>
          %mul3A_1555 = vector.broadcast %squeeze3A_1546 : f32 to vector<16xf32>
          %mul3A_1556 = arith.mulf %get3A_1554, %mul3A_1555 : vector<16xf32>
          %add3A_1557 = arith.addf %add3A_1535, %mul3A_1556 : vector<16xf32>
          %mul3A_1558 = arith.mulf %mul3A_1556, %mul3A_1556 : vector<16xf32>
          %add3A_1559 = arith.addf %add3A_1537, %mul3A_1558 : vector<16xf32>
          %get3A_1560 = arith.constant 27 : i32
          %get3A_1561 = arith.index_cast %get3A_1560 : i32 to index
          %get3A_1562 = arith.constant 0 : index
          %get3A_1563 = tpu.vector_load %arg22[%get3A_1561, %get3A_1562] {strides = array<i32>} : memref<39x16xf32, #tpu.memory_space<vmem>>, vector<1x16xf32>,
          %get3A_1564 = vector.shape_cast %get3A_1563 : vector<1x16xf32> to vector<16xf32>
          %mul3A_1565 = arith.mulf %mul3A_1556, %get3A_1564 : vector<16xf32>
          %add3A_1566 = arith.addf %add3A_1544, %mul3A_1565 : vector<16xf32>
          %slice3A_1567 = vector.extract_strided_slice %get3A_645 {offsets = [12], sizes = [1], strides = [1]} : vector<16xf32> to vector<1xf32>
          %squeeze3A_1568 = vector.extract %slice3A_1567[0] : f32 from vector<1xf32>
          %add3A_1569 = arith.constant 15 : i32
          %add3A_1570 = arith.addi %mul3A_1263, %add3A_1569 : i32
          %sub3A_1571 = arith.constant 13 : i32
          %sub3A_1572 = arith.subi %add3A_1570, %sub3A_1571 : i32
          %get3A_1573 = arith.index_cast %sub3A_1572 : i32 to index
          %get3A_1574 = arith.constant 0 : index
          %get3A_1575 = tpu.vector_load %arg29[%get3A_1573, %get3A_1574] {strides = array<i32>} : memref<832x16xf32, #tpu.memory_space<vmem>>, vector<1x16xf32>,
          %get3A_1576 = vector.shape_cast %get3A_1575 : vector<1x16xf32> to vector<16xf32>
          %mul3A_1577 = vector.broadcast %squeeze3A_1568 : f32 to vector<16xf32>
          %mul3A_1578 = arith.mulf %get3A_1576, %mul3A_1577 : vector<16xf32>
          %add3A_1579 = arith.addf %add3A_1557, %mul3A_1578 : vector<16xf32>
          %mul3A_1580 = arith.mulf %mul3A_1578, %mul3A_1578 : vector<16xf32>
          %add3A_1581 = arith.addf %add3A_1559, %mul3A_1580 : vector<16xf32>
          %get3A_1582 = arith.constant 28 : i32
          %get3A_1583 = arith.index_cast %get3A_1582 : i32 to index
          %get3A_1584 = arith.constant 0 : index
          %get3A_1585 = tpu.vector_load %arg22[%get3A_1583, %get3A_1584] {strides = array<i32>} : memref<39x16xf32, #tpu.memory_space<vmem>>, vector<1x16xf32>,
          %get3A_1586 = vector.shape_cast %get3A_1585 : vector<1x16xf32> to vector<16xf32>
          %mul3A_1587 = arith.mulf %mul3A_1578, %get3A_1586 : vector<16xf32>
          %add3A_1588 = arith.addf %add3A_1566, %mul3A_1587 : vector<16xf32>
          %slice3A_1589 = vector.extract_strided_slice %get3A_645 {offsets = [13], sizes = [1], strides = [1]} : vector<16xf32> to vector<1xf32>
          %squeeze3A_1590 = vector.extract %slice3A_1589[0] : f32 from vector<1xf32>
          %add3A_1591 = arith.constant 16 : i32
          %add3A_1592 = arith.addi %mul3A_1263, %add3A_1591 : i32
          %sub3A_1593 = arith.constant 13 : i32
          %sub3A_1594 = arith.subi %add3A_1592, %sub3A_1593 : i32
          %get3A_1595 = arith.index_cast %sub3A_1594 : i32 to index
          %get3A_1596 = arith.constant 0 : index
          %get3A_1597 = tpu.vector_load %arg29[%get3A_1595, %get3A_1596] {strides = array<i32>} : memref<832x16xf32, #tpu.memory_space<vmem>>, vector<1x16xf32>,
          %get3A_1598 = vector.shape_cast %get3A_1597 : vector<1x16xf32> to vector<16xf32>
          %mul3A_1599 = vector.broadcast %squeeze3A_1590 : f32 to vector<16xf32>
          %mul3A_1600 = arith.mulf %get3A_1598, %mul3A_1599 : vector<16xf32>
          %add3A_1601 = arith.addf %add3A_1579, %mul3A_1600 : vector<16xf32>
          %mul3A_1602 = arith.mulf %mul3A_1600, %mul3A_1600 : vector<16xf32>
          %add3A_1603 = arith.addf %add3A_1581, %mul3A_1602 : vector<16xf32>
          %get3A_1604 = arith.constant 29 : i32
          %get3A_1605 = arith.index_cast %get3A_1604 : i32 to index
          %get3A_1606 = arith.constant 0 : index
          %get3A_1607 = tpu.vector_load %arg22[%get3A_1605, %get3A_1606] {strides = array<i32>} : memref<39x16xf32, #tpu.memory_space<vmem>>, vector<1x16xf32>,
          %get3A_1608 = vector.shape_cast %get3A_1607 : vector<1x16xf32> to vector<16xf32>
          %mul3A_1609 = arith.mulf %mul3A_1600, %get3A_1608 : vector<16xf32>
          %add3A_1610 = arith.addf %add3A_1588, %mul3A_1609 : vector<16xf32>
          %slice3A_1611 = vector.extract_strided_slice %get3A_645 {offsets = [14], sizes = [1], strides = [1]} : vector<16xf32> to vector<1xf32>
          %squeeze3A_1612 = vector.extract %slice3A_1611[0] : f32 from vector<1xf32>
          %add3A_1613 = arith.constant 17 : i32
          %add3A_1614 = arith.addi %mul3A_1263, %add3A_1613 : i32
          %sub3A_1615 = arith.constant 13 : i32
          %sub3A_1616 = arith.subi %add3A_1614, %sub3A_1615 : i32
          %get3A_1617 = arith.index_cast %sub3A_1616 : i32 to index
          %get3A_1618 = arith.constant 0 : index
          %get3A_1619 = tpu.vector_load %arg29[%get3A_1617, %get3A_1618] {strides = array<i32>} : memref<832x16xf32, #tpu.memory_space<vmem>>, vector<1x16xf32>,
          %get3A_1620 = vector.shape_cast %get3A_1619 : vector<1x16xf32> to vector<16xf32>
          %mul3A_1621 = vector.broadcast %squeeze3A_1612 : f32 to vector<16xf32>
          %mul3A_1622 = arith.mulf %get3A_1620, %mul3A_1621 : vector<16xf32>
          %add3A_1623 = arith.addf %add3A_1601, %mul3A_1622 : vector<16xf32>
          %mul3A_1624 = arith.mulf %mul3A_1622, %mul3A_1622 : vector<16xf32>
          %add3A_1625 = arith.addf %add3A_1603, %mul3A_1624 : vector<16xf32>
          %get3A_1626 = arith.constant 30 : i32
          %get3A_1627 = arith.index_cast %get3A_1626 : i32 to index
          %get3A_1628 = arith.constant 0 : index
          %get3A_1629 = tpu.vector_load %arg22[%get3A_1627, %get3A_1628] {strides = array<i32>} : memref<39x16xf32, #tpu.memory_space<vmem>>, vector<1x16xf32>,
          %get3A_1630 = vector.shape_cast %get3A_1629 : vector<1x16xf32> to vector<16xf32>
          %mul3A_1631 = arith.mulf %mul3A_1622, %get3A_1630 : vector<16xf32>
          %add3A_1632 = arith.addf %add3A_1610, %mul3A_1631 : vector<16xf32>
          %slice3A_1633 = vector.extract_strided_slice %get3A_645 {offsets = [15], sizes = [1], strides = [1]} : vector<16xf32> to vector<1xf32>
          %squeeze3A_1634 = vector.extract %slice3A_1633[0] : f32 from vector<1xf32>
          %add3A_1635 = arith.constant 18 : i32
          %add3A_1636 = arith.addi %mul3A_1263, %add3A_1635 : i32
          %sub3A_1637 = arith.constant 13 : i32
          %sub3A_1638 = arith.subi %add3A_1636, %sub3A_1637 : i32
          %get3A_1639 = arith.index_cast %sub3A_1638 : i32 to index
          %get3A_1640 = arith.constant 0 : index
          %get3A_1641 = tpu.vector_load %arg29[%get3A_1639, %get3A_1640] {strides = array<i32>} : memref<832x16xf32, #tpu.memory_space<vmem>>, vector<1x16xf32>,
          %get3A_1642 = vector.shape_cast %get3A_1641 : vector<1x16xf32> to vector<16xf32>
          %mul3A_1643 = vector.broadcast %squeeze3A_1634 : f32 to vector<16xf32>
          %mul3A_1644 = arith.mulf %get3A_1642, %mul3A_1643 : vector<16xf32>
          %add3A_1645 = arith.addf %add3A_1623, %mul3A_1644 : vector<16xf32>
          %mul3A_1646 = arith.mulf %mul3A_1644, %mul3A_1644 : vector<16xf32>
          %add3A_1647 = arith.addf %add3A_1625, %mul3A_1646 : vector<16xf32>
          %get3A_1648 = arith.constant 31 : i32
          %get3A_1649 = arith.index_cast %get3A_1648 : i32 to index
          %get3A_1650 = arith.constant 0 : index
          %get3A_1651 = tpu.vector_load %arg22[%get3A_1649, %get3A_1650] {strides = array<i32>} : memref<39x16xf32, #tpu.memory_space<vmem>>, vector<1x16xf32>,
          %get3A_1652 = vector.shape_cast %get3A_1651 : vector<1x16xf32> to vector<16xf32>
          %mul3A_1653 = arith.mulf %mul3A_1644, %get3A_1652 : vector<16xf32>
          %add3A_1654 = arith.addf %add3A_1632, %mul3A_1653 : vector<16xf32>
          %slice3A_1655 = vector.extract_strided_slice %get3A_649 {offsets = [0], sizes = [1], strides = [1]} : vector<16xf32> to vector<1xf32>
          %squeeze3A_1656 = vector.extract %slice3A_1655[0] : f32 from vector<1xf32>
          %add3A_1657 = arith.constant 19 : i32
          %add3A_1658 = arith.addi %mul3A_1263, %add3A_1657 : i32
          %sub3A_1659 = arith.constant 13 : i32
          %sub3A_1660 = arith.subi %add3A_1658, %sub3A_1659 : i32
          %get3A_1661 = arith.index_cast %sub3A_1660 : i32 to index
          %get3A_1662 = arith.constant 0 : index
          %get3A_1663 = tpu.vector_load %arg29[%get3A_1661, %get3A_1662] {strides = array<i32>} : memref<832x16xf32, #tpu.memory_space<vmem>>, vector<1x16xf32>,
          %get3A_1664 = vector.shape_cast %get3A_1663 : vector<1x16xf32> to vector<16xf32>
          %mul3A_1665 = vector.broadcast %squeeze3A_1656 : f32 to vector<16xf32>
          %mul3A_1666 = arith.mulf %get3A_1664, %mul3A_1665 : vector<16xf32>
          %add3A_1667 = arith.addf %add3A_1645, %mul3A_1666 : vector<16xf32>
          %mul3A_1668 = arith.mulf %mul3A_1666, %mul3A_1666 : vector<16xf32>
          %add3A_1669 = arith.addf %add3A_1647, %mul3A_1668 : vector<16xf32>
          %get3A_1670 = arith.constant 32 : i32
          %get3A_1671 = arith.index_cast %get3A_1670 : i32 to index
          %get3A_1672 = arith.constant 0 : index
          %get3A_1673 = tpu.vector_load %arg22[%get3A_1671, %get3A_1672] {strides = array<i32>} : memref<39x16xf32, #tpu.memory_space<vmem>>, vector<1x16xf32>,
          %get3A_1674 = vector.shape_cast %get3A_1673 : vector<1x16xf32> to vector<16xf32>
          %mul3A_1675 = arith.mulf %mul3A_1666, %get3A_1674 : vector<16xf32>
          %add3A_1676 = arith.addf %add3A_1654, %mul3A_1675 : vector<16xf32>
          %slice3A_1677 = vector.extract_strided_slice %get3A_649 {offsets = [1], sizes = [1], strides = [1]} : vector<16xf32> to vector<1xf32>
          %squeeze3A_1678 = vector.extract %slice3A_1677[0] : f32 from vector<1xf32>
          %add3A_1679 = arith.constant 20 : i32
          %add3A_1680 = arith.addi %mul3A_1263, %add3A_1679 : i32
          %sub3A_1681 = arith.constant 13 : i32
          %sub3A_1682 = arith.subi %add3A_1680, %sub3A_1681 : i32
          %get3A_1683 = arith.index_cast %sub3A_1682 : i32 to index
          %get3A_1684 = arith.constant 0 : index
          %get3A_1685 = tpu.vector_load %arg29[%get3A_1683, %get3A_1684] {strides = array<i32>} : memref<832x16xf32, #tpu.memory_space<vmem>>, vector<1x16xf32>,
          %get3A_1686 = vector.shape_cast %get3A_1685 : vector<1x16xf32> to vector<16xf32>
          %mul3A_1687 = vector.broadcast %squeeze3A_1678 : f32 to vector<16xf32>
          %mul3A_1688 = arith.mulf %get3A_1686, %mul3A_1687 : vector<16xf32>
          %add3A_1689 = arith.addf %add3A_1667, %mul3A_1688 : vector<16xf32>
          %mul3A_1690 = arith.mulf %mul3A_1688, %mul3A_1688 : vector<16xf32>
          %add3A_1691 = arith.addf %add3A_1669, %mul3A_1690 : vector<16xf32>
          %get3A_1692 = arith.constant 33 : i32
          %get3A_1693 = arith.index_cast %get3A_1692 : i32 to index
          %get3A_1694 = arith.constant 0 : index
          %get3A_1695 = tpu.vector_load %arg22[%get3A_1693, %get3A_1694] {strides = array<i32>} : memref<39x16xf32, #tpu.memory_space<vmem>>, vector<1x16xf32>,
          %get3A_1696 = vector.shape_cast %get3A_1695 : vector<1x16xf32> to vector<16xf32>
          %mul3A_1697 = arith.mulf %mul3A_1688, %get3A_1696 : vector<16xf32>
          %add3A_1698 = arith.addf %add3A_1676, %mul3A_1697 : vector<16xf32>
          %slice3A_1699 = vector.extract_strided_slice %get3A_649 {offsets = [2], sizes = [1], strides = [1]} : vector<16xf32> to vector<1xf32>
          %squeeze3A_1700 = vector.extract %slice3A_1699[0] : f32 from vector<1xf32>
          %add3A_1701 = arith.constant 21 : i32
          %add3A_1702 = arith.addi %mul3A_1263, %add3A_1701 : i32
          %sub3A_1703 = arith.constant 13 : i32
          %sub3A_1704 = arith.subi %add3A_1702, %sub3A_1703 : i32
          %get3A_1705 = arith.index_cast %sub3A_1704 : i32 to index
          %get3A_1706 = arith.constant 0 : index
          %get3A_1707 = tpu.vector_load %arg29[%get3A_1705, %get3A_1706] {strides = array<i32>} : memref<832x16xf32, #tpu.memory_space<vmem>>, vector<1x16xf32>,
          %get3A_1708 = vector.shape_cast %get3A_1707 : vector<1x16xf32> to vector<16xf32>
          %mul3A_1709 = vector.broadcast %squeeze3A_1700 : f32 to vector<16xf32>
          %mul3A_1710 = arith.mulf %get3A_1708, %mul3A_1709 : vector<16xf32>
          %add3A_1711 = arith.addf %add3A_1689, %mul3A_1710 : vector<16xf32>
          %mul3A_1712 = arith.mulf %mul3A_1710, %mul3A_1710 : vector<16xf32>
          %add3A_1713 = arith.addf %add3A_1691, %mul3A_1712 : vector<16xf32>
          %get3A_1714 = arith.constant 34 : i32
          %get3A_1715 = arith.index_cast %get3A_1714 : i32 to index
          %get3A_1716 = arith.constant 0 : index
          %get3A_1717 = tpu.vector_load %arg22[%get3A_1715, %get3A_1716] {strides = array<i32>} : memref<39x16xf32, #tpu.memory_space<vmem>>, vector<1x16xf32>,
          %get3A_1718 = vector.shape_cast %get3A_1717 : vector<1x16xf32> to vector<16xf32>
          %mul3A_1719 = arith.mulf %mul3A_1710, %get3A_1718 : vector<16xf32>
          %add3A_1720 = arith.addf %add3A_1698, %mul3A_1719 : vector<16xf32>
          %slice3A_1721 = vector.extract_strided_slice %get3A_649 {offsets = [3], sizes = [1], strides = [1]} : vector<16xf32> to vector<1xf32>
          %squeeze3A_1722 = vector.extract %slice3A_1721[0] : f32 from vector<1xf32>
          %add3A_1723 = arith.constant 22 : i32
          %add3A_1724 = arith.addi %mul3A_1263, %add3A_1723 : i32
          %sub3A_1725 = arith.constant 13 : i32
          %sub3A_1726 = arith.subi %add3A_1724, %sub3A_1725 : i32
          %get3A_1727 = arith.index_cast %sub3A_1726 : i32 to index
          %get3A_1728 = arith.constant 0 : index
          %get3A_1729 = tpu.vector_load %arg29[%get3A_1727, %get3A_1728] {strides = array<i32>} : memref<832x16xf32, #tpu.memory_space<vmem>>, vector<1x16xf32>,
          %get3A_1730 = vector.shape_cast %get3A_1729 : vector<1x16xf32> to vector<16xf32>
          %mul3A_1731 = vector.broadcast %squeeze3A_1722 : f32 to vector<16xf32>
          %mul3A_1732 = arith.mulf %get3A_1730, %mul3A_1731 : vector<16xf32>
          %add3A_1733 = arith.addf %add3A_1711, %mul3A_1732 : vector<16xf32>
          %mul3A_1734 = arith.mulf %mul3A_1732, %mul3A_1732 : vector<16xf32>
          %add3A_1735 = arith.addf %add3A_1713, %mul3A_1734 : vector<16xf32>
          %get3A_1736 = arith.constant 35 : i32
          %get3A_1737 = arith.index_cast %get3A_1736 : i32 to index
          %get3A_1738 = arith.constant 0 : index
          %get3A_1739 = tpu.vector_load %arg22[%get3A_1737, %get3A_1738] {strides = array<i32>} : memref<39x16xf32, #tpu.memory_space<vmem>>, vector<1x16xf32>,
          %get3A_1740 = vector.shape_cast %get3A_1739 : vector<1x16xf32> to vector<16xf32>
          %mul3A_1741 = arith.mulf %mul3A_1732, %get3A_1740 : vector<16xf32>
          %add3A_1742 = arith.addf %add3A_1720, %mul3A_1741 : vector<16xf32>
          %slice3A_1743 = vector.extract_strided_slice %get3A_649 {offsets = [4], sizes = [1], strides = [1]} : vector<16xf32> to vector<1xf32>
          %squeeze3A_1744 = vector.extract %slice3A_1743[0] : f32 from vector<1xf32>
          %add3A_1745 = arith.constant 23 : i32
          %add3A_1746 = arith.addi %mul3A_1263, %add3A_1745 : i32
          %sub3A_1747 = arith.constant 13 : i32
          %sub3A_1748 = arith.subi %add3A_1746, %sub3A_1747 : i32
          %get3A_1749 = arith.index_cast %sub3A_1748 : i32 to index
          %get3A_1750 = arith.constant 0 : index
          %get3A_1751 = tpu.vector_load %arg29[%get3A_1749, %get3A_1750] {strides = array<i32>} : memref<832x16xf32, #tpu.memory_space<vmem>>, vector<1x16xf32>,
          %get3A_1752 = vector.shape_cast %get3A_1751 : vector<1x16xf32> to vector<16xf32>
          %mul3A_1753 = vector.broadcast %squeeze3A_1744 : f32 to vector<16xf32>
          %mul3A_1754 = arith.mulf %get3A_1752, %mul3A_1753 : vector<16xf32>
          %add3A_1755 = arith.addf %add3A_1733, %mul3A_1754 : vector<16xf32>
          %mul3A_1756 = arith.mulf %mul3A_1754, %mul3A_1754 : vector<16xf32>
          %add3A_1757 = arith.addf %add3A_1735, %mul3A_1756 : vector<16xf32>
          %get3A_1758 = arith.constant 36 : i32
          %get3A_1759 = arith.index_cast %get3A_1758 : i32 to index
          %get3A_1760 = arith.constant 0 : index
          %get3A_1761 = tpu.vector_load %arg22[%get3A_1759, %get3A_1760] {strides = array<i32>} : memref<39x16xf32, #tpu.memory_space<vmem>>, vector<1x16xf32>,
          %get3A_1762 = vector.shape_cast %get3A_1761 : vector<1x16xf32> to vector<16xf32>
          %mul3A_1763 = arith.mulf %mul3A_1754, %get3A_1762 : vector<16xf32>
          %add3A_1764 = arith.addf %add3A_1742, %mul3A_1763 : vector<16xf32>
          %slice3A_1765 = vector.extract_strided_slice %get3A_649 {offsets = [5], sizes = [1], strides = [1]} : vector<16xf32> to vector<1xf32>
          %squeeze3A_1766 = vector.extract %slice3A_1765[0] : f32 from vector<1xf32>
          %add3A_1767 = arith.constant 24 : i32
          %add3A_1768 = arith.addi %mul3A_1263, %add3A_1767 : i32
          %sub3A_1769 = arith.constant 13 : i32
          %sub3A_1770 = arith.subi %add3A_1768, %sub3A_1769 : i32
          %get3A_1771 = arith.index_cast %sub3A_1770 : i32 to index
          %get3A_1772 = arith.constant 0 : index
          %get3A_1773 = tpu.vector_load %arg29[%get3A_1771, %get3A_1772] {strides = array<i32>} : memref<832x16xf32, #tpu.memory_space<vmem>>, vector<1x16xf32>,
          %get3A_1774 = vector.shape_cast %get3A_1773 : vector<1x16xf32> to vector<16xf32>
          %mul3A_1775 = vector.broadcast %squeeze3A_1766 : f32 to vector<16xf32>
          %mul3A_1776 = arith.mulf %get3A_1774, %mul3A_1775 : vector<16xf32>
          %add3A_1777 = arith.addf %add3A_1755, %mul3A_1776 : vector<16xf32>
          %mul3A_1778 = arith.mulf %mul3A_1776, %mul3A_1776 : vector<16xf32>
          %add3A_1779 = arith.addf %add3A_1757, %mul3A_1778 : vector<16xf32>
          %get3A_1780 = arith.constant 37 : i32
          %get3A_1781 = arith.index_cast %get3A_1780 : i32 to index
          %get3A_1782 = arith.constant 0 : index
          %get3A_1783 = tpu.vector_load %arg22[%get3A_1781, %get3A_1782] {strides = array<i32>} : memref<39x16xf32, #tpu.memory_space<vmem>>, vector<1x16xf32>,
          %get3A_1784 = vector.shape_cast %get3A_1783 : vector<1x16xf32> to vector<16xf32>
          %mul3A_1785 = arith.mulf %mul3A_1776, %get3A_1784 : vector<16xf32>
          %add3A_1786 = arith.addf %add3A_1764, %mul3A_1785 : vector<16xf32>
          %slice3A_1787 = vector.extract_strided_slice %get3A_649 {offsets = [6], sizes = [1], strides = [1]} : vector<16xf32> to vector<1xf32>
          %squeeze3A_1788 = vector.extract %slice3A_1787[0] : f32 from vector<1xf32>
          %add3A_1789 = arith.constant 25 : i32
          %add3A_1790 = arith.addi %mul3A_1263, %add3A_1789 : i32
          %sub3A_1791 = arith.constant 13 : i32
          %sub3A_1792 = arith.subi %add3A_1790, %sub3A_1791 : i32
          %get3A_1793 = arith.index_cast %sub3A_1792 : i32 to index
          %get3A_1794 = arith.constant 0 : index
          %get3A_1795 = tpu.vector_load %arg29[%get3A_1793, %get3A_1794] {strides = array<i32>} : memref<832x16xf32, #tpu.memory_space<vmem>>, vector<1x16xf32>,
          %get3A_1796 = vector.shape_cast %get3A_1795 : vector<1x16xf32> to vector<16xf32>
          %mul3A_1797 = vector.broadcast %squeeze3A_1788 : f32 to vector<16xf32>
          %mul3A_1798 = arith.mulf %get3A_1796, %mul3A_1797 : vector<16xf32>
          %add3A_1799 = arith.addf %add3A_1777, %mul3A_1798 : vector<16xf32>
          %mul3A_1800 = arith.mulf %mul3A_1798, %mul3A_1798 : vector<16xf32>
          %add3A_1801 = arith.addf %add3A_1779, %mul3A_1800 : vector<16xf32>
          %get3A_1802 = arith.constant 38 : i32
          %get3A_1803 = arith.index_cast %get3A_1802 : i32 to index
          %get3A_1804 = arith.constant 0 : index
          %get3A_1805 = tpu.vector_load %arg22[%get3A_1803, %get3A_1804] {strides = array<i32>} : memref<39x16xf32, #tpu.memory_space<vmem>>, vector<1x16xf32>,
          %get3A_1806 = vector.shape_cast %get3A_1805 : vector<1x16xf32> to vector<16xf32>
          %mul3A_1807 = arith.mulf %mul3A_1798, %get3A_1806 : vector<16xf32>
          %add3A_1808 = arith.addf %add3A_1786, %mul3A_1807 : vector<16xf32>
          %add3A_1809 = arith.addf %add3A_1236, %add3A_1808 : vector<16xf32>
          %mul3A_1810 = arith.mulf %add3A_1799, %add3A_1799 : vector<16xf32>
          %sub3A_1811 = arith.subf %mul3A_1810, %add3A_1801 : vector<16xf32>
          %mul3A_1812 = arith.constant 5.000000e-01 : f32
          %mul3A_1813 = vector.broadcast %mul3A_1812 : f32 to vector<16xf32>
          %mul3A_1814 = arith.mulf %mul3A_1813, %sub3A_1811 : vector<16xf32>
          %add3A_1815 = arith.addf %add3A_1809, %mul3A_1814 : vector<16xf32>
          %xor3A = arith.constant 8 : i32
          %xor3A_1816 = vector.broadcast %xor3A : i32 to vector<16xi32>
          %xor3A_1817 = arith.xori %iota3A, %xor3A_1816 : vector<16xi32>
          %broadcast_in_dim3A_1818 = vector.shape_cast %xor3A_1817 : vector<16xi32> to vector<16x1xi32>
          %gather3A = vector.shape_cast %broadcast_in_dim3A_1818 : vector<16x1xi32> to vector<16xi32>
          %gather3A_1819 = tpu.dynamic_gather %add3A_1815[%gather3A] in [0] : vector<16xf32>, vector<16xi32> -> vector<16xf32>
          %add3A_1820 = arith.addf %add3A_1815, %gather3A_1819 : vector<16xf32>
          %xor3A_1821 = arith.constant 4 : i32
          %xor3A_1822 = vector.broadcast %xor3A_1821 : i32 to vector<16xi32>
          %xor3A_1823 = arith.xori %iota3A, %xor3A_1822 : vector<16xi32>
          %broadcast_in_dim3A_1824 = vector.shape_cast %xor3A_1823 : vector<16xi32> to vector<16x1xi32>
          %gather3A_1825 = vector.shape_cast %broadcast_in_dim3A_1824 : vector<16x1xi32> to vector<16xi32>
          %gather3A_1826 = tpu.dynamic_gather %add3A_1820[%gather3A_1825] in [0] : vector<16xf32>, vector<16xi32> -> vector<16xf32>
          %add3A_1827 = arith.addf %add3A_1820, %gather3A_1826 : vector<16xf32>
          %xor3A_1828 = arith.constant 2 : i32
          %xor3A_1829 = vector.broadcast %xor3A_1828 : i32 to vector<16xi32>
          %xor3A_1830 = arith.xori %iota3A, %xor3A_1829 : vector<16xi32>
          %broadcast_in_dim3A_1831 = vector.shape_cast %xor3A_1830 : vector<16xi32> to vector<16x1xi32>
          %gather3A_1832 = vector.shape_cast %broadcast_in_dim3A_1831 : vector<16x1xi32> to vector<16xi32>
          %gather3A_1833 = tpu.dynamic_gather %add3A_1827[%gather3A_1832] in [0] : vector<16xf32>, vector<16xi32> -> vector<16xf32>
          %add3A_1834 = arith.addf %add3A_1827, %gather3A_1833 : vector<16xf32>
          %xor3A_1835 = arith.constant 1 : i32
          %xor3A_1836 = vector.broadcast %xor3A_1835 : i32 to vector<16xi32>
          %xor3A_1837 = arith.xori %iota3A, %xor3A_1836 : vector<16xi32>
          %broadcast_in_dim3A_1838 = vector.shape_cast %xor3A_1837 : vector<16xi32> to vector<16x1xi32>
          %gather3A_1839 = vector.shape_cast %broadcast_in_dim3A_1838 : vector<16x1xi32> to vector<16xi32>
          %gather3A_1840 = tpu.dynamic_gather %add3A_1834[%gather3A_1839] in [0] : vector<16xf32>, vector<16xi32> -> vector<16xf32>
          %add3A_1841 = arith.addf %add3A_1834, %gather3A_1840 : vector<16xf32>
          %eq3A = vector.broadcast %scan3A_631 : i32 to vector<16xi32>
          %eq3A_1842 = arith.cmpi eq, %iota3A, %eq3A : vector<16xi32>
          %select_n3A = arith.select %eq3A_1842, %add3A_1841, %scan3A_632 : vector<16xi1>, vector<16xf32>
          scf.yield %select_n3A : vector<16xf32>
        }
        %scan3A_616 = arith.constant 16 : i32
        %add3A_617 = arith.addf %scan3A_615, %get3A_601 : vector<16xf32>
        %neg3A = arith.constant 0.000000e+00 : f32
        %neg3A_618 = vector.broadcast %neg3A : f32 to vector<16xf32>
        %neg3A_619 = arith.subf %neg3A_618, %add3A_617 : vector<16xf32>
        %exp3A = math.exp %neg3A_619 : vector<16xf32>
        %add3A_620 = arith.constant 1.000000e+00 : f32
        %add3A_621 = vector.broadcast %add3A_620 : f32 to vector<16xf32>
        %add3A_622 = arith.addf %add3A_621, %exp3A : vector<16xf32>
        %div3A = arith.constant 1.000000e+00 : f32
        %div3A_623 = vector.broadcast %div3A : f32 to vector<16xf32>
        %div3A_624 = arith.divf %div3A_623, %add3A_622 : vector<16xf32>
        %mul3A_625 = arith.constant 16 : i32
        %mul3A_626 = arith.muli %scan3A_608, %mul3A_625 : i32
        %swap3A_627 = arith.index_cast %mul3A_626 : i32 to index
        %swap3A_628 = tpu.vector_load %arg33[%swap3A_627] {strides = array<i32>} : memref<64xf32, #tpu.memory_space<vmem>>, vector<16xf32>,
        %swap3A_629 = vector.shape_cast %swap3A_628 : vector<16xf32> to vector<16xf32>
        %swap3A_630 = vector.shape_cast %div3A_624 : vector<16xf32> to vector<16xf32>
        tpu.vector_store %arg33[%swap3A_627], %swap3A_630 {strides = array<i32>} : memref<64xf32, #tpu.memory_space<vmem>>, vector<16xf32>,
      }
      %scan3A_607 = arith.constant 4 : i32
      "tpu.region"() ({
        %run_scoped3A = tpu.sem_alloc : memref<!tpu.dma_semaphore, #tpu.memory_space<semaphore_mem>>
        %dma_start3A_608 = tpu.memref_slice %arg17[%add3A_24] : memref<16384xf32, #tpu.memory_space<hbm>> -> memref<64xf32, #tpu.memory_space<hbm>>
        %dma_start3A_609 = tpu.memref_slice %arg17[%add3A_24] : memref<16384xf32, #tpu.memory_space<hbm>> -> memref<64xf32, #tpu.memory_space<hbm>>
        tpu.enqueue_dma source(%arg33 : memref<64xf32, #tpu.memory_space<vmem>>) target(%dma_start3A_609 : memref<64xf32, #tpu.memory_space<hbm>>) target_semaphore(%run_scoped3A : memref<!tpu.dma_semaphore, #tpu.memory_space<semaphore_mem>>)
        %dma_wait3A_610 = tpu.memref_slice %arg17[%add3A_24] : memref<16384xf32, #tpu.memory_space<hbm>> -> memref<64xf32, #tpu.memory_space<hbm>>
        %dma_wait3A_611 = tpu.memref_slice %arg17[%add3A_24] : memref<16384xf32, #tpu.memory_space<hbm>> -> memref<64xf32, #tpu.memory_space<hbm>>
        tpu.wait_dma2 semaphore(%run_scoped3A : memref<!tpu.dma_semaphore, #tpu.memory_space<semaphore_mem>>) src(%arg33 : memref<64xf32, #tpu.memory_space<vmem>>) dst(%dma_wait3A_611 : memref<64xf32, #tpu.memory_space<hbm>>)
        tpu.yield
      }) : () -> ()
    }
    %scan3A_15 = arith.constant 8 : i32
    return
  }
}

module attributes {stable_mosaic.version = 14 : i64} {
  func.func @_e1sum_body(%arg0: i32, %arg1: memref<26x16x512xf32, #tpu.memory_space<vmem>>, %arg2: memref<26x512xf32, #tpu.memory_space<vmem>>) attributes {dimension_semantics = [#tpu.dimension_semantics<arbitrary>], iteration_bounds = array<i64: 196>, scalar_prefetch = 0 : i64, scratch_operands = 0 : i64, tpu.core_type = #tpu.core_type<tc>, window_params = [{transform_indices = @transform_0, window_bounds = array<i64: 26, 16, 512>}, {transform_indices = @transform_1, window_bounds = array<i64: 26, 512>}]} {
    %get3A = arith.constant 0 : index
    %get3A_0 = arith.constant 0 : index
    %get3A_1 = arith.constant 0 : index
    %get3A_2 = vector.load %arg1[%get3A, %get3A_0, %get3A_1] : memref<26x16x512xf32, #tpu.memory_space<vmem>>, vector<26x16x512xf32>
    %reduce_sum3A = arith.constant dense<0.000000e+00> : vector<26x512xf32>
    %reduce_sum3A_3 = vector.multi_reduction <add>, %get3A_2, %reduce_sum3A [1] : vector<26x16x512xf32> to vector<26x512xf32>
    %swap3A = arith.constant 0 : index
    %swap3A_4 = arith.constant 0 : index
    %swap3A_5 = vector.load %arg2[%swap3A, %swap3A_4] : memref<26x512xf32, #tpu.memory_space<vmem>>, vector<26x512xf32>
    tpu.vector_store %arg2[%swap3A, %swap3A_4], %reduce_sum3A_3 {strides = array<i32>} : memref<26x512xf32, #tpu.memory_space<vmem>>, vector<26x512xf32>,
    return
  }
  func.func @transform_0(%arg0: i32) -> (i32, i32, i32) {
    %c0_i32 = arith.constant 0 : i32
    %c0_i32_0 = arith.constant 0 : i32
    %c0_i32_1 = arith.constant 0 : i32
    return %c0_i32, %c0_i32_0, %arg0 : i32, i32, i32
  }
  func.func @transform_1(%arg0: i32) -> (i32, i32) {
    %c0_i32 = arith.constant 0 : i32
    %c0_i32_0 = arith.constant 0 : i32
    return %c0_i32, %arg0 : i32, i32
  }
}

module attributes {stable_mosaic.version = 14 : i64} {
  func.func @_fold_body(%arg0: memref<400x624xf32, #tpu.memory_space<vmem>>, %arg1: memref<1x400xf32, #tpu.memory_space<vmem>>, %arg2: memref<1x400xf32, #tpu.memory_space<vmem>>, %arg3: memref<1x400xf32, #tpu.memory_space<vmem>>, %arg4: memref<400x400xf32, #tpu.memory_space<vmem>>, %arg5: memref<1x400xf32, #tpu.memory_space<vmem>>, %arg6: memref<1x400xf32, #tpu.memory_space<vmem>>, %arg7: memref<1x400xf32, #tpu.memory_space<vmem>>, %arg8: memref<1x624xf32, #tpu.memory_space<vmem>>, %arg9: memref<1x16xf32, #tpu.memory_space<vmem>>) attributes {dimension_semantics = [], scalar_prefetch = 0 : i64, scratch_operands = 0 : i64, tpu.core_type = #tpu.core_type<tc>} {
    %get3A = arith.constant 0 : index
    %get3A_0 = arith.constant 0 : index
    %get3A_1 = vector.load %arg6[%get3A, %get3A_0] : memref<1x400xf32, #tpu.memory_space<vmem>>, vector<1x400xf32>
    %get3A_2 = arith.constant 0 : index
    %get3A_3 = arith.constant 0 : index
    %get3A_4 = vector.load %arg4[%get3A_2, %get3A_3] : memref<400x400xf32, #tpu.memory_space<vmem>>, vector<400x400xf32>
    %dot_general3A = arith.constant dense<0.000000e+00> : vector<1x400xf32>
    %dot_general3A_5 = tpu.matmul %get3A_1, %get3A_4, %dot_general3A {dimension_numbers = #tpu.dot_dimension_numbers<[1], [0], [0], [1], [0, 0, 1, 1], [], []>, transpose_lhs_hint = false} : vector<1x400xf32>, vector<400x400xf32>, vector<1x400xf32> -> vector<1x400xf32>
    %get3A_6 = arith.constant 0 : index
    %get3A_7 = arith.constant 0 : index
    %get3A_8 = vector.load %arg2[%get3A_6, %get3A_7] : memref<1x400xf32, #tpu.memory_space<vmem>>, vector<1x400xf32>
    %mul3A = arith.mulf %get3A_8, %dot_general3A_5 : vector<1x400xf32>
    %get3A_9 = arith.constant 0 : index
    %get3A_10 = arith.constant 0 : index
    %get3A_11 = vector.load %arg0[%get3A_9, %get3A_10] : memref<400x624xf32, #tpu.memory_space<vmem>>, vector<400x624xf32>
    %dot_general3A_12 = arith.constant dense<0.000000e+00> : vector<1x624xf32>
    %dot_general3A_13 = tpu.matmul %mul3A, %get3A_11, %dot_general3A_12 {dimension_numbers = #tpu.dot_dimension_numbers<[1], [0], [0], [1], [0, 0, 1, 1], [], []>, transpose_lhs_hint = false} : vector<1x400xf32>, vector<400x624xf32>, vector<1x624xf32> -> vector<1x624xf32>
    %mul3A_14 = arith.constant 0.999989986 : f32
    %mul3A_15 = vector.broadcast %mul3A_14 : f32 to vector<1x624xf32>
    %mul3A_16 = arith.mulf %mul3A_15, %dot_general3A_13 : vector<1x624xf32>
    %swap3A = arith.constant 0 : index
    %swap3A_17 = arith.constant 0 : index
    %swap3A_18 = vector.load %arg8[%swap3A, %swap3A_17] : memref<1x624xf32, #tpu.memory_space<vmem>>, vector<1x624xf32>
    tpu.vector_store %arg8[%swap3A, %swap3A_17], %mul3A_16 {strides = array<i32>} : memref<1x624xf32, #tpu.memory_space<vmem>>, vector<1x624xf32>,
    %get3A_19 = arith.constant 0 : index
    %get3A_20 = arith.constant 0 : index
    %get3A_21 = vector.load %arg1[%get3A_19, %get3A_20] : memref<1x400xf32, #tpu.memory_space<vmem>>, vector<1x400xf32>
    %mul3A_22 = arith.mulf %mul3A, %get3A_21 : vector<1x400xf32>
    %reduce_sum3A = vector.shape_cast %mul3A_22 : vector<1x400xf32> to vector<1x1x400xf32>
    %reduce_sum3A_23 = arith.constant dense<0.000000e+00> : vector<1xf32>
    %reduce_sum3A_24 = vector.multi_reduction <add>, %reduce_sum3A, %reduce_sum3A_23 [1, 2] : vector<1x1x400xf32> to vector<1xf32>
    %reduce_sum3A_25 = vector.shape_cast %reduce_sum3A_24 : vector<1xf32> to vector<1x1x1xf32>
    %reduce_sum3A_26 = vector.extract %reduce_sum3A_25[0, 0, 0] : f32 from vector<1x1x1xf32>
    %mul3A_27 = arith.constant 0.999989986 : f32
    %mul3A_28 = arith.mulf %mul3A_27, %reduce_sum3A_26 : f32
    %get3A_29 = arith.constant 0 : index
    %get3A_30 = arith.constant 0 : index
    %get3A_31 = vector.load %arg3[%get3A_29, %get3A_30] : memref<1x400xf32, #tpu.memory_space<vmem>>, vector<1x400xf32>
    %mul3A_32 = arith.mulf %dot_general3A_5, %get3A_31 : vector<1x400xf32>
    %reduce_sum3A_33 = vector.shape_cast %mul3A_32 : vector<1x400xf32> to vector<1x1x400xf32>
    %reduce_sum3A_34 = arith.constant dense<0.000000e+00> : vector<1xf32>
    %reduce_sum3A_35 = vector.multi_reduction <add>, %reduce_sum3A_33, %reduce_sum3A_34 [1, 2] : vector<1x1x400xf32> to vector<1xf32>
    %reduce_sum3A_36 = vector.shape_cast %reduce_sum3A_35 : vector<1xf32> to vector<1x1x1xf32>
    %reduce_sum3A_37 = vector.extract %reduce_sum3A_36[0, 0, 0] : f32 from vector<1x1x1xf32>
    %mul3A_38 = arith.constant 0.999994993 : f32
    %mul3A_39 = arith.mulf %mul3A_38, %reduce_sum3A_37 : f32
    %add3A = arith.addf %mul3A_28, %mul3A_39 : f32
    %get3A_40 = arith.constant 0 : index
    %get3A_41 = arith.constant 0 : index
    %get3A_42 = vector.load %arg6[%get3A_40, %get3A_41] : memref<1x400xf32, #tpu.memory_space<vmem>>, vector<1x400xf32>
    %get3A_43 = arith.constant 0 : index
    %get3A_44 = arith.constant 0 : index
    %get3A_45 = vector.load %arg5[%get3A_43, %get3A_44] : memref<1x400xf32, #tpu.memory_space<vmem>>, vector<1x400xf32>
    %mul3A_46 = arith.mulf %get3A_42, %get3A_45 : vector<1x400xf32>
    %reduce_sum3A_47 = vector.shape_cast %mul3A_46 : vector<1x400xf32> to vector<1x1x400xf32>
    %reduce_sum3A_48 = arith.constant dense<0.000000e+00> : vector<1xf32>
    %reduce_sum3A_49 = vector.multi_reduction <add>, %reduce_sum3A_47, %reduce_sum3A_48 [1, 2] : vector<1x1x400xf32> to vector<1xf32>
    %reduce_sum3A_50 = vector.shape_cast %reduce_sum3A_49 : vector<1xf32> to vector<1x1x1xf32>
    %reduce_sum3A_51 = vector.extract %reduce_sum3A_50[0, 0, 0] : f32 from vector<1x1x1xf32>
    %mul3A_52 = arith.constant 0.999994993 : f32
    %mul3A_53 = arith.mulf %mul3A_52, %reduce_sum3A_51 : f32
    %add3A_54 = arith.addf %add3A, %mul3A_53 : f32
    %get3A_55 = arith.constant 0 : index
    %get3A_56 = arith.constant 0 : index
    %get3A_57 = vector.load %arg7[%get3A_55, %get3A_56] : memref<1x400xf32, #tpu.memory_space<vmem>>, vector<1x400xf32>
    %reduce_sum3A_58 = vector.shape_cast %get3A_57 : vector<1x400xf32> to vector<1x1x400xf32>
    %reduce_sum3A_59 = arith.constant dense<0.000000e+00> : vector<1xf32>
    %reduce_sum3A_60 = vector.multi_reduction <add>, %reduce_sum3A_58, %reduce_sum3A_59 [1, 2] : vector<1x1x400xf32> to vector<1xf32>
    %reduce_sum3A_61 = vector.shape_cast %reduce_sum3A_60 : vector<1xf32> to vector<1x1x1xf32>
    %reduce_sum3A_62 = vector.extract %reduce_sum3A_61[0, 0, 0] : f32 from vector<1x1x1xf32>
    %add3A_63 = arith.addf %add3A_54, %reduce_sum3A_62 : f32
    %broadcast_in_dim3A = vector.broadcast %add3A_63 : f32 to vector<1x16xf32>
    %swap3A_64 = arith.constant 0 : index
    %swap3A_65 = arith.constant 0 : index
    %swap3A_66 = vector.load %arg9[%swap3A_64, %swap3A_65] : memref<1x16xf32, #tpu.memory_space<vmem>>, vector<1x16xf32>
    tpu.vector_store %arg9[%swap3A_64, %swap3A_65], %broadcast_in_dim3A {strides = array<i32>} : memref<1x16xf32, #tpu.memory_space<vmem>>, vector<1x16xf32>,
    return
  }
}

</mosaic_0001>

<sc_bundles>
// kernel: kernel.5.cloned.1.call-start
scs
__scs_entry_jumppad:
0x0: {  	(pc) =	sbr.rel $0x88, $3  }
0x1: {  	(tag) =	ssettag $0x0;
	lr =	simm.s32 $0x1  }
0x2: {  	[smem:$0x3F91] =	sst lr;
	_ =	strace $0xD0000000  }
0x3: {  	_ = 	snop  }
0x4: {  	_ = 	snop  }
0x5: {  	_ = 	snop  }
0x6: {  	_ = 	snop  }
0x7: {  	_ = 	snop  }
__scs_overlays_trampoline_lowered:
0x8: {  	[smem:$0x3FA0] =	sst s0  }
0x9: {  	[smem:$0x3FA1] =	sst s1  }
0xa: {  	[smem:$0x3FA2] =	sst s2  }
0xb: {  	[smem:$0x3FA3] =	sst s3  }
0xc: {  	[smem:$0x3FA4] =	sst s4  }
0xd: {  	[smem:$0x3FA5] =	sst s5  }
0xe: {  	[smem:$0x3FA6] =	sst s6  }
0xf: {  	[smem:$0x3FA7] =	sst s7  }
0x10: {  	[smem:$0x3FA8] =	sst s8  }
0x11: {  	[smem:$0x3FA9] =	sst s9;
	s0 =	simm.s32 @!p0 $0x0  }
0x12: {  	s1 =	sld [smem:$0x3F8F];
	s0 =	simm.s32 @p0 $0x1  }
0x13: {  	[smem:$0x3FAA] =	sst s0;
	s0 =	simm.s32 @!p1 $0x0  }
0x14: {  	s2 =	sld [smem:$0x3F8E];
	s0 =	simm.s32 @p1 $0x1  }
0x15: {  	[smem:$0x3FAB] =	sst s0;
	s0 =	simm.s32 @!p2 $0x0  }
0x16: {  	s3 =	sld [smem:$0x3FDB];
	s0 =	simm.s32 @p2 $0x1  }
0x17: {  	s4 =	simm.s32 $0x1BF5;
	[smem:$0x3FAD] =	sst s0  }
0x18: {  	s0 =	sld [smem:$0x3F90];
	_ =	swait.ge [sflag:s4], $0x0  }
0x19: {  	s7 =	sld [smem:$0x3F91]  }
0x1a: {  	s8 =	sadd.s32 $0xFFFFE003, lr  }
0x1b: {  	s9 =	sadd.s32 $0xFFFFFEF7, lr;
	s5 =	simm.s32 $0xFFFFFFFF;
	p2 =	slt.u32 s8, $0xFFFFF086  }
0x1c: {  	p1 =	slt.u32 s9, $0xF7A;
	s5 =	simm.s32 @!p2 $0x0  }
0x1d: {  	s5 =	simm.s32 @p1 $0x1;
	p0 =	seq.s32 s7, s2  }
0x1e: {  	s7 =	smul.u32 @!p0 $0xF7A, s2;
	p2 =	seq.s32 @!p0 s5, $0x0  }
0x1f: {  	s9 =	smul.u32 $0xF7A, s1;
	s8 =	simm.s32 @!p0 $0x1BF5;
	p2 =	por !p2, p0  }
0x20: {  	[sflag:s8] =	ssyncset.s32 @!p0 $0xFFFFF086;
	s6 =	sadd.s32 @!p0 s3, s7;
	s7 =	simm.s32 @!p0 $0x108  }
0x21: {  	s3 =	sadd.s32 s3, s9;
	s6 =	sadd.s32 @!p0 $0x88, s6;
	s7 =	simm.s32 @p2 $0x1082  }
0x22: {  	[simem:s7], [sflag:s8] =	dma.local @!p0 [hbm:s6], $0xF7A  }
0x23: {  	s9 =	sor.u32 $0xD0000000, s2;
	s6 =	simm.s32 $0x108;
	_ =	swait.ge @!p0 [sflag:s8], $0x0  }
0x24: {  	s3 =	sadd.s32 $0x88, s3;
	s6 =	simm.s32 @!p1 $0x1082;
	[sflag:s4] =	ssyncset.s32 $0xFFFFF086  }
0x25: {  	[simem:s6], [sflag:s4] =	dma.local [hbm:s3], $0xF7A  }
0x26: {  	[smem:$0x3F91] =	sst s1;
	(tag) =	ssettag s2;
	_ =	strace s9  }
0x27: {  	s1 =	sld [smem:$0x3FA1]  }
0x28: {  	s2 =	sld [smem:$0x3FA2]  }
0x29: {  	s4 =	sld [smem:$0x3FA4]  }
0x2a: {  	p0 =	seq.s32 s5, $0x0;
	s5 =	sld [smem:$0x3FA5]  }
0x2b: {  	s6 =	sld [smem:$0x3FA6]  }
0x2c: {  	s7 =	sld [smem:$0x3FA7]  }
0x2d: {  	s3 =	simm.s32 $0x108;
	s8 =	sld [smem:$0x3FA8]  }
0x2e: {  	s3 =	simm.s32 @!p0 $0x1082;
	s9 =	sld [smem:$0x3FA9]  }
0x2f: {  	lr =	sadd.s32 s0, s3;
	s0 =	sld [smem:$0x3FA0]  }
0x30: {  	s3 =	sld [smem:$0x3FA3]  }
0x31: {  	[smem:$0x3FAC] =	sst s10  }
0x32: {  	s10 =	sld [smem:$0x3FAA];
	_ =	sdelay $0x3  }
0x33: {  	p0 =	seq.s32 s10, $0x1;
	s10 =	sld [smem:$0x3FAC];
	_ =	sdelay $0x3  }
0x34: {  	[smem:$0x3FAC] =	sst s10  }
0x35: {  	s10 =	sld [smem:$0x3FAB];
	_ =	sdelay $0x3  }
0x36: {  	p1 =	seq.s32 s10, $0x1;
	s10 =	sld [smem:$0x3FAC];
	_ =	sdelay $0x3  }
0x37: {  	[smem:$0x3FAC] =	sst s10  }
0x38: {  	s10 =	sld [smem:$0x3FAD]  }
0x39: {  	_ = 	snop;
	(pc) =	sbr.ind lr, $3  }
0x3a: {  	_ = 	snop  }
0x3b: {  	_ = 	snop  }
0x3c: {  	p2 =	seq.s32 s10, $0x1;
	s10 =	sld [smem:$0x3FAC]  }
0x3d: {  	_ =	shalt  }
0x3e: {  	_ =	shalt  }
0x3f: {  	_ =	shalt  }
0x40: {  	_ =	shalt  }
0x41: {  	_ =	shalt  }
0x42: {  	_ =	shalt  }
0x43: {  	_ =	shalt  }
0x44: {  	_ =	shalt  }
0x45: {  	_ =	shalt  }
0x46: {  	_ =	shalt  }
0x47: {  	_ =	shalt  }
0x48: {  	_ =	shalt  }
0x49: {  	_ =	shalt  }
0x4a: {  	_ =	shalt  }
0x4b: {  	_ =	shalt  }
0x4c: {  	_ =	shalt  }
0x4d: {  	_ =	shalt  }
0x4e: {  	_ =	shalt  }
0x4f: {  	_ =	shalt  }
0x50: {  	_ =	shalt  }
0x51: {  	_ =	shalt  }
0x52: {  	_ =	shalt  }
0x53: {  	_ =	shalt  }
0x54: {  	_ =	shalt  }
0x55: {  	_ =	shalt  }
0x56: {  	_ =	shalt  }
0x57: {  	_ =	shalt  }
0x58: {  	_ =	shalt  }
0x59: {  	_ =	shalt  }
0x5a: {  	_ =	shalt  }
0x5b: {  	_ =	shalt  }
0x5c: {  	_ =	shalt  }
0x5d: {  	_ =	shalt  }
0x5e: {  	_ =	shalt  }
0x5f: {  	_ =	shalt  }
0x60: {  	_ =	shalt  }
0x61: {  	_ =	shalt  }
0x62: {  	_ =	shalt  }
0x63: {  	_ =	shalt  }
0x64: {  	_ =	shalt  }
0x65: {  	_ =	shalt  }
0x66: {  	_ =	shalt  }
0x67: {  	_ =	shalt  }
0x68: {  	_ =	shalt  }
0x69: {  	_ =	shalt  }
0x6a: {  	_ =	shalt  }
0x6b: {  	_ =	shalt  }
0x6c: {  	_ =	shalt  }
0x6d: {  	_ =	shalt  }
0x6e: {  	_ =	shalt  }
0x6f: {  	_ =	shalt  }
0x70: {  	_ =	shalt  }
0x71: {  	_ =	shalt  }
0x72: {  	_ =	shalt  }
0x73: {  	_ =	shalt  }
0x74: {  	_ =	shalt  }
0x75: {  	_ =	shalt  }
0x76: {  	_ =	shalt  }
0x77: {  	_ =	shalt  }
0x78: {  	_ =	shalt  }
0x79: {  	_ =	shalt  }
0x7a: {  	_ =	shalt  }
0x7b: {  	_ =	shalt  }
0x7c: {  	_ =	shalt  }
0x7d: {  	_ =	shalt  }
0x7e: {  	_ =	shalt  }
0x7f: {  	_ =	shalt  }
0x80: {  	_ =	shalt  }
0x81: {  	_ =	shalt  }
0x82: {  	_ =	shalt  }
0x83: {  	_ =	shalt  }
0x84: {  	_ =	shalt  }
0x85: {  	_ =	shalt  }
0x86: {  	_ =	shalt  }
0x87: {  	_ =	shalt  }
.Lfunc_end0:
.L_simem_size_0:
called_computation_lowered:
.L_overlay_start_0:
0x88: {  	s2 =	sld [smem:$0x3FD9]  }
0x89: {  	s3 =	sld [smem:$0x3FFE];
	_ =	sdelay $0x1  }
0x8a: {  	s1 =	srdreg.scid  }
0x8b: {  	s0 =	sand.u32 $0x1, s1  }
0x8c: {  	s17 =	sshll.u32 s0, $0xA;
	s2 =	sadd.s32 s3, s2  }
0x8d: {  	s2 =	sadd.s32 s2, s17  }
0x8e: {  	[smem:$0x3FB8] =	sst s2  }
0x8f: {  	_ = 	snop  }
0x90: {  	s2 =	sld [smem:$0x3FD0];
	(tm) =	ssettm $0x1  }
0x91: {  	s18 =	sld [smem:$0x3FFB];
	_ =	sdelay $0x3  }
0x92: {  	_ =	strace s18  }
0x93: {  	s3 =	sld [smem:$0x3FFC];
	_ =	sdelay $0x3  }
0x94: {  	_ =	strace s3  }
0x95: {  	s3 =	sld [smem:$0x3FFD];
	_ =	sdelay $0x3  }
0x96: {  	_ =	strace s3  }
0x97: {  	_ =	strace $0x8FFFFFFF  }
0x98: {  	s19 =	sld [smem:$0x3FDB];
	_ =	sdelay $0x1  }
0x99: {  	s4 =	simm.s32 $_scs_section_size  }
0x9a: {  	s5 =	simm.s32 $_size__tile_overlayer_lowered;
	s6 =	simm.s32 $_tile_overlayer_lowered  }
0x9b: {  	s22 =	simm.s32 $0x1BFF;
	s21 =	sshll.u32 s6, $0x1;
	s3 =	sadd.s32 s4, s19  }
0x9c: {  	s7 =	simm.s32 $0x0;
	s20 =	sshll.u32 s5, $0x1;
	s5 =	sadd.s32 s21, s3  }
0x9d: {  	[timem:s7], [sflag:s22] =	dma.local [hbm:s5], s20  }
0x9e: {  	_ =	swait.ge [sflag:s22], s20  }
0x9f: {  	s4 =	ssub.s32 $0x0, s20;
	[sflag:s22] =	ssyncset.done $0x0  }
0xa0: {  	[sflag:s22] =	ssyncadd.s32 s4;
	_ =	sdelay $0x1  }
0xa1: {  	s23 =	simm.s32 $0x1B8B  }
0xa2: {  	_ =	swait.ge [sflag:s23], $0x1  }
0xa3: {  	[sflag:s23] =	ssyncset.done $0x0  }
0xa4: {  	s25 =	simm.s32 $0x1B8E;
	s24 =	sld [smem:$0x3FFE];
	[sflag:s23] =	ssyncadd.s32 $0xFFFFFFFF  }
0xa5: {  	s26 =	simm.s32 $execute0_lowered;
	[smem:$0x3FD2] =	sst s25  }
0xa6: {  	s5 =	sshll.u32 s26, $0x1;
	_ =	strace $0x80000046;
	[dreg:$0x1] =	wrdreg $0xFFFFFFFF  }
0xa7: {  	s28 =	simm.s32 $_size_execute0_lowered;
	s3 =	sadd.s32 s3, s5;
	[dreg:$0x0] =	wrdreg $0x0  }
0xa8: {  	s5 =	sshll.u32 s28, $0x1;
	[dreg:$0x2] =	wrdreg s3  }
0xa9: {  	[dreg:$0x3] =	wrdreg s5  }
0xaa: {  	[dreg:$0x4] =	wrdreg $0xC0  }
0xab: {  	_ =	task [dreg:s7], $0x5FFFF  }
0xac: {  	[dreg:$0x1] =	wrdreg $0xFFFFFFFF  }
0xad: {  	[dreg:$0x0] =	wrdreg $0x60  }
0xae: {  	[dreg:$0x2] =	wrdreg s24  }
0xaf: {  	[dreg:$0x3] =	wrdreg s2  }
0xb0: {  	[dreg:$0x4] =	wrdreg $0x9  }
0xb1: {  	_ =	task.clear_ibuf [dreg:s7], $0x5FFFF;
	_ =	strace $0x90000046  }
0xb2: {  	s29 =	simm.s32 $0x9;
	_ =	strace $0x80000048  }
0xb3: {  	_ =	swait.ge [sflag:s29], $0x1  }
0xb4: {  	[sflag:s29] =	ssyncadd.s32 $0xFFFFFFFF  }
0xb5: {  	_ =	strace $0x90000048  }
0xb6: {  	_ =	sfence  }
0xb7: {  	s30 =	sld [smem:$0x0];
	_ =	sdelay $0x2  }
0xb8: {  	s31 =	sshll.u32 s1, $0xD;
	s1 =	sshrl.u32 s1, $0x2  }
0xb9: {  	s3 =	sand.u32 $0x4000, s31;
	s1 =	sadd.s32 s1, s30  }
0xba: {  	s0 =	sor.u32 s3, s0;
	s1 =	sshll.u32 s1, $0x11  }
0xbb: {  	s0 =	sor.u32 s1, s0  }
0xbc: {  	s0 =	sadd.s32 $0x8F2B, s0  }
0xbd: {  	[sflag:s0] =	ssyncadd.remote.s32 $0x1  }
0xbe: {  	_ =	sfence.sel $0xFFFF  }
0xbf: {  	[dreg:$0x0] =	wrdreg $0xFFFFFFFF;
	(pc) =	sbr.abs _section_cstart, $3  }
0xc0: {  	[dreg:$0x1] =	wrdreg $0xFFFFFFFF  }
0xc1: {  	_ =	task.clear_ibuf [dreg:s7], $0x2FFFF;
	_ =	strace $0x9FFFFFFF  }
0xc2: {  	(tm) =	ssettm $0x7FFFFFFF  }
0xc3: {  	_ =	shalt  }
tec
execute0_lowered:
.L_overlay_start_1:
0x0: {  	(tag) =	ssettag $0x1  }
0x1: {  	s0 =	rddreg [dreg:$0x0];
	s1 =	simm.s32 $0x0  }
0x2: {  	[smem:$0x7FF] =	sst s1;
	s11 =	sadd.s32 $0x23800, s0  }
0x3: {  	s12 =	sadd.s32 $0x49800, s0;
	_ =	strace $0x80000047;
	[dreg:$0x3] =	wrdreg s11  }
0x4: {  	s13 =	sadd.s32 $0x43000, s0;
	[dreg:$0x4] =	wrdreg s12  }
0x5: {  	s23 =	srdreg.scid;
	s14 =	sadd.s32 $0x1B000, s0;
	[dreg:$0x5] =	wrdreg s13  }
0x6: {  	s30 =	simm.s32 $0x5C0;
	s15 =	sadd.s32 $0x3000, s0;
	[dreg:$0x6] =	wrdreg s14  }
0x7: {  	s3 =	stileid.u32;
	v0 =	vimm.s32 $0xFEDCBA98;
	v1 =	vimm.s32 $0x76543210;
	s16 =	sadd.s32 $0x545C00, s0;
	[dreg:$0x7] =	wrdreg s15  }
0x8: {  	s31 =	simm.s32 $0xC40;
	v2 =	vimm.s32 $0xBA98FEDC;
	v3 =	vimm.s32 $0x32107654;
	s17 =	sadd.s32 $0x23600, s0;
	[dreg:$0x8] =	wrdreg s16  }
0x9: {  	v4 =	vimm.s32 $0xDCFE98BA;
	v5 =	vimm.s32 $0x54761032;
	s28 =	simm.s32 $0x1;
	s18 =	sadd.s32 $0x23400, s0;
	[dreg:$0x9] =	wrdreg s17  }
0xa: {  	v6 =	vimm.s32 $0xEFCDAB89;
	v7 =	vimm.s32 $0x67452301;
	s29 =	simm.s32 $0x2;
	s19 =	sadd.s32 $0x23200, s0;
	v0 =	vunpack.c.l.s4.s8 v0;
	[dreg:$0xa] =	wrdreg s18  }
0xb: {  	s20 =	sadd.s32 $0x23000, s0;
	s21 =	sadd.s32 $0x30A00, s0;
	v1 =	vunpack.c.l.s4.s8 v1;
	v2 =	vunpack.c.l.s4.s8 v2;
	v3 =	vunpack.c.l.s4.s8 v3;
	[dreg:$0xb] =	wrdreg s19  }
0xc: {  	s22 =	sadd.s32 $0x30800, s0;
	s1 =	sand.u32 $0x1, s23;
	v4 =	vunpack.c.l.s4.s8 v4;
	v5 =	vunpack.c.l.s4.s8 v5;
	v6 =	vunpack.c.l.s4.s8 v6;
	[dreg:$0xc] =	wrdreg s20  }
0xd: {  	s3 =	sshll.u32 s3, $0x1;
	s23 =	simm.s32 $0x3;
	[dreg:$0xd] =	wrdreg s21;
	v0 =	vunpack.c.0.s8.s32 v0;
	v2 =	vunpack.c.0.s8.s32 v2;
	v3 =	vunpack.c.0.s8.s32 v3  }
0xe: {  	v7 =	vunpack.c.l.s4.s8 v7;
	[dreg:$0xe] =	wrdreg s22;
	s16 =	sadd.s32 $0x555C00, s0;
	s17 =	sadd.s32 $0x2CAE00, s0;
	v1 =	vunpack.c.0.s8.s32 v1;
	v4 =	vunpack.c.0.s8.s32 v4  }
0xf: {  	s2 =	ssub.s32 $0x2, s1;
	s18 =	sadd.s32 $0x50000, s0;
	s1 =	sor.u32 s1, s3;
	v5 =	vunpack.c.0.s8.s32 v5;
	v0 =	vand.u32 $0xF, v0;
	v2 =	vcombine.low v3, v2  }
0x10: {  	s13 =	simm.s32 $0x80;
	s25 =	sshll.u32 s1, $0x9;
	s26 =	smul.u32 $0x3400, s1;
	v61 =	vunpack.c.0.s8.s32 v6;
	v62 =	vunpack.c.0.s8.s32 v7;
	v0 =	vcombine.low v0, v1  }
0x11: {  	s24 =	sshrl.u32 s2, $0x1;
	s1 =	smul.u32 $0x1A00, s1;
	[dreg:$0xf] =	wrdreg s25;
	v63 =	vcombine.low v5, v4;
	[tilespmem:$0x1FFD0] =	vst v2  }
0x12: {  	s22 =	simm.s32 $0x40;
	s0 =	ssub.s32 s2, s24;
	[dreg:$0x10] =	wrdreg s26;
	[tilespmem:$0x1FFC0] =	vst v0;
	v0 =	vcombine.low v62, v61  }
0x13: {  	s11 =	simm.s32 $0x0;
	[dreg:$0x11] =	wrdreg s1;
	s0 =	smax.u32 s0, $0x1;
	[tilespmem:$0x1FFE0] =	vst v63  }
0x14: {  	s2 =	simm.s32 $0x0;
	[dreg:$0x12] =	wrdreg s0;
	s0 =	simm.s32 $0xF80;
	[tilespmem:$0x1FFF0] =	vst v0  }
.LBB2_1:
0x15: {  	[dreg:$0x13] =	wrdreg s2  }
0x16: {  	s1 =	simm.s32 $0x0;
	s10 =	rddreg [dreg:$0x9]  }
0x17: {  	[tilespmem:s1], [sflag:$0x3] =	stream.linear.gather [hbm4b:s10+s1], $0xD0, $0x38;
	[tilespmem:$0x99A0] =	vst v63  }
0x18: {  	_ =	swait.ge [sflag:s23], $0xD0  }
0x19: {  	[sflag:s23] =	ssyncset.done $0x0  }
0x1a: {  	s3 =	simm.s32 $0xD0;
	s12 =	rddreg [dreg:$0xa];
	[sflag:s23] =	ssyncadd.s32 $0xFFFFFF30  }
0x1b: {  	[tilespmem:s3], [sflag:$0x3] =	stream.linear.gather [hbm4b:s12+s1], $0xD0, $0x38;
	[tilespmem:$0x99A0] =	vst v63  }
0x1c: {  	_ =	swait.ge [sflag:s23], $0xD0  }
0x1d: {  	[sflag:s23] =	ssyncset.done $0x0  }
0x1e: {  	s15 =	simm.s32 $0x1A0;
	s14 =	rddreg [dreg:$0xb];
	[sflag:s23] =	ssyncadd.s32 $0xFFFFFF30  }
0x1f: {  	[tilespmem:s15], [sflag:$0x3] =	stream.linear.gather [hbm4b:s14+s1], $0xD0, $0x38;
	[tilespmem:$0x99A0] =	vst v63  }
0x20: {  	_ =	swait.ge [sflag:s23], $0xD0  }
0x21: {  	[sflag:s23] =	ssyncset.done $0x0  }
0x22: {  	s20 =	simm.s32 $0x270;
	s19 =	rddreg [dreg:$0xc];
	[sflag:s23] =	ssyncadd.s32 $0xFFFFFF30  }
0x23: {  	[tilespmem:s20], [sflag:$0x3] =	stream.linear.gather [hbm4b:s19+s1], $0xD0, $0x38;
	[tilespmem:$0x99A0] =	vst v63  }
0x24: {  	_ =	swait.ge [sflag:s23], $0xD0  }
0x25: {  	[sflag:s23] =	ssyncset.done $0x0  }
0x26: {  	s24 =	simm.s32 $0x340;
	s21 =	rddreg [dreg:$0xd];
	[sflag:s23] =	ssyncadd.s32 $0xFFFFFF30  }
0x27: {  	[tilespmem:s24], [sflag:$0x3] =	stream.linear.gather [hbm4b:s21+s1], $0x270, $0x38;
	[tilespmem:$0x99A0] =	vst v63  }
0x28: {  	_ =	swait.ge [sflag:s23], $0x270  }
0x29: {  	[sflag:s23] =	ssyncset.done $0x0  }
0x2a: {  	s26 =	simm.s32 $0x5B0;
	s25 =	rddreg [dreg:$0xe];
	[sflag:s23] =	ssyncadd.s32 $0xFFFFFD90  }
0x2b: {  	[tilespmem:s26], [sflag:$0x3] =	stream.linear.gather [hbm4b:s25+s1], $0x10, $0x38;
	[tilespmem:$0x99A0] =	vst v63  }
0x2c: {  	_ =	swait.ge [sflag:s23], $0x10  }
0x2d: {  	[sflag:s23] =	ssyncset.done $0x0  }
0x2e: {  	v0 =	vimm.f32 $0.0e+00;
	[sflag:s23] =	ssyncadd.s32 $0xFFFFFFF0  }
0x2f: {  	[tilespmem:$0x1940] =	vst v0  }
0x30: {  	s10 =	simm.s32 $0x0;
	[tilespmem:$0x1950] =	vst v0  }
.LBB2_2:
0x31: {  	s1 =	smul.u32 $0x680, s10  }
0x32: {  	s2 =	rddreg [dreg:$0x10]  }
0x33: {  	s1 =	sadd.s32 s2, s1  }
0x34: {  	s8 =	rddreg [dreg:$0x3];
	s1 =	sshrl.u32 s1, $0x3  }
0x35: {  	s1 =	sadd.s32 s8, s1  }
0x36: {  	[tilespmem:s30], [sflag:$0x3] =	stream.linear.gather [hbm4b:s1+s11], $0x680, $0x38;
	[tilespmem:$0x99A0] =	vst v63  }
0x37: {  	s9 =	smul.u32 $0x340, s10;
	_ =	swait.ge [sflag:s23], $0x680  }
0x38: {  	s12 =	rddreg [dreg:$0x11]  }
0x39: {  	s1 =	sadd.s32 s12, s9  }
0x3a: {  	[sflag:s23] =	ssyncset.done $0x0;
	s14 =	rddreg [dreg:$0x4];
	s1 =	sshrl.u32 s1, $0x3  }
0x3b: {  	[sflag:s23] =	ssyncadd.s32 $0xFFFFF980;
	s2 =	sadd.s32 s14, s1  }
0x3c: {  	[tilespmem:s31], [sflag:$0x3] =	stream.linear.gather [hbm4b:s2+s11], $0x340, $0x38;
	[tilespmem:$0x99A0] =	vst v63  }
0x3d: {  	_ =	swait.ge [sflag:s23], $0x340  }
0x3e: {  	[sflag:s23] =	ssyncset.done $0x0;
	s15 =	rddreg [dreg:$0x5]  }
0x3f: {  	[sflag:s23] =	ssyncadd.s32 $0xFFFFFCC0;
	s1 =	sadd.s32 s15, s1  }
0x40: {  	[tilespmem:s0], [sflag:$0x3] =	stream.linear.gather [hbm4b:s1+s11], $0x340, $0x38;
	[tilespmem:$0x99A0] =	vst v63  }
0x41: {  	_ =	swait.ge [sflag:s23], $0x340  }
0x42: {  	[sflag:s23] =	ssyncset.done $0x0  }
0x43: {  	s12 =	simm.s32 $0x12C0;
	[sflag:s23] =	ssyncadd.s32 $0xFFFFFCC0  }
0x44: {  	[tilespmem:s12], [sflag:$0x1] =	stream.indirect.gather [hbm4b:s16+s13], $0x1, s30, s13, $0xb8;
	[tilespmem:$0x99A0] =	vst v63  }
0x45: {  	s19 =	simm.s32 $0x640;
	s20 =	simm.s32 $0x1340  }
0x46: {  	[tilespmem:s20], [sflag:$0x1] =	stream.indirect.gather [hbm4b:s16+s13], $0x1, s19, s13, $0xb8;
	[tilespmem:$0x99A0] =	vst v63  }
0x47: {  	s21 =	simm.s32 $0x6C0;
	s24 =	simm.s32 $0x13C0  }
0x48: {  	[tilespmem:s24], [sflag:$0x1] =	stream.indirect.gather [hbm4b:s16+s13], $0x1, s21, s13, $0xb8;
	[tilespmem:$0x99A0] =	vst v63  }
0x49: {  	s25 =	simm.s32 $0x740;
	s26 =	simm.s32 $0x1440  }
0x4a: {  	[tilespmem:s26], [sflag:$0x1] =	stream.indirect.gather [hbm4b:s16+s13], $0x1, s25, s13, $0xb8;
	[tilespmem:$0x99A0] =	vst v63  }
0x4b: {  	s3 =	simm.s32 $0x14C0;
	s2 =	simm.s32 $0x7C0  }
0x4c: {  	[tilespmem:s3], [sflag:$0x1] =	stream.indirect.gather [hbm4b:s16+s13], $0x1, s2, s13, $0xb8;
	[tilespmem:$0x99A0] =	vst v63  }
0x4d: {  	s4 =	simm.s32 $0x840;
	s5 =	simm.s32 $0x1540  }
0x4e: {  	[tilespmem:s5], [sflag:$0x1] =	stream.indirect.gather [hbm4b:s16+s13], $0x1, s4, s13, $0xb8;
	[tilespmem:$0x99A0] =	vst v63  }
0x4f: {  	s6 =	simm.s32 $0x8C0;
	s7 =	simm.s32 $0x15C0  }
0x50: {  	[tilespmem:s7], [sflag:$0x1] =	stream.indirect.gather [hbm4b:s16+s13], $0x1, s6, s13, $0xb8;
	[tilespmem:$0x99A0] =	vst v63  }
0x51: {  	s8 =	simm.s32 $0x940;
	s9 =	simm.s32 $0x1640  }
0x52: {  	[tilespmem:s9], [sflag:$0x1] =	stream.indirect.gather [hbm4b:s16+s13], $0x1, s8, s13, $0xb8;
	[tilespmem:$0x99A0] =	vst v63  }
0x53: {  	s14 =	simm.s32 $0x9C0;
	s15 =	simm.s32 $0x16C0  }
0x54: {  	[tilespmem:s15], [sflag:$0x1] =	stream.indirect.gather [hbm4b:s16+s13], $0x1, s14, s13, $0xb8;
	[tilespmem:$0x99A0] =	vst v63  }
0x55: {  	s19 =	simm.s32 $0xA40;
	s20 =	simm.s32 $0x1740  }
0x56: {  	[tilespmem:s20], [sflag:$0x1] =	stream.indirect.gather [hbm4b:s16+s13], $0x1, s19, s13, $0xb8;
	[tilespmem:$0x99A0] =	vst v63  }
0x57: {  	s21 =	simm.s32 $0xAC0;
	s24 =	simm.s32 $0x17C0  }
0x58: {  	[tilespmem:s24], [sflag:$0x1] =	stream.indirect.gather [hbm4b:s16+s13], $0x1, s21, s13, $0xb8;
	[tilespmem:$0x99A0] =	vst v63  }
0x59: {  	s25 =	simm.s32 $0xB40;
	s26 =	simm.s32 $0x1840  }
0x5a: {  	[tilespmem:s26], [sflag:$0x1] =	stream.indirect.gather [hbm4b:s16+s13], $0x1, s25, s13, $0xb8;
	[tilespmem:$0x99A0] =	vst v63  }
0x5b: {  	s2 =	simm.s32 $0xBC0;
	s3 =	simm.s32 $0x18C0  }
0x5c: {  	[tilespmem:s3], [sflag:$0x1] =	stream.indirect.gather [hbm4b:s16+s13], $0x1, s2, s13, $0xb8;
	[tilespmem:$0x99A0] =	vst v63  }
0x5d: {  	s4 =	simm.s32 $0x1960  }
0x5e: {  	[tilespmem:s4], [sflag:$0x2] =	stream.indirect.gather [hbm4b:s17+s22], $0x10, s31, s22, $0xb8;
	[tilespmem:$0x99A0] =	vst v63  }
0x5f: {  	s5 =	simm.s32 $0x4D60  }
0x60: {  	[tilespmem:s5], [sflag:$0x2] =	stream.indirect.gather [hbm4b:s18+s22], $0x10, s0, s22, $0xb8;
	[tilespmem:$0x99A0] =	vst v63  }
0x61: {  	s6 =	simm.s32 $0xC80;
	s7 =	simm.s32 $0x1D60  }
0x62: {  	[tilespmem:s7], [sflag:$0x2] =	stream.indirect.gather [hbm4b:s17+s22], $0x10, s6, s22, $0xb8;
	[tilespmem:$0x99A0] =	vst v63  }
0x63: {  	s8 =	simm.s32 $0xFC0;
	s9 =	simm.s32 $0x5160  }
0x64: {  	[tilespmem:s9], [sflag:$0x2] =	stream.indirect.gather [hbm4b:s18+s22], $0x10, s8, s22, $0xb8;
	[tilespmem:$0x99A0] =	vst v63  }
0x65: {  	s14 =	simm.s32 $0xCC0;
	s15 =	simm.s32 $0x2160  }
0x66: {  	[tilespmem:s15], [sflag:$0x2] =	stream.indirect.gather [hbm4b:s17+s22], $0x10, s14, s22, $0xb8;
	[tilespmem:$0x99A0] =	vst v63  }
0x67: {  	s19 =	simm.s32 $0x1000;
	s20 =	simm.s32 $0x5560  }
0x68: {  	[tilespmem:s20], [sflag:$0x2] =	stream.indirect.gather [hbm4b:s18+s22], $0x10, s19, s22, $0xb8;
	[tilespmem:$0x99A0] =	vst v63  }
0x69: {  	s21 =	simm.s32 $0xD00;
	s24 =	simm.s32 $0x2560  }
0x6a: {  	[tilespmem:s24], [sflag:$0x2] =	stream.indirect.gather [hbm4b:s17+s22], $0x10, s21, s22, $0xb8;
	[tilespmem:$0x99A0] =	vst v63  }
0x6b: {  	s25 =	simm.s32 $0x1040;
	s26 =	simm.s32 $0x5960  }
0x6c: {  	[tilespmem:s26], [sflag:$0x2] =	stream.indirect.gather [hbm4b:s18+s22], $0x10, s25, s22, $0xb8;
	[tilespmem:$0x99A0] =	vst v63  }
0x6d: {  	s2 =	simm.s32 $0xD40;
	s3 =	simm.s32 $0x2960  }
0x6e: {  	[tilespmem:s3], [sflag:$0x2] =	stream.indirect.gather [hbm4b:s17+s22], $0x10, s2, s22, $0xb8;
	[tilespmem:$0x99A0] =	vst v63  }
0x6f: {  	s4 =	simm.s32 $0x1080;
	s5 =	simm.s32 $0x5D60  }
0x70: {  	[tilespmem:s5], [sflag:$0x2] =	stream.indirect.gather [hbm4b:s18+s22], $0x10, s4, s22, $0xb8;
	[tilespmem:$0x99A0] =	vst v63  }
0x71: {  	s6 =	simm.s32 $0xD80;
	s7 =	simm.s32 $0x2D60  }
0x72: {  	[tilespmem:s7], [sflag:$0x2] =	stream.indirect.gather [hbm4b:s17+s22], $0x10, s6, s22, $0xb8;
	[tilespmem:$0x99A0] =	vst v63  }
0x73: {  	s8 =	simm.s32 $0x10C0;
	s9 =	simm.s32 $0x6160  }
0x74: {  	[tilespmem:s9], [sflag:$0x2] =	stream.indirect.gather [hbm4b:s18+s22], $0x10, s8, s22, $0xb8;
	[tilespmem:$0x99A0] =	vst v63  }
0x75: {  	s14 =	simm.s32 $0xDC0;
	s15 =	simm.s32 $0x3160  }
0x76: {  	[tilespmem:s15], [sflag:$0x2] =	stream.indirect.gather [hbm4b:s17+s22], $0x10, s14, s22, $0xb8;
	[tilespmem:$0x99A0] =	vst v63  }
0x77: {  	s19 =	simm.s32 $0x1100;
	s20 =	simm.s32 $0x6560  }
0x78: {  	[tilespmem:s20], [sflag:$0x2] =	stream.indirect.gather [hbm4b:s18+s22], $0x10, s19, s22, $0xb8;
	[tilespmem:$0x99A0] =	vst v63  }
0x79: {  	s21 =	simm.s32 $0xE00;
	s24 =	simm.s32 $0x3560  }
0x7a: {  	[tilespmem:s24], [sflag:$0x2] =	stream.indirect.gather [hbm4b:s17+s22], $0x10, s21, s22, $0xb8;
	[tilespmem:$0x99A0] =	vst v63  }
0x7b: {  	s25 =	simm.s32 $0x1140;
	s26 =	simm.s32 $0x6960  }
0x7c: {  	[tilespmem:s26], [sflag:$0x2] =	stream.indirect.gather [hbm4b:s18+s22], $0x10, s25, s22, $0xb8;
	[tilespmem:$0x99A0] =	vst v63  }
0x7d: {  	s2 =	simm.s32 $0xE40;
	s3 =	simm.s32 $0x3960  }
0x7e: {  	[tilespmem:s3], [sflag:$0x2] =	stream.indirect.gather [hbm4b:s17+s22], $0x10, s2, s22, $0xb8;
	[tilespmem:$0x99A0] =	vst v63  }
0x7f: {  	s4 =	simm.s32 $0x1180;
	s5 =	simm.s32 $0x6D60  }
0x80: {  	[tilespmem:s5], [sflag:$0x2] =	stream.indirect.gather [hbm4b:s18+s22], $0x10, s4, s22, $0xb8;
	[tilespmem:$0x99A0] =	vst v63  }
0x81: {  	s6 =	simm.s32 $0xE80;
	s7 =	simm.s32 $0x3D60  }
0x82: {  	[tilespmem:s7], [sflag:$0x2] =	stream.indirect.gather [hbm4b:s17+s22], $0x10, s6, s22, $0xb8;
	[tilespmem:$0x99A0] =	vst v63  }
0x83: {  	s8 =	simm.s32 $0x11C0;
	s9 =	simm.s32 $0x7160  }
0x84: {  	[tilespmem:s9], [sflag:$0x2] =	stream.indirect.gather [hbm4b:s18+s22], $0x10, s8, s22, $0xb8;
	[tilespmem:$0x99A0] =	vst v63  }
0x85: {  	s14 =	simm.s32 $0xEC0;
	s15 =	simm.s32 $0x4160  }
0x86: {  	[tilespmem:s15], [sflag:$0x2] =	stream.indirect.gather [hbm4b:s17+s22], $0x10, s14, s22, $0xb8;
	[tilespmem:$0x99A0] =	vst v63  }
0x87: {  	s19 =	simm.s32 $0x1200;
	s20 =	simm.s32 $0x7560;
	s21 =	simm.s32 $0xF00  }
0x88: {  	[tilespmem:s20], [sflag:$0x2] =	stream.indirect.gather [hbm4b:s18+s22], $0x10, s19, s22, $0xb8;
	[tilespmem:$0x99A0] =	vst v63  }
0x89: {  	s24 =	simm.s32 $0x4560;
	s25 =	sshll.u32 s10, $0x6;
	s26 =	simm.s32 $0x1240  }
0x8a: {  	[tilespmem:s24], [sflag:$0x2] =	stream.indirect.gather [hbm4b:s17+s22], $0x10, s21, s22, $0xb8;
	[tilespmem:$0x99A0] =	vst v63  }
0x8b: {  	s3 =	simm.s32 $0x7960;
	s4 =	rddreg [dreg:$0xf];
	s5 =	simm.s32 $0xF40  }
0x8c: {  	[tilespmem:s3], [sflag:$0x2] =	stream.indirect.gather [hbm4b:s18+s22], $0x10, s26, s22, $0xb8;
	[tilespmem:$0x99A0] =	vst v63  }
0x8d: {  	s6 =	simm.s32 $0x4960;
	s8 =	simm.s32 $0x1280;
	s14 =	sadd.s32 s4, s25  }
0x8e: {  	[tilespmem:s6], [sflag:$0x2] =	stream.indirect.gather [hbm4b:s17+s22], $0x10, s5, s22, $0xb8;
	[tilespmem:$0x99A0] =	vst v63  }
0x8f: {  	s9 =	simm.s32 $0x7D60;
	s15 =	rddreg [dreg:$0x7];
	s7 =	smul.u32 $0x6, s14  }
0x90: {  	[tilespmem:s9], [sflag:$0x2] =	stream.indirect.gather [hbm4b:s18+s22], $0x10, s8, s22, $0xb8;
	[tilespmem:$0x99A0] =	vst v63  }
0x91: {  	s19 =	simm.s32 $0x8160;
	s1 =	sadd.s32 s15, s7  }
0x92: {  	[tilespmem:s19], [sflag:$0x3] =	stream.linear.gather [hbm4b:s1+s11], $0xC00, $0x38;
	[tilespmem:$0x99A0] =	vst v63  }
0x93: {  	_ =	swait.ge [sflag:s23], $0xC00  }
0x94: {  	s20 =	sshll.u32 s14, $0x2;
	[sflag:s23] =	ssyncset.done $0x0;
	s21 =	rddreg [dreg:$0x8]  }
0x95: {  	s24 =	simm.s32 $0x8D60;
	[sflag:s23] =	ssyncadd.s32 $0xFFFFF400;
	s1 =	sadd.s32 s21, s20  }
0x96: {  	[tilespmem:s24], [sflag:$0x3] =	stream.linear.gather [hbm4b:s1+s11], $0x800, $0x38;
	[tilespmem:$0x99A0] =	vst v63  }
0x97: {  	_ =	swait.ge [sflag:s23], $0x800  }
0x98: {  	s25 =	sshll.u32 s14, $0x1;
	[sflag:s23] =	ssyncset.done $0x0;
	s26 =	rddreg [dreg:$0x6]  }
0x99: {  	s15 =	simm.s32 $0x9560;
	[sflag:s23] =	ssyncadd.s32 $0xFFFFF800;
	s1 =	sadd.s32 s26, s25  }
0x9a: {  	[tilespmem:s15], [sflag:$0x3] =	stream.linear.gather [hbm4b:s1+s11], $0x400, $0x38;
	[tilespmem:$0x99A0] =	vst v63  }
0x9b: {  	_ =	swait.ge [sflag:s23], $0x400  }
0x9c: {  	[sflag:s23] =	ssyncset.done $0x0  }
0x9d: {  	[sflag:s23] =	ssyncadd.s32 $0xFFFFFC00  }
0x9e: {  	_ =	swait.ge [sflag:s28], $0x80  }
0x9f: {  	[sflag:s28] =	ssyncset.done $0x0  }
0xa0: {  	[sflag:s28] =	ssyncadd.s32 $0xFFFFFF80  }
0xa1: {  	_ =	swait.ge [sflag:s28], $0x80  }
0xa2: {  	[sflag:s28] =	ssyncset.done $0x0  }
0xa3: {  	[sflag:s28] =	ssyncadd.s32 $0xFFFFFF80  }
0xa4: {  	_ =	swait.ge [sflag:s28], $0x80  }
0xa5: {  	[sflag:s28] =	ssyncset.done $0x0  }
0xa6: {  	[sflag:s28] =	ssyncadd.s32 $0xFFFFFF80  }
0xa7: {  	_ =	swait.ge [sflag:s28], $0x80  }
0xa8: {  	[sflag:s28] =	ssyncset.done $0x0  }
0xa9: {  	[sflag:s28] =	ssyncadd.s32 $0xFFFFFF80  }
0xaa: {  	_ =	swait.ge [sflag:s28], $0x80  }
0xab: {  	[sflag:s28] =	ssyncset.done $0x0  }
0xac: {  	[sflag:s28] =	ssyncadd.s32 $0xFFFFFF80  }
0xad: {  	_ =	swait.ge [sflag:s28], $0x80  }
0xae: {  	[sflag:s28] =	ssyncset.done $0x0  }
0xaf: {  	[sflag:s28] =	ssyncadd.s32 $0xFFFFFF80  }
0xb0: {  	_ =	swait.ge [sflag:s28], $0x80  }
0xb1: {  	[sflag:s28] =	ssyncset.done $0x0  }
0xb2: {  	[sflag:s28] =	ssyncadd.s32 $0xFFFFFF80  }
0xb3: {  	_ =	swait.ge [sflag:s28], $0x80  }
0xb4: {  	[sflag:s28] =	ssyncset.done $0x0  }
0xb5: {  	[sflag:s28] =	ssyncadd.s32 $0xFFFFFF80  }
0xb6: {  	_ =	swait.ge [sflag:s28], $0x80  }
0xb7: {  	[sflag:s28] =	ssyncset.done $0x0  }
0xb8: {  	[sflag:s28] =	ssyncadd.s32 $0xFFFFFF80  }
0xb9: {  	_ =	swait.ge [sflag:s28], $0x80  }
0xba: {  	[sflag:s28] =	ssyncset.done $0x0  }
0xbb: {  	[sflag:s28] =	ssyncadd.s32 $0xFFFFFF80  }
0xbc: {  	_ =	swait.ge [sflag:s28], $0x80  }
0xbd: {  	[sflag:s28] =	ssyncset.done $0x0  }
0xbe: {  	[sflag:s28] =	ssyncadd.s32 $0xFFFFFF80  }
0xbf: {  	_ =	swait.ge [sflag:s28], $0x80  }
0xc0: {  	[sflag:s28] =	ssyncset.done $0x0  }
0xc1: {  	[sflag:s28] =	ssyncadd.s32 $0xFFFFFF80  }
0xc2: {  	_ =	swait.ge [sflag:s28], $0x80  }
0xc3: {  	[sflag:s28] =	ssyncset.done $0x0  }
0xc4: {  	[sflag:s28] =	ssyncadd.s32 $0xFFFFFF80  }
0xc5: {  	_ =	swait.ge [sflag:s29], $0x400  }
0xc6: {  	[sflag:s29] =	ssyncset.done $0x0  }
0xc7: {  	[sflag:s29] =	ssyncadd.s32 $0xFFFFFC00  }
0xc8: {  	_ =	swait.ge [sflag:s29], $0x400  }
0xc9: {  	[sflag:s29] =	ssyncset.done $0x0  }
0xca: {  	[sflag:s29] =	ssyncadd.s32 $0xFFFFFC00  }
0xcb: {  	_ =	swait.ge [sflag:s29], $0x400  }
0xcc: {  	[sflag:s29] =	ssyncset.done $0x0  }
0xcd: {  	[sflag:s29] =	ssyncadd.s32 $0xFFFFFC00  }
0xce: {  	_ =	swait.ge [sflag:s29], $0x400  }
0xcf: {  	[sflag:s29] =	ssyncset.done $0x0  }
0xd0: {  	[sflag:s29] =	ssyncadd.s32 $0xFFFFFC00  }
0xd1: {  	_ =	swait.ge [sflag:s29], $0x400  }
0xd2: {  	[sflag:s29] =	ssyncset.done $0x0  }
0xd3: {  	[sflag:s29] =	ssyncadd.s32 $0xFFFFFC00  }
0xd4: {  	_ =	swait.ge [sflag:s29], $0x400  }
0xd5: {  	[sflag:s29] =	ssyncset.done $0x0  }
0xd6: {  	[sflag:s29] =	ssyncadd.s32 $0xFFFFFC00  }
0xd7: {  	_ =	swait.ge [sflag:s29], $0x400  }
0xd8: {  	[sflag:s29] =	ssyncset.done $0x0  }
0xd9: {  	[sflag:s29] =	ssyncadd.s32 $0xFFFFFC00  }
0xda: {  	_ =	swait.ge [sflag:s29], $0x400  }
0xdb: {  	[sflag:s29] =	ssyncset.done $0x0  }
0xdc: {  	[sflag:s29] =	ssyncadd.s32 $0xFFFFFC00  }
0xdd: {  	_ =	swait.ge [sflag:s29], $0x400  }
0xde: {  	[sflag:s29] =	ssyncset.done $0x0  }
0xdf: {  	[sflag:s29] =	ssyncadd.s32 $0xFFFFFC00  }
0xe0: {  	_ =	swait.ge [sflag:s29], $0x400  }
0xe1: {  	[sflag:s29] =	ssyncset.done $0x0  }
0xe2: {  	[sflag:s29] =	ssyncadd.s32 $0xFFFFFC00  }
0xe3: {  	_ =	swait.ge [sflag:s29], $0x400  }
0xe4: {  	[sflag:s29] =	ssyncset.done $0x0  }
0xe5: {  	[sflag:s29] =	ssyncadd.s32 $0xFFFFFC00  }
0xe6: {  	_ =	swait.ge [sflag:s29], $0x400  }
0xe7: {  	[sflag:s29] =	ssyncset.done $0x0  }
0xe8: {  	[sflag:s29] =	ssyncadd.s32 $0xFFFFFC00  }
0xe9: {  	_ =	swait.ge [sflag:s29], $0x400  }
0xea: {  	[sflag:s29] =	ssyncset.done $0x0  }
0xeb: {  	[sflag:s29] =	ssyncadd.s32 $0xFFFFFC00  }
0xec: {  	_ =	swait.ge [sflag:s29], $0x400  }
0xed: {  	[sflag:s29] =	ssyncset.done $0x0  }
0xee: {  	[sflag:s29] =	ssyncadd.s32 $0xFFFFFC00  }
0xef: {  	_ =	swait.ge [sflag:s29], $0x400  }
0xf0: {  	[sflag:s29] =	ssyncset.done $0x0  }
0xf1: {  	[sflag:s29] =	ssyncadd.s32 $0xFFFFFC00  }
0xf2: {  	_ =	swait.ge [sflag:s29], $0x400  }
0xf3: {  	[sflag:s29] =	ssyncset.done $0x0  }
0xf4: {  	[sflag:s29] =	ssyncadd.s32 $0xFFFFFC00  }
0xf5: {  	_ =	swait.ge [sflag:s29], $0x400  }
0xf6: {  	[sflag:s29] =	ssyncset.done $0x0  }
0xf7: {  	[sflag:s29] =	ssyncadd.s32 $0xFFFFFC00  }
0xf8: {  	_ =	swait.ge [sflag:s29], $0x400  }
0xf9: {  	[sflag:s29] =	ssyncset.done $0x0  }
0xfa: {  	[sflag:s29] =	ssyncadd.s32 $0xFFFFFC00  }
0xfb: {  	_ =	swait.ge [sflag:s29], $0x400  }
0xfc: {  	[sflag:s29] =	ssyncset.done $0x0  }
0xfd: {  	[sflag:s29] =	ssyncadd.s32 $0xFFFFFC00  }
0xfe: {  	_ =	swait.ge [sflag:s29], $0x400  }
0xff: {  	[sflag:s29] =	ssyncset.done $0x0  }
0x100: {  	[sflag:s29] =	ssyncadd.s32 $0xFFFFFC00  }
0x101: {  	_ =	swait.ge [sflag:s29], $0x400  }
0x102: {  	[sflag:s29] =	ssyncset.done $0x0  }
0x103: {  	[sflag:s29] =	ssyncadd.s32 $0xFFFFFC00  }
0x104: {  	_ =	swait.ge [sflag:s29], $0x400  }
0x105: {  	[sflag:s29] =	ssyncset.done $0x0  }
0x106: {  	[sflag:s29] =	ssyncadd.s32 $0xFFFFFC00  }
0x107: {  	_ =	swait.ge [sflag:s29], $0x400  }
0x108: {  	[sflag:s29] =	ssyncset.done $0x0  }
0x109: {  	[sflag:s29] =	ssyncadd.s32 $0xFFFFFC00  }
0x10a: {  	_ =	swait.ge [sflag:s29], $0x400  }
0x10b: {  	[sflag:s29] =	ssyncset.done $0x0  }
0x10c: {  	[sflag:s29] =	ssyncadd.s32 $0xFFFFFC00  }
0x10d: {  	_ =	swait.ge [sflag:s29], $0x400  }
0x10e: {  	[sflag:s29] =	ssyncset.done $0x0  }
0x10f: {  	[sflag:s29] =	ssyncadd.s32 $0xFFFFFC00  }
0x110: {  	_ =	swait.ge [sflag:s29], $0x400  }
0x111: {  	[sflag:s29] =	ssyncset.done $0x0  }
0x112: {  	[sflag:s29] =	ssyncadd.s32 $0xFFFFFC00  }
0x113: {  	v0 =	vld [tilespmem:$0x5B0];
	_ =	sdelay $0x3  }
0x114: {  	s2 =	simm.s32 $0x0;
	s9 =	simm.s32 $0x0;
	s24 =	simm.s32 $0x8170  }
0x115: {  	s25 =	simm.s32 $0x19C0;
	s26 =	simm.s32 $0x4DC0;
	s1 =	simm.s32 $0x8D70;
	[tilespmem:$0x1FFB0] =	vst v0  }
.LBB2_3:
0x116: {  	v55 =	vld [tilespmem:$0x1A0]  }
0x117: {  	v52 =	vld [tilespmem:$0x270]  }
0x118: {  	v49 =	vld [tilespmem:$0x340]  }
0x119: {  	v54 =	vld [tilespmem:$0x1B0]  }
0x11a: {  	v50 =	vld [tilespmem:$0x280]  }
0x11b: {  	v53 =	vld [tilespmem:$0x1C0]  }
0x11c: {  	v51 =	vld [tilespmem:$0x290]  }
0x11d: {  	v0 =	vld [tilespmem:s24+$0x10]  }
0x11e: {  	v1 =	vld [tilespmem:s12+$0x0]  }
0x11f: {  	v7 =	vld [tilespmem:s24+$0x0]  }
0x120: {  	v2 =	vld [tilespmem:s1+$0xFFFFFFF0]  }
0x121: {  	v15 =	vmov s26;
	v40 =	vld [tilespmem:s24+$0xFFFFFFF0]  }
0x122: {  	v34 =	vld [tilespmem:s15+$0x0];
	v3 =	vbroadcast v0, $0x6  }
0x123: {  	v60 =	vld [tilespmem:$0x1F0];
	v4 =	vbroadcast v0, $0x5;
	v5 =	vbroadcast v0, $0x3  }
0x124: {  	v61 =	vld [tilespmem:$0x1E0];
	v6 =	vbroadcast v0, $0x4;
	v16 =	vbroadcast v0, $0x2  }
0x125: {  	s3 =	simm.s32 $0x0;
	v62 =	vld [tilespmem:$0x2C0];
	v21 =	vbroadcast v0, $0x0;
	v25 =	vbroadcast v0, $0x1  }
0x126: {  	v13 =	vld.idx.msk [tilespmem:v15+s3+$0x60 ss:$0x1], $0xffff;
	v26 =	vbroadcast v7, $0xE;
	v20 =	vmul.f32 v2, v1  }
0x127: {  	v24 =	vld.idx.msk [tilespmem:v15+s3+$0x50 ss:$0x1], $0xffff;
	v29 =	vbroadcast v7, $0xD;
	v32 =	vbroadcast v7, $0xC  }
0x128: {  	v28 =	vld.idx.msk [tilespmem:v15+s3+$0x40 ss:$0x1], $0xffff;
	v35 =	vbroadcast v7, $0xB;
	v37 =	vbroadcast v7, $0x5  }
0x129: {  	v38 =	vbroadcast v7, $0x3;
	v39 =	vld.idx.msk [tilespmem:v15+s3+$0x10 ss:$0x1], $0xffff;
	v41 =	vbroadcast v7, $0x1  }
0x12a: {  	s4 =	sand.u32 $0x7FE, s9;
	v42 =	vbroadcast v40, $0xF;
	v8 =	vbroadcast v40, $0x5;
	v0 =	vld [tilespmem:s1+$0x0]  }
0x12b: {  	v9 =	vbroadcast v40, $0x4;
	v1 =	vld [tilespmem:s4+$0x12D0];
	v12 =	vbroadcast v40, $0x3  }
0x12c: {  	v43 =	vld.idx.msk [tilespmem:v15+s3+$0x0 ss:$0x1], $0xffff;
	v10 =	vbroadcast v34, $0x5;
	v14 =	vbroadcast v40, $0x2  }
0x12d: {  	v11 =	vbroadcast v34, $0x4;
	v44 =	vld.idx.msk [tilespmem:v15+s3+$0xFFFFFFE0 ss:$0x1], $0xffff;
	v19 =	vbroadcast v40, $0x1  }
0x12e: {  	v17 =	vmov s25;
	v18 =	vbroadcast v34, $0x3;
	v23 =	vbroadcast v40, $0x0;
	v46 =	vld.idx.msk [tilespmem:v15+s3+$0xFFFFFFC0 ss:$0x1], $0xffff  }
0x12f: {  	v22 =	vbroadcast v34, $0x2;
	v31 =	vbroadcast v34, $0x0;
	v47 =	vld.idx.msk [tilespmem:v15+s3+$0xFFFFFFB0 ss:$0x1], $0xffff  }
0x130: {  	v30 =	vld.idx.msk [tilespmem:v15+s3+$0x30 ss:$0x1], $0xffff;
	v27 =	vbroadcast v34, $0x1;
	v33 =	vmul.f32 v0, v1  }
0x131: {  	v36 =	vld.idx.msk [tilespmem:v15+s3+$0x20 ss:$0x1], $0xffff;
	v0 =	vmul.f32 v13, v3;
	v58 =	vmul.f32 v24, v4  }
0x132: {  	v45 =	vld.idx.msk [tilespmem:v15+s3+$0xFFFFFFD0 ss:$0x1], $0xffff;
	v63 =	vmul.f32 v28, v6;
	v56 =	vmul.f32 v39, v25  }
0x133: {  	v48 =	vld.idx.msk [tilespmem:v17+s3+$0x20 ss:$0x1], $0xffff;
	v6 =	vmul.f32 v43, v21;
	v13 =	vmul.f32 v44, v26  }
0x134: {  	v24 =	vld.idx.msk [tilespmem:v17+s3+$0x0 ss:$0x1], $0xffff;
	v21 =	vmul.f32 v46, v32;
	v26 =	vmul.f32 v47, v35  }
0x135: {  	v28 =	vld.idx.msk [tilespmem:v17+s3+$0xFFFFFFE0 ss:$0x1], $0xffff;
	v32 =	vmul.f32 v61, v11;
	[tilespmem:$0x1FDE0] =	vst v0;
	v0 =	vmul.f32 v30, v5  }
0x136: {  	v25 =	vld.idx.msk [tilespmem:v17+s3+$0xFFFFFFC0 ss:$0x1], $0xffff;
	v3 =	vbroadcast v34, $0x9;
	v4 =	vbroadcast v40, $0x9  }
0x137: {  	v30 =	vld [tilespmem:$0x1D0];
	v5 =	vbroadcast v34, $0x8;
	[tilespmem:$0x1FD40] =	vst v0;
	v0 =	vmul.f32 v36, v16  }
0x138: {  	v2 =	vld [tilespmem:$0x0];
	v16 =	vmul.f32 v45, v29;
	v36 =	vmul.f32 v48, v37  }
0x139: {  	[tilespmem:$0x1F890] =	vst v55;
	v29 =	vmul.f32 v55, v31;
	v48 =	vld [tilespmem:$0x2A0];
	v38 =	vmul.f32 v24, v38  }
0x13a: {  	[tilespmem:$0x1F8A0] =	vst v54;
	v55 =	vld [tilespmem:$0x2B0];
	v24 =	vmul.f32 v54, v27;
	v41 =	vmul.f32 v28, v41  }
0x13b: {  	[tilespmem:$0x1F8B0] =	vst v52;
	v46 =	vmul.f32 v25, v42;
	v28 =	vmul.f32 v60, v10;
	v25 =	vadd.f32 v52, v29  }
0x13c: {  	v52 =	vld [tilespmem:$0x350];
	v29 =	vmul.f32 v53, v22;
	v24 =	vadd.f32 v50, v24;
	[tilespmem:$0x1F8F0] =	vst v30;
	v30 =	vmul.f32 v30, v18  }
0x13d: {  	[tilespmem:$0x1F8C0] =	vst v60;
	v31 =	vmul.f32 v2, v31;
	v28 =	vadd.f32 v62, v28;
	v25 =	vmul.f32 v25, v23  }
0x13e: {  	[tilespmem:$0x1F8D0] =	vst v53;
	v54 =	vld [tilespmem:$0x360];
	v29 =	vadd.f32 v51, v29;
	v24 =	vmul.f32 v24, v19;
	v30 =	vadd.f32 v48, v30  }
0x13f: {  	[tilespmem:$0x1F900] =	vst v61;
	v32 =	vadd.f32 v55, v32;
	v28 =	vmul.f32 v28, v8;
	v60 =	vmul.f32 v25, v49  }
0x140: {  	v57 =	vld [tilespmem:$0x200];
	[tilespmem:$0x1F910] =	vst v51;
	v59 =	vadd.f32 $0.0e+00, v25;
	v25 =	vmul.f32 v25, v25;
	v29 =	vmul.f32 v29, v14  }
0x141: {  	[tilespmem:$0x1F920] =	vst v62;
	v53 =	vld [tilespmem:$0x2D0];
	v61 =	vmul.f32 v24, v24;
	v42 =	vmul.f32 v24, v52  }
0x142: {  	[tilespmem:$0x1FD20] =	vst v0;
	v62 =	vld [tilespmem:$0x370];
	v30 =	vmul.f32 v30, v12;
	v32 =	vmul.f32 v32, v9;
	v37 =	vadd.f32 $0.0e+00, v60  }
0x143: {  	v0 =	vld [tilespmem:$0x210];
	[tilespmem:$0x1F960] =	vst v54;
	v35 =	vadd.f32 v24, v59;
	v51 =	vmul.f32 v29, v29;
	v24 =	vbroadcast v34, $0x6  }
0x144: {  	[tilespmem:$0x1F950] =	vst v52;
	v59 =	vld [tilespmem:$0x380];
	v52 =	vmul.f32 v29, v54;
	v25 =	vadd.f32 v61, v25;
	v54 =	vmul.f32 v30, v30  }
0x145: {  	[tilespmem:$0x1F970] =	vst v55;
	v55 =	vld [tilespmem:$0x2E0];
	v37 =	vadd.f32 v42, v37;
	v29 =	vadd.f32 v29, v35;
	v61 =	vmul.f32 v57, v24  }
0x146: {  	[tilespmem:$0x1F990] =	vst v57;
	v57 =	vld [tilespmem:$0xD0];
	v42 =	vbroadcast v40, $0xD;
	v25 =	vadd.f32 v51, v25;
	v51 =	vmul.f32 v32, v32  }
0x147: {  	[tilespmem:$0x1F980] =	vst v62;
	v37 =	vadd.f32 v52, v37;
	v29 =	vadd.f32 v30, v29;
	v30 =	vmul.f32 v30, v62;
	v62 =	vld [tilespmem:$0x390]  }
0x148: {  	[tilespmem:$0x1F8E0] =	vst v50;
	v60 =	vld [tilespmem:$0x220];
	v39 =	vadd.f32 v53, v61;
	v35 =	vadd.f32 v54, v25;
	v25 =	vbroadcast v40, $0x6  }
0x149: {  	v1 =	vld [tilespmem:$0x2F0];
	[tilespmem:$0x1F940] =	vst v48;
	v52 =	vmul.f32 v32, v59;
	v37 =	vadd.f32 v30, v37;
	v30 =	vbroadcast v34, $0x7  }
0x14a: {  	v50 =	vld [tilespmem:$0x3C0];
	[tilespmem:$0x1F9B0] =	vst v59;
	v59 =	vmul.f32 v28, v28;
	v32 =	vadd.f32 v32, v29;
	v35 =	vadd.f32 v51, v35  }
0x14b: {  	v48 =	vld [tilespmem:$0x3A0];
	[tilespmem:$0x1F9A0] =	vst v53;
	v39 =	vmul.f32 v39, v25;
	v31 =	vadd.f32 v57, v31;
	v53 =	vmul.f32 v0, v30  }
0x14c: {  	[tilespmem:$0x1F9D0] =	vst v55;
	v29 =	vld [tilespmem:$0x10];
	v37 =	vadd.f32 v52, v37;
	v47 =	vmul.f32 v28, v62;
	v35 =	vadd.f32 v59, v35  }
0x14d: {  	v51 =	vld [tilespmem:$0x3B0];
	[tilespmem:$0x1F9F0] =	vst v62;
	v62 =	vmul.f32 v39, v39;
	v54 =	vadd.f32 v55, v53;
	v55 =	vmul.f32 v60, v5  }
0x14e: {  	v44 =	vld.idx.msk [tilespmem:v17+s3+$0xFFFFFFA0 ss:$0x1], $0xffff;
	[tilespmem:$0x1F9E0] =	vst v60;
	v23 =	vmul.f32 v31, v23;
	v60 =	vadd.f32 v28, v32;
	v32 =	vbroadcast v40, $0x7  }
0x14f: {  	[tilespmem:$0x1F9C0] =	vst v0;
	v0 =	vld [tilespmem:$0x300];
	v28 =	vbroadcast v40, $0x8;
	v37 =	vadd.f32 v47, v37;
	v43 =	vadd.f32 v1, v55  }
0x150: {  	[tilespmem:$0x1FA00] =	vst v1;
	v61 =	vmul.f32 v54, v32;
	v1 =	vld [tilespmem:$0x230];
	v45 =	vadd.f32 v39, v60;
	v39 =	vmul.f32 v39, v48  }
0x151: {  	[tilespmem:$0x1F930] =	vst v49;
	v52 =	vld [tilespmem:$0x240];
	v35 =	vadd.f32 v62, v35;
	v27 =	vmul.f32 v29, v27;
	v43 =	vmul.f32 v43, v28  }
0x152: {  	[tilespmem:$0x1FA40] =	vst v50;
	v53 =	vld [tilespmem:$0x310];
	v59 =	vmul.f32 v61, v61;
	v37 =	vadd.f32 v39, v37;
	v60 =	vmul.f32 v61, v51  }
0x153: {  	[tilespmem:$0x1FA10] =	vst v48;
	v48 =	vmul.f32 v44, v42;
	v42 =	vld [tilespmem:$0x250];
	v44 =	vbroadcast v34, $0xA;
	v61 =	vadd.f32 v61, v45  }
0x154: {  	[tilespmem:$0x1FF80] =	vst v29;
	v62 =	vadd.f32 v59, v35;
	v39 =	vadd.f32 v60, v37;
	v60 =	vmul.f32 v43, v43;
	v37 =	vld [tilespmem:$0x260]  }
0x155: {  	v49 =	vadd.f32 v43, v61;
	v50 =	vmul.f32 v43, v50;
	[tilespmem:$0x1FA30] =	vst v1;
	v59 =	vmul.f32 v1, v3;
	v1 =	vld [tilespmem:$0x320]  }
0x156: {  	v54 =	vld [tilespmem:$0x3D0];
	[tilespmem:$0x1FA20] =	vst v51;
	v35 =	vbroadcast v34, $0xB;
	v45 =	vadd.f32 v60, v62;
	v62 =	vmul.f32 v52, v44  }
0x157: {  	v55 =	vld [tilespmem:$0x330];
	[tilespmem:$0x1FA50] =	vst v0;
	v43 =	vbroadcast v34, $0xC;
	v47 =	vadd.f32 v50, v39;
	v61 =	vadd.f32 v0, v59  }
0x158: {  	v29 =	vld [tilespmem:$0x90];
	[tilespmem:$0x1FA60] =	vst v52;
	v39 =	vbroadcast v40, $0xA;
	v59 =	vmul.f32 v42, v35;
	v52 =	vadd.f32 v53, v62  }
0x159: {  	[tilespmem:$0x1FA70] =	vst v53;
	v34 =	vbroadcast v40, $0xB;
	v0 =	vld [tilespmem:$0x3F0];
	v50 =	vmul.f32 v61, v4  }
0x15a: {  	[tilespmem:$0x1FE80] =	vst v42;
	v61 =	vld [tilespmem:$0x3E0];
	v62 =	vmul.f32 v37, v43;
	v51 =	vadd.f32 v1, v59;
	v60 =	vmul.f32 v52, v39  }
0x15b: {  	[tilespmem:$0x1FA90] =	vst v54;
	v59 =	vld [tilespmem:$0xE0];
	v42 =	vmul.f32 v50, v50;
	v54 =	vmul.f32 v50, v54  }
0x15c: {  	[tilespmem:$0x1FA80] =	vst v1;
	v1 =	vld [tilespmem:$0x400];
	v49 =	vadd.f32 v50, v49;
	v52 =	vadd.f32 v55, v62;
	v51 =	vmul.f32 v51, v34  }
0x15d: {  	[tilespmem:$0x1FEA0] =	vst v37;
	v62 =	vld [tilespmem:$0x20];
	v37 =	vmul.f32 v60, v60;
	v53 =	vadd.f32 v42, v45;
	v45 =	vbroadcast v40, $0xC  }
0x15e: {  	[tilespmem:$0x1FAA0] =	vst v55;
	v55 =	vld [tilespmem:$0xF0];
	v40 =	vbroadcast v40, $0xE;
	v49 =	vadd.f32 v60, v49;
	v42 =	vbroadcast v7, $0x0  }
0x15f: {  	v47 =	vadd.f32 v54, v47;
	v54 =	vld.idx.msk [tilespmem:v17+s3+$0xFFFFFFB0 ss:$0x1], $0xffff;
	v50 =	vmul.f32 v60, v61;
	v60 =	vmul.f32 v51, v51  }
0x160: {  	[tilespmem:$0x1FAB0] =	vst v61;
	v61 =	vld [tilespmem:$0x410];
	v53 =	vadd.f32 v37, v53;
	v52 =	vmul.f32 v52, v45;
	v49 =	vadd.f32 v51, v49  }
0x161: {  	v37 =	vmul.f32 v51, v0;
	v51 =	vld.idx.msk [tilespmem:v17+s3+$0xFFFFFFD0 ss:$0x1], $0xffff;
	v27 =	vadd.f32 v59, v27;
	v47 =	vadd.f32 v50, v47  }
0x162: {  	[tilespmem:$0x1FAC0] =	vst v0;
	v0 =	vld [tilespmem:$0x420];
	v22 =	vmul.f32 v62, v22;
	v53 =	vadd.f32 v60, v53;
	v60 =	vmul.f32 v52, v52  }
0x163: {  	[tilespmem:$0x1FBC0] =	vst v59;
	v59 =	vld [tilespmem:$0x150];
	v49 =	vadd.f32 v52, v49;
	v50 =	vmul.f32 v52, v1;
	v47 =	vadd.f32 v37, v47  }
0x164: {  	v40 =	vmul.f32 v54, v40;
	v54 =	vld [tilespmem:$0x440];
	v37 =	vadd.f32 v60, v53;
	v60 =	vmul.f32 v48, v48  }
0x165: {  	[tilespmem:$0x1FAD0] =	vst v1;
	v1 =	vld [tilespmem:$0x430];
	v49 =	vadd.f32 v48, v49;
	v48 =	vmul.f32 v61, v48;
	v47 =	vadd.f32 v50, v47  }
0x166: {  	v19 =	vmul.f32 v27, v19;
	v50 =	vld.idx.msk [tilespmem:v17+s3+$0xFFFFFFF0 ss:$0x1], $0xffff;
	v52 =	vadd.f32 v60, v37;
	v37 =	vmul.f32 v40, v40  }
0x167: {  	v53 =	vld [tilespmem:$0x470];
	v51 =	vmul.f32 v51, v42;
	v47 =	vadd.f32 v48, v47;
	v48 =	vadd.f32 v40, v49  }
0x168: {  	[tilespmem:$0x1FAE0] =	vst v61;
	v60 =	vld [tilespmem:$0x30];
	v40 =	vmul.f32 v0, v40;
	v49 =	vadd.f32 v37, v52;
	v52 =	vbroadcast v7, $0x2  }
0x169: {  	v20 =	vadd.f32 v33, v20;
	[tilespmem:$0x1FAF0] =	vst v0;
	v0 =	vld [tilespmem:$0x450];
	v37 =	vmul.f32 v46, v46;
	v42 =	vmul.f32 v54, v51  }
0x16a: {  	[tilespmem:$0x1FB10] =	vst v54;
	v54 =	vld [tilespmem:$0x100];
	v40 =	vadd.f32 v40, v47;
	v61 =	vadd.f32 v46, v48;
	v46 =	vmul.f32 v1, v46  }
0x16b: {  	v20 =	vadd.f32 v23, v20;
	v27 =	vmul.f32 v26, v26;
	v48 =	vld.idx.msk [tilespmem:v17+s3+$0x10 ss:$0x1], $0xffff;
	v50 =	vmul.f32 v50, v52  }
0x16c: {  	[tilespmem:$0x1FB00] =	vst v1;
	v1 =	vld [tilespmem:$0x460];
	v49 =	vadd.f32 v37, v49;
	v37 =	vmul.f32 v51, v51;
	v40 =	vadd.f32 v46, v40  }
0x16d: {  	[tilespmem:$0x1FF50] =	vst v62;
	v62 =	vld [tilespmem:$0x190];
	v46 =	vadd.f32 v51, v61;
	v61 =	vmul.f32 v41, v41;
	v18 =	vmul.f32 v60, v18  }
0x16e: {  	v47 =	vld.idx.msk [tilespmem:v17+s3+$0x30 ss:$0x1], $0xffff;
	v49 =	vadd.f32 v37, v49;
	v37 =	vbroadcast v7, $0x4;
	v51 =	vmul.f32 v50, v50  }
0x16f: {  	[tilespmem:$0x1FB20] =	vst v0;
	v40 =	vadd.f32 v42, v40;
	v46 =	vadd.f32 v41, v46;
	v41 =	vmul.f32 v0, v41;
	v0 =	vld [tilespmem:$0x490]  }
0x170: {  	[tilespmem:$0x1FB40] =	vst v53;
	v18 =	vadd.f32 v54, v18;
	v48 =	vmul.f32 v48, v37;
	v49 =	vadd.f32 v61, v49;
	v61 =	vld [tilespmem:$0x480]  }
0x171: {  	[tilespmem:$0x1FC00] =	vst v54;
	v54 =	vld [tilespmem:$0xA0];
	v42 =	vmul.f32 v1, v50;
	v40 =	vadd.f32 v41, v40;
	v37 =	vadd.f32 v50, v46  }
0x172: {  	v52 =	vmul.f32 v38, v38;
	[tilespmem:$0x1FB30] =	vst v1;
	v1 =	vld [tilespmem:$0x4B0];
	v50 =	vbroadcast v7, $0x6;
	v49 =	vadd.f32 v51, v49  }
0x173: {  	v46 =	vld.idx.msk [tilespmem:v17+s3+$0x40 ss:$0x1], $0xffff;
	v40 =	vadd.f32 v42, v40;
	v41 =	vadd.f32 v38, v37;
	v38 =	vmul.f32 v53, v38  }
0x174: {  	v51 =	vld.idx.msk [tilespmem:v17+s3+$0x60 ss:$0x1], $0xffff;
	v47 =	vmul.f32 v47, v50;
	v49 =	vadd.f32 v52, v49;
	v52 =	vmul.f32 v48, v48  }
0x175: {  	v50 =	vbroadcast v7, $0x7;
	v38 =	vadd.f32 v38, v40;
	[tilespmem:$0x1FB50] =	vst v61;
	v53 =	vmul.f32 v61, v48;
	v61 =	vld [tilespmem:$0x4A0]  }
0x176: {  	v42 =	vld [tilespmem:$0x40];
	v40 =	vadd.f32 v48, v41;
	v48 =	vadd.f32 v52, v49;
	v49 =	vbroadcast v7, $0x9  }
0x177: {  	v41 =	vld.idx.msk [tilespmem:v17+s3+$0x50 ss:$0x1], $0xffff;
	v52 =	vmul.f32 v36, v36;
	v38 =	vadd.f32 v53, v38;
	v53 =	vmul.f32 v0, v36  }
0x178: {  	v46 =	vmul.f32 v46, v50;
	v50 =	vmul.f32 v47, v47;
	v36 =	vadd.f32 v36, v40;
	v40 =	vld.idx.msk [tilespmem:v15+s3+$0xFFFFFFA0 ss:$0x1], $0xffff  }
0x179: {  	[tilespmem:$0x1FB60] =	vst v0;
	v0 =	vld [tilespmem:$0x4C0];
	v49 =	vmul.f32 v51, v49;
	v48 =	vadd.f32 v52, v48;
	v38 =	vadd.f32 v53, v38  }
0x17a: {  	v37 =	vld [tilespmem:$0x50];
	v36 =	vadd.f32 v47, v36;
	[tilespmem:$0x1FB70] =	vst v61;
	v47 =	vmul.f32 v61, v47;
	v61 =	vbroadcast v7, $0x8  }
0x17b: {  	v52 =	vmul.f32 v46, v46;
	v51 =	vld [tilespmem:$0x4D0];
	v48 =	vadd.f32 v50, v48;
	v50 =	vbroadcast v7, $0xA  }
0x17c: {  	v53 =	vld [tilespmem:$0x110];
	v41 =	vmul.f32 v41, v61;
	v38 =	vadd.f32 v47, v38;
	v61 =	vmul.f32 v1, v46  }
0x17d: {  	v36 =	vadd.f32 v46, v36;
	v40 =	vmul.f32 v40, v50;
	v46 =	vadd.f32 v52, v48;
	v50 =	vld [tilespmem:$0x120]  }
0x17e: {  	[tilespmem:$0x1FB90] =	vst v0;
	v38 =	vadd.f32 v61, v38;
	v47 =	vmul.f32 v41, v41;
	v61 =	vmul.f32 v0, v41;
	v0 =	vld [tilespmem:$0x4E0]  }
0x17f: {  	v22 =	vadd.f32 v55, v22;
	v19 =	vadd.f32 v19, v20;
	v11 =	vmul.f32 v42, v11;
	v52 =	vld [tilespmem:$0x60]  }
0x180: {  	[tilespmem:$0x1FB80] =	vst v1;
	v48 =	vld [tilespmem:$0x70];
	v33 =	vadd.f32 v41, v36;
	v41 =	vmul.f32 v49, v49;
	v36 =	vadd.f32 v47, v46  }
0x181: {  	v1 =	vld [tilespmem:$0x4F0];
	[tilespmem:$0x1FBB0] =	vst v51;
	v11 =	vadd.f32 v53, v11;
	v38 =	vadd.f32 v61, v38;
	v61 =	vmul.f32 v51, v49  }
0x182: {  	[tilespmem:$0x1FC30] =	vst v53;
	v53 =	vld [tilespmem:$0xB0];
	v33 =	vadd.f32 v49, v33;
	v51 =	vmul.f32 v40, v40;
	v36 =	vadd.f32 v41, v36  }
0x183: {  	[tilespmem:$0x1FBA0] =	vst v57;
	v10 =	vmul.f32 v37, v10;
	v47 =	vld [tilespmem:$0x130];
	v31 =	vadd.f32 v61, v38;
	v57 =	vmul.f32 v0, v40  }
0x184: {  	v20 =	vmul.f32 v21, v21;
	v33 =	vadd.f32 v40, v33;
	[tilespmem:$0x1FBD0] =	vst v0;
	v0 =	vld [tilespmem:$0x500];
	v36 =	vadd.f32 v51, v36  }
0x185: {  	v14 =	vmul.f32 v22, v14;
	[tilespmem:$0x1FC40] =	vst v50;
	v10 =	vadd.f32 v50, v10;
	v50 =	vld [tilespmem:$0xC0];
	v23 =	vadd.f32 v57, v31  }
0x186: {  	[tilespmem:$0x1FBF0] =	vst v1;
	v31 =	vadd.f32 v26, v33;
	v26 =	vmul.f32 v1, v26;
	v1 =	vld [tilespmem:$0x510];
	v27 =	vadd.f32 v27, v36  }
0x187: {  	v14 =	vadd.f32 v14, v19;
	v61 =	vld [tilespmem:$0x160];
	v8 =	vmul.f32 v10, v8  }
0x188: {  	v10 =	vmul.f32 v52, v24;
	v22 =	vadd.f32 v26, v23;
	v23 =	vld.idx.msk [tilespmem:v15+s3+$0xFFFFFFF0 ss:$0x1], $0xffff;
	v20 =	vadd.f32 v20, v27  }
0x189: {  	s6 =	sadd.s32 $0x20, s1;
	[tilespmem:$0x1FC10] =	vst v0;
	v26 =	vmul.f32 v0, v21;
	v27 =	vmul.f32 v16, v16;
	v21 =	vadd.f32 v21, v31;
	v0 =	vld [tilespmem:$0x520]  }
0x18a: {  	v12 =	vmul.f32 v18, v12;
	v7 =	vbroadcast v7, $0xF;
	v24 =	vld [tilespmem:s6+$0x0];
	v10 =	vadd.f32 v47, v10  }
0x18b: {  	s7 =	sadd.s32 $0x1A, s9;
	v19 =	vadd.f32 v27, v20;
	v20 =	vadd.f32 v16, v21;
	[tilespmem:$0x1FC20] =	vst v1;
	v16 =	vmul.f32 v1, v16;
	v1 =	vld [tilespmem:$0x530]  }
0x18c: {  	s8 =	sand.u32 $0x7FE, s7;
	v9 =	vmul.f32 v11, v9;
	v51 =	vld [tilespmem:$0x80];
	v10 =	vmul.f32 v10, v25;
	v18 =	vadd.f32 v26, v22  }
0x18d: {  	v12 =	vadd.f32 v12, v14;
	v25 =	vld [tilespmem:s8+$0x12D0];
	v21 =	vmul.f32 v13, v13;
	v7 =	vmul.f32 v23, v7  }
0x18e: {  	s5 =	sadd.s32 $0x1A, s12;
	v22 =	vld [tilespmem:s6+$0xFFFFFFF0];
	v14 =	vadd.f32 v16, v18;
	v16 =	vadd.f32 v13, v20;
	v13 =	vmul.f32 v0, v13  }
0x18f: {  	s4 =	sadd.s32 $0x30, s24;
	v9 =	vadd.f32 v9, v12;
	v11 =	vadd.f32 v21, v19;
	v19 =	vld [tilespmem:s5+$0x0];
	v18 =	vmul.f32 v7, v7  }
0x190: {  	v12 =	vadd.f32 v13, v14;
	v14 =	vadd.f32 v7, v16;
	v7 =	vmul.f32 v1, v7;
	v16 =	vld [tilespmem:s4+$0x10]  }
0x191: {  	v26 =	vld [tilespmem:$0x540];
	v11 =	vadd.f32 v18, v11;
	v18 =	vmul.f32 v6, v6  }
0x192: {  	[tilespmem:$0x1FC70] =	vst v1;
	v1 =	vld [tilespmem:$0x550];
	v7 =	vadd.f32 v7, v12;
	v12 =	vmul.f32 v29, v3  }
0x193: {  	s21 =	simm.s32 $0xD0;
	v46 =	vld [tilespmem:$0x140];
	v8 =	vadd.f32 v8, v9;
	v11 =	vadd.f32 v18, v11;
	v18 =	vmul.f32 v50, v43  }
0x194: {  	v9 =	vmul.f32 v51, v5;
	v23 =	vld.idx.msk [tilespmem:v15+s21+$0x60 ss:$0x1], $0xffff;
	v13 =	vmul.f32 v48, v30;
	v12 =	vadd.f32 v61, v12  }
0x195: {  	[tilespmem:$0x1FCD0] =	vst v62;
	v18 =	vadd.f32 v62, v18;
	v62 =	vmul.f32 v22, v19;
	v19 =	vbroadcast v16, $0x6  }
0x196: {  	[tilespmem:$0x1FF90] =	vst v2;
	v27 =	vld [tilespmem:$0x170];
	v12 =	vmul.f32 v12, v4;
	v4 =	vmul.f32 v26, v6  }
0x197: {  	v31 =	vld [tilespmem:$0x180];
	v14 =	vadd.f32 v6, v14;
	[tilespmem:$0x1FCF0] =	vst v1;
	v6 =	vmul.f32 v1, v56;
	v1 =	vmul.f32 v24, v25  }
0x198: {  	v2 =	vld [tilespmem:$0x1FD40];
	v9 =	vadd.f32 v59, v9;
	v20 =	vmul.f32 v53, v35;
	[tilespmem:$0x1FC50] =	vst v0;
	v13 =	vadd.f32 v46, v13  }
0x199: {  	v21 =	vmul.f32 v54, v44;
	v0 =	vld [tilespmem:$0x560];
	[tilespmem:$0x1FD00] =	vst v1;
	v1 =	vmul.f32 v23, v19  }
0x19a: {  	v8 =	vadd.f32 v10, v8;
	v9 =	vmul.f32 v9, v28;
	v28 =	vld.idx.msk [tilespmem:v15+s21+$0x30 ss:$0x1], $0xffff;
	v13 =	vmul.f32 v13, v32  }
0x19b: {  	v21 =	vadd.f32 v27, v21;
	[tilespmem:$0x1FD10] =	vst v1;
	v1 =	vld [tilespmem:$0x1FD20]  }
0x19c: {  	v20 =	vadd.f32 v31, v20;
	[tilespmem:$0x1FCE0] =	vst v26;
	v26 =	vld.idx.msk [tilespmem:v15+s21+$0x50 ss:$0x1], $0xffff;
	v8 =	vadd.f32 v13, v8  }
0x19d: {  	v10 =	vmul.f32 v21, v39;
	v21 =	vmul.f32 v56, v56;
	v14 =	vadd.f32 v56, v14;
	v22 =	vld.idx.msk [tilespmem:v15+s21+$0x40 ss:$0x1], $0xffff  }
0x19e: {  	v20 =	vmul.f32 v20, v34;
	v13 =	vld.idx.msk [tilespmem:v15+s21+$0x20 ss:$0x1], $0xffff;
	v7 =	vadd.f32 v4, v7;
	v8 =	vadd.f32 v9, v8  }
0x19f: {  	[tilespmem:$0x1FCC0] =	vst v27;
	v11 =	vadd.f32 v21, v11;
	v27 =	vbroadcast v16, $0x5;
	v24 =	vld [tilespmem:s4+$0x0];
	v25 =	vbroadcast v16, $0x4  }
0x1a0: {  	[tilespmem:$0x1FC80] =	vst v46;
	v4 =	vld [tilespmem:$0x570];
	v6 =	vadd.f32 v6, v7;
	v8 =	vadd.f32 v12, v8;
	v7 =	vmul.f32 v1, v1  }
0x1a1: {  	v19 =	vld.idx.msk [tilespmem:v15+s21+$0x10 ss:$0x1], $0xffff;
	v46 =	vmul.f32 v26, v27;
	v14 =	vadd.f32 v1, v14;
	v5 =	vmul.f32 v0, v1  }
0x1a2: {  	v27 =	vld.idx.msk [tilespmem:v15+s21+$0x0 ss:$0x1], $0xffff;
	v1 =	vmul.f32 v22, v25;
	v7 =	vadd.f32 v7, v11;
	v11 =	vbroadcast v16, $0x3  }
0x1a3: {  	v18 =	vmul.f32 v18, v45;
	v23 =	vmul.f32 v2, v2;
	v8 =	vadd.f32 v10, v8;
	v10 =	vld.idx.msk [tilespmem:v15+s21+$0xFFFFFFA0 ss:$0x1], $0xffff  }
0x1a4: {  	v9 =	vbroadcast v16, $0x2;
	v5 =	vadd.f32 v5, v6;
	[tilespmem:$0x1FD50] =	vst v1;
	v6 =	vld.idx.msk [tilespmem:v15+s21+$0xFFFFFFF0 ss:$0x1], $0xffff;
	v1 =	vmul.f32 v28, v11  }
0x1a5: {  	[tilespmem:$0x1FD30] =	vst v0;
	v12 =	vmul.f32 v63, v63;
	v26 =	vbroadcast v16, $0x1;
	v0 =	vld [tilespmem:$0x580]  }
0x1a6: {  	v11 =	vadd.f32 v2, v14;
	v14 =	vld.idx.msk [tilespmem:v15+s21+$0xFFFFFFD0 ss:$0x1], $0xffff;
	[tilespmem:$0x1FD60] =	vst v1;
	v1 =	vmul.f32 v13, v9;
	v13 =	vbroadcast v16, $0x0  }
0x1a7: {  	[tilespmem:$0x1FD90] =	vst v4;
	v3 =	vmul.f32 v4, v2;
	v9 =	vld.idx.msk [tilespmem:v15+s21+$0xFFFFFFE0 ss:$0x1], $0xffff;
	v16 =	vbroadcast v24, $0xF  }
0x1a8: {  	v4 =	vld [tilespmem:$0x1FDE0];
	v7 =	vadd.f32 v23, v7;
	[tilespmem:$0x1FD70] =	vst v1;
	v1 =	vmul.f32 v19, v26;
	v27 =	vmul.f32 v27, v13  }
0x1a9: {  	v8 =	vadd.f32 v20, v8;
	v13 =	vld.idx.msk [tilespmem:v15+s21+$0xFFFFFFC0 ss:$0x1], $0xffff;
	v2 =	vmul.f32 v6, v16;
	v6 =	vbroadcast v24, $0xD  }
0x1aa: {  	v3 =	vadd.f32 v3, v5;
	v5 =	vbroadcast v24, $0xE;
	v7 =	vadd.f32 v12, v7;
	v12 =	vld.idx.msk [tilespmem:v15+s21+$0xFFFFFFB0 ss:$0x1], $0xffff;
	[tilespmem:$0x1FD80] =	vst v1  }
0x1ab: {  	v1 =	vld [tilespmem:$0x590];
	[tilespmem:$0x1FDA0] =	vst v2;
	v2 =	vmul.f32 v0, v63;
	v57 =	vmul.f32 v14, v6  }
0x1ac: {  	[tilespmem:$0x1FBE0] =	vst v55;
	v8 =	vadd.f32 v18, v8;
	v6 =	vbroadcast v24, $0xC;
	v55 =	vmul.f32 v9, v5;
	v9 =	vld.idx.msk [tilespmem:v17+s21+$0x60 ss:$0x1], $0xffff  }
0x1ad: {  	v18 =	vbroadcast v24, $0x6;
	[tilespmem:$0x1FDB0] =	vst v0;
	v0 =	vld [tilespmem:$0x5A0];
	v5 =	vadd.f32 v63, v11;
	v11 =	vbroadcast v24, $0xB  }
0x1ae: {  	[tilespmem:$0x1FC90] =	vst v59;
	v14 =	vld [tilespmem:s4+$0xFFFFFFF0];
	v2 =	vadd.f32 v2, v3;
	v3 =	vmul.f32 v58, v58;
	v59 =	vmul.f32 v13, v6  }
0x1af: {  	[tilespmem:$0x1FCA0] =	vst v61;
	v6 =	vadd.f32 v58, v5;
	v5 =	vbroadcast v24, $0x9;
	v61 =	vmul.f32 v12, v11;
	v11 =	vld.idx.msk [tilespmem:v17+s21+$0x40 ss:$0x1], $0xffff  }
0x1b0: {  	v19 =	vbroadcast v24, $0x5;
	v12 =	vld.idx.msk [tilespmem:v17+s21+$0x20 ss:$0x1], $0xffff;
	v7 =	vadd.f32 v3, v7;
	v3 =	vbroadcast v24, $0xA  }
0x1b1: {  	[tilespmem:$0x1FDD0] =	vst v1;
	v1 =	vmul.f32 v1, v58;
	v6 =	vadd.f32 v4, v6;
	v21 =	vmul.f32 v9, v5  }
0x1b2: {  	v13 =	vld.idx.msk [tilespmem:v17+s21+$0x50 ss:$0x1], $0xffff;
	[tilespmem:$0x1FDF0] =	vst v0;
	v3 =	vmul.f32 v10, v3;
	v10 =	vmul.f32 v4, v4  }
0x1b3: {  	v9 =	vld.idx.msk [tilespmem:v17+s21+$0x30 ss:$0x1], $0xffff;
	v1 =	vadd.f32 v1, v2;
	v2 =	vmul.f32 v0, v4;
	v0 =	vmul.f32 v6, v6  }
0x1b4: {  	v20 =	vld.idx.msk [tilespmem:v17+s21+$0x0 ss:$0x1], $0xffff;
	v4 =	vbroadcast v14, $0xC;
	v6 =	vadd.f32 v10, v7;
	v10 =	vbroadcast v24, $0x7  }
0x1b5: {  	v16 =	vld.idx.msk [tilespmem:v17+s21+$0x10 ss:$0x1], $0xffff;
	v7 =	vbroadcast v24, $0x8;
	v58 =	vmul.f32 v12, v19  }
0x1b6: {  	v12 =	vld.idx.msk [tilespmem:v17+s21+$0xFFFFFFF0 ss:$0x1], $0xffff;
	[tilespmem:$0x1FE10] =	vst v4;
	v4 =	vbroadcast v14, $0xA;
	v22 =	vsub.f32 v0, v6;
	v0 =	vmul.f32 v11, v10  }
0x1b7: {  	v6 =	vmul.f32 v13, v7;
	v7 =	vld.idx.msk [tilespmem:v17+s21+$0xFFFFFFE0 ss:$0x1], $0xffff;
	v10 =	vadd.f32 v2, v1;
	v11 =	vbroadcast v24, $0x3  }
0x1b8: {  	v13 =	vbroadcast v24, $0x1;
	v1 =	vld [tilespmem:$0x1FFC0];
	v56 =	vmul.f32 v9, v18  }
0x1b9: {  	[tilespmem:$0x1FE20] =	vst v4;
	v4 =	vbroadcast v14, $0xB;
	v9 =	vmul.f32 $5.000000000e-01, v22;
	v8 =	vadd.f32 v10, v8  }
0x1ba: {  	v10 =	vbroadcast v24, $0x4;
	v11 =	vmul.f32 v20, v11  }
0x1bb: {  	v20 =	vbroadcast v24, $0x2;
	[tilespmem:$0x1FE30] =	vst v4;
	v4 =	vbroadcast v14, $0x9;
	v8 =	vadd.f32 v9, v8  }
0x1bc: {  	v9 =	vmul.f32 v16, v10;
	v16 =	vmul.f32 v7, v13;
	v7 =	vld.idx.msk [tilespmem:v17+s21+$0xFFFFFFA0 ss:$0x1], $0xffff  }
0x1bd: {  	v13 =	vmul.f32 v12, v20;
	v12 =	vperm.xlane v8, v1;
	v1 =	vld [tilespmem:$0x1FFD0]  }
0x1be: {  	v19 =	vld.idx.msk [tilespmem:v17+s21+$0xFFFFFFC0 ss:$0x1], $0xffff  }
0x1bf: {  	v18 =	vld.idx.msk [tilespmem:v17+s21+$0xFFFFFFD0 ss:$0x1], $0xffff;
	[tilespmem:$0x1FE40] =	vst v4;
	v4 =	vbroadcast v14, $0x8  }
0x1c0: {  	v25 =	vbroadcast v14, $0xD;
	v8 =	vadd.f32 v8, v12  }
0x1c1: {  	v10 =	vbroadcast v24, $0x0;
	v20 =	vbroadcast v14, $0xF;
	[tilespmem:$0x1FE50] =	vst v4;
	v4 =	vld [tilespmem:$0x1FFE0]  }
0x1c2: {  	v23 =	vld.idx.msk [tilespmem:v17+s21+$0xFFFFFFB0 ss:$0x1], $0xffff;
	v26 =	vmul.f32 v7, v25;
	v7 =	vperm.xlane v8, v1  }
0x1c3: {  	[tilespmem:$0x1FDC0] =	vst v15;
	s8 =	sadd.s32 $0x10, s15;
	v15 =	vbroadcast v14, $0x1;
	v63 =	vbroadcast v14, $0x0  }
0x1c4: {  	v22 =	vmul.f32 v19, v20;
	v20 =	vmul.f32 v18, v10;
	v10 =	vld [tilespmem:s8+$0x0];
	v7 =	vadd.f32 v8, v7  }
0x1c5: {  	v5 =	vbroadcast v14, $0x2;
	v24 =	vbroadcast v14, $0xE  }
0x1c6: {  	v2 =	vbroadcast v14, $0x4;
	v8 =	vperm.xlane v7, v4;
	v4 =	vld [tilespmem:$0x1FE80]  }
0x1c7: {  	v24 =	vmul.f32 v23, v24;
	v1 =	vbroadcast v14, $0x6  }
0x1c8: {  	v23 =	vbroadcast v14, $0x7;
	v12 =	vbroadcast v14, $0x3  }
0x1c9: {  	[tilespmem:$0x1FE60] =	vst v1;
	v1 =	vbroadcast v14, $0x5;
	v14 =	vbroadcast v10, $0xB;
	_ =	sdelay $0x1  }
0x1ca: {  	v34 =	vmul.f32 v4, v14;
	v4 =	vld [tilespmem:$0x1FFF0];
	_ =	sdelay $0x2  }
0x1cb: {  	v7 =	vadd.f32 v7, v8;
	_ =	sdelay $0x1  }
0x1cc: {  	v8 =	vperm.xlane v7, v4;
	v4 =	vld [tilespmem:$0x1FEA0];
	_ =	sdelay $0x2  }
0x1cd: {  	[tilespmem:$0x1FE00] =	vst v17;
	v17 =	vbroadcast v10, $0xC  }
0x1ce: {  	v36 =	vbroadcast v10, $0x4;
	v7 =	vadd.f32 v7, v8  }
0x1cf: {  	v8 =	vmov s11;
	v43 =	vmul.f32 v4, v17;
	v4 =	vlaneseq.u32  }
0x1d0: {  	[tilespmem:$0x1FC60] =	vst v47;
	v47 =	vbroadcast v10, $0x3;
	vm0 =	veq.s32 v8, v4;
	v4 =	vmul.f32 v42, v36;
	_ =	sdelay $0x1  }
0x1d1: {  	[tilespmem:$0x1FF20] =	vst v4;
	v4 =	vmul.f32 v60, v47;
	_ =	sdelay $0x1  }
0x1d2: {  	[tilespmem:$0x1FF40] =	vst v4;
	v4 =	vld [tilespmem:$0x1FF50];
	_ =	sdelay $0x2  }
0x1d3: {  	v41 =	vbroadcast v10, $0x2;
	_ =	sdelay $0x1  }
0x1d4: {  	v4 =	vmul.f32 v4, v41  }
0x1d5: {  	v8 =	vimm.f32 $0.0e+00  }
0x1d6: {  	[tilespmem:$0x1FF60] =	vst v4;
	v4 =	vsel vm0, v7, v8  }
0x1d7: {  	[tilespmem:$0x1FF70] =	vst v4;
	v4 =	vld [tilespmem:$0x1FF80]  }
0x1d8: {  	[tilespmem:$0x1FEC0] =	vst v29  }
0x1d9: {  	[tilespmem:$0x1FF30] =	vst v60  }
0x1da: {  	[tilespmem:$0x1FEB0] =	vst v54;
	v33 =	vbroadcast v10, $0x1  }
0x1db: {  	[tilespmem:$0x1FCB0] =	vst v31;
	v31 =	vbroadcast v10, $0xA  }
0x1dc: {  	[tilespmem:$0x1FE70] =	vst v53;
	v30 =	vmul.f32 v53, v14;
	v53 =	vmul.f32 v4, v33;
	v4 =	vld [tilespmem:$0x1FF90]  }
0x1dd: {  	[tilespmem:$0x1FF00] =	vst v37;
	v35 =	vbroadcast v10, $0x9;
	v32 =	vbroadcast v10, $0x8  }
0x1de: {  	[tilespmem:$0x1FF10] =	vst v42;
	v38 =	vbroadcast v10, $0x7;
	v40 =	vbroadcast v10, $0x6  }
0x1df: {  	[tilespmem:$0x1FEE0] =	vst v48;
	v39 =	vbroadcast v10, $0x5;
	v49 =	vbroadcast v10, $0x0  }
0x1e0: {  	[tilespmem:$0x1FEF0] =	vst v52;
	v10 =	vmov v27;
	v27 =	vmul.f32 v50, v17;
	v25 =	vmul.f32 v54, v31  }
0x1e1: {  	[tilespmem:$0x1FE90] =	vst v50;
	v29 =	vmul.f32 v29, v35;
	v4 =	vmul.f32 v4, v49  }
0x1e2: {  	[tilespmem:$0x1FED0] =	vst v51;
	v28 =	vmul.f32 v51, v32;
	v18 =	vmul.f32 v48, v38  }
0x1e3: {  	s19 =	simm.s32 $0x680;
	s3 =	simm.s32 $0x0;
	v19 =	vmul.f32 v52, v40;
	v14 =	vmul.f32 v37, v39;
	[tilespmem:$0x1FFA0] =	vst v4  }
.LBB2_4:
0x1e4: {  	v4 =	vld [tilespmem:$0x1FA30];
	_ =	sdelay $0x4  }
0x1e5: {  	v45 =	vmul.f32 v4, v35;
	v4 =	vld [tilespmem:$0x1FA60];
	_ =	sdelay $0x4  }
0x1e6: {  	v50 =	vmul.f32 v4, v31;
	v4 =	vld [tilespmem:$0x1F9C0];
	_ =	sdelay $0x4  }
0x1e7: {  	v38 =	vmul.f32 v4, v38;
	v4 =	vld [tilespmem:$0x1F9E0];
	_ =	sdelay $0x4  }
0x1e8: {  	v32 =	vmul.f32 v4, v32;
	v4 =	vld [tilespmem:$0x1F8C0];
	_ =	sdelay $0x4  }
0x1e9: {  	v39 =	vmul.f32 v4, v39;
	v4 =	vld [tilespmem:$0x1F990];
	_ =	sdelay $0x4  }
0x1ea: {  	v40 =	vmul.f32 v4, v40;
	v4 =	vld [tilespmem:$0x1FD00];
	_ =	sdelay $0x4  }
0x1eb: {  	v35 =	vadd.f32 v4, v62;
	v4 =	vld [tilespmem:$0x1F8F0];
	_ =	sdelay $0x4  }
0x1ec: {  	v47 =	vmul.f32 v4, v47;
	v4 =	vld [tilespmem:$0x1F900];
	_ =	sdelay $0x4  }
0x1ed: {  	v36 =	vmul.f32 v4, v36;
	v4 =	vld [tilespmem:$0x1F8D0]  }
0x1ee: {  	v7 =	vld [tilespmem:$0x1F8A0];
	_ =	sdelay $0x3  }
0x1ef: {  	v41 =	vmul.f32 v4, v41;
	v4 =	vld [tilespmem:$0x1FCB0]  }
0x1f0: {  	v33 =	vmul.f32 v7, v33;
	v7 =	vld [tilespmem:$0x1FCA0];
	_ =	sdelay $0x3  }
0x1f1: {  	v4 =	vadd.f32 v4, v30  }
0x1f2: {  	v29 =	vadd.f32 v7, v29;
	v7 =	vld [tilespmem:$0x1FCC0]  }
0x1f3: {  	[tilespmem:$0x1F820] =	vst v4;
	v4 =	vld [tilespmem:$0x1FCD0];
	_ =	sdelay $0x4  }
0x1f4: {  	v4 =	vadd.f32 v4, v27;
	v27 =	vadd.f32 v7, v25;
	v7 =	vld [tilespmem:$0x1F890];
	_ =	sdelay $0x4  }
0x1f5: {  	v30 =	vmul.f32 v7, v49;
	v7 =	vld [tilespmem:$0x1FC90];
	_ =	sdelay $0x4  }
0x1f6: {  	v31 =	vadd.f32 v7, v28;
	v7 =	vld [tilespmem:$0x1FAA0];
	_ =	sdelay $0x4  }
0x1f7: {  	v43 =	vadd.f32 v7, v43;
	v7 =	vld [tilespmem:$0x1FA70];
	_ =	sdelay $0x4  }
0x1f8: {  	v49 =	vadd.f32 v7, v50;
	v7 =	vld [tilespmem:$0x1FA80];
	_ =	sdelay $0x4  }
0x1f9: {  	v34 =	vadd.f32 v7, v34;
	v7 =	vld [tilespmem:$0x1FDD0];
	_ =	sdelay $0x4  }
0x1fa: {  	v25 =	vmul.f32 v7, v46;
	v7 =	vld [tilespmem:$0x1F8B0];
	_ =	sdelay $0x4  }
0x1fb: {  	v42 =	vadd.f32 v7, v30;
	v7 =	vld [tilespmem:$0x1FA50];
	_ =	sdelay $0x3  }
0x1fc: {  	v48 =	vld [tilespmem:$0x1FD50]  }
0x1fd: {  	v45 =	vadd.f32 v7, v45;
	v7 =	vld [tilespmem:$0x1FDB0];
	_ =	sdelay $0x4  }
0x1fe: {  	v28 =	vmul.f32 v7, v48;
	v7 =	vld [tilespmem:$0x1F9D0];
	_ =	sdelay $0x4  }
0x1ff: {  	v38 =	vadd.f32 v7, v38;
	v7 =	vld [tilespmem:$0x1FA00];
	_ =	sdelay $0x3  }
0x200: {  	v51 =	vld [tilespmem:$0x1FD60]  }
0x201: {  	v32 =	vadd.f32 v7, v32;
	v7 =	vld [tilespmem:$0x1FD90];
	_ =	sdelay $0x4  }
0x202: {  	v30 =	vmul.f32 v7, v51;
	v7 =	vld [tilespmem:$0x1F8E0];
	_ =	sdelay $0x4  }
0x203: {  	v33 =	vadd.f32 v7, v33;
	v7 =	vld [tilespmem:$0x1F9A0];
	_ =	sdelay $0x4  }
0x204: {  	v40 =	vadd.f32 v7, v40;
	v7 =	vld [tilespmem:$0x1F910];
	_ =	sdelay $0x4  }
0x205: {  	v41 =	vadd.f32 v7, v41;
	v7 =	vld [tilespmem:$0x1F920];
	_ =	sdelay $0x3  }
0x206: {  	v8 =	vmov v53;
	v53 =	vmov v63;
	v50 =	vmul.f32 v42, v63;
	v63 =	vld [tilespmem:$0x1FD70]  }
0x207: {  	v37 =	vadd.f32 v7, v39;
	v7 =	vld [tilespmem:$0x1FD30];
	_ =	sdelay $0x4  }
0x208: {  	v39 =	vmul.f32 v7, v63;
	v7 =	vld [tilespmem:$0x1F970];
	_ =	sdelay $0x4  }
0x209: {  	v36 =	vadd.f32 v7, v36;
	v7 =	vld [tilespmem:$0x1F930];
	_ =	sdelay $0x4  }
0x20a: {  	v54 =	vmul.f32 v50, v7;
	v7 =	vld [tilespmem:$0x1F940];
	_ =	sdelay $0x4  }
0x20b: {  	v47 =	vadd.f32 v7, v47;
	v7 =	vld [tilespmem:$0x1F950];
	_ =	sdelay $0x2  }
0x20c: {  	v52 =	vadd.f32 $0.0e+00, v50;
	v33 =	vmul.f32 v33, v15;
	_ =	sdelay $0x1  }
0x20d: {  	v52 =	vadd.f32 v33, v52;
	v42 =	vmul.f32 v33, v33;
	v33 =	vmul.f32 v33, v7;
	v7 =	vld [tilespmem:$0x1F960];
	_ =	sdelay $0x1  }
0x20e: {  	v50 =	vmul.f32 v50, v50  }
0x20f: {  	v41 =	vmul.f32 v41, v5  }
0x210: {  	v42 =	vadd.f32 v42, v50  }
0x211: {  	v50 =	vadd.f32 v41, v52;
	v52 =	vmul.f32 v41, v41;
	v41 =	vmul.f32 v41, v7;
	v7 =	vld [tilespmem:$0x1F980]  }
0x212: {  	v54 =	vadd.f32 $0.0e+00, v54;
	_ =	sdelay $0x1  }
0x213: {  	v47 =	vmul.f32 v47, v12;
	v33 =	vadd.f32 v33, v54;
	_ =	sdelay $0x1  }
0x214: {  	v33 =	vadd.f32 v41, v33;
	v41 =	vmul.f32 v47, v7;
	v7 =	vld [tilespmem:$0x1F9B0];
	_ =	sdelay $0x2  }
0x215: {  	v36 =	vmul.f32 v36, v2;
	v50 =	vadd.f32 v47, v50  }
0x216: {  	v42 =	vadd.f32 v52, v42;
	v52 =	vmul.f32 v47, v47  }
0x217: {  	v47 =	vadd.f32 v36, v50;
	v50 =	vmul.f32 v36, v36;
	v36 =	vmul.f32 v36, v7;
	v7 =	vld [tilespmem:$0x1F9F0];
	_ =	sdelay $0x2  }
0x218: {  	v37 =	vmul.f32 v37, v1;
	v42 =	vadd.f32 v52, v42;
	v52 =	vld [tilespmem:$0x1FE60];
	_ =	sdelay $0x1  }
0x219: {  	v33 =	vadd.f32 v41, v33;
	v41 =	vadd.f32 v50, v42;
	v50 =	vmul.f32 v37, v7;
	v7 =	vld [tilespmem:$0x1FA10];
	_ =	sdelay $0x2  }
0x21a: {  	v40 =	vmul.f32 v40, v52;
	v33 =	vadd.f32 v36, v33;
	_ =	sdelay $0x1  }
0x21b: {  	v33 =	vadd.f32 v50, v33;
	v50 =	vmul.f32 v40, v7;
	v7 =	vld [tilespmem:$0x1FA20]  }
0x21c: {  	v42 =	vadd.f32 v37, v47;
	v47 =	vmul.f32 v37, v37  }
0x21d: {  	v62 =	vmov v46  }
0x21e: {  	v46 =	vmovc v15;
	v15 =	vld [tilespmem:$0x1FE50];
	v37 =	vmul.f32 v38, v23;
	v38 =	vadd.f32 v47, v41;
	v47 =	vmul.f32 v40, v40;
	_ =	sdelay $0x1  }
0x21f: {  	v41 =	vadd.f32 v40, v42;
	v38 =	vadd.f32 v47, v38;
	v47 =	vmul.f32 v37, v7;
	v7 =	vld [tilespmem:$0x1FA40];
	_ =	sdelay $0x1  }
0x220: {  	v40 =	vadd.f32 v37, v41;
	v41 =	vmul.f32 v37, v37;
	v33 =	vadd.f32 v50, v33  }
0x221: {  	v32 =	vmul.f32 v32, v15;
	v50 =	vld [tilespmem:$0x1FE40]  }
0x222: {  	v38 =	vadd.f32 v41, v38;
	v33 =	vadd.f32 v47, v33;
	v47 =	vld [tilespmem:$0x1FE20]  }
0x223: {  	v40 =	vadd.f32 v32, v40;
	v41 =	vmul.f32 v32, v32;
	v32 =	vmul.f32 v32, v7;
	v7 =	vld [tilespmem:$0x1FA90];
	_ =	sdelay $0x2  }
0x224: {  	v37 =	vmul.f32 v45, v50;
	_ =	sdelay $0x1  }
0x225: {  	v36 =	vmul.f32 v49, v47;
	v49 =	vmul.f32 v37, v7;
	v7 =	vld [tilespmem:$0x1FAB0];
	_ =	sdelay $0x2  }
0x226: {  	v45 =	vld [tilespmem:$0x1FE30];
	v32 =	vadd.f32 v32, v33  }
0x227: {  	v42 =	vld [tilespmem:$0x1FE10]  }
0x228: {  	v32 =	vadd.f32 v49, v32;
	v49 =	vmul.f32 v36, v7;
	v7 =	vld [tilespmem:$0x1FAC0];
	_ =	sdelay $0x1  }
0x229: {  	v38 =	vadd.f32 v41, v38;
	v41 =	vmul.f32 v37, v37  }
0x22a: {  	v34 =	vmul.f32 v34, v45  }
0x22b: {  	v40 =	vadd.f32 v37, v40;
	v37 =	vadd.f32 v41, v38;
	v41 =	vmul.f32 v43, v42;
	v43 =	vld [tilespmem:$0x1FD80]  }
0x22c: {  	v32 =	vadd.f32 v49, v32;
	v49 =	vmul.f32 v34, v7;
	v7 =	vld [tilespmem:$0x1FCF0];
	_ =	sdelay $0x4  }
0x22d: {  	v38 =	vadd.f32 v36, v40;
	v40 =	vmul.f32 v36, v36;
	v36 =	vmul.f32 v7, v43;
	v7 =	vld [tilespmem:$0x1FC80];
	_ =	sdelay $0x2  }
0x22e: {  	v37 =	vadd.f32 v40, v37;
	v40 =	vmul.f32 v34, v34  }
0x22f: {  	v38 =	vadd.f32 v34, v38  }
0x230: {  	v34 =	vadd.f32 v40, v37;
	v40 =	vadd.f32 v7, v18;
	v7 =	vld [tilespmem:$0x1FAD0];
	_ =	sdelay $0x4  }
0x231: {  	v32 =	vadd.f32 v49, v32;
	v49 =	vmul.f32 v41, v7;
	v7 =	vld [tilespmem:$0x1FAE0];
	_ =	sdelay $0x4  }
0x232: {  	v32 =	vadd.f32 v49, v32;
	v49 =	vmul.f32 v7, v26;
	v7 =	vld [tilespmem:$0x1FCE0];
	_ =	sdelay $0x2  }
0x233: {  	v37 =	vadd.f32 v41, v38  }
0x234: {  	v38 =	vmul.f32 v41, v41  }
0x235: {  	v37 =	vadd.f32 v26, v37;
	v41 =	vmul.f32 v26, v26;
	v26 =	vmul.f32 v7, v10;
	v7 =	vld [tilespmem:$0x1FC60];
	_ =	sdelay $0x4  }
0x236: {  	v19 =	vadd.f32 v7, v19;
	v7 =	vld [tilespmem:$0x1FAF0];
	_ =	sdelay $0x2  }
0x237: {  	v34 =	vadd.f32 v38, v34  }
0x238: {  	v37 =	vadd.f32 v24, v37  }
0x239: {  	v34 =	vadd.f32 v41, v34;
	v41 =	vmul.f32 v24, v24;
	v24 =	vmul.f32 v7, v24;
	v7 =	vld [tilespmem:$0x1FB00];
	_ =	sdelay $0x3  }
0x23a: {  	v38 =	vld [tilespmem:$0x1FDA0]  }
0x23b: {  	v33 =	vadd.f32 v41, v34;
	v41 =	vmul.f32 v7, v22;
	v7 =	vld [tilespmem:$0x1FC70];
	_ =	sdelay $0x3  }
0x23c: {  	v34 =	vadd.f32 v22, v37  }
0x23d: {  	v32 =	vadd.f32 v49, v32;
	v49 =	vmul.f32 v22, v22;
	v22 =	vmul.f32 v7, v38;
	v7 =	vld [tilespmem:$0x1FC40];
	_ =	sdelay $0x4  }
0x23e: {  	v18 =	vadd.f32 v7, v14;
	v7 =	vld [tilespmem:$0x1FB10];
	_ =	sdelay $0x3  }
0x23f: {  	v34 =	vadd.f32 v20, v34  }
0x240: {  	v33 =	vadd.f32 v49, v33;
	v49 =	vmul.f32 v20, v20;
	v20 =	vmul.f32 v7, v20;
	v7 =	vld [tilespmem:$0x1FB20];
	_ =	sdelay $0x1  }
0x241: {  	v24 =	vadd.f32 v24, v32;
	_ =	sdelay $0x1  }
0x242: {  	v37 =	vmul.f32 v16, v16;
	v24 =	vadd.f32 v41, v24  }
0x243: {  	v41 =	vadd.f32 v49, v33;
	v49 =	vadd.f32 v16, v34;
	v16 =	vmul.f32 v7, v16;
	v7 =	vld [tilespmem:$0x1FC50];
	_ =	sdelay $0x3  }
0x244: {  	v54 =	vmov v1;
	v1 =	vld [tilespmem:$0x1FF20]  }
0x245: {  	v20 =	vadd.f32 v20, v24;
	v24 =	vmul.f32 v7, v55;
	v7 =	vld [tilespmem:$0x1FC30];
	_ =	sdelay $0x4  }
0x246: {  	v14 =	vadd.f32 v7, v1;
	v7 =	vld [tilespmem:$0x1FB30];
	_ =	sdelay $0x3  }
0x247: {  	v32 =	vadd.f32 v37, v41  }
0x248: {  	v33 =	vadd.f32 v13, v49;
	v41 =	vmul.f32 v13, v13;
	v13 =	vmul.f32 v7, v13;
	v7 =	vld [tilespmem:$0x1FB40];
	_ =	sdelay $0x4  }
0x249: {  	v37 =	vmul.f32 v11, v11;
	v49 =	vadd.f32 v11, v33;
	v11 =	vmul.f32 v7, v11;
	v7 =	vld [tilespmem:$0x1FC20];
	_ =	sdelay $0x2  }
0x24a: {  	v16 =	vadd.f32 v16, v20  }
0x24b: {  	v1 =	vld [tilespmem:$0x1FF40]  }
0x24c: {  	v13 =	vadd.f32 v13, v16;
	v16 =	vmul.f32 v7, v57;
	v7 =	vld [tilespmem:$0x1FC00];
	_ =	sdelay $0x4  }
0x24d: {  	[tilespmem:$0x1F830] =	vst v4;
	v4 =	vmov v12;
	v12 =	vadd.f32 v7, v1;
	v7 =	vld [tilespmem:$0x1FB50];
	_ =	sdelay $0x3  }
0x24e: {  	v20 =	vadd.f32 v41, v32  }
0x24f: {  	v32 =	vadd.f32 v9, v49;
	v41 =	vmul.f32 v9, v9;
	v9 =	vmul.f32 v7, v9;
	v7 =	vld [tilespmem:$0x1FB60];
	_ =	sdelay $0x4  }
0x250: {  	v60 =	vmov v2;
	v2 =	vmul.f32 v7, v58;
	v7 =	vld [tilespmem:$0x1FC10];
	_ =	sdelay $0x2  }
0x251: {  	v11 =	vadd.f32 v11, v13  }
0x252: {  	v1 =	vld [tilespmem:$0x1FF60]  }
0x253: {  	v9 =	vadd.f32 v9, v11;
	v11 =	vmul.f32 v7, v59;
	v7 =	vld [tilespmem:$0x1FBE0];
	_ =	sdelay $0x4  }
0x254: {  	v17 =	vmov v10;
	v10 =	vadd.f32 v7, v1;
	v7 =	vld [tilespmem:$0x1FB70];
	_ =	sdelay $0x4  }
0x255: {  	v20 =	vadd.f32 v37, v20;
	v2 =	vadd.f32 v2, v9;
	v1 =	vmul.f32 v7, v56;
	_ =	sdelay $0x1  }
0x256: {  	v49 =	vmul.f32 v58, v58;
	v13 =	vadd.f32 v41, v20;
	v1 =	vadd.f32 v1, v2;
	v2 =	vld [tilespmem:$0x1FB80]  }
0x257: {  	v20 =	vadd.f32 v58, v32  }
0x258: {  	v13 =	vadd.f32 v49, v13;
	v58 =	vmul.f32 v56, v56  }
0x259: {  	v20 =	vadd.f32 v56, v20  }
0x25a: {  	v9 =	vadd.f32 v58, v13  }
0x25b: {  	v13 =	vadd.f32 v0, v20;
	v20 =	vmul.f32 v0, v0;
	v0 =	vmul.f32 v2, v0;
	_ =	sdelay $0x1  }
0x25c: {  	v0 =	vadd.f32 v0, v1;
	v1 =	vld [tilespmem:$0x1FB90];
	_ =	sdelay $0x4  }
0x25d: {  	v1 =	vmul.f32 v1, v6  }
0x25e: {  	v7 =	vld [tilespmem:$0x1FBC0]  }
0x25f: {  	v0 =	vadd.f32 v1, v0;
	v1 =	vld [tilespmem:$0x1FBB0];
	_ =	sdelay $0x3  }
0x260: {  	v44 =	vmov v5;
	v5 =	vld [tilespmem:$0x1FFA0]  }
0x261: {  	v7 =	vadd.f32 v7, v8;
	v8 =	vld [tilespmem:$0x1FBA0];
	v1 =	vmul.f32 v1, v21  }
0x262: {  	v9 =	vadd.f32 v20, v9  }
0x263: {  	v13 =	vadd.f32 v6, v13;
	v20 =	vmul.f32 v6, v6;
	v0 =	vadd.f32 v1, v0;
	v1 =	vld [tilespmem:$0x1FBD0];
	_ =	sdelay $0x1  }
0x264: {  	v6 =	vadd.f32 v20, v9;
	v9 =	vadd.f32 v21, v13;
	v13 =	vmul.f32 v21, v21  }
0x265: {  	v8 =	vadd.f32 v8, v5  }
0x266: {  	v5 =	vadd.f32 v13, v6;
	v6 =	vadd.f32 v3, v9;
	v9 =	vmul.f32 v3, v3  }
0x267: {  	v2 =	vld [tilespmem:$0x1FBF0];
	v8 =	vmul.f32 v8, v53;
	v1 =	vmul.f32 v1, v3  }
0x268: {  	v3 =	vadd.f32 v9, v5;
	v5 =	vadd.f32 v61, v6;
	v6 =	vmul.f32 v61, v61  }
0x269: {  	v7 =	vmul.f32 v7, v46;
	v8 =	vadd.f32 v8, v35;
	v0 =	vadd.f32 v1, v0  }
0x26a: {  	v1 =	vadd.f32 v6, v3;
	v3 =	vadd.f32 v59, v5  }
0x26b: {  	v5 =	vmul.f32 v59, v59;
	v6 =	vadd.f32 v7, v8;
	v7 =	vmul.f32 v10, v44  }
0x26c: {  	v2 =	vmul.f32 v2, v61  }
0x26d: {  	v1 =	vadd.f32 v5, v1;
	v5 =	vadd.f32 v7, v6;
	v6 =	vmul.f32 v12, v4;
	_ =	sdelay $0x1  }
0x26e: {  	v0 =	vadd.f32 v2, v0;
	v5 =	vadd.f32 v6, v5;
	v6 =	vmul.f32 v14, v60  }
0x26f: {  	v2 =	vadd.f32 v57, v3;
	v3 =	vmul.f32 v57, v57  }
0x270: {  	v0 =	vadd.f32 v11, v0;
	v5 =	vadd.f32 v6, v5;
	v6 =	vmul.f32 v18, v54  }
0x271: {  	v1 =	vadd.f32 v3, v1;
	v2 =	vadd.f32 v55, v2;
	v3 =	vmul.f32 v55, v55  }
0x272: {  	v0 =	vadd.f32 v16, v0;
	v5 =	vadd.f32 v6, v5;
	v6 =	vmul.f32 v19, v52  }
0x273: {  	v1 =	vadd.f32 v3, v1;
	v2 =	vadd.f32 v38, v2;
	v3 =	vmul.f32 v38, v38  }
0x274: {  	v0 =	vadd.f32 v24, v0;
	v5 =	vadd.f32 v6, v5;
	v6 =	vmul.f32 v40, v23  }
0x275: {  	v1 =	vadd.f32 v3, v1;
	v2 =	vadd.f32 v17, v2;
	v3 =	vmul.f32 v17, v17  }
0x276: {  	v0 =	vadd.f32 v22, v0;
	v5 =	vadd.f32 v6, v5;
	v6 =	vmul.f32 v31, v15  }
0x277: {  	v4 =	vld [tilespmem:$0x1F820];
	v1 =	vadd.f32 v3, v1;
	v2 =	vadd.f32 v43, v2;
	v3 =	vmul.f32 v43, v43  }
0x278: {  	v0 =	vadd.f32 v26, v0;
	v5 =	vadd.f32 v6, v5;
	v6 =	vmul.f32 v29, v50  }
0x279: {  	v1 =	vadd.f32 v3, v1;
	v2 =	vadd.f32 v63, v2;
	v3 =	vmul.f32 v63, v63  }
0x27a: {  	v0 =	vadd.f32 v36, v0;
	v5 =	vadd.f32 v6, v5;
	v6 =	vmul.f32 v27, v47  }
0x27b: {  	v1 =	vadd.f32 v3, v1;
	v2 =	vadd.f32 v51, v2;
	v3 =	vmul.f32 v51, v51  }
0x27c: {  	v8 =	vld [tilespmem:$0x1FD10];
	v0 =	vadd.f32 v39, v0;
	v5 =	vadd.f32 v6, v5;
	v6 =	vmul.f32 v4, v45  }
0x27d: {  	v1 =	vadd.f32 v3, v1;
	v2 =	vadd.f32 v48, v2;
	v3 =	vmul.f32 v48, v48;
	v4 =	vld [tilespmem:$0x1F830]  }
0x27e: {  	v0 =	vadd.f32 v30, v0;
	v5 =	vadd.f32 v6, v5;
	v6 =	vld [tilespmem:$0x1FDF0]  }
0x27f: {  	v1 =	vadd.f32 v3, v1;
	v2 =	vadd.f32 v62, v2;
	v3 =	vmul.f32 v62, v62  }
0x280: {  	v0 =	vadd.f32 v28, v0  }
0x281: {  	v1 =	vadd.f32 v3, v1;
	v2 =	vadd.f32 v8, v2;
	v3 =	vmul.f32 v8, v8  }
0x282: {  	s5 =	sadd.s32 $0x1A, s5;
	v0 =	vadd.f32 v25, v0;
	v4 =	vmul.f32 v4, v42  }
0x283: {  	s6 =	sadd.s32 $0x20, s6;
	v9 =	vld [tilespmem:s5+$0x0];
	v1 =	vadd.f32 v3, v1;
	v2 =	vmul.f32 v2, v2;
	v6 =	vmul.f32 v6, v8  }
0x284: {  	v3 =	vadd.f32 v4, v5;
	v4 =	vld [tilespmem:s6+$0xFFFFFFF0]  }
0x285: {  	v1 =	vsub.f32 v2, v1;
	v0 =	vadd.f32 v6, v0;
	_ =	sdelay $0x1  }
0x286: {  	v1 =	vmul.f32 $5.000000000e-01, v1;
	v0 =	vadd.f32 v0, v3;
	_ =	sdelay $0x1  }
0x287: {  	s4 =	sadd.s32 $0x30, s4;
	v11 =	vadd.f32 v1, v0;
	v0 =	vmul.f32 v4, v9  }
0x288: {  	v21 =	vld [tilespmem:s4+$0x0]  }
0x289: {  	[tilespmem:$0x1F880] =	vst v0;
	v0 =	vld [tilespmem:$0x1FFC0];
	_ =	sdelay $0x4  }
0x28a: {  	v9 =	vperm.xlane v11, v0;
	v0 =	vbroadcast v21, $0xA;
	_ =	sdelay $0x1  }
0x28b: {  	[tilespmem:$0x1F860] =	vst v0;
	v0 =	vbroadcast v21, $0xB  }
0x28c: {  	v7 =	vld [tilespmem:s4+$0x10]  }
0x28d: {  	v25 =	vld [tilespmem:s4+$0xFFFFFFF0];
	[tilespmem:$0x1F840] =	vst v0;
	v0 =	vbroadcast v21, $0x8;
	_ =	sdelay $0x1  }
0x28e: {  	v20 =	vbroadcast v21, $0x7;
	[tilespmem:$0x1F870] =	vst v0;
	v0 =	vbroadcast v21, $0x9  }
0x28f: {  	v13 =	vbroadcast v21, $0x4;
	v16 =	vbroadcast v21, $0x5  }
0x290: {  	v18 =	vbroadcast v7, $0x3;
	v10 =	vbroadcast v7, $0x0;
	[tilespmem:$0x1F850] =	vst v0;
	v0 =	vld [tilespmem:$0x1FFD0]  }
0x291: {  	v14 =	vbroadcast v7, $0x1;
	v4 =	vbroadcast v25, $0xC  }
0x292: {  	v19 =	vbroadcast v7, $0x6;
	v24 =	vbroadcast v21, $0x2  }
0x293: {  	v23 =	vbroadcast v7, $0x5;
	[tilespmem:$0x1FE10] =	vst v4;
	v4 =	vbroadcast v25, $0xA;
	v26 =	vadd.f32 v11, v9  }
0x294: {  	v22 =	vbroadcast v21, $0x1;
	v62 =	vbroadcast v7, $0x2  }
0x295: {  	[tilespmem:$0x1FE20] =	vst v4;
	v4 =	vbroadcast v25, $0xB;
	v27 =	vperm.xlane v26, v0;
	v0 =	vld [tilespmem:$0x1FFE0]  }
0x296: {  	v45 =	vbroadcast v21, $0x0;
	v28 =	vbroadcast v7, $0x4  }
0x297: {  	v7 =	vbroadcast v21, $0xD;
	[tilespmem:$0x1FE30] =	vst v4;
	v4 =	vbroadcast v25, $0x9  }
0x298: {  	v8 =	vbroadcast v21, $0xF;
	v6 =	vbroadcast v21, $0xE;
	v27 =	vadd.f32 v26, v27  }
0x299: {  	v3 =	vbroadcast v21, $0xC;
	[tilespmem:$0x1FE40] =	vst v4;
	v4 =	vld [tilespmem:$0x1FFF0];
	v9 =	vbroadcast v21, $0x6  }
0x29a: {  	v11 =	vbroadcast v21, $0x3;
	v21 =	vperm.xlane v27, v0;
	_ =	sdelay $0x1  }
0x29b: {  	v21 =	vadd.f32 v27, v21  }
0x29c: {  	s3 =	sadd.s32 $0x1, s3  }
0x29d: {  	v30 =	vmov s3;
	v27 =	vperm.xlane v21, v4;
	v4 =	vlaneseq.u32  }
0x29e: {  	vm0 =	veq.s32 v30, v4;
	v4 =	vld [tilespmem:$0x1FF70];
	_ =	sdelay $0x1  }
0x29f: {  	s8 =	sadd.s32 $0x10, s8;
	s7 =	sadd.s32 $0x1A, s7;
	v60 =	vld [tilespmem:$0x1FDC0]  }
0x2a0: {  	s21 =	sand.u32 $0x7FE, s7;
	v29 =	vld [tilespmem:s8+$0x0];
	v21 =	vadd.f32 v21, v27  }
0x2a1: {  	v27 =	vld [tilespmem:s21+$0x12D0]  }
0x2a2: {  	v4 =	vsel vm0, v21, v4;
	v21 =	vld [tilespmem:s6+$0x0]  }
0x2a3: {  	[tilespmem:$0x1FF70] =	vst v4;
	v4 =	vld [tilespmem:$0x1FE90]  }
0x2a4: {  	v0 =	vbroadcast v25, $0x8;
	_ =	sdelay $0x1  }
0x2a5: {  	s20 =	sshra.s32 s19, $0x2;
	v50 =	vbroadcast v29, $0xC;
	[tilespmem:$0x1FE50] =	vst v0;
	v0 =	vbroadcast v25, $0x6  }
0x2a6: {  	v37 =	vld.idx.msk [tilespmem:v60+s20+$0x60 ss:$0x1], $0xffff  }
0x2a7: {  	[tilespmem:$0x1FE60] =	vst v0;
	v0 =	vmul.f32 v21, v27;
	v27 =	vmul.f32 v4, v50;
	v4 =	vld [tilespmem:$0x1FE70];
	_ =	sdelay $0x2  }
0x2a8: {  	v52 =	vbroadcast v29, $0xB;
	_ =	sdelay $0x1  }
0x2a9: {  	v30 =	vmul.f32 v4, v52;
	v4 =	vmul.f32 v37, v19  }
0x2aa: {  	v31 =	vbroadcast v29, $0xA;
	v35 =	vbroadcast v29, $0x9  }
0x2ab: {  	v32 =	vbroadcast v29, $0x8;
	v43 =	vbroadcast v25, $0xE;
	[tilespmem:$0x1FD10] =	vst v4;
	v4 =	vld [tilespmem:$0x1FEB0]  }
0x2ac: {  	v34 =	vbroadcast v25, $0xD;
	v17 =	vbroadcast v25, $0x7  }
0x2ad: {  	v2 =	vbroadcast v25, $0x4;
	v12 =	vbroadcast v25, $0x3  }
0x2ae: {  	v5 =	vbroadcast v25, $0x2;
	v15 =	vbroadcast v25, $0x1  }
0x2af: {  	v44 =	vld.idx.msk [tilespmem:v60+s20+$0x40 ss:$0x1], $0xffff;
	v63 =	vbroadcast v25, $0x0;
	v1 =	vbroadcast v25, $0x5  }
0x2b0: {  	v26 =	vbroadcast v25, $0xF;
	v25 =	vmul.f32 v4, v31;
	v4 =	vld [tilespmem:$0x1FEC0]  }
0x2b1: {  	v38 =	vbroadcast v29, $0x7;
	v40 =	vbroadcast v29, $0x6  }
0x2b2: {  	v39 =	vbroadcast v29, $0x5;
	v36 =	vbroadcast v29, $0x4  }
0x2b3: {  	v47 =	vbroadcast v29, $0x3;
	v41 =	vbroadcast v29, $0x2  }
0x2b4: {  	v49 =	vbroadcast v29, $0x0;
	v33 =	vbroadcast v29, $0x1  }
0x2b5: {  	v29 =	vmul.f32 v4, v35;
	v4 =	vmul.f32 v44, v28  }
0x2b6: {  	v46 =	vld.idx.msk [tilespmem:v60+s20+$0x30 ss:$0x1], $0xffff  }
0x2b7: {  	[tilespmem:$0x1FD50] =	vst v4;
	v4 =	vld [tilespmem:$0x1FED0];
	_ =	sdelay $0x3  }
0x2b8: {  	v53 =	vld.idx.msk [tilespmem:v60+s20+$0x0 ss:$0x1], $0xffff  }
0x2b9: {  	v54 =	vld.idx.msk [tilespmem:v60+s20+$0xFFFFFFF0 ss:$0x1], $0xffff;
	v28 =	vmul.f32 v4, v32;
	v4 =	vmul.f32 v46, v18  }
0x2ba: {  	v48 =	vld.idx.msk [tilespmem:v60+s20+$0x20 ss:$0x1], $0xffff  }
0x2bb: {  	[tilespmem:$0x1FD60] =	vst v4;
	v4 =	vld [tilespmem:$0x1FEE0]  }
0x2bc: {  	v55 =	vld.idx.msk [tilespmem:v60+s20+$0xFFFFFFE0 ss:$0x1], $0xffff  }
0x2bd: {  	v57 =	vld.idx.msk [tilespmem:v60+s20+$0xFFFFFFD0 ss:$0x1], $0xffff  }
0x2be: {  	v59 =	vld.idx.msk [tilespmem:v60+s20+$0xFFFFFFC0 ss:$0x1], $0xffff  }
0x2bf: {  	[tilespmem:$0x1FD00] =	vst v0;
	v0 =	vld [tilespmem:$0x1FE00]  }
0x2c0: {  	v61 =	vld.idx.msk [tilespmem:v60+s20+$0xFFFFFFB0 ss:$0x1], $0xffff;
	v18 =	vmul.f32 v4, v38;
	v4 =	vmul.f32 v48, v62  }
0x2c1: {  	v51 =	vld.idx.msk [tilespmem:v60+s20+$0x10 ss:$0x1], $0xffff  }
0x2c2: {  	[tilespmem:$0x1FD70] =	vst v4;
	v4 =	vld [tilespmem:$0x1FEF0]  }
0x2c3: {  	v56 =	vld.idx.msk [tilespmem:v60+s20+$0xFFFFFFA0 ss:$0x1], $0xffff;
	v8 =	vmul.f32 v54, v8  }
0x2c4: {  	v42 =	vld.idx.msk [tilespmem:v60+s20+$0x50 ss:$0x1], $0xffff  }
0x2c5: {  	[tilespmem:$0x1FDA0] =	vst v8;
	v8 =	vld [tilespmem:$0x1FF30]  }
0x2c6: {  	v59 =	vmul.f32 v59, v3;
	v3 =	vld [tilespmem:$0x1FF90]  }
0x2c7: {  	v58 =	vld.idx.msk [tilespmem:v0+s20+$0x60 ss:$0x1], $0xffff;
	v19 =	vmul.f32 v4, v40;
	v4 =	vmul.f32 v51, v14  }
0x2c8: {  	v37 =	vld.idx.msk [tilespmem:v0+s20+$0x50 ss:$0x1], $0xffff  }
0x2c9: {  	[tilespmem:$0x1FD80] =	vst v4;
	v4 =	vld [tilespmem:$0x1FF00]  }
0x2ca: {  	v23 =	vmul.f32 v42, v23;
	v42 =	vld.idx.msk [tilespmem:v0+s20+$0x40 ss:$0x1], $0xffff  }
0x2cb: {  	v60 =	vld.idx.msk [tilespmem:v0+s20+$0x0 ss:$0x1], $0xffff  }
0x2cc: {  	v54 =	vld.idx.msk [tilespmem:v0+s20+$0xFFFFFFE0 ss:$0x1], $0xffff  }
0x2cd: {  	v57 =	vmul.f32 v57, v7;
	v8 =	vmul.f32 v8, v47;
	v7 =	vld.idx.msk [tilespmem:v0+s20+$0xFFFFFFB0 ss:$0x1], $0xffff  }
0x2ce: {  	v14 =	vmul.f32 v4, v39;
	v4 =	vld [tilespmem:$0x1FF10]  }
0x2cf: {  	[tilespmem:$0x1FF40] =	vst v8;
	v8 =	vld.idx.msk [tilespmem:v0+s20+$0xFFFFFFA0 ss:$0x1], $0xffff  }
0x2d0: {  	v44 =	vld.idx.msk [tilespmem:v0+s20+$0x30 ss:$0x1], $0xffff  }
0x2d1: {  	v46 =	vld.idx.msk [tilespmem:v0+s20+$0x20 ss:$0x1], $0xffff  }
0x2d2: {  	v48 =	vld.idx.msk [tilespmem:v0+s20+$0x10 ss:$0x1], $0xffff  }
0x2d3: {  	v62 =	vld.idx.msk [tilespmem:v0+s20+$0xFFFFFFD0 ss:$0x1], $0xffff;
	v4 =	vmul.f32 v4, v36  }
0x2d4: {  	v51 =	vld.idx.msk [tilespmem:v0+s20+$0xFFFFFFC0 ss:$0x1], $0xffff  }
0x2d5: {  	[tilespmem:$0x1FF20] =	vst v4;
	v4 =	vld.idx.msk [tilespmem:v0+s20+$0xFFFFFFF0 ss:$0x1], $0xffff  }
0x2d6: {  	v0 =	vld [tilespmem:$0x1F850];
	_ =	sdelay $0x1  }
0x2d7: {  	v55 =	vmul.f32 v55, v6;
	v6 =	vld [tilespmem:$0x1FF50];
	v3 =	vmul.f32 v3, v49;
	_ =	sdelay $0x1  }
0x2d8: {  	[tilespmem:$0x1FFA0] =	vst v3;
	v3 =	vld [tilespmem:$0x1F840]  }
0x2d9: {  	v21 =	vmul.f32 v58, v0;
	v0 =	vld [tilespmem:$0x1F860];
	_ =	sdelay $0x1  }
0x2da: {  	v6 =	vmul.f32 v6, v41;
	_ =	sdelay $0x1  }
0x2db: {  	[tilespmem:$0x1FF60] =	vst v6;
	v6 =	vld [tilespmem:$0x1FF80];
	v61 =	vmul.f32 v61, v3  }
0x2dc: {  	v3 =	vmul.f32 v56, v0;
	v56 =	vmul.f32 v44, v9  }
0x2dd: {  	v9 =	vmul.f32 v48, v13;
	v13 =	vmul.f32 v4, v24;
	v4 =	vld [tilespmem:$0x1FE80];
	_ =	sdelay $0x1  }
0x2de: {  	v10 =	vmul.f32 v53, v10  }
0x2df: {  	v53 =	vmul.f32 v6, v33;
	v6 =	vld [tilespmem:$0x1F870];
	v58 =	vmul.f32 v46, v16  }
0x2e0: {  	v16 =	vmul.f32 v54, v22;
	v22 =	vmul.f32 v51, v26  }
0x2e1: {  	p0 =	sne.s32 s19, $0x30C0;
	v26 =	vmul.f32 v8, v34;
	v34 =	vmul.f32 v4, v52;
	v4 =	vld [tilespmem:$0x1FEA0]  }
.Ltmp0:
0x2e2: {  	_ = 	snop;
	(pc) =	sbr.rel @p0 .LBB2_4-.Ltmp0, $4  }
0x2e3: {  	_ = 	snop  }
0x2e4: {  	v6 =	vmul.f32 v37, v6;
	v11 =	vmul.f32 v60, v11  }
0x2e5: {  	v0 =	vmul.f32 v42, v20;
	v20 =	vmul.f32 v62, v45  }
0x2e6: {  	s19 =	sadd.s32 $0x340, s19;
	v46 =	vmovc v23;
	v23 =	vmov v17;
	v62 =	vld [tilespmem:$0x1F880];
	v24 =	vmul.f32 v7, v43;
	v43 =	vmul.f32 v4, v50  }
0x2e7: {  	v4 =	vld [tilespmem:$0x1FA30]  }
0x2e8: {  	v7 =	vld [tilespmem:$0x1FA60]  }
0x2e9: {  	v8 =	vld [tilespmem:$0x1F9C0]  }
0x2ea: {  	v44 =	vld [tilespmem:$0x1F8C0]  }
0x2eb: {  	v45 =	vld [tilespmem:$0x1F990]  }
0x2ec: {  	v48 =	vld [tilespmem:$0x1F890]  }
0x2ed: {  	v51 =	vld [tilespmem:$0x1F8F0]  }
0x2ee: {  	v52 =	vld [tilespmem:$0x1FAA0]  }
0x2ef: {  	v54 =	vld [tilespmem:$0x1FA70]  }
0x2f0: {  	v60 =	vld [tilespmem:$0x1F8A0]  }
0x2f1: {  	v8 =	vmul.f32 v8, v38;
	v38 =	vld [tilespmem:$0x1F9E0]  }
0x2f2: {  	v17 =	vmul.f32 v44, v39;
	v39 =	vld [tilespmem:$0x1F8B0]  }
0x2f3: {  	v7 =	vmul.f32 v7, v31;
	v31 =	vmul.f32 v45, v40;
	v40 =	vld [tilespmem:$0x1F8D0]  }
0x2f4: {  	v37 =	vadd.f32 v52, v43;
	v43 =	vld [tilespmem:$0x1FA50]  }
0x2f5: {  	v44 =	vld [tilespmem:$0x1F9D0]  }
0x2f6: {  	v45 =	vld [tilespmem:$0x1F900]  }
0x2f7: {  	v4 =	vmul.f32 v4, v35;
	v35 =	vmul.f32 v51, v47;
	v47 =	vld [tilespmem:$0x1FA00]  }
0x2f8: {  	v49 =	vmul.f32 v48, v49;
	v48 =	vld [tilespmem:$0x1F8E0]  }
0x2f9: {  	v51 =	vld [tilespmem:$0x1F910]  }
0x2fa: {  	v52 =	vld [tilespmem:$0x1F920]  }
0x2fb: {  	v33 =	vmul.f32 v60, v33;
	v60 =	vld [tilespmem:$0x1F930]  }
0x2fc: {  	v50 =	vmov v19;
	v19 =	vmul.f32 v38, v32;
	v38 =	vld [tilespmem:$0x1FA80];
	v32 =	vadd.f32 v39, v49  }
0x2fd: {  	v7 =	vadd.f32 v54, v7;
	v49 =	vld [tilespmem:$0x1F9A0]  }
0x2fe: {  	v4 =	vadd.f32 v43, v4;
	v19 =	vadd.f32 v47, v19;
	v32 =	vmul.f32 v32, v63;
	v47 =	vld [tilespmem:$0x1F940]  }
0x2ff: {  	v54 =	vld [tilespmem:$0x1F970];
	v41 =	vmul.f32 v40, v41;
	v8 =	vadd.f32 v44, v8;
	v33 =	vadd.f32 v48, v33  }
0x300: {  	v36 =	vmul.f32 v45, v36;
	v17 =	vadd.f32 v52, v17;
	v45 =	vadd.f32 $0.0e+00, v32  }
0x301: {  	v33 =	vmul.f32 v33, v15;
	v34 =	vadd.f32 v38, v34;
	v38 =	vadd.f32 v51, v41;
	v51 =	vld [tilespmem:$0x1F950]  }
0x302: {  	v48 =	vmovc v15;
	v15 =	vmul.f32 v32, v60;
	v32 =	vmul.f32 v32, v32;
	v31 =	vadd.f32 v49, v31  }
0x303: {  	v60 =	vld [tilespmem:$0x1F960];
	v49 =	vmul.f32 v33, v33;
	v38 =	vmul.f32 v38, v5;
	v35 =	vadd.f32 v47, v35  }
0x304: {  	v36 =	vadd.f32 v54, v36;
	v40 =	vadd.f32 v33, v45  }
0x305: {  	v32 =	vadd.f32 v49, v32;
	v45 =	vmovc v12;
	v35 =	vmul.f32 v35, v12;
	v52 =	vmul.f32 v38, v38;
	v12 =	vld [tilespmem:$0x1F980]  }
0x306: {  	v39 =	vadd.f32 $0.0e+00, v15;
	v54 =	vadd.f32 v38, v40;
	v40 =	vld [tilespmem:$0x1FE60];
	v33 =	vmul.f32 v33, v51  }
0x307: {  	v43 =	vmovc v2;
	v36 =	vmul.f32 v36, v2;
	v32 =	vadd.f32 v52, v32;
	v2 =	vmul.f32 v35, v35  }
0x308: {  	v44 =	vmovc v5;
	v49 =	vld [tilespmem:$0x1F9B0];
	v38 =	vmul.f32 v38, v60;
	v5 =	vadd.f32 v35, v54;
	v33 =	vadd.f32 v33, v39  }
0x309: {  	v17 =	vmul.f32 v17, v1;
	v41 =	vmovc v1;
	v1 =	vld [tilespmem:$0x1FA10];
	v15 =	vmul.f32 v36, v36;
	v32 =	vadd.f32 v2, v32  }
0x30a: {  	v52 =	vld [tilespmem:$0x1F9F0];
	v47 =	vadd.f32 v36, v5;
	v33 =	vadd.f32 v38, v33;
	v35 =	vmul.f32 v35, v12  }
0x30b: {  	v51 =	vmul.f32 v17, v17;
	v39 =	vld [tilespmem:$0x1FE50];
	v31 =	vmul.f32 v31, v40;
	v32 =	vadd.f32 v15, v32  }
0x30c: {  	v38 =	vld [tilespmem:$0x1FE40];
	v33 =	vadd.f32 v35, v33;
	v35 =	vadd.f32 v17, v47  }
0x30d: {  	v36 =	vmul.f32 v36, v49;
	v49 =	vld [tilespmem:$0x1FA20];
	v54 =	vmul.f32 v31, v31;
	v32 =	vadd.f32 v51, v32  }
0x30e: {  	v8 =	vmul.f32 v8, v23;
	v5 =	vld [tilespmem:$0x1FA90];
	v60 =	vadd.f32 v31, v35  }
0x30f: {  	v17 =	vmul.f32 v17, v52;
	v33 =	vadd.f32 v36, v33;
	v32 =	vadd.f32 v54, v32;
	v54 =	vld [tilespmem:$0x1FA40]  }
0x310: {  	v12 =	vmul.f32 v8, v8;
	v47 =	vmovc v23;
	v2 =	vmul.f32 v19, v39;
	v36 =	vld [tilespmem:$0x1FE20];
	v23 =	vadd.f32 v8, v60  }
0x311: {  	v31 =	vmul.f32 v31, v1;
	v35 =	vld [tilespmem:$0x1FE30];
	v4 =	vmul.f32 v4, v38;
	v17 =	vadd.f32 v17, v33  }
0x312: {  	v51 =	vmul.f32 v2, v2;
	v32 =	vadd.f32 v12, v32;
	v52 =	vadd.f32 v2, v23  }
0x313: {  	v8 =	vmul.f32 v8, v49;
	v33 =	vld [tilespmem:$0x1FE10];
	v1 =	vmul.f32 v4, v4;
	v17 =	vadd.f32 v31, v17  }
0x314: {  	v60 =	vadd.f32 v51, v32;
	v15 =	vmul.f32 v2, v54;
	v2 =	vadd.f32 v4, v52;
	v52 =	vld [tilespmem:$0x1FAB0]  }
0x315: {  	v7 =	vmul.f32 v7, v36;
	v8 =	vadd.f32 v8, v17;
	v4 =	vmul.f32 v4, v5;
	v5 =	vld [tilespmem:$0x1FAC0]  }
0x316: {  	v23 =	vmul.f32 v34, v35  }
0x317: {  	v19 =	vld [tilespmem:$0x1FAD0];
	v12 =	vadd.f32 v1, v60;
	v49 =	vmul.f32 v7, v7;
	v8 =	vadd.f32 v15, v8  }
0x318: {  	v34 =	vld [tilespmem:$0x1FAE0];
	v60 =	vmul.f32 v37, v33;
	v51 =	vadd.f32 v7, v2  }
0x319: {  	v1 =	vmul.f32 v23, v23;
	v54 =	vadd.f32 v49, v12;
	v49 =	vld [tilespmem:$0x1FCB0];
	v4 =	vadd.f32 v4, v8  }
0x31a: {  	v2 =	vadd.f32 v23, v51;
	v7 =	vmul.f32 v7, v52;
	v8 =	vmul.f32 v23, v5;
	v23 =	vld [tilespmem:$0x1FD00]  }
0x31b: {  	v52 =	vld [tilespmem:$0x1FAF0]  }
0x31c: {  	v12 =	vmul.f32 v60, v60;
	v15 =	vadd.f32 v1, v54;
	v1 =	vld [tilespmem:$0x1FB00];
	v4 =	vadd.f32 v7, v4  }
0x31d: {  	v31 =	vmul.f32 v26, v26;
	v5 =	vld [tilespmem:$0x1FCA0];
	v7 =	vadd.f32 v60, v2  }
0x31e: {  	v15 =	vadd.f32 v12, v15;
	v4 =	vadd.f32 v8, v4;
	v8 =	vmul.f32 v60, v19;
	v60 =	vld [tilespmem:$0x1FCD0]  }
0x31f: {  	v7 =	vadd.f32 v26, v7;
	v19 =	vld [tilespmem:$0x1FC60]  }
0x320: {  	v51 =	vmul.f32 v24, v24;
	v17 =	vadd.f32 v31, v15;
	v32 =	vadd.f32 v23, v62;
	v23 =	vld [tilespmem:$0x1FB10]  }
0x321: {  	v37 =	vmul.f32 v34, v26;
	v8 =	vadd.f32 v8, v4;
	v4 =	vadd.f32 v49, v30;
	v30 =	vld [tilespmem:$0x1FCC0]  }
0x322: {  	v62 =	vmul.f32 v22, v22;
	v7 =	vadd.f32 v24, v7;
	v17 =	vadd.f32 v51, v17;
	v51 =	vld [tilespmem:$0x1FC90]  }
0x323: {  	v34 =	vmul.f32 v16, v16;
	v54 =	vmul.f32 v52, v24;
	v8 =	vadd.f32 v37, v8;
	v37 =	vld [tilespmem:$0x1FB20]  }
0x324: {  	v12 =	vmul.f32 v20, v20;
	v7 =	vadd.f32 v22, v7;
	v26 =	vadd.f32 v62, v17;
	v62 =	vld [tilespmem:$0x1FC80]  }
0x325: {  	v2 =	vmul.f32 v1, v22;
	v15 =	vadd.f32 v60, v27;
	v27 =	vld [tilespmem:$0x1FB50];
	v8 =	vadd.f32 v54, v8  }
0x326: {  	v52 =	vmul.f32 v13, v13;
	v24 =	vadd.f32 v5, v29;
	v31 =	vadd.f32 v12, v26;
	v54 =	vld [tilespmem:$0x1FB30]  }
0x327: {  	v1 =	vmul.f32 v11, v11;
	v7 =	vadd.f32 v20, v7;
	v8 =	vadd.f32 v2, v8;
	v2 =	vld [tilespmem:$0x1FB40]  }
0x328: {  	v4 =	vmul.f32 v4, v35;
	v29 =	vmul.f32 v23, v20;
	v22 =	vadd.f32 v34, v31;
	v34 =	vld [tilespmem:$0x1FB60]  }
0x329: {  	v7 =	vadd.f32 v16, v7;
	v49 =	vmul.f32 v37, v16;
	v16 =	vadd.f32 v62, v18;
	v62 =	vld [tilespmem:$0x1FF40]  }
0x32a: {  	v26 =	vmul.f32 v9, v9;
	v17 =	vadd.f32 v30, v25;
	v8 =	vadd.f32 v29, v8;
	v29 =	vld [tilespmem:$0x1FC40]  }
0x32b: {  	v7 =	vadd.f32 v13, v7;
	v60 =	vmul.f32 v54, v13;
	v13 =	vadd.f32 v19, v50;
	v50 =	vld [tilespmem:$0x1FF20]  }
0x32c: {  	v20 =	vadd.f32 v51, v28;
	v31 =	vmul.f32 v58, v58;
	v22 =	vadd.f32 v52, v22;
	v54 =	vld [tilespmem:$0x1FB70]  }
0x32d: {  	v18 =	vmul.f32 v0, v0;
	v8 =	vadd.f32 v49, v8;
	v7 =	vadd.f32 v11, v7;
	v49 =	vld [tilespmem:$0x1FC30]  }
0x32e: {  	v39 =	vmul.f32 v20, v39;
	v28 =	vmul.f32 v27, v9;
	v25 =	vadd.f32 v1, v22;
	v22 =	vld [tilespmem:$0x1FB80]  }
0x32f: {  	v5 =	vmul.f32 v2, v11;
	v8 =	vadd.f32 v60, v8;
	v7 =	vadd.f32 v9, v7;
	v60 =	vld [tilespmem:$0x1FC00]  }
0x330: {  	v52 =	vmul.f32 v56, v56;
	v30 =	vadd.f32 v26, v25;
	v25 =	vld [tilespmem:$0x1FBE0];
	v11 =	vadd.f32 v29, v14  }
0x331: {  	v37 =	vmul.f32 v34, v58;
	v26 =	vld [tilespmem:$0x1FF60];
	v8 =	vadd.f32 v5, v8;
	v7 =	vadd.f32 v58, v7  }
0x332: {  	v51 =	vadd.f32 v31, v30;
	v58 =	vmul.f32 v54, v56;
	v9 =	vadd.f32 v49, v50  }
0x333: {  	v30 =	vld [tilespmem:$0x1FB90];
	v23 =	vmul.f32 v22, v0;
	v49 =	vmul.f32 v21, v21;
	v8 =	vadd.f32 v28, v8  }
0x334: {  	v42 =	vmovc v10;
	v7 =	vadd.f32 v56, v7;
	v10 =	vadd.f32 v52, v51;
	v28 =	vmul.f32 v6, v6;
	v51 =	vld [tilespmem:$0x1FBC0]  }
0x335: {  	v52 =	vmul.f32 v3, v3;
	v2 =	vadd.f32 v37, v8;
	v8 =	vadd.f32 v60, v62  }
0x336: {  	v34 =	vld [tilespmem:$0x1FBA0];
	v56 =	vmul.f32 v61, v61;
	v19 =	vadd.f32 v0, v7;
	v7 =	vadd.f32 v25, v26  }
0x337: {  	v27 =	vadd.f32 v18, v10;
	v37 =	vld [tilespmem:$0x1FFA0];
	v62 =	vmul.f32 v59, v59;
	v18 =	vmul.f32 v55, v55  }
0x338: {  	v50 =	vld [tilespmem:$0x1FBB0];
	v25 =	vmul.f32 v11, v41;
	v1 =	vadd.f32 v58, v2;
	v29 =	vadd.f32 v6, v19  }
0x339: {  	v2 =	vmul.f32 v30, v6;
	v31 =	vadd.f32 v28, v27;
	v58 =	vld [tilespmem:$0x1FBF0];
	v5 =	vadd.f32 v51, v53  }
0x33a: {  	v7 =	vmul.f32 v7, v44;
	v53 =	vld [tilespmem:$0x1FBD0];
	v0 =	vadd.f32 v23, v1;
	v1 =	vadd.f32 v21, v29  }
0x33b: {  	v14 =	vmul.f32 v8, v45;
	v27 =	vmul.f32 v42, v42;
	v6 =	vadd.f32 v49, v31  }
0x33c: {  	v28 =	vmul.f32 v13, v40;
	v10 =	vadd.f32 v34, v37;
	v1 =	vadd.f32 v3, v1  }
0x33d: {  	v0 =	vadd.f32 v2, v0;
	v2 =	vmul.f32 v50, v21;
	v54 =	vadd.f32 v52, v6  }
0x33e: {  	v10 =	vmul.f32 v10, v63;
	v12 =	vmul.f32 v58, v61;
	v1 =	vadd.f32 v61, v1;
	v61 =	vld [tilespmem:$0x1FC10]  }
0x33f: {  	v19 =	vld [tilespmem:$0x1FC50];
	v0 =	vadd.f32 v2, v0;
	v2 =	vmul.f32 v53, v3;
	v60 =	vadd.f32 v56, v54  }
0x340: {  	v5 =	vmul.f32 v5, v48;
	v63 =	vld [tilespmem:$0x1FC20];
	v10 =	vadd.f32 v10, v32;
	v1 =	vadd.f32 v59, v1  }
0x341: {  	v23 =	vld [tilespmem:$0x1FDA0];
	v48 =	vmul.f32 v17, v36;
	v0 =	vadd.f32 v2, v0;
	v2 =	vadd.f32 v62, v60  }
0x342: {  	v21 =	vmul.f32 v9, v43;
	v5 =	vadd.f32 v5, v10;
	v1 =	vadd.f32 v57, v1  }
0x343: {  	v29 =	vld [tilespmem:$0x1FD80];
	v0 =	vadd.f32 v12, v0;
	v12 =	vmul.f32 v57, v57;
	v3 =	vmul.f32 v61, v59  }
0x344: {  	v22 =	vld [tilespmem:$0x1FC70];
	v43 =	vmul.f32 v24, v38;
	v5 =	vadd.f32 v7, v5;
	v1 =	vadd.f32 v55, v1  }
0x345: {  	v26 =	vld [tilespmem:$0x1FCE0];
	v10 =	vmul.f32 v63, v57;
	v2 =	vadd.f32 v12, v2;
	v0 =	vadd.f32 v3, v0  }
0x346: {  	v31 =	vld [tilespmem:$0x1FCF0];
	v6 =	vmul.f32 v19, v55;
	v5 =	vadd.f32 v14, v5;
	v1 =	vadd.f32 v23, v1  }
0x347: {  	v37 =	vld [tilespmem:$0x1FD70];
	v8 =	vmul.f32 v23, v23;
	v2 =	vadd.f32 v18, v2;
	v0 =	vadd.f32 v10, v0  }
0x348: {  	v30 =	vmul.f32 v29, v29;
	v5 =	vadd.f32 v21, v5;
	v1 =	vadd.f32 v42, v1  }
0x349: {  	v41 =	vld [tilespmem:$0x1FD60];
	v3 =	vmul.f32 v22, v23;
	v2 =	vadd.f32 v8, v2;
	v0 =	vadd.f32 v6, v0  }
0x34a: {  	v34 =	vld [tilespmem:$0x1FD30];
	v32 =	vmul.f32 v16, v47;
	v5 =	vadd.f32 v25, v5;
	v1 =	vadd.f32 v29, v1  }
0x34b: {  	v44 =	vld [tilespmem:$0x1FD50];
	v6 =	vmul.f32 v26, v42;
	v2 =	vadd.f32 v27, v2;
	v0 =	vadd.f32 v3, v0  }
0x34c: {  	v40 =	vld [tilespmem:$0x1FD90];
	v8 =	vmul.f32 v31, v29;
	v5 =	vadd.f32 v28, v5;
	v1 =	vadd.f32 v37, v1  }
0x34d: {  	v2 =	vadd.f32 v30, v2;
	v0 =	vadd.f32 v6, v0;
	v6 =	vmul.f32 v37, v37  }
0x34e: {  	v47 =	vld [tilespmem:$0x1FDB0];
	v42 =	vmul.f32 v41, v41;
	v5 =	vadd.f32 v32, v5;
	v1 =	vadd.f32 v41, v1  }
0x34f: {  	v51 =	vld [tilespmem:$0x1FD10];
	v3 =	vmul.f32 v34, v37;
	v0 =	vadd.f32 v8, v0;
	v2 =	vadd.f32 v6, v2  }
0x350: {  	v49 =	vld [tilespmem:$0x1FDD0];
	v45 =	vmul.f32 v44, v44;
	v5 =	vadd.f32 v39, v5;
	v1 =	vadd.f32 v44, v1  }
0x351: {  	v54 =	vld [tilespmem:$0x1FDF0];
	v8 =	vmul.f32 v40, v41;
	v0 =	vadd.f32 v3, v0;
	v2 =	vadd.f32 v42, v2  }
0x352: {  	v50 =	vmul.f32 v46, v46;
	v5 =	vadd.f32 v43, v5;
	v1 =	vadd.f32 v46, v1  }
0x353: {  	v6 =	vmul.f32 v47, v44;
	v0 =	vadd.f32 v8, v0;
	v2 =	vadd.f32 v45, v2  }
0x354: {  	v52 =	vmul.f32 v51, v51;
	v5 =	vadd.f32 v48, v5;
	v1 =	vadd.f32 v51, v1  }
0x355: {  	v3 =	vmul.f32 v49, v46;
	v0 =	vadd.f32 v6, v0;
	v2 =	vadd.f32 v50, v2  }
0x356: {  	v53 =	vmul.f32 v15, v33;
	v7 =	vmul.f32 v54, v51;
	v4 =	vadd.f32 v4, v5  }
0x357: {  	v1 =	vmul.f32 v1, v1;
	v0 =	vadd.f32 v3, v0;
	v2 =	vadd.f32 v52, v2  }
0x358: {  	v55 =	vadd.f32 v53, v4  }
0x359: {  	v0 =	vadd.f32 v7, v0;
	v1 =	vsub.f32 v1, v2  }
0x35a: {  	v56 =	vld [tilespmem:$0x1FFC0]  }
0x35b: {  	v0 =	vadd.f32 v0, v55;
	v1 =	vmul.f32 $5.000000000e-01, v1;
	_ =	sdelay $0x1  }
0x35c: {  	v0 =	vadd.f32 v1, v0  }
0x35d: {  	v57 =	vld [tilespmem:$0x1FFD0]  }
0x35e: {  	v1 =	vperm.xlane v0, v56;
	_ =	sdelay $0x1  }
0x35f: {  	v0 =	vadd.f32 v0, v1  }
0x360: {  	v58 =	vld [tilespmem:$0x1FFE0]  }
0x361: {  	v1 =	vperm.xlane v0, v57;
	_ =	sdelay $0x1  }
0x362: {  	v0 =	vadd.f32 v0, v1  }
0x363: {  	v59 =	vld [tilespmem:$0x1FFF0]  }
0x364: {  	v1 =	vperm.xlane v0, v58;
	_ =	sdelay $0x1  }
0x365: {  	v0 =	vadd.f32 v0, v1  }
0x366: {  	v62 =	vld [tilespmem:$0x1FF70]  }
0x367: {  	v63 =	vld [tilespmem:$0x1FFB0];
	v1 =	vperm.xlane v0, v59  }
0x368: {  	s3 =	sadd.s32 $0x1, s3  }
0x369: {  	v60 =	vmov s3;
	v61 =	vlaneseq.u32;
	v0 =	vadd.f32 v0, v1  }
0x36a: {  	vm0 =	veq.s32 v60, v61  }
0x36b: {  	v0 =	vsel vm0, v0, v62  }
0x36c: {  	v0 =	vadd.f32 v0, v63;
	_ =	sdelay $0x1  }
0x36d: {  	v0 =	vsub.f32 $0.0e+00, v0;
	_ =	sdelay $0x1  }
0x36e: {  	v0 =	vmul.f32 $1.442695020e+00, v0;
	_ =	sdelay $0x1  }
0x36f: {  	(erf) = vpow2.f32 v0;
	_ =	sdelay $0x8  }
0x370: {  	v0 =	vpop (erf)  }
0x371: {  	v0 =	vadd.f32 $1.000000000e+00, v0;
	_ =	sdelay $0x1  }
0x372: {  	(erf) = vrcp.f32 v0;
	_ =	sdelay $0x3  }
0x373: {  	s21 =	sshll.u32 s2, $0x4;
	s2 =	sadd.s32 $0x1, s2  }
0x374: {  	p0 =	sne.s32 s2, $0x4  }
.Ltmp1:
0x375: {  	_ = 	snop;
	(pc) =	sbr.rel @p0 .LBB2_3-.Ltmp1, $4  }
0x376: {  	_ = 	snop  }
0x377: {  	s1 =	sadd.s32 $0x200, s1;
	s24 =	sadd.s32 $0x300, s24  }
0x378: {  	s12 =	sadd.s32 $0x1A0, s12;
	s9 =	sadd.s32 $0x1A0, s9;
	s3 =	sand.u32 $0x3FFFFFF0, s21;
	v0 =	vpop (erf)  }
0x379: {  	s15 =	sadd.s32 $0x100, s15;
	s25 =	sadd.s32 $0xD00, s25;
	s26 =	sadd.s32 $0xD00, s26;
	[tilespmem:s3+$0x9960] =	vst v0  }
0x37a: {  	s1 =	sshrl.u32 s14, $0x3;
	s10 =	sadd.s32 $0x1, s10  }
0x37b: {  	s2 =	rddreg [dreg:$0x1];
	s26 =	simm.s32 $0x0;
	p0 =	sne.s32 s10, $0x8  }
.Ltmp2:
0x37c: {  	s3 =	simm.s32 $0x9960;
	s1 =	sadd.s32 s2, s1;
	(pc) =	sbr.rel @p0 .LBB2_2-.Ltmp2, $4  }
0x37d: {  	[hbm4b:s1+s26] =	stream.linear.scatter [tilespmem:s3], [sflag:$0x3], $0x40, $0x38;
	[tilespmem:$0x99A0] =	vst v63  }
0x37e: {  	_ =	swait.ge [sflag:s23], $0x40  }
0x37f: {  	[sflag:s23] =	ssyncset.done $0x0  }
0x380: {  	[sflag:s23] =	ssyncadd.s32 $0xFFFFFFC0  }
0x381: {  	s2 =	rddreg [dreg:$0x13]  }
0x382: {  	s1 =	rddreg [dreg:$0x12];
	s2 =	sadd.s32 $0x1, s2  }
0x383: {  	p0 =	sne.s32 s2, s1  }
.Ltmp3:
0x384: {  	_ = 	snop;
	(pc) =	sbr.rel @p0 .LBB2_1-.Ltmp3, $1  }
0x385: {  	_ =	sdelay $0x3  }
0x386: {  	_ =	sfence.sel $0x180000  }
0x387: {  	[bflag:$0x0] =	sbarrier.arrive $0xFFFF  }
0x388: {  	_ =	strace $0x90000047  }
0x389: {  	s0 =	stileid.u32;
	[bflag:$0x2] =	sbarrier.arrive $0xFFFF  }
0x38a: {  	p0 =	sne.s32 s0, $0x0;
	s0 =	rddreg [dreg:$0x2]  }
0x38b: {  	s0 =	sadd.s32 @!p0 $0x100000, s0  }
0x38c: {  	[sflag:s0] =	ssyncadd.tile.s32 @!p0 $0x1;
	_ =	shalt  }
.Lfunc_end2:
_tile_overlayer_lowered:
.L_overlay_start_2:
0x38d: {  	(tag) =	ssettag $0x2  }
0x38e: {  	s0 =	rddreg [dreg:$0x0];
	s2 =	stileid.u32  }
0x38f: {  	s1 =	rddreg [dreg:$0x1];
	p0 =	sne.s32 s2, $0x0  }
0x390: {  	s3 =	rddreg [dreg:$0x2];
	[bflag:$0x3] =	sbarrier.arrive $0xFFFF;
	s2 =	simm.s32 @!p0 $0x1C03  }
0x391: {  	[timem:s3], [sflag:s2] =	dma.local @!p0 [hbm:s0], s1  }
0x392: {  	s0 =	simm.s32 @!p0 $0x3  }
0x393: {  	_ =	swait.ge @!p0 [sflag:s0], s1  }
0x394: {  	s1 =	ssub.s32 @!p0 $0x0, s1;
	[sflag:s0] =	ssyncset.done @!p0 $0x0  }
0x395: {  	[sflag:s0] =	ssyncadd.s32 @!p0 s1  }
0x396: {  	[bflag:$0x3] =	sbarrier.arrive $0xFFFF  }
0x397: {  	_ =	shalt  }

</sc_bundles>
